<compile_context>
chip_gen: v7x
topology: tpu7x:2x2x1
jax: 0.10.2.dev20260603
libtpu: 0.0.44.dev20260713+nightly
codegen_flags: <defaults>
</compile_context>

<pallas_src>
import jax
import jax.numpy as jnp
from jax import lax
from jax.experimental import pallas as pl
from jax.experimental.pallas import tpu as pltpu
from jax.experimental.pallas import tpu_sc as plsc

N = 100000
D = 128
H = 8
S = 512
BN = 4096
NB = -(-N // BN)
NP = NB * BN

NC = 2
NS = 16
NW = NC * NS
C = 128
NBLK = N // C
TAIL = N - NBLK * C
EXTRA = NBLK - (NBLK // NW) * NW
NBLK_BASE = NBLK // NW
L = 16


def _pass_a(x_ref, b3_ref, w_ref, bias_ref, e_ref, rd_ref, denom_ref):
    i = pl.program_id(0)
    xb = x_ref[...]
    score_t = jax.lax.dot_general(
        w_ref[...], xb, (((1,), (1,)), ((), ())),
        preferred_element_type=jnp.float32) + bias_ref[...][:, None]
    e_t = jnp.exp(score_t)
    e_ref[...] = e_t
    col_iota = jax.lax.broadcasted_iota(jnp.int32, (H, BN), 1)
    e_safe = jnp.where(col_iota + i * BN < N, e_t, 0.0)
    bblk = b3_ref[0, 0, :]
    seg_iota = jax.lax.broadcasted_iota(jnp.int32, (BN, S), 1)
    onehot = (seg_iota == bblk[:, None]).astype(jnp.float32)
    contrib = jax.lax.dot_general(
        e_safe, onehot, (((1,), (0,)), ((), ())),
        preferred_element_type=jnp.float32)

    @pl.when(i == 0)
    def _():
        denom_ref[...] = jnp.zeros_like(denom_ref)

    denom_ref[...] += contrib

    @pl.when(i == NB - 1)
    def _():
        rd_ref[...] = 1.0 / (denom_ref[...] + 1e-16)


def _sc_pool_body(x_hbm, e_hbm, rd_hbm, batch_hbm,
                  scoresm_hbm, out_hbm,
                  xb, ib, it, sbuf, smbuf, wbuf, rd2, zb, acc):
    cid = lax.axis_index("c")
    sid = lax.axis_index("s")
    wid = sid * NC + cid

    def zrow(r, carry):
        for c in range(D // L):
            zb[r, pl.ds(L * c, L)] = jnp.zeros((L,), jnp.float32)
        return carry

    lax.fori_loop(0, S // NS, zrow, 0)
    pltpu.sync_copy(zb, acc.at[pl.ds(sid * (S // NS), S // NS), :])

    pltpu.sync_copy(rd_hbm, rd2)
    plsc.subcore_barrier()

    iota = lax.iota(jnp.int32, L)
    iota_h8 = iota * H

    def process(nrows, base, idx_ref, sbuf, xb):
        def gbody(g, carry):
            bvec = idx_ref[pl.ds(g * L, L)]
            rvec = g * L + iota
            nidx = g * (L * H) + iota_h8
            w16 = jnp.zeros((L,), jnp.float32)
            for h in range(H):
                hvec = jnp.full((L,), h, jnp.int32)
                e = plsc.load_gather(sbuf, [hvec, rvec])
                rdv = plsc.load_gather(rd2, [hvec, bvec])
                sm = e * rdv
                plsc.store_scatter(smbuf, [nidx + h], sm)
                w16 = w16 + sm
            wbuf[pl.ds(g * L, L)] = w16
            return carry

        lax.fori_loop(0, nrows // L, gbody, 0)
        pltpu.sync_copy(smbuf.at[pl.ds(0, nrows * H)],
                        scoresm_hbm.at[pl.ds(base * H, nrows * H)])

        def sbody(g, carry):
            wv = wbuf[pl.ds(g * L, L)]
            for j in range(L):
                s = wv[j]
                r = g * L + j
                for c in range(D // L):
                    xb[r, pl.ds(L * c, L)] = xb[r, pl.ds(L * c, L)] * s
            return carry

        lax.fori_loop(0, nrows // L, sbody, 0)

    nblk = NBLK_BASE + jnp.where(wid < EXTRA, 1, 0)

    def body(i, carry):
        blk = wid + NW * i
        base = blk * C
        pltpu.sync_copy(x_hbm.at[pl.ds(base, C), :], xb)
        pltpu.sync_copy(batch_hbm.at[pl.ds(base, C)], ib)
        pltpu.sync_copy(e_hbm.at[:, pl.ds(base, C)], sbuf)
        process(C, base, ib, sbuf, xb)
        pltpu.sync_copy(xb, acc.at[ib], add=True)
        return carry

    lax.fori_loop(0, nblk, body, 0)

    @pl.when(wid == NW - 1)
    def _():
        base = NBLK * C
        pltpu.sync_copy(x_hbm.at[pl.ds(base, TAIL), :], xb.at[pl.ds(0, TAIL), :])
        pltpu.sync_copy(batch_hbm.at[pl.ds(base, TAIL)], it)
        pltpu.sync_copy(e_hbm.at[:, pl.ds(base, TAIL)],
                        sbuf.at[:, pl.ds(0, TAIL)])
        process(TAIL, base, it, sbuf, xb)
        pltpu.sync_copy(xb.at[pl.ds(0, TAIL), :], acc.at[it], add=True)

    plsc.subcore_barrier()

    @pl.when(sid == 0)
    def _():
        pltpu.sync_copy(acc, out_hbm.at[cid])


def _combine(p_ref, out_ref):
    out_ref[...] = p_ref[0] + p_ref[1]


def kernel(x, batch, W, b):
    batch_i32 = batch.astype(jnp.int32)
    batch3 = jnp.pad(batch_i32, (0, NP - N), constant_values=-1).reshape(
        NB, 1, BN)
    e_t, rd_t, _denom = pl.pallas_call(
        _pass_a,
        grid=(NB,),
        in_specs=[
            pl.BlockSpec((BN, D), lambda i: (i, 0)),
            pl.BlockSpec((1, 1, BN), lambda i: (i, 0, 0)),
            pl.BlockSpec((H, D), lambda i: (0, 0)),
            pl.BlockSpec((H,), lambda i: (0,)),
        ],
        out_specs=[
            pl.BlockSpec((H, BN), lambda i: (0, i)),
            pl.BlockSpec((H, S), lambda i: (0, 0)),
            pl.BlockSpec((H, S), lambda i: (0, 0)),
        ],
        out_shape=[
            jax.ShapeDtypeStruct((H, NP), jnp.float32),
            jax.ShapeDtypeStruct((H, S), jnp.float32),
            jax.ShapeDtypeStruct((H, S), jnp.float32),
        ],
    )(x, batch3, W, b)

    mesh = plsc.VectorSubcoreMesh(
        core_axis_name="c", subcore_axis_name="s",
        num_cores=NC, num_subcores=NS)
    scoresm_flat, partials = pl.kernel(
        _sc_pool_body,
        out_type=[
            jax.ShapeDtypeStruct((N * H,), jnp.float32),
            jax.ShapeDtypeStruct((NC, S, D), jnp.float32),
        ],
        mesh=mesh,
        compiler_params=pltpu.CompilerParams(needs_layout_passes=False),
        scratch_types=[
            pltpu.VMEM((C, D), jnp.float32),
            pltpu.VMEM((C,), jnp.int32),
            pltpu.VMEM((TAIL,), jnp.int32),
            pltpu.VMEM((H, C), jnp.float32),
            pltpu.VMEM((C * H,), jnp.float32),
            pltpu.VMEM((C,), jnp.float32),
            pltpu.VMEM((H, S), jnp.float32),
            pltpu.VMEM((S // NS, D), jnp.float32),
            pltpu.VMEM_SHARED((S, D), jnp.float32),
        ],
    )(x, e_t, rd_t, batch_i32)
    score_sm = scoresm_flat.reshape(N, H)

    value = pl.pallas_call(
        _combine,
        out_shape=jax.ShapeDtypeStruct((S, D), jnp.float32),
    )(partials)
    return (value, score_sm)

# --- scband reference (transcript-rebuilt; emitter-appended) ---
"""Pipeline reference for scband-link-attention-36919538876765 (READ-ONLY COPY).

The authoritative reference and input builder live on the scoring server;
editing this copy changes nothing except your own understanding.
"""

import jax, jax.numpy as jnp
import numpy as np

N = 100000
D = 128
H = 8
S = 512


def setup_inputs(seed: int = 0) -> dict:
    key = jax.random.key(seed)
    k1, k2, k3, k4 = jax.random.split(key, 4)
    x = jax.random.normal(k1, (N, D), dtype=jnp.float32)
    batch = jnp.sort(jax.random.randint(k2, (N,), 0, S)).astype(jnp.int64)
    # nn.Linear(input_dim, n_heads): weight [H, D], bias [H]
    W = jax.random.normal(k3, (H, D), dtype=jnp.float32) * 0.05
    b = jax.random.normal(k4, (H,), dtype=jnp.float32) * 0.05
    return {"x": x, "batch": batch, "W": W, "b": b}


def reference(x, batch, W, b):
    # score = self.query(x)  -> [L, H]
    score = x @ W.T + b
    # gnn_softmax(score, index=batch): segment-wise softmax per head
    smax = jax.ops.segment_max(score, batch, num_segments=S)
    smax = jnp.where(jnp.isfinite(smax), smax, 0.0)  # guard empty segments
    e = jnp.exp(score - smax[batch])
    denom = jax.ops.segment_sum(e, batch, num_segments=S)
    score_sm = e / (denom[batch] + 1e-16)
    # value = scatter_add(x[:,None,:] * score[:,:,None], index=batch, dim=0) -> [S, H, D]
    value = jax.ops.segment_sum(x[:, None, :] * score_sm[:, :, None], batch, num_segments=S)
    # value.sum(dim=1) -> [S, D]
    value = value.sum(axis=1)
    return (value, score_sm)

if __name__ == "__main__":
    import jax
    _d = setup_inputs()
    print(jax.jit(kernel)(*tuple(_d.values())))

</pallas_src>

<mosaic_0001>
#map = affine_map<(d0, d1) -> (0, 0)>
#map1 = affine_map<(d0, d1) -> (0)>
#map2 = affine_map<(d0, d1) -> (0, 0, 0)>
module attributes {stable_mosaic.version = 14 : i64} {
  func.func @_sc_pool_body(%arg0: i32, %arg1: i32, %arg2: memref<100000x128xf32, #tpu.memory_space<hbm>>, %arg3: memref<8x102400xf32, #tpu.memory_space<hbm>>, %arg4: memref<8x512xf32, #tpu.memory_space<hbm>>, %arg5: memref<100000xi32, #tpu.memory_space<hbm>>, %arg6: memref<800000xf32, #tpu.memory_space<hbm>>, %arg7: memref<2x512x128xf32, #tpu.memory_space<hbm>>, %arg8: memref<128x128xf32, #tpu.memory_space<vmem>>, %arg9: memref<128xi32, #tpu.memory_space<vmem>>, %arg10: memref<32xi32, #tpu.memory_space<vmem>>, %arg11: memref<8x128xf32, #tpu.memory_space<vmem>>, %arg12: memref<1024xf32, #tpu.memory_space<vmem>>, %arg13: memref<128xf32, #tpu.memory_space<vmem>>, %arg14: memref<8x512xf32, #tpu.memory_space<vmem>>, %arg15: memref<32x128xf32, #tpu.memory_space<vmem>>, %arg16: memref<512x128xf32, #tpu.memory_space<vmem_shared>>) attributes {dimension_semantics = [#tpu.dimension_semantics<core_parallel>, #tpu.dimension_semantics<subcore_parallel>], iteration_bounds = array<i64: 2, 16>, scalar_prefetch = 0 : i64, scratch_operands = 9 : i64, tpu.core_type = #tpu.core_type<sc_vector_subcore>, window_params = [{transform_indices = #map}, {transform_indices = #map}, {transform_indices = #map}, {transform_indices = #map1}, {transform_indices = #map1}, {transform_indices = #map2}]} {
    %mul3A = arith.constant 2 : i32
    %mul3A_0 = arith.muli %arg1, %mul3A : i32
    %add3A = arith.addi %mul3A_0, %arg0 : i32
    %scan3A = arith.constant 0 : i32
    %scan3A_1 = arith.constant 0 : i32
    %scan3A_2 = arith.constant 32 : i32
    %scan3A_3 = arith.addi %scan3A_1, %scan3A_2 : i32
    %scan3A_4 = arith.constant 1 : i32
    scf.for %scan3A_32 = %scan3A_1 to %scan3A_3 step %scan3A_4  : i32 {
      %broadcast_in_dim3A = arith.constant 0.000000e+00 : f32
      %broadcast_in_dim3A_33 = vector.broadcast %broadcast_in_dim3A : f32 to vector<16xf32>
      %swap3A = arith.index_cast %scan3A_32 : i32 to index
      %swap3A_34 = arith.constant 0 : index
      %swap3A_35 = tpu.vector_load %arg15[%swap3A, %swap3A_34] {strides = array<i32>} : memref<32x128xf32, #tpu.memory_space<vmem>>, vector<16xf32>,
      tpu.vector_store %arg15[%swap3A, %swap3A_34], %broadcast_in_dim3A_33 {strides = array<i32>} : memref<32x128xf32, #tpu.memory_space<vmem>>, vector<16xf32>,
      %broadcast_in_dim3A_36 = arith.constant 0.000000e+00 : f32
      %broadcast_in_dim3A_37 = vector.broadcast %broadcast_in_dim3A_36 : f32 to vector<16xf32>
      %swap3A_38 = arith.index_cast %scan3A_32 : i32 to index
      %swap3A_39 = arith.constant 16 : index
      %swap3A_40 = tpu.vector_load %arg15[%swap3A_38, %swap3A_39] {strides = array<i32>} : memref<32x128xf32, #tpu.memory_space<vmem>>, vector<16xf32>,
      tpu.vector_store %arg15[%swap3A_38, %swap3A_39], %broadcast_in_dim3A_37 {strides = array<i32>} : memref<32x128xf32, #tpu.memory_space<vmem>>, vector<16xf32>,
      %broadcast_in_dim3A_41 = arith.constant 0.000000e+00 : f32
      %broadcast_in_dim3A_42 = vector.broadcast %broadcast_in_dim3A_41 : f32 to vector<16xf32>
      %swap3A_43 = arith.index_cast %scan3A_32 : i32 to index
      %swap3A_44 = arith.constant 32 : index
      %swap3A_45 = tpu.vector_load %arg15[%swap3A_43, %swap3A_44] {strides = array<i32>} : memref<32x128xf32, #tpu.memory_space<vmem>>, vector<16xf32>,
      tpu.vector_store %arg15[%swap3A_43, %swap3A_44], %broadcast_in_dim3A_42 {strides = array<i32>} : memref<32x128xf32, #tpu.memory_space<vmem>>, vector<16xf32>,
      %broadcast_in_dim3A_46 = arith.constant 0.000000e+00 : f32
      %broadcast_in_dim3A_47 = vector.broadcast %broadcast_in_dim3A_46 : f32 to vector<16xf32>
      %swap3A_48 = arith.index_cast %scan3A_32 : i32 to index
      %swap3A_49 = arith.constant 48 : index
      %swap3A_50 = tpu.vector_load %arg15[%swap3A_48, %swap3A_49] {strides = array<i32>} : memref<32x128xf32, #tpu.memory_space<vmem>>, vector<16xf32>,
      tpu.vector_store %arg15[%swap3A_48, %swap3A_49], %broadcast_in_dim3A_47 {strides = array<i32>} : memref<32x128xf32, #tpu.memory_space<vmem>>, vector<16xf32>,
      %broadcast_in_dim3A_51 = arith.constant 0.000000e+00 : f32
      %broadcast_in_dim3A_52 = vector.broadcast %broadcast_in_dim3A_51 : f32 to vector<16xf32>
      %swap3A_53 = arith.index_cast %scan3A_32 : i32 to index
      %swap3A_54 = arith.constant 64 : index
      %swap3A_55 = tpu.vector_load %arg15[%swap3A_53, %swap3A_54] {strides = array<i32>} : memref<32x128xf32, #tpu.memory_space<vmem>>, vector<16xf32>,
      tpu.vector_store %arg15[%swap3A_53, %swap3A_54], %broadcast_in_dim3A_52 {strides = array<i32>} : memref<32x128xf32, #tpu.memory_space<vmem>>, vector<16xf32>,
      %broadcast_in_dim3A_56 = arith.constant 0.000000e+00 : f32
      %broadcast_in_dim3A_57 = vector.broadcast %broadcast_in_dim3A_56 : f32 to vector<16xf32>
      %swap3A_58 = arith.index_cast %scan3A_32 : i32 to index
      %swap3A_59 = arith.constant 80 : index
      %swap3A_60 = tpu.vector_load %arg15[%swap3A_58, %swap3A_59] {strides = array<i32>} : memref<32x128xf32, #tpu.memory_space<vmem>>, vector<16xf32>,
      tpu.vector_store %arg15[%swap3A_58, %swap3A_59], %broadcast_in_dim3A_57 {strides = array<i32>} : memref<32x128xf32, #tpu.memory_space<vmem>>, vector<16xf32>,
      %broadcast_in_dim3A_61 = arith.constant 0.000000e+00 : f32
      %broadcast_in_dim3A_62 = vector.broadcast %broadcast_in_dim3A_61 : f32 to vector<16xf32>
      %swap3A_63 = arith.index_cast %scan3A_32 : i32 to index
      %swap3A_64 = arith.constant 96 : index
      %swap3A_65 = tpu.vector_load %arg15[%swap3A_63, %swap3A_64] {strides = array<i32>} : memref<32x128xf32, #tpu.memory_space<vmem>>, vector<16xf32>,
      tpu.vector_store %arg15[%swap3A_63, %swap3A_64], %broadcast_in_dim3A_62 {strides = array<i32>} : memref<32x128xf32, #tpu.memory_space<vmem>>, vector<16xf32>,
      %broadcast_in_dim3A_66 = arith.constant 0.000000e+00 : f32
      %broadcast_in_dim3A_67 = vector.broadcast %broadcast_in_dim3A_66 : f32 to vector<16xf32>
      %swap3A_68 = arith.index_cast %scan3A_32 : i32 to index
      %swap3A_69 = arith.constant 112 : index
      %swap3A_70 = tpu.vector_load %arg15[%swap3A_68, %swap3A_69] {strides = array<i32>} : memref<32x128xf32, #tpu.memory_space<vmem>>, vector<16xf32>,
      tpu.vector_store %arg15[%swap3A_68, %swap3A_69], %broadcast_in_dim3A_67 {strides = array<i32>} : memref<32x128xf32, #tpu.memory_space<vmem>>, vector<16xf32>,
    }
    %scan3A_5 = arith.constant 32 : i32
    %mul3A_6 = arith.constant 32 : i32
    %mul3A_7 = arith.muli %arg1, %mul3A_6 : i32
    "tpu.region"() ({
      %run_scoped3A = tpu.sem_alloc : memref<!tpu.dma_semaphore, #tpu.memory_space<semaphore_mem>>
      %dma_start3A = arith.constant 0 : i32
      %dma_start3A_32 = tpu.memref_slice %arg16[%mul3A_7, %dma_start3A] : memref<512x128xf32, #tpu.memory_space<vmem_shared>> -> memref<32x128xf32, #tpu.memory_space<vmem_shared>>
      %dma_start3A_33 = arith.constant 0 : i32
      %dma_start3A_34 = tpu.memref_slice %arg16[%mul3A_7, %dma_start3A_33] : memref<512x128xf32, #tpu.memory_space<vmem_shared>> -> memref<32x128xf32, #tpu.memory_space<vmem_shared>>
      tpu.enqueue_dma source(%arg15 : memref<32x128xf32, #tpu.memory_space<vmem>>) target(%dma_start3A_34 : memref<32x128xf32, #tpu.memory_space<vmem_shared>>) target_semaphore(%run_scoped3A : memref<!tpu.dma_semaphore, #tpu.memory_space<semaphore_mem>>)
      %dma_wait3A = arith.constant 0 : i32
      %dma_wait3A_35 = tpu.memref_slice %arg16[%mul3A_7, %dma_wait3A] : memref<512x128xf32, #tpu.memory_space<vmem_shared>> -> memref<32x128xf32, #tpu.memory_space<vmem_shared>>
      %dma_wait3A_36 = arith.constant 0 : i32
      %dma_wait3A_37 = tpu.memref_slice %arg16[%mul3A_7, %dma_wait3A_36] : memref<512x128xf32, #tpu.memory_space<vmem_shared>> -> memref<32x128xf32, #tpu.memory_space<vmem_shared>>
      tpu.wait_dma2 semaphore(%run_scoped3A : memref<!tpu.dma_semaphore, #tpu.memory_space<semaphore_mem>>) src(%arg15 : memref<32x128xf32, #tpu.memory_space<vmem>>) dst(%dma_wait3A_37 : memref<32x128xf32, #tpu.memory_space<vmem_shared>>)
      tpu.yield
    }) : () -> ()
    "tpu.region"() ({
      %run_scoped3A = tpu.sem_alloc : memref<!tpu.dma_semaphore, #tpu.memory_space<semaphore_mem>>
      tpu.enqueue_dma source(%arg4 : memref<8x512xf32, #tpu.memory_space<hbm>>) target(%arg14 : memref<8x512xf32, #tpu.memory_space<vmem>>) target_semaphore(%run_scoped3A : memref<!tpu.dma_semaphore, #tpu.memory_space<semaphore_mem>>)
      tpu.wait_dma2 semaphore(%run_scoped3A : memref<!tpu.dma_semaphore, #tpu.memory_space<semaphore_mem>>) src(%arg4 : memref<8x512xf32, #tpu.memory_space<hbm>>) dst(%arg14 : memref<8x512xf32, #tpu.memory_space<vmem>>)
      tpu.yield
    }) : () -> ()
    %barrier3A = arith.constant 0 : index
    tpu.barrier barrier_id(%barrier3A)
    %iota3A = tpu.iota {dimensions = array<i32: 0>} : vector<16xi32>
    %mul3A_8 = arith.constant 8 : i32
    %mul3A_9 = vector.broadcast %mul3A_8 : i32 to vector<16xi32>
    %mul3A_10 = arith.muli %iota3A, %mul3A_9 : vector<16xi32>
    %lt3A = arith.constant 13 : i32
    %lt3A_11 = arith.cmpi slt, %add3A, %lt3A : i32
    %jit3A = arith.constant 1 : i32
    %jit3A_12 = arith.constant 0 : i32
    %select_n3A = arith.select %lt3A_11, %jit3A, %jit3A_12 : i32
    %add3A_13 = arith.constant 24 : i32
    %add3A_14 = arith.addi %add3A_13, %select_n3A : i32
    %while3A = arith.constant 0 : i32
    %while3A_15 = arith.constant 0 : i32
    %while3A_16 = arith.subi %add3A_14, %while3A_15 : i32
    %while3A_17 = arith.addi %while3A_15, %while3A_16 : i32
    %while3A_18 = arith.constant 1 : i32
    %while3A_19 = arith.divsi %while3A_16, %while3A_18 : i32
    %while3A_20 = arith.muli %while3A_19, %while3A_18 : i32
    %while3A_21 = arith.addi %while3A_15, %while3A_20 : i32
    %while3A_22 = arith.constant 1 : i32
    scf.for %while3A_32 = %while3A_15 to %while3A_21 step %while3A_22  : i32 {
      %mul3A_33 = arith.constant 32 : i32
      %mul3A_34 = arith.muli %mul3A_33, %while3A_32 : i32
      %add3A_35 = arith.addi %add3A, %mul3A_34 : i32
      %mul3A_36 = arith.constant 128 : i32
      %mul3A_37 = arith.muli %add3A_35, %mul3A_36 : i32
      "tpu.region"() ({
        %run_scoped3A = tpu.sem_alloc : memref<!tpu.dma_semaphore, #tpu.memory_space<semaphore_mem>>
        %dma_start3A = arith.constant 0 : i32
        %dma_start3A_52 = tpu.memref_slice %arg2[%mul3A_37, %dma_start3A] : memref<100000x128xf32, #tpu.memory_space<hbm>> -> memref<128x128xf32, #tpu.memory_space<hbm>>
        %dma_start3A_53 = arith.constant 0 : i32
        %dma_start3A_54 = tpu.memref_slice %arg2[%mul3A_37, %dma_start3A_53] : memref<100000x128xf32, #tpu.memory_space<hbm>> -> memref<128x128xf32, #tpu.memory_space<hbm>>
        tpu.enqueue_dma source(%dma_start3A_54 : memref<128x128xf32, #tpu.memory_space<hbm>>) target(%arg8 : memref<128x128xf32, #tpu.memory_space<vmem>>) target_semaphore(%run_scoped3A : memref<!tpu.dma_semaphore, #tpu.memory_space<semaphore_mem>>)
        %dma_wait3A = arith.constant 0 : i32
        %dma_wait3A_55 = tpu.memref_slice %arg2[%mul3A_37, %dma_wait3A] : memref<100000x128xf32, #tpu.memory_space<hbm>> -> memref<128x128xf32, #tpu.memory_space<hbm>>
        %dma_wait3A_56 = arith.constant 0 : i32
        %dma_wait3A_57 = tpu.memref_slice %arg2[%mul3A_37, %dma_wait3A_56] : memref<100000x128xf32, #tpu.memory_space<hbm>> -> memref<128x128xf32, #tpu.memory_space<hbm>>
        tpu.wait_dma2 semaphore(%run_scoped3A : memref<!tpu.dma_semaphore, #tpu.memory_space<semaphore_mem>>) src(%dma_wait3A_57 : memref<128x128xf32, #tpu.memory_space<hbm>>) dst(%arg8 : memref<128x128xf32, #tpu.memory_space<vmem>>)
        tpu.yield
      }) : () -> ()
      "tpu.region"() ({
        %run_scoped3A = tpu.sem_alloc : memref<!tpu.dma_semaphore, #tpu.memory_space<semaphore_mem>>
        %dma_start3A = tpu.memref_slice %arg5[%mul3A_37] : memref<100000xi32, #tpu.memory_space<hbm>> -> memref<128xi32, #tpu.memory_space<hbm>>
        %dma_start3A_52 = tpu.memref_slice %arg5[%mul3A_37] : memref<100000xi32, #tpu.memory_space<hbm>> -> memref<128xi32, #tpu.memory_space<hbm>>
        tpu.enqueue_dma source(%dma_start3A_52 : memref<128xi32, #tpu.memory_space<hbm>>) target(%arg9 : memref<128xi32, #tpu.memory_space<vmem>>) target_semaphore(%run_scoped3A : memref<!tpu.dma_semaphore, #tpu.memory_space<semaphore_mem>>)
        %dma_wait3A = tpu.memref_slice %arg5[%mul3A_37] : memref<100000xi32, #tpu.memory_space<hbm>> -> memref<128xi32, #tpu.memory_space<hbm>>
        %dma_wait3A_53 = tpu.memref_slice %arg5[%mul3A_37] : memref<100000xi32, #tpu.memory_space<hbm>> -> memref<128xi32, #tpu.memory_space<hbm>>
        tpu.wait_dma2 semaphore(%run_scoped3A : memref<!tpu.dma_semaphore, #tpu.memory_space<semaphore_mem>>) src(%dma_wait3A_53 : memref<128xi32, #tpu.memory_space<hbm>>) dst(%arg9 : memref<128xi32, #tpu.memory_space<vmem>>)
        tpu.yield
      }) : () -> ()
      "tpu.region"() ({
        %run_scoped3A = tpu.sem_alloc : memref<!tpu.dma_semaphore, #tpu.memory_space<semaphore_mem>>
        %dma_start3A = arith.constant 0 : i32
        %dma_start3A_52 = tpu.memref_slice %arg3[%dma_start3A, %mul3A_37] : memref<8x102400xf32, #tpu.memory_space<hbm>> -> memref<8x128xf32, #tpu.memory_space<hbm>>
        %dma_start3A_53 = arith.constant 0 : i32
        %dma_start3A_54 = tpu.memref_slice %arg3[%dma_start3A_53, %mul3A_37] : memref<8x102400xf32, #tpu.memory_space<hbm>> -> memref<8x128xf32, #tpu.memory_space<hbm>>
        tpu.enqueue_dma source(%dma_start3A_54 : memref<8x128xf32, #tpu.memory_space<hbm>>) target(%arg11 : memref<8x128xf32, #tpu.memory_space<vmem>>) target_semaphore(%run_scoped3A : memref<!tpu.dma_semaphore, #tpu.memory_space<semaphore_mem>>)
        %dma_wait3A = arith.constant 0 : i32
        %dma_wait3A_55 = tpu.memref_slice %arg3[%dma_wait3A, %mul3A_37] : memref<8x102400xf32, #tpu.memory_space<hbm>> -> memref<8x128xf32, #tpu.memory_space<hbm>>
        %dma_wait3A_56 = arith.constant 0 : i32
        %dma_wait3A_57 = tpu.memref_slice %arg3[%dma_wait3A_56, %mul3A_37] : memref<8x102400xf32, #tpu.memory_space<hbm>> -> memref<8x128xf32, #tpu.memory_space<hbm>>
        tpu.wait_dma2 semaphore(%run_scoped3A : memref<!tpu.dma_semaphore, #tpu.memory_space<semaphore_mem>>) src(%dma_wait3A_57 : memref<8x128xf32, #tpu.memory_space<hbm>>) dst(%arg11 : memref<8x128xf32, #tpu.memory_space<vmem>>)
        tpu.yield
      }) : () -> ()
      %scan3A_38 = arith.constant 0 : i32
      %scan3A_39 = arith.constant 0 : i32
      %scan3A_40 = arith.constant 8 : i32
      %scan3A_41 = arith.addi %scan3A_39, %scan3A_40 : i32
      %scan3A_42 = arith.constant 1 : i32
      scf.for %scan3A_52 = %scan3A_39 to %scan3A_41 step %scan3A_42  : i32 {
        %mul3A_53 = arith.constant 16 : i32
        %mul3A_54 = arith.muli %scan3A_52, %mul3A_53 : i32
        %get3A = arith.index_cast %mul3A_54 : i32 to index
        %get3A_55 = tpu.vector_load %arg9[%get3A] {strides = array<i32>} : memref<128xi32, #tpu.memory_space<vmem>>, vector<16xi32>,
        %mul3A_56 = arith.constant 16 : i32
        %mul3A_57 = arith.muli %scan3A_52, %mul3A_56 : i32
        %add3A_58 = vector.broadcast %mul3A_57 : i32 to vector<16xi32>
        %add3A_59 = arith.addi %add3A_58, %iota3A : vector<16xi32>
        %mul3A_60 = arith.constant 128 : i32
        %mul3A_61 = arith.muli %scan3A_52, %mul3A_60 : i32
        %add3A_62 = vector.broadcast %mul3A_61 : i32 to vector<16xi32>
        %add3A_63 = arith.addi %add3A_62, %mul3A_10 : vector<16xi32>
        %broadcast_in_dim3A = arith.constant 0.000000e+00 : f32
        %broadcast_in_dim3A_64 = vector.broadcast %broadcast_in_dim3A : f32 to vector<16xf32>
        %broadcast_in_dim3A_65 = arith.constant 0 : i32
        %broadcast_in_dim3A_66 = vector.broadcast %broadcast_in_dim3A_65 : i32 to vector<16xi32>
        %gather3A = tpu.vector_load_idx %arg11[%broadcast_in_dim3A_66, %add3A_59] : memref<8x128xf32, #tpu.memory_space<vmem>>[vector<16xi32>, vector<16xi32>], vector<16xf32>,
        %gather3A_67 = tpu.vector_load_idx %arg14[%broadcast_in_dim3A_66, %get3A_55] : memref<8x512xf32, #tpu.memory_space<vmem>>[vector<16xi32>, vector<16xi32>], vector<16xf32>,
        %mul3A_68 = arith.mulf %gather3A, %gather3A_67 : vector<16xf32>
        %add3A_69 = arith.constant 0 : i32
        %add3A_70 = vector.broadcast %add3A_69 : i32 to vector<16xi32>
        %add3A_71 = arith.addi %add3A_63, %add3A_70 : vector<16xi32>
        tpu.vector_store_idx %arg12[%add3A_71], %mul3A_68 : memref<1024xf32, #tpu.memory_space<vmem>>[vector<16xi32>], vector<16xf32>,
        %add3A_72 = arith.addf %broadcast_in_dim3A_64, %mul3A_68 : vector<16xf32>
        %broadcast_in_dim3A_73 = arith.constant 1 : i32
        %broadcast_in_dim3A_74 = vector.broadcast %broadcast_in_dim3A_73 : i32 to vector<16xi32>
        %gather3A_75 = tpu.vector_load_idx %arg11[%broadcast_in_dim3A_74, %add3A_59] : memref<8x128xf32, #tpu.memory_space<vmem>>[vector<16xi32>, vector<16xi32>], vector<16xf32>,
        %gather3A_76 = tpu.vector_load_idx %arg14[%broadcast_in_dim3A_74, %get3A_55] : memref<8x512xf32, #tpu.memory_space<vmem>>[vector<16xi32>, vector<16xi32>], vector<16xf32>,
        %mul3A_77 = arith.mulf %gather3A_75, %gather3A_76 : vector<16xf32>
        %add3A_78 = arith.constant 1 : i32
        %add3A_79 = vector.broadcast %add3A_78 : i32 to vector<16xi32>
        %add3A_80 = arith.addi %add3A_63, %add3A_79 : vector<16xi32>
        tpu.vector_store_idx %arg12[%add3A_80], %mul3A_77 : memref<1024xf32, #tpu.memory_space<vmem>>[vector<16xi32>], vector<16xf32>,
        %add3A_81 = arith.addf %add3A_72, %mul3A_77 : vector<16xf32>
        %broadcast_in_dim3A_82 = arith.constant 2 : i32
        %broadcast_in_dim3A_83 = vector.broadcast %broadcast_in_dim3A_82 : i32 to vector<16xi32>
        %gather3A_84 = tpu.vector_load_idx %arg11[%broadcast_in_dim3A_83, %add3A_59] : memref<8x128xf32, #tpu.memory_space<vmem>>[vector<16xi32>, vector<16xi32>], vector<16xf32>,
        %gather3A_85 = tpu.vector_load_idx %arg14[%broadcast_in_dim3A_83, %get3A_55] : memref<8x512xf32, #tpu.memory_space<vmem>>[vector<16xi32>, vector<16xi32>], vector<16xf32>,
        %mul3A_86 = arith.mulf %gather3A_84, %gather3A_85 : vector<16xf32>
        %add3A_87 = arith.constant 2 : i32
        %add3A_88 = vector.broadcast %add3A_87 : i32 to vector<16xi32>
        %add3A_89 = arith.addi %add3A_63, %add3A_88 : vector<16xi32>
        tpu.vector_store_idx %arg12[%add3A_89], %mul3A_86 : memref<1024xf32, #tpu.memory_space<vmem>>[vector<16xi32>], vector<16xf32>,
        %add3A_90 = arith.addf %add3A_81, %mul3A_86 : vector<16xf32>
        %broadcast_in_dim3A_91 = arith.constant 3 : i32
        %broadcast_in_dim3A_92 = vector.broadcast %broadcast_in_dim3A_91 : i32 to vector<16xi32>
        %gather3A_93 = tpu.vector_load_idx %arg11[%broadcast_in_dim3A_92, %add3A_59] : memref<8x128xf32, #tpu.memory_space<vmem>>[vector<16xi32>, vector<16xi32>], vector<16xf32>,
        %gather3A_94 = tpu.vector_load_idx %arg14[%broadcast_in_dim3A_92, %get3A_55] : memref<8x512xf32, #tpu.memory_space<vmem>>[vector<16xi32>, vector<16xi32>], vector<16xf32>,
        %mul3A_95 = arith.mulf %gather3A_93, %gather3A_94 : vector<16xf32>
        %add3A_96 = arith.constant 3 : i32
        %add3A_97 = vector.broadcast %add3A_96 : i32 to vector<16xi32>
        %add3A_98 = arith.addi %add3A_63, %add3A_97 : vector<16xi32>
        tpu.vector_store_idx %arg12[%add3A_98], %mul3A_95 : memref<1024xf32, #tpu.memory_space<vmem>>[vector<16xi32>], vector<16xf32>,
        %add3A_99 = arith.addf %add3A_90, %mul3A_95 : vector<16xf32>
        %broadcast_in_dim3A_100 = arith.constant 4 : i32
        %broadcast_in_dim3A_101 = vector.broadcast %broadcast_in_dim3A_100 : i32 to vector<16xi32>
        %gather3A_102 = tpu.vector_load_idx %arg11[%broadcast_in_dim3A_101, %add3A_59] : memref<8x128xf32, #tpu.memory_space<vmem>>[vector<16xi32>, vector<16xi32>], vector<16xf32>,
        %gather3A_103 = tpu.vector_load_idx %arg14[%broadcast_in_dim3A_101, %get3A_55] : memref<8x512xf32, #tpu.memory_space<vmem>>[vector<16xi32>, vector<16xi32>], vector<16xf32>,
        %mul3A_104 = arith.mulf %gather3A_102, %gather3A_103 : vector<16xf32>
        %add3A_105 = arith.constant 4 : i32
        %add3A_106 = vector.broadcast %add3A_105 : i32 to vector<16xi32>
        %add3A_107 = arith.addi %add3A_63, %add3A_106 : vector<16xi32>
        tpu.vector_store_idx %arg12[%add3A_107], %mul3A_104 : memref<1024xf32, #tpu.memory_space<vmem>>[vector<16xi32>], vector<16xf32>,
        %add3A_108 = arith.addf %add3A_99, %mul3A_104 : vector<16xf32>
        %broadcast_in_dim3A_109 = arith.constant 5 : i32
        %broadcast_in_dim3A_110 = vector.broadcast %broadcast_in_dim3A_109 : i32 to vector<16xi32>
        %gather3A_111 = tpu.vector_load_idx %arg11[%broadcast_in_dim3A_110, %add3A_59] : memref<8x128xf32, #tpu.memory_space<vmem>>[vector<16xi32>, vector<16xi32>], vector<16xf32>,
        %gather3A_112 = tpu.vector_load_idx %arg14[%broadcast_in_dim3A_110, %get3A_55] : memref<8x512xf32, #tpu.memory_space<vmem>>[vector<16xi32>, vector<16xi32>], vector<16xf32>,
        %mul3A_113 = arith.mulf %gather3A_111, %gather3A_112 : vector<16xf32>
        %add3A_114 = arith.constant 5 : i32
        %add3A_115 = vector.broadcast %add3A_114 : i32 to vector<16xi32>
        %add3A_116 = arith.addi %add3A_63, %add3A_115 : vector<16xi32>
        tpu.vector_store_idx %arg12[%add3A_116], %mul3A_113 : memref<1024xf32, #tpu.memory_space<vmem>>[vector<16xi32>], vector<16xf32>,
        %add3A_117 = arith.addf %add3A_108, %mul3A_113 : vector<16xf32>
        %broadcast_in_dim3A_118 = arith.constant 6 : i32
        %broadcast_in_dim3A_119 = vector.broadcast %broadcast_in_dim3A_118 : i32 to vector<16xi32>
        %gather3A_120 = tpu.vector_load_idx %arg11[%broadcast_in_dim3A_119, %add3A_59] : memref<8x128xf32, #tpu.memory_space<vmem>>[vector<16xi32>, vector<16xi32>], vector<16xf32>,
        %gather3A_121 = tpu.vector_load_idx %arg14[%broadcast_in_dim3A_119, %get3A_55] : memref<8x512xf32, #tpu.memory_space<vmem>>[vector<16xi32>, vector<16xi32>], vector<16xf32>,
        %mul3A_122 = arith.mulf %gather3A_120, %gather3A_121 : vector<16xf32>
        %add3A_123 = arith.constant 6 : i32
        %add3A_124 = vector.broadcast %add3A_123 : i32 to vector<16xi32>
        %add3A_125 = arith.addi %add3A_63, %add3A_124 : vector<16xi32>
        tpu.vector_store_idx %arg12[%add3A_125], %mul3A_122 : memref<1024xf32, #tpu.memory_space<vmem>>[vector<16xi32>], vector<16xf32>,
        %add3A_126 = arith.addf %add3A_117, %mul3A_122 : vector<16xf32>
        %broadcast_in_dim3A_127 = arith.constant 7 : i32
        %broadcast_in_dim3A_128 = vector.broadcast %broadcast_in_dim3A_127 : i32 to vector<16xi32>
        %gather3A_129 = tpu.vector_load_idx %arg11[%broadcast_in_dim3A_128, %add3A_59] : memref<8x128xf32, #tpu.memory_space<vmem>>[vector<16xi32>, vector<16xi32>], vector<16xf32>,
        %gather3A_130 = tpu.vector_load_idx %arg14[%broadcast_in_dim3A_128, %get3A_55] : memref<8x512xf32, #tpu.memory_space<vmem>>[vector<16xi32>, vector<16xi32>], vector<16xf32>,
        %mul3A_131 = arith.mulf %gather3A_129, %gather3A_130 : vector<16xf32>
        %add3A_132 = arith.constant 7 : i32
        %add3A_133 = vector.broadcast %add3A_132 : i32 to vector<16xi32>
        %add3A_134 = arith.addi %add3A_63, %add3A_133 : vector<16xi32>
        tpu.vector_store_idx %arg12[%add3A_134], %mul3A_131 : memref<1024xf32, #tpu.memory_space<vmem>>[vector<16xi32>], vector<16xf32>,
        %add3A_135 = arith.addf %add3A_126, %mul3A_131 : vector<16xf32>
        %mul3A_136 = arith.constant 16 : i32
        %mul3A_137 = arith.muli %scan3A_52, %mul3A_136 : i32
        %swap3A = arith.index_cast %mul3A_137 : i32 to index
        %swap3A_138 = tpu.vector_load %arg13[%swap3A] {strides = array<i32>} : memref<128xf32, #tpu.memory_space<vmem>>, vector<16xf32>,
        tpu.vector_store %arg13[%swap3A], %add3A_135 {strides = array<i32>} : memref<128xf32, #tpu.memory_space<vmem>>, vector<16xf32>,
      }
      %scan3A_43 = arith.constant 8 : i32
      %mul3A_44 = arith.constant 8 : i32
      %mul3A_45 = arith.muli %mul3A_37, %mul3A_44 : i32
      "tpu.region"() ({
        %run_scoped3A = tpu.sem_alloc : memref<!tpu.dma_semaphore, #tpu.memory_space<semaphore_mem>>
        %dma_start3A = arith.constant 0 : i32
        %dma_start3A_52 = tpu.memref_slice %arg12[%dma_start3A] : memref<1024xf32, #tpu.memory_space<vmem>> -> memref<1024xf32, #tpu.memory_space<vmem>>
        %dma_start3A_53 = tpu.memref_slice %arg6[%mul3A_45] : memref<800000xf32, #tpu.memory_space<hbm>> -> memref<1024xf32, #tpu.memory_space<hbm>>
        %dma_start3A_54 = tpu.memref_slice %arg6[%mul3A_45] : memref<800000xf32, #tpu.memory_space<hbm>> -> memref<1024xf32, #tpu.memory_space<hbm>>
        %dma_start3A_55 = arith.constant 0 : i32
        %dma_start3A_56 = tpu.memref_slice %arg12[%dma_start3A_55] : memref<1024xf32, #tpu.memory_space<vmem>> -> memref<1024xf32, #tpu.memory_space<vmem>>
        tpu.enqueue_dma source(%dma_start3A_56 : memref<1024xf32, #tpu.memory_space<vmem>>) target(%dma_start3A_54 : memref<1024xf32, #tpu.memory_space<hbm>>) target_semaphore(%run_scoped3A : memref<!tpu.dma_semaphore, #tpu.memory_space<semaphore_mem>>)
        %dma_wait3A = arith.constant 0 : i32
        %dma_wait3A_57 = tpu.memref_slice %arg12[%dma_wait3A] : memref<1024xf32, #tpu.memory_space<vmem>> -> memref<1024xf32, #tpu.memory_space<vmem>>
        %dma_wait3A_58 = tpu.memref_slice %arg6[%mul3A_45] : memref<800000xf32, #tpu.memory_space<hbm>> -> memref<1024xf32, #tpu.memory_space<hbm>>
        %dma_wait3A_59 = tpu.memref_slice %arg6[%mul3A_45] : memref<800000xf32, #tpu.memory_space<hbm>> -> memref<1024xf32, #tpu.memory_space<hbm>>
        %dma_wait3A_60 = arith.constant 0 : i32
        %dma_wait3A_61 = tpu.memref_slice %arg12[%dma_wait3A_60] : memref<1024xf32, #tpu.memory_space<vmem>> -> memref<1024xf32, #tpu.memory_space<vmem>>
        tpu.wait_dma2 semaphore(%run_scoped3A : memref<!tpu.dma_semaphore, #tpu.memory_space<semaphore_mem>>) src(%dma_wait3A_61 : memref<1024xf32, #tpu.memory_space<vmem>>) dst(%dma_wait3A_59 : memref<1024xf32, #tpu.memory_space<hbm>>)
        tpu.yield
      }) : () -> ()
      %scan3A_46 = arith.constant 0 : i32
      %scan3A_47 = arith.constant 0 : i32
      %scan3A_48 = arith.constant 8 : i32
      %scan3A_49 = arith.addi %scan3A_47, %scan3A_48 : i32
      %scan3A_50 = arith.constant 1 : i32
      scf.for %scan3A_52 = %scan3A_47 to %scan3A_49 step %scan3A_50  : i32 {
        %mul3A_53 = arith.constant 16 : i32
        %mul3A_54 = arith.muli %scan3A_52, %mul3A_53 : i32
        %get3A = arith.index_cast %mul3A_54 : i32 to index
        %get3A_55 = tpu.vector_load %arg13[%get3A] {strides = array<i32>} : memref<128xf32, #tpu.memory_space<vmem>>, vector<16xf32>,
        %slice3A = vector.extract_strided_slice %get3A_55 {offsets = [0], sizes = [1], strides = [1]} : vector<16xf32> to vector<1xf32>
        %squeeze3A = vector.extract %slice3A[0] : f32 from vector<1xf32>
        %mul3A_56 = arith.constant 16 : i32
        %mul3A_57 = arith.muli %scan3A_52, %mul3A_56 : i32
        %add3A_58 = arith.constant 0 : i32
        %add3A_59 = arith.addi %mul3A_57, %add3A_58 : i32
        %get3A_60 = arith.index_cast %add3A_59 : i32 to index
        %get3A_61 = arith.constant 0 : index
        %get3A_62 = tpu.vector_load %arg8[%get3A_60, %get3A_61] {strides = array<i32>} : memref<128x128xf32, #tpu.memory_space<vmem>>, vector<16xf32>,
        %mul3A_63 = vector.broadcast %squeeze3A : f32 to vector<16xf32>
        %mul3A_64 = arith.mulf %get3A_62, %mul3A_63 : vector<16xf32>
        %swap3A = arith.index_cast %add3A_59 : i32 to index
        %swap3A_65 = arith.constant 0 : index
        %swap3A_66 = tpu.vector_load %arg8[%swap3A, %swap3A_65] {strides = array<i32>} : memref<128x128xf32, #tpu.memory_space<vmem>>, vector<16xf32>,
        tpu.vector_store %arg8[%swap3A, %swap3A_65], %mul3A_64 {strides = array<i32>} : memref<128x128xf32, #tpu.memory_space<vmem>>, vector<16xf32>,
        %get3A_67 = arith.index_cast %add3A_59 : i32 to index
        %get3A_68 = arith.constant 16 : index
        %get3A_69 = tpu.vector_load %arg8[%get3A_67, %get3A_68] {strides = array<i32>} : memref<128x128xf32, #tpu.memory_space<vmem>>, vector<16xf32>,
        %mul3A_70 = vector.broadcast %squeeze3A : f32 to vector<16xf32>
        %mul3A_71 = arith.mulf %get3A_69, %mul3A_70 : vector<16xf32>
        %swap3A_72 = arith.index_cast %add3A_59 : i32 to index
        %swap3A_73 = arith.constant 16 : index
        %swap3A_74 = tpu.vector_load %arg8[%swap3A_72, %swap3A_73] {strides = array<i32>} : memref<128x128xf32, #tpu.memory_space<vmem>>, vector<16xf32>,
        tpu.vector_store %arg8[%swap3A_72, %swap3A_73], %mul3A_71 {strides = array<i32>} : memref<128x128xf32, #tpu.memory_space<vmem>>, vector<16xf32>,
        %get3A_75 = arith.index_cast %add3A_59 : i32 to index
        %get3A_76 = arith.constant 32 : index
        %get3A_77 = tpu.vector_load %arg8[%get3A_75, %get3A_76] {strides = array<i32>} : memref<128x128xf32, #tpu.memory_space<vmem>>, vector<16xf32>,
        %mul3A_78 = vector.broadcast %squeeze3A : f32 to vector<16xf32>
        %mul3A_79 = arith.mulf %get3A_77, %mul3A_78 : vector<16xf32>
        %swap3A_80 = arith.index_cast %add3A_59 : i32 to index
        %swap3A_81 = arith.constant 32 : index
        %swap3A_82 = tpu.vector_load %arg8[%swap3A_80, %swap3A_81] {strides = array<i32>} : memref<128x128xf32, #tpu.memory_space<vmem>>, vector<16xf32>,
        tpu.vector_store %arg8[%swap3A_80, %swap3A_81], %mul3A_79 {strides = array<i32>} : memref<128x128xf32, #tpu.memory_space<vmem>>, vector<16xf32>,
        %get3A_83 = arith.index_cast %add3A_59 : i32 to index
        %get3A_84 = arith.constant 48 : index
        %get3A_85 = tpu.vector_load %arg8[%get3A_83, %get3A_84] {strides = array<i32>} : memref<128x128xf32, #tpu.memory_space<vmem>>, vector<16xf32>,
        %mul3A_86 = vector.broadcast %squeeze3A : f32 to vector<16xf32>
        %mul3A_87 = arith.mulf %get3A_85, %mul3A_86 : vector<16xf32>
        %swap3A_88 = arith.index_cast %add3A_59 : i32 to index
        %swap3A_89 = arith.constant 48 : index
        %swap3A_90 = tpu.vector_load %arg8[%swap3A_88, %swap3A_89] {strides = array<i32>} : memref<128x128xf32, #tpu.memory_space<vmem>>, vector<16xf32>,
        tpu.vector_store %arg8[%swap3A_88, %swap3A_89], %mul3A_87 {strides = array<i32>} : memref<128x128xf32, #tpu.memory_space<vmem>>, vector<16xf32>,
        %get3A_91 = arith.index_cast %add3A_59 : i32 to index
        %get3A_92 = arith.constant 64 : index
        %get3A_93 = tpu.vector_load %arg8[%get3A_91, %get3A_92] {strides = array<i32>} : memref<128x128xf32, #tpu.memory_space<vmem>>, vector<16xf32>,
        %mul3A_94 = vector.broadcast %squeeze3A : f32 to vector<16xf32>
        %mul3A_95 = arith.mulf %get3A_93, %mul3A_94 : vector<16xf32>
        %swap3A_96 = arith.index_cast %add3A_59 : i32 to index
        %swap3A_97 = arith.constant 64 : index
        %swap3A_98 = tpu.vector_load %arg8[%swap3A_96, %swap3A_97] {strides = array<i32>} : memref<128x128xf32, #tpu.memory_space<vmem>>, vector<16xf32>,
        tpu.vector_store %arg8[%swap3A_96, %swap3A_97], %mul3A_95 {strides = array<i32>} : memref<128x128xf32, #tpu.memory_space<vmem>>, vector<16xf32>,
        %get3A_99 = arith.index_cast %add3A_59 : i32 to index
        %get3A_100 = arith.constant 80 : index
        %get3A_101 = tpu.vector_load %arg8[%get3A_99, %get3A_100] {strides = array<i32>} : memref<128x128xf32, #tpu.memory_space<vmem>>, vector<16xf32>,
        %mul3A_102 = vector.broadcast %squeeze3A : f32 to vector<16xf32>
        %mul3A_103 = arith.mulf %get3A_101, %mul3A_102 : vector<16xf32>
        %swap3A_104 = arith.index_cast %add3A_59 : i32 to index
        %swap3A_105 = arith.constant 80 : index
        %swap3A_106 = tpu.vector_load %arg8[%swap3A_104, %swap3A_105] {strides = array<i32>} : memref<128x128xf32, #tpu.memory_space<vmem>>, vector<16xf32>,
        tpu.vector_store %arg8[%swap3A_104, %swap3A_105], %mul3A_103 {strides = array<i32>} : memref<128x128xf32, #tpu.memory_space<vmem>>, vector<16xf32>,
        %get3A_107 = arith.index_cast %add3A_59 : i32 to index
        %get3A_108 = arith.constant 96 : index
        %get3A_109 = tpu.vector_load %arg8[%get3A_107, %get3A_108] {strides = array<i32>} : memref<128x128xf32, #tpu.memory_space<vmem>>, vector<16xf32>,
        %mul3A_110 = vector.broadcast %squeeze3A : f32 to vector<16xf32>
        %mul3A_111 = arith.mulf %get3A_109, %mul3A_110 : vector<16xf32>
        %swap3A_112 = arith.index_cast %add3A_59 : i32 to index
        %swap3A_113 = arith.constant 96 : index
        %swap3A_114 = tpu.vector_load %arg8[%swap3A_112, %swap3A_113] {strides = array<i32>} : memref<128x128xf32, #tpu.memory_space<vmem>>, vector<16xf32>,
        tpu.vector_store %arg8[%swap3A_112, %swap3A_113], %mul3A_111 {strides = array<i32>} : memref<128x128xf32, #tpu.memory_space<vmem>>, vector<16xf32>,
        %get3A_115 = arith.index_cast %add3A_59 : i32 to index
        %get3A_116 = arith.constant 112 : index
        %get3A_117 = tpu.vector_load %arg8[%get3A_115, %get3A_116] {strides = array<i32>} : memref<128x128xf32, #tpu.memory_space<vmem>>, vector<16xf32>,
        %mul3A_118 = vector.broadcast %squeeze3A : f32 to vector<16xf32>
        %mul3A_119 = arith.mulf %get3A_117, %mul3A_118 : vector<16xf32>
        %swap3A_120 = arith.index_cast %add3A_59 : i32 to index
        %swap3A_121 = arith.constant 112 : index
        %swap3A_122 = tpu.vector_load %arg8[%swap3A_120, %swap3A_121] {strides = array<i32>} : memref<128x128xf32, #tpu.memory_space<vmem>>, vector<16xf32>,
        tpu.vector_store %arg8[%swap3A_120, %swap3A_121], %mul3A_119 {strides = array<i32>} : memref<128x128xf32, #tpu.memory_space<vmem>>, vector<16xf32>,
        %slice3A_123 = vector.extract_strided_slice %get3A_55 {offsets = [1], sizes = [1], strides = [1]} : vector<16xf32> to vector<1xf32>
        %squeeze3A_124 = vector.extract %slice3A_123[0] : f32 from vector<1xf32>
        %mul3A_125 = arith.constant 16 : i32
        %mul3A_126 = arith.muli %scan3A_52, %mul3A_125 : i32
        %add3A_127 = arith.constant 1 : i32
        %add3A_128 = arith.addi %mul3A_126, %add3A_127 : i32
        %get3A_129 = arith.index_cast %add3A_128 : i32 to index
        %get3A_130 = arith.constant 0 : index
        %get3A_131 = tpu.vector_load %arg8[%get3A_129, %get3A_130] {strides = array<i32>} : memref<128x128xf32, #tpu.memory_space<vmem>>, vector<16xf32>,
        %mul3A_132 = vector.broadcast %squeeze3A_124 : f32 to vector<16xf32>
        %mul3A_133 = arith.mulf %get3A_131, %mul3A_132 : vector<16xf32>
        %swap3A_134 = arith.index_cast %add3A_128 : i32 to index
        %swap3A_135 = arith.constant 0 : index
        %swap3A_136 = tpu.vector_load %arg8[%swap3A_134, %swap3A_135] {strides = array<i32>} : memref<128x128xf32, #tpu.memory_space<vmem>>, vector<16xf32>,
        tpu.vector_store %arg8[%swap3A_134, %swap3A_135], %mul3A_133 {strides = array<i32>} : memref<128x128xf32, #tpu.memory_space<vmem>>, vector<16xf32>,
        %get3A_137 = arith.index_cast %add3A_128 : i32 to index
        %get3A_138 = arith.constant 16 : index
        %get3A_139 = tpu.vector_load %arg8[%get3A_137, %get3A_138] {strides = array<i32>} : memref<128x128xf32, #tpu.memory_space<vmem>>, vector<16xf32>,
        %mul3A_140 = vector.broadcast %squeeze3A_124 : f32 to vector<16xf32>
        %mul3A_141 = arith.mulf %get3A_139, %mul3A_140 : vector<16xf32>
        %swap3A_142 = arith.index_cast %add3A_128 : i32 to index
        %swap3A_143 = arith.constant 16 : index
        %swap3A_144 = tpu.vector_load %arg8[%swap3A_142, %swap3A_143] {strides = array<i32>} : memref<128x128xf32, #tpu.memory_space<vmem>>, vector<16xf32>,
        tpu.vector_store %arg8[%swap3A_142, %swap3A_143], %mul3A_141 {strides = array<i32>} : memref<128x128xf32, #tpu.memory_space<vmem>>, vector<16xf32>,
        %get3A_145 = arith.index_cast %add3A_128 : i32 to index
        %get3A_146 = arith.constant 32 : index
        %get3A_147 = tpu.vector_load %arg8[%get3A_145, %get3A_146] {strides = array<i32>} : memref<128x128xf32, #tpu.memory_space<vmem>>, vector<16xf32>,
        %mul3A_148 = vector.broadcast %squeeze3A_124 : f32 to vector<16xf32>
        %mul3A_149 = arith.mulf %get3A_147, %mul3A_148 : vector<16xf32>
        %swap3A_150 = arith.index_cast %add3A_128 : i32 to index
        %swap3A_151 = arith.constant 32 : index
        %swap3A_152 = tpu.vector_load %arg8[%swap3A_150, %swap3A_151] {strides = array<i32>} : memref<128x128xf32, #tpu.memory_space<vmem>>, vector<16xf32>,
        tpu.vector_store %arg8[%swap3A_150, %swap3A_151], %mul3A_149 {strides = array<i32>} : memref<128x128xf32, #tpu.memory_space<vmem>>, vector<16xf32>,
        %get3A_153 = arith.index_cast %add3A_128 : i32 to index
        %get3A_154 = arith.constant 48 : index
        %get3A_155 = tpu.vector_load %arg8[%get3A_153, %get3A_154] {strides = array<i32>} : memref<128x128xf32, #tpu.memory_space<vmem>>, vector<16xf32>,
        %mul3A_156 = vector.broadcast %squeeze3A_124 : f32 to vector<16xf32>
        %mul3A_157 = arith.mulf %get3A_155, %mul3A_156 : vector<16xf32>
        %swap3A_158 = arith.index_cast %add3A_128 : i32 to index
        %swap3A_159 = arith.constant 48 : index
        %swap3A_160 = tpu.vector_load %arg8[%swap3A_158, %swap3A_159] {strides = array<i32>} : memref<128x128xf32, #tpu.memory_space<vmem>>, vector<16xf32>,
        tpu.vector_store %arg8[%swap3A_158, %swap3A_159], %mul3A_157 {strides = array<i32>} : memref<128x128xf32, #tpu.memory_space<vmem>>, vector<16xf32>,
        %get3A_161 = arith.index_cast %add3A_128 : i32 to index
        %get3A_162 = arith.constant 64 : index
        %get3A_163 = tpu.vector_load %arg8[%get3A_161, %get3A_162] {strides = array<i32>} : memref<128x128xf32, #tpu.memory_space<vmem>>, vector<16xf32>,
        %mul3A_164 = vector.broadcast %squeeze3A_124 : f32 to vector<16xf32>
        %mul3A_165 = arith.mulf %get3A_163, %mul3A_164 : vector<16xf32>
        %swap3A_166 = arith.index_cast %add3A_128 : i32 to index
        %swap3A_167 = arith.constant 64 : index
        %swap3A_168 = tpu.vector_load %arg8[%swap3A_166, %swap3A_167] {strides = array<i32>} : memref<128x128xf32, #tpu.memory_space<vmem>>, vector<16xf32>,
        tpu.vector_store %arg8[%swap3A_166, %swap3A_167], %mul3A_165 {strides = array<i32>} : memref<128x128xf32, #tpu.memory_space<vmem>>, vector<16xf32>,
        %get3A_169 = arith.index_cast %add3A_128 : i32 to index
        %get3A_170 = arith.constant 80 : index
        %get3A_171 = tpu.vector_load %arg8[%get3A_169, %get3A_170] {strides = array<i32>} : memref<128x128xf32, #tpu.memory_space<vmem>>, vector<16xf32>,
        %mul3A_172 = vector.broadcast %squeeze3A_124 : f32 to vector<16xf32>
        %mul3A_173 = arith.mulf %get3A_171, %mul3A_172 : vector<16xf32>
        %swap3A_174 = arith.index_cast %add3A_128 : i32 to index
        %swap3A_175 = arith.constant 80 : index
        %swap3A_176 = tpu.vector_load %arg8[%swap3A_174, %swap3A_175] {strides = array<i32>} : memref<128x128xf32, #tpu.memory_space<vmem>>, vector<16xf32>,
        tpu.vector_store %arg8[%swap3A_174, %swap3A_175], %mul3A_173 {strides = array<i32>} : memref<128x128xf32, #tpu.memory_space<vmem>>, vector<16xf32>,
        %get3A_177 = arith.index_cast %add3A_128 : i32 to index
        %get3A_178 = arith.constant 96 : index
        %get3A_179 = tpu.vector_load %arg8[%get3A_177, %get3A_178] {strides = array<i32>} : memref<128x128xf32, #tpu.memory_space<vmem>>, vector<16xf32>,
        %mul3A_180 = vector.broadcast %squeeze3A_124 : f32 to vector<16xf32>
        %mul3A_181 = arith.mulf %get3A_179, %mul3A_180 : vector<16xf32>
        %swap3A_182 = arith.index_cast %add3A_128 : i32 to index
        %swap3A_183 = arith.constant 96 : index
        %swap3A_184 = tpu.vector_load %arg8[%swap3A_182, %swap3A_183] {strides = array<i32>} : memref<128x128xf32, #tpu.memory_space<vmem>>, vector<16xf32>,
        tpu.vector_store %arg8[%swap3A_182, %swap3A_183], %mul3A_181 {strides = array<i32>} : memref<128x128xf32, #tpu.memory_space<vmem>>, vector<16xf32>,
        %get3A_185 = arith.index_cast %add3A_128 : i32 to index
        %get3A_186 = arith.constant 112 : index
        %get3A_187 = tpu.vector_load %arg8[%get3A_185, %get3A_186] {strides = array<i32>} : memref<128x128xf32, #tpu.memory_space<vmem>>, vector<16xf32>,
        %mul3A_188 = vector.broadcast %squeeze3A_124 : f32 to vector<16xf32>
        %mul3A_189 = arith.mulf %get3A_187, %mul3A_188 : vector<16xf32>
        %swap3A_190 = arith.index_cast %add3A_128 : i32 to index
        %swap3A_191 = arith.constant 112 : index
        %swap3A_192 = tpu.vector_load %arg8[%swap3A_190, %swap3A_191] {strides = array<i32>} : memref<128x128xf32, #tpu.memory_space<vmem>>, vector<16xf32>,
        tpu.vector_store %arg8[%swap3A_190, %swap3A_191], %mul3A_189 {strides = array<i32>} : memref<128x128xf32, #tpu.memory_space<vmem>>, vector<16xf32>,
        %slice3A_193 = vector.extract_strided_slice %get3A_55 {offsets = [2], sizes = [1], strides = [1]} : vector<16xf32> to vector<1xf32>
        %squeeze3A_194 = vector.extract %slice3A_193[0] : f32 from vector<1xf32>
        %mul3A_195 = arith.constant 16 : i32
        %mul3A_196 = arith.muli %scan3A_52, %mul3A_195 : i32
        %add3A_197 = arith.constant 2 : i32
        %add3A_198 = arith.addi %mul3A_196, %add3A_197 : i32
        %get3A_199 = arith.index_cast %add3A_198 : i32 to index
        %get3A_200 = arith.constant 0 : index
        %get3A_201 = tpu.vector_load %arg8[%get3A_199, %get3A_200] {strides = array<i32>} : memref<128x128xf32, #tpu.memory_space<vmem>>, vector<16xf32>,
        %mul3A_202 = vector.broadcast %squeeze3A_194 : f32 to vector<16xf32>
        %mul3A_203 = arith.mulf %get3A_201, %mul3A_202 : vector<16xf32>
        %swap3A_204 = arith.index_cast %add3A_198 : i32 to index
        %swap3A_205 = arith.constant 0 : index
        %swap3A_206 = tpu.vector_load %arg8[%swap3A_204, %swap3A_205] {strides = array<i32>} : memref<128x128xf32, #tpu.memory_space<vmem>>, vector<16xf32>,
        tpu.vector_store %arg8[%swap3A_204, %swap3A_205], %mul3A_203 {strides = array<i32>} : memref<128x128xf32, #tpu.memory_space<vmem>>, vector<16xf32>,
        %get3A_207 = arith.index_cast %add3A_198 : i32 to index
        %get3A_208 = arith.constant 16 : index
        %get3A_209 = tpu.vector_load %arg8[%get3A_207, %get3A_208] {strides = array<i32>} : memref<128x128xf32, #tpu.memory_space<vmem>>, vector<16xf32>,
        %mul3A_210 = vector.broadcast %squeeze3A_194 : f32 to vector<16xf32>
        %mul3A_211 = arith.mulf %get3A_209, %mul3A_210 : vector<16xf32>
        %swap3A_212 = arith.index_cast %add3A_198 : i32 to index
        %swap3A_213 = arith.constant 16 : index
        %swap3A_214 = tpu.vector_load %arg8[%swap3A_212, %swap3A_213] {strides = array<i32>} : memref<128x128xf32, #tpu.memory_space<vmem>>, vector<16xf32>,
        tpu.vector_store %arg8[%swap3A_212, %swap3A_213], %mul3A_211 {strides = array<i32>} : memref<128x128xf32, #tpu.memory_space<vmem>>, vector<16xf32>,
        %get3A_215 = arith.index_cast %add3A_198 : i32 to index
        %get3A_216 = arith.constant 32 : index
        %get3A_217 = tpu.vector_load %arg8[%get3A_215, %get3A_216] {strides = array<i32>} : memref<128x128xf32, #tpu.memory_space<vmem>>, vector<16xf32>,
        %mul3A_218 = vector.broadcast %squeeze3A_194 : f32 to vector<16xf32>
        %mul3A_219 = arith.mulf %get3A_217, %mul3A_218 : vector<16xf32>
        %swap3A_220 = arith.index_cast %add3A_198 : i32 to index
        %swap3A_221 = arith.constant 32 : index
        %swap3A_222 = tpu.vector_load %arg8[%swap3A_220, %swap3A_221] {strides = array<i32>} : memref<128x128xf32, #tpu.memory_space<vmem>>, vector<16xf32>,
        tpu.vector_store %arg8[%swap3A_220, %swap3A_221], %mul3A_219 {strides = array<i32>} : memref<128x128xf32, #tpu.memory_space<vmem>>, vector<16xf32>,
        %get3A_223 = arith.index_cast %add3A_198 : i32 to index
        %get3A_224 = arith.constant 48 : index
        %get3A_225 = tpu.vector_load %arg8[%get3A_223, %get3A_224] {strides = array<i32>} : memref<128x128xf32, #tpu.memory_space<vmem>>, vector<16xf32>,
        %mul3A_226 = vector.broadcast %squeeze3A_194 : f32 to vector<16xf32>
        %mul3A_227 = arith.mulf %get3A_225, %mul3A_226 : vector<16xf32>
        %swap3A_228 = arith.index_cast %add3A_198 : i32 to index
        %swap3A_229 = arith.constant 48 : index
        %swap3A_230 = tpu.vector_load %arg8[%swap3A_228, %swap3A_229] {strides = array<i32>} : memref<128x128xf32, #tpu.memory_space<vmem>>, vector<16xf32>,
        tpu.vector_store %arg8[%swap3A_228, %swap3A_229], %mul3A_227 {strides = array<i32>} : memref<128x128xf32, #tpu.memory_space<vmem>>, vector<16xf32>,
        %get3A_231 = arith.index_cast %add3A_198 : i32 to index
        %get3A_232 = arith.constant 64 : index
        %get3A_233 = tpu.vector_load %arg8[%get3A_231, %get3A_232] {strides = array<i32>} : memref<128x128xf32, #tpu.memory_space<vmem>>, vector<16xf32>,
        %mul3A_234 = vector.broadcast %squeeze3A_194 : f32 to vector<16xf32>
        %mul3A_235 = arith.mulf %get3A_233, %mul3A_234 : vector<16xf32>
        %swap3A_236 = arith.index_cast %add3A_198 : i32 to index
        %swap3A_237 = arith.constant 64 : index
        %swap3A_238 = tpu.vector_load %arg8[%swap3A_236, %swap3A_237] {strides = array<i32>} : memref<128x128xf32, #tpu.memory_space<vmem>>, vector<16xf32>,
        tpu.vector_store %arg8[%swap3A_236, %swap3A_237], %mul3A_235 {strides = array<i32>} : memref<128x128xf32, #tpu.memory_space<vmem>>, vector<16xf32>,
        %get3A_239 = arith.index_cast %add3A_198 : i32 to index
        %get3A_240 = arith.constant 80 : index
        %get3A_241 = tpu.vector_load %arg8[%get3A_239, %get3A_240] {strides = array<i32>} : memref<128x128xf32, #tpu.memory_space<vmem>>, vector<16xf32>,
        %mul3A_242 = vector.broadcast %squeeze3A_194 : f32 to vector<16xf32>
        %mul3A_243 = arith.mulf %get3A_241, %mul3A_242 : vector<16xf32>
        %swap3A_244 = arith.index_cast %add3A_198 : i32 to index
        %swap3A_245 = arith.constant 80 : index
        %swap3A_246 = tpu.vector_load %arg8[%swap3A_244, %swap3A_245] {strides = array<i32>} : memref<128x128xf32, #tpu.memory_space<vmem>>, vector<16xf32>,
        tpu.vector_store %arg8[%swap3A_244, %swap3A_245], %mul3A_243 {strides = array<i32>} : memref<128x128xf32, #tpu.memory_space<vmem>>, vector<16xf32>,
        %get3A_247 = arith.index_cast %add3A_198 : i32 to index
        %get3A_248 = arith.constant 96 : index
        %get3A_249 = tpu.vector_load %arg8[%get3A_247, %get3A_248] {strides = array<i32>} : memref<128x128xf32, #tpu.memory_space<vmem>>, vector<16xf32>,
        %mul3A_250 = vector.broadcast %squeeze3A_194 : f32 to vector<16xf32>
        %mul3A_251 = arith.mulf %get3A_249, %mul3A_250 : vector<16xf32>
        %swap3A_252 = arith.index_cast %add3A_198 : i32 to index
        %swap3A_253 = arith.constant 96 : index
        %swap3A_254 = tpu.vector_load %arg8[%swap3A_252, %swap3A_253] {strides = array<i32>} : memref<128x128xf32, #tpu.memory_space<vmem>>, vector<16xf32>,
        tpu.vector_store %arg8[%swap3A_252, %swap3A_253], %mul3A_251 {strides = array<i32>} : memref<128x128xf32, #tpu.memory_space<vmem>>, vector<16xf32>,
        %get3A_255 = arith.index_cast %add3A_198 : i32 to index
        %get3A_256 = arith.constant 112 : index
        %get3A_257 = tpu.vector_load %arg8[%get3A_255, %get3A_256] {strides = array<i32>} : memref<128x128xf32, #tpu.memory_space<vmem>>, vector<16xf32>,
        %mul3A_258 = vector.broadcast %squeeze3A_194 : f32 to vector<16xf32>
        %mul3A_259 = arith.mulf %get3A_257, %mul3A_258 : vector<16xf32>
        %swap3A_260 = arith.index_cast %add3A_198 : i32 to index
        %swap3A_261 = arith.constant 112 : index
        %swap3A_262 = tpu.vector_load %arg8[%swap3A_260, %swap3A_261] {strides = array<i32>} : memref<128x128xf32, #tpu.memory_space<vmem>>, vector<16xf32>,
        tpu.vector_store %arg8[%swap3A_260, %swap3A_261], %mul3A_259 {strides = array<i32>} : memref<128x128xf32, #tpu.memory_space<vmem>>, vector<16xf32>,
        %slice3A_263 = vector.extract_strided_slice %get3A_55 {offsets = [3], sizes = [1], strides = [1]} : vector<16xf32> to vector<1xf32>
        %squeeze3A_264 = vector.extract %slice3A_263[0] : f32 from vector<1xf32>
        %mul3A_265 = arith.constant 16 : i32
        %mul3A_266 = arith.muli %scan3A_52, %mul3A_265 : i32
        %add3A_267 = arith.constant 3 : i32
        %add3A_268 = arith.addi %mul3A_266, %add3A_267 : i32
        %get3A_269 = arith.index_cast %add3A_268 : i32 to index
        %get3A_270 = arith.constant 0 : index
        %get3A_271 = tpu.vector_load %arg8[%get3A_269, %get3A_270] {strides = array<i32>} : memref<128x128xf32, #tpu.memory_space<vmem>>, vector<16xf32>,
        %mul3A_272 = vector.broadcast %squeeze3A_264 : f32 to vector<16xf32>
        %mul3A_273 = arith.mulf %get3A_271, %mul3A_272 : vector<16xf32>
        %swap3A_274 = arith.index_cast %add3A_268 : i32 to index
        %swap3A_275 = arith.constant 0 : index
        %swap3A_276 = tpu.vector_load %arg8[%swap3A_274, %swap3A_275] {strides = array<i32>} : memref<128x128xf32, #tpu.memory_space<vmem>>, vector<16xf32>,
        tpu.vector_store %arg8[%swap3A_274, %swap3A_275], %mul3A_273 {strides = array<i32>} : memref<128x128xf32, #tpu.memory_space<vmem>>, vector<16xf32>,
        %get3A_277 = arith.index_cast %add3A_268 : i32 to index
        %get3A_278 = arith.constant 16 : index
        %get3A_279 = tpu.vector_load %arg8[%get3A_277, %get3A_278] {strides = array<i32>} : memref<128x128xf32, #tpu.memory_space<vmem>>, vector<16xf32>,
        %mul3A_280 = vector.broadcast %squeeze3A_264 : f32 to vector<16xf32>
        %mul3A_281 = arith.mulf %get3A_279, %mul3A_280 : vector<16xf32>
        %swap3A_282 = arith.index_cast %add3A_268 : i32 to index
        %swap3A_283 = arith.constant 16 : index
        %swap3A_284 = tpu.vector_load %arg8[%swap3A_282, %swap3A_283] {strides = array<i32>} : memref<128x128xf32, #tpu.memory_space<vmem>>, vector<16xf32>,
        tpu.vector_store %arg8[%swap3A_282, %swap3A_283], %mul3A_281 {strides = array<i32>} : memref<128x128xf32, #tpu.memory_space<vmem>>, vector<16xf32>,
        %get3A_285 = arith.index_cast %add3A_268 : i32 to index
        %get3A_286 = arith.constant 32 : index
        %get3A_287 = tpu.vector_load %arg8[%get3A_285, %get3A_286] {strides = array<i32>} : memref<128x128xf32, #tpu.memory_space<vmem>>, vector<16xf32>,
        %mul3A_288 = vector.broadcast %squeeze3A_264 : f32 to vector<16xf32>
        %mul3A_289 = arith.mulf %get3A_287, %mul3A_288 : vector<16xf32>
        %swap3A_290 = arith.index_cast %add3A_268 : i32 to index
        %swap3A_291 = arith.constant 32 : index
        %swap3A_292 = tpu.vector_load %arg8[%swap3A_290, %swap3A_291] {strides = array<i32>} : memref<128x128xf32, #tpu.memory_space<vmem>>, vector<16xf32>,
        tpu.vector_store %arg8[%swap3A_290, %swap3A_291], %mul3A_289 {strides = array<i32>} : memref<128x128xf32, #tpu.memory_space<vmem>>, vector<16xf32>,
        %get3A_293 = arith.index_cast %add3A_268 : i32 to index
        %get3A_294 = arith.constant 48 : index
        %get3A_295 = tpu.vector_load %arg8[%get3A_293, %get3A_294] {strides = array<i32>} : memref<128x128xf32, #tpu.memory_space<vmem>>, vector<16xf32>,
        %mul3A_296 = vector.broadcast %squeeze3A_264 : f32 to vector<16xf32>
        %mul3A_297 = arith.mulf %get3A_295, %mul3A_296 : vector<16xf32>
        %swap3A_298 = arith.index_cast %add3A_268 : i32 to index
        %swap3A_299 = arith.constant 48 : index
        %swap3A_300 = tpu.vector_load %arg8[%swap3A_298, %swap3A_299] {strides = array<i32>} : memref<128x128xf32, #tpu.memory_space<vmem>>, vector<16xf32>,
        tpu.vector_store %arg8[%swap3A_298, %swap3A_299], %mul3A_297 {strides = array<i32>} : memref<128x128xf32, #tpu.memory_space<vmem>>, vector<16xf32>,
        %get3A_301 = arith.index_cast %add3A_268 : i32 to index
        %get3A_302 = arith.constant 64 : index
        %get3A_303 = tpu.vector_load %arg8[%get3A_301, %get3A_302] {strides = array<i32>} : memref<128x128xf32, #tpu.memory_space<vmem>>, vector<16xf32>,
        %mul3A_304 = vector.broadcast %squeeze3A_264 : f32 to vector<16xf32>
        %mul3A_305 = arith.mulf %get3A_303, %mul3A_304 : vector<16xf32>
        %swap3A_306 = arith.index_cast %add3A_268 : i32 to index
        %swap3A_307 = arith.constant 64 : index
        %swap3A_308 = tpu.vector_load %arg8[%swap3A_306, %swap3A_307] {strides = array<i32>} : memref<128x128xf32, #tpu.memory_space<vmem>>, vector<16xf32>,
        tpu.vector_store %arg8[%swap3A_306, %swap3A_307], %mul3A_305 {strides = array<i32>} : memref<128x128xf32, #tpu.memory_space<vmem>>, vector<16xf32>,
        %get3A_309 = arith.index_cast %add3A_268 : i32 to index
        %get3A_310 = arith.constant 80 : index
        %get3A_311 = tpu.vector_load %arg8[%get3A_309, %get3A_310] {strides = array<i32>} : memref<128x128xf32, #tpu.memory_space<vmem>>, vector<16xf32>,
        %mul3A_312 = vector.broadcast %squeeze3A_264 : f32 to vector<16xf32>
        %mul3A_313 = arith.mulf %get3A_311, %mul3A_312 : vector<16xf32>
        %swap3A_314 = arith.index_cast %add3A_268 : i32 to index
        %swap3A_315 = arith.constant 80 : index
        %swap3A_316 = tpu.vector_load %arg8[%swap3A_314, %swap3A_315] {strides = array<i32>} : memref<128x128xf32, #tpu.memory_space<vmem>>, vector<16xf32>,
        tpu.vector_store %arg8[%swap3A_314, %swap3A_315], %mul3A_313 {strides = array<i32>} : memref<128x128xf32, #tpu.memory_space<vmem>>, vector<16xf32>,
        %get3A_317 = arith.index_cast %add3A_268 : i32 to index
        %get3A_318 = arith.constant 96 : index
        %get3A_319 = tpu.vector_load %arg8[%get3A_317, %get3A_318] {strides = array<i32>} : memref<128x128xf32, #tpu.memory_space<vmem>>, vector<16xf32>,
        %mul3A_320 = vector.broadcast %squeeze3A_264 : f32 to vector<16xf32>
        %mul3A_321 = arith.mulf %get3A_319, %mul3A_320 : vector<16xf32>
        %swap3A_322 = arith.index_cast %add3A_268 : i32 to index
        %swap3A_323 = arith.constant 96 : index
        %swap3A_324 = tpu.vector_load %arg8[%swap3A_322, %swap3A_323] {strides = array<i32>} : memref<128x128xf32, #tpu.memory_space<vmem>>, vector<16xf32>,
        tpu.vector_store %arg8[%swap3A_322, %swap3A_323], %mul3A_321 {strides = array<i32>} : memref<128x128xf32, #tpu.memory_space<vmem>>, vector<16xf32>,
        %get3A_325 = arith.index_cast %add3A_268 : i32 to index
        %get3A_326 = arith.constant 112 : index
        %get3A_327 = tpu.vector_load %arg8[%get3A_325, %get3A_326] {strides = array<i32>} : memref<128x128xf32, #tpu.memory_space<vmem>>, vector<16xf32>,
        %mul3A_328 = vector.broadcast %squeeze3A_264 : f32 to vector<16xf32>
        %mul3A_329 = arith.mulf %get3A_327, %mul3A_328 : vector<16xf32>
        %swap3A_330 = arith.index_cast %add3A_268 : i32 to index
        %swap3A_331 = arith.constant 112 : index
        %swap3A_332 = tpu.vector_load %arg8[%swap3A_330, %swap3A_331] {strides = array<i32>} : memref<128x128xf32, #tpu.memory_space<vmem>>, vector<16xf32>,
        tpu.vector_store %arg8[%swap3A_330, %swap3A_331], %mul3A_329 {strides = array<i32>} : memref<128x128xf32, #tpu.memory_space<vmem>>, vector<16xf32>,
        %slice3A_333 = vector.extract_strided_slice %get3A_55 {offsets = [4], sizes = [1], strides = [1]} : vector<16xf32> to vector<1xf32>
        %squeeze3A_334 = vector.extract %slice3A_333[0] : f32 from vector<1xf32>
        %mul3A_335 = arith.constant 16 : i32
        %mul3A_336 = arith.muli %scan3A_52, %mul3A_335 : i32
        %add3A_337 = arith.constant 4 : i32
        %add3A_338 = arith.addi %mul3A_336, %add3A_337 : i32
        %get3A_339 = arith.index_cast %add3A_338 : i32 to index
        %get3A_340 = arith.constant 0 : index
        %get3A_341 = tpu.vector_load %arg8[%get3A_339, %get3A_340] {strides = array<i32>} : memref<128x128xf32, #tpu.memory_space<vmem>>, vector<16xf32>,
        %mul3A_342 = vector.broadcast %squeeze3A_334 : f32 to vector<16xf32>
        %mul3A_343 = arith.mulf %get3A_341, %mul3A_342 : vector<16xf32>
        %swap3A_344 = arith.index_cast %add3A_338 : i32 to index
        %swap3A_345 = arith.constant 0 : index
        %swap3A_346 = tpu.vector_load %arg8[%swap3A_344, %swap3A_345] {strides = array<i32>} : memref<128x128xf32, #tpu.memory_space<vmem>>, vector<16xf32>,
        tpu.vector_store %arg8[%swap3A_344, %swap3A_345], %mul3A_343 {strides = array<i32>} : memref<128x128xf32, #tpu.memory_space<vmem>>, vector<16xf32>,
        %get3A_347 = arith.index_cast %add3A_338 : i32 to index
        %get3A_348 = arith.constant 16 : index
        %get3A_349 = tpu.vector_load %arg8[%get3A_347, %get3A_348] {strides = array<i32>} : memref<128x128xf32, #tpu.memory_space<vmem>>, vector<16xf32>,
        %mul3A_350 = vector.broadcast %squeeze3A_334 : f32 to vector<16xf32>
        %mul3A_351 = arith.mulf %get3A_349, %mul3A_350 : vector<16xf32>
        %swap3A_352 = arith.index_cast %add3A_338 : i32 to index
        %swap3A_353 = arith.constant 16 : index
        %swap3A_354 = tpu.vector_load %arg8[%swap3A_352, %swap3A_353] {strides = array<i32>} : memref<128x128xf32, #tpu.memory_space<vmem>>, vector<16xf32>,
        tpu.vector_store %arg8[%swap3A_352, %swap3A_353], %mul3A_351 {strides = array<i32>} : memref<128x128xf32, #tpu.memory_space<vmem>>, vector<16xf32>,
        %get3A_355 = arith.index_cast %add3A_338 : i32 to index
        %get3A_356 = arith.constant 32 : index
        %get3A_357 = tpu.vector_load %arg8[%get3A_355, %get3A_356] {strides = array<i32>} : memref<128x128xf32, #tpu.memory_space<vmem>>, vector<16xf32>,
        %mul3A_358 = vector.broadcast %squeeze3A_334 : f32 to vector<16xf32>
        %mul3A_359 = arith.mulf %get3A_357, %mul3A_358 : vector<16xf32>
        %swap3A_360 = arith.index_cast %add3A_338 : i32 to index
        %swap3A_361 = arith.constant 32 : index
        %swap3A_362 = tpu.vector_load %arg8[%swap3A_360, %swap3A_361] {strides = array<i32>} : memref<128x128xf32, #tpu.memory_space<vmem>>, vector<16xf32>,
        tpu.vector_store %arg8[%swap3A_360, %swap3A_361], %mul3A_359 {strides = array<i32>} : memref<128x128xf32, #tpu.memory_space<vmem>>, vector<16xf32>,
        %get3A_363 = arith.index_cast %add3A_338 : i32 to index
        %get3A_364 = arith.constant 48 : index
        %get3A_365 = tpu.vector_load %arg8[%get3A_363, %get3A_364] {strides = array<i32>} : memref<128x128xf32, #tpu.memory_space<vmem>>, vector<16xf32>,
        %mul3A_366 = vector.broadcast %squeeze3A_334 : f32 to vector<16xf32>
        %mul3A_367 = arith.mulf %get3A_365, %mul3A_366 : vector<16xf32>
        %swap3A_368 = arith.index_cast %add3A_338 : i32 to index
        %swap3A_369 = arith.constant 48 : index
        %swap3A_370 = tpu.vector_load %arg8[%swap3A_368, %swap3A_369] {strides = array<i32>} : memref<128x128xf32, #tpu.memory_space<vmem>>, vector<16xf32>,
        tpu.vector_store %arg8[%swap3A_368, %swap3A_369], %mul3A_367 {strides = array<i32>} : memref<128x128xf32, #tpu.memory_space<vmem>>, vector<16xf32>,
        %get3A_371 = arith.index_cast %add3A_338 : i32 to index
        %get3A_372 = arith.constant 64 : index
        %get3A_373 = tpu.vector_load %arg8[%get3A_371, %get3A_372] {strides = array<i32>} : memref<128x128xf32, #tpu.memory_space<vmem>>, vector<16xf32>,
        %mul3A_374 = vector.broadcast %squeeze3A_334 : f32 to vector<16xf32>
        %mul3A_375 = arith.mulf %get3A_373, %mul3A_374 : vector<16xf32>
        %swap3A_376 = arith.index_cast %add3A_338 : i32 to index
        %swap3A_377 = arith.constant 64 : index
        %swap3A_378 = tpu.vector_load %arg8[%swap3A_376, %swap3A_377] {strides = array<i32>} : memref<128x128xf32, #tpu.memory_space<vmem>>, vector<16xf32>,
        tpu.vector_store %arg8[%swap3A_376, %swap3A_377], %mul3A_375 {strides = array<i32>} : memref<128x128xf32, #tpu.memory_space<vmem>>, vector<16xf32>,
        %get3A_379 = arith.index_cast %add3A_338 : i32 to index
        %get3A_380 = arith.constant 80 : index
        %get3A_381 = tpu.vector_load %arg8[%get3A_379, %get3A_380] {strides = array<i32>} : memref<128x128xf32, #tpu.memory_space<vmem>>, vector<16xf32>,
        %mul3A_382 = vector.broadcast %squeeze3A_334 : f32 to vector<16xf32>
        %mul3A_383 = arith.mulf %get3A_381, %mul3A_382 : vector<16xf32>
        %swap3A_384 = arith.index_cast %add3A_338 : i32 to index
        %swap3A_385 = arith.constant 80 : index
        %swap3A_386 = tpu.vector_load %arg8[%swap3A_384, %swap3A_385] {strides = array<i32>} : memref<128x128xf32, #tpu.memory_space<vmem>>, vector<16xf32>,
        tpu.vector_store %arg8[%swap3A_384, %swap3A_385], %mul3A_383 {strides = array<i32>} : memref<128x128xf32, #tpu.memory_space<vmem>>, vector<16xf32>,
        %get3A_387 = arith.index_cast %add3A_338 : i32 to index
        %get3A_388 = arith.constant 96 : index
        %get3A_389 = tpu.vector_load %arg8[%get3A_387, %get3A_388] {strides = array<i32>} : memref<128x128xf32, #tpu.memory_space<vmem>>, vector<16xf32>,
        %mul3A_390 = vector.broadcast %squeeze3A_334 : f32 to vector<16xf32>
        %mul3A_391 = arith.mulf %get3A_389, %mul3A_390 : vector<16xf32>
        %swap3A_392 = arith.index_cast %add3A_338 : i32 to index
        %swap3A_393 = arith.constant 96 : index
        %swap3A_394 = tpu.vector_load %arg8[%swap3A_392, %swap3A_393] {strides = array<i32>} : memref<128x128xf32, #tpu.memory_space<vmem>>, vector<16xf32>,
        tpu.vector_store %arg8[%swap3A_392, %swap3A_393], %mul3A_391 {strides = array<i32>} : memref<128x128xf32, #tpu.memory_space<vmem>>, vector<16xf32>,
        %get3A_395 = arith.index_cast %add3A_338 : i32 to index
        %get3A_396 = arith.constant 112 : index
        %get3A_397 = tpu.vector_load %arg8[%get3A_395, %get3A_396] {strides = array<i32>} : memref<128x128xf32, #tpu.memory_space<vmem>>, vector<16xf32>,
        %mul3A_398 = vector.broadcast %squeeze3A_334 : f32 to vector<16xf32>
        %mul3A_399 = arith.mulf %get3A_397, %mul3A_398 : vector<16xf32>
        %swap3A_400 = arith.index_cast %add3A_338 : i32 to index
        %swap3A_401 = arith.constant 112 : index
        %swap3A_402 = tpu.vector_load %arg8[%swap3A_400, %swap3A_401] {strides = array<i32>} : memref<128x128xf32, #tpu.memory_space<vmem>>, vector<16xf32>,
        tpu.vector_store %arg8[%swap3A_400, %swap3A_401], %mul3A_399 {strides = array<i32>} : memref<128x128xf32, #tpu.memory_space<vmem>>, vector<16xf32>,
        %slice3A_403 = vector.extract_strided_slice %get3A_55 {offsets = [5], sizes = [1], strides = [1]} : vector<16xf32> to vector<1xf32>
        %squeeze3A_404 = vector.extract %slice3A_403[0] : f32 from vector<1xf32>
        %mul3A_405 = arith.constant 16 : i32
        %mul3A_406 = arith.muli %scan3A_52, %mul3A_405 : i32
        %add3A_407 = arith.constant 5 : i32
        %add3A_408 = arith.addi %mul3A_406, %add3A_407 : i32
        %get3A_409 = arith.index_cast %add3A_408 : i32 to index
        %get3A_410 = arith.constant 0 : index
        %get3A_411 = tpu.vector_load %arg8[%get3A_409, %get3A_410] {strides = array<i32>} : memref<128x128xf32, #tpu.memory_space<vmem>>, vector<16xf32>,
        %mul3A_412 = vector.broadcast %squeeze3A_404 : f32 to vector<16xf32>
        %mul3A_413 = arith.mulf %get3A_411, %mul3A_412 : vector<16xf32>
        %swap3A_414 = arith.index_cast %add3A_408 : i32 to index
        %swap3A_415 = arith.constant 0 : index
        %swap3A_416 = tpu.vector_load %arg8[%swap3A_414, %swap3A_415] {strides = array<i32>} : memref<128x128xf32, #tpu.memory_space<vmem>>, vector<16xf32>,
        tpu.vector_store %arg8[%swap3A_414, %swap3A_415], %mul3A_413 {strides = array<i32>} : memref<128x128xf32, #tpu.memory_space<vmem>>, vector<16xf32>,
        %get3A_417 = arith.index_cast %add3A_408 : i32 to index
        %get3A_418 = arith.constant 16 : index
        %get3A_419 = tpu.vector_load %arg8[%get3A_417, %get3A_418] {strides = array<i32>} : memref<128x128xf32, #tpu.memory_space<vmem>>, vector<16xf32>,
        %mul3A_420 = vector.broadcast %squeeze3A_404 : f32 to vector<16xf32>
        %mul3A_421 = arith.mulf %get3A_419, %mul3A_420 : vector<16xf32>
        %swap3A_422 = arith.index_cast %add3A_408 : i32 to index
        %swap3A_423 = arith.constant 16 : index
        %swap3A_424 = tpu.vector_load %arg8[%swap3A_422, %swap3A_423] {strides = array<i32>} : memref<128x128xf32, #tpu.memory_space<vmem>>, vector<16xf32>,
        tpu.vector_store %arg8[%swap3A_422, %swap3A_423], %mul3A_421 {strides = array<i32>} : memref<128x128xf32, #tpu.memory_space<vmem>>, vector<16xf32>,
        %get3A_425 = arith.index_cast %add3A_408 : i32 to index
        %get3A_426 = arith.constant 32 : index
        %get3A_427 = tpu.vector_load %arg8[%get3A_425, %get3A_426] {strides = array<i32>} : memref<128x128xf32, #tpu.memory_space<vmem>>, vector<16xf32>,
        %mul3A_428 = vector.broadcast %squeeze3A_404 : f32 to vector<16xf32>
        %mul3A_429 = arith.mulf %get3A_427, %mul3A_428 : vector<16xf32>
        %swap3A_430 = arith.index_cast %add3A_408 : i32 to index
        %swap3A_431 = arith.constant 32 : index
        %swap3A_432 = tpu.vector_load %arg8[%swap3A_430, %swap3A_431] {strides = array<i32>} : memref<128x128xf32, #tpu.memory_space<vmem>>, vector<16xf32>,
        tpu.vector_store %arg8[%swap3A_430, %swap3A_431], %mul3A_429 {strides = array<i32>} : memref<128x128xf32, #tpu.memory_space<vmem>>, vector<16xf32>,
        %get3A_433 = arith.index_cast %add3A_408 : i32 to index
        %get3A_434 = arith.constant 48 : index
        %get3A_435 = tpu.vector_load %arg8[%get3A_433, %get3A_434] {strides = array<i32>} : memref<128x128xf32, #tpu.memory_space<vmem>>, vector<16xf32>,
        %mul3A_436 = vector.broadcast %squeeze3A_404 : f32 to vector<16xf32>
        %mul3A_437 = arith.mulf %get3A_435, %mul3A_436 : vector<16xf32>
        %swap3A_438 = arith.index_cast %add3A_408 : i32 to index
        %swap3A_439 = arith.constant 48 : index
        %swap3A_440 = tpu.vector_load %arg8[%swap3A_438, %swap3A_439] {strides = array<i32>} : memref<128x128xf32, #tpu.memory_space<vmem>>, vector<16xf32>,
        tpu.vector_store %arg8[%swap3A_438, %swap3A_439], %mul3A_437 {strides = array<i32>} : memref<128x128xf32, #tpu.memory_space<vmem>>, vector<16xf32>,
        %get3A_441 = arith.index_cast %add3A_408 : i32 to index
        %get3A_442 = arith.constant 64 : index
        %get3A_443 = tpu.vector_load %arg8[%get3A_441, %get3A_442] {strides = array<i32>} : memref<128x128xf32, #tpu.memory_space<vmem>>, vector<16xf32>,
        %mul3A_444 = vector.broadcast %squeeze3A_404 : f32 to vector<16xf32>
        %mul3A_445 = arith.mulf %get3A_443, %mul3A_444 : vector<16xf32>
        %swap3A_446 = arith.index_cast %add3A_408 : i32 to index
        %swap3A_447 = arith.constant 64 : index
        %swap3A_448 = tpu.vector_load %arg8[%swap3A_446, %swap3A_447] {strides = array<i32>} : memref<128x128xf32, #tpu.memory_space<vmem>>, vector<16xf32>,
        tpu.vector_store %arg8[%swap3A_446, %swap3A_447], %mul3A_445 {strides = array<i32>} : memref<128x128xf32, #tpu.memory_space<vmem>>, vector<16xf32>,
        %get3A_449 = arith.index_cast %add3A_408 : i32 to index
        %get3A_450 = arith.constant 80 : index
        %get3A_451 = tpu.vector_load %arg8[%get3A_449, %get3A_450] {strides = array<i32>} : memref<128x128xf32, #tpu.memory_space<vmem>>, vector<16xf32>,
        %mul3A_452 = vector.broadcast %squeeze3A_404 : f32 to vector<16xf32>
        %mul3A_453 = arith.mulf %get3A_451, %mul3A_452 : vector<16xf32>
        %swap3A_454 = arith.index_cast %add3A_408 : i32 to index
        %swap3A_455 = arith.constant 80 : index
        %swap3A_456 = tpu.vector_load %arg8[%swap3A_454, %swap3A_455] {strides = array<i32>} : memref<128x128xf32, #tpu.memory_space<vmem>>, vector<16xf32>,
        tpu.vector_store %arg8[%swap3A_454, %swap3A_455], %mul3A_453 {strides = array<i32>} : memref<128x128xf32, #tpu.memory_space<vmem>>, vector<16xf32>,
        %get3A_457 = arith.index_cast %add3A_408 : i32 to index
        %get3A_458 = arith.constant 96 : index
        %get3A_459 = tpu.vector_load %arg8[%get3A_457, %get3A_458] {strides = array<i32>} : memref<128x128xf32, #tpu.memory_space<vmem>>, vector<16xf32>,
        %mul3A_460 = vector.broadcast %squeeze3A_404 : f32 to vector<16xf32>
        %mul3A_461 = arith.mulf %get3A_459, %mul3A_460 : vector<16xf32>
        %swap3A_462 = arith.index_cast %add3A_408 : i32 to index
        %swap3A_463 = arith.constant 96 : index
        %swap3A_464 = tpu.vector_load %arg8[%swap3A_462, %swap3A_463] {strides = array<i32>} : memref<128x128xf32, #tpu.memory_space<vmem>>, vector<16xf32>,
        tpu.vector_store %arg8[%swap3A_462, %swap3A_463], %mul3A_461 {strides = array<i32>} : memref<128x128xf32, #tpu.memory_space<vmem>>, vector<16xf32>,
        %get3A_465 = arith.index_cast %add3A_408 : i32 to index
        %get3A_466 = arith.constant 112 : index
        %get3A_467 = tpu.vector_load %arg8[%get3A_465, %get3A_466] {strides = array<i32>} : memref<128x128xf32, #tpu.memory_space<vmem>>, vector<16xf32>,
        %mul3A_468 = vector.broadcast %squeeze3A_404 : f32 to vector<16xf32>
        %mul3A_469 = arith.mulf %get3A_467, %mul3A_468 : vector<16xf32>
        %swap3A_470 = arith.index_cast %add3A_408 : i32 to index
        %swap3A_471 = arith.constant 112 : index
        %swap3A_472 = tpu.vector_load %arg8[%swap3A_470, %swap3A_471] {strides = array<i32>} : memref<128x128xf32, #tpu.memory_space<vmem>>, vector<16xf32>,
        tpu.vector_store %arg8[%swap3A_470, %swap3A_471], %mul3A_469 {strides = array<i32>} : memref<128x128xf32, #tpu.memory_space<vmem>>, vector<16xf32>,
        %slice3A_473 = vector.extract_strided_slice %get3A_55 {offsets = [6], sizes = [1], strides = [1]} : vector<16xf32> to vector<1xf32>
        %squeeze3A_474 = vector.extract %slice3A_473[0] : f32 from vector<1xf32>
        %mul3A_475 = arith.constant 16 : i32
        %mul3A_476 = arith.muli %scan3A_52, %mul3A_475 : i32
        %add3A_477 = arith.constant 6 : i32
        %add3A_478 = arith.addi %mul3A_476, %add3A_477 : i32
        %get3A_479 = arith.index_cast %add3A_478 : i32 to index
        %get3A_480 = arith.constant 0 : index
        %get3A_481 = tpu.vector_load %arg8[%get3A_479, %get3A_480] {strides = array<i32>} : memref<128x128xf32, #tpu.memory_space<vmem>>, vector<16xf32>,
        %mul3A_482 = vector.broadcast %squeeze3A_474 : f32 to vector<16xf32>
        %mul3A_483 = arith.mulf %get3A_481, %mul3A_482 : vector<16xf32>
        %swap3A_484 = arith.index_cast %add3A_478 : i32 to index
        %swap3A_485 = arith.constant 0 : index
        %swap3A_486 = tpu.vector_load %arg8[%swap3A_484, %swap3A_485] {strides = array<i32>} : memref<128x128xf32, #tpu.memory_space<vmem>>, vector<16xf32>,
        tpu.vector_store %arg8[%swap3A_484, %swap3A_485], %mul3A_483 {strides = array<i32>} : memref<128x128xf32, #tpu.memory_space<vmem>>, vector<16xf32>,
        %get3A_487 = arith.index_cast %add3A_478 : i32 to index
        %get3A_488 = arith.constant 16 : index
        %get3A_489 = tpu.vector_load %arg8[%get3A_487, %get3A_488] {strides = array<i32>} : memref<128x128xf32, #tpu.memory_space<vmem>>, vector<16xf32>,
        %mul3A_490 = vector.broadcast %squeeze3A_474 : f32 to vector<16xf32>
        %mul3A_491 = arith.mulf %get3A_489, %mul3A_490 : vector<16xf32>
        %swap3A_492 = arith.index_cast %add3A_478 : i32 to index
        %swap3A_493 = arith.constant 16 : index
        %swap3A_494 = tpu.vector_load %arg8[%swap3A_492, %swap3A_493] {strides = array<i32>} : memref<128x128xf32, #tpu.memory_space<vmem>>, vector<16xf32>,
        tpu.vector_store %arg8[%swap3A_492, %swap3A_493], %mul3A_491 {strides = array<i32>} : memref<128x128xf32, #tpu.memory_space<vmem>>, vector<16xf32>,
        %get3A_495 = arith.index_cast %add3A_478 : i32 to index
        %get3A_496 = arith.constant 32 : index
        %get3A_497 = tpu.vector_load %arg8[%get3A_495, %get3A_496] {strides = array<i32>} : memref<128x128xf32, #tpu.memory_space<vmem>>, vector<16xf32>,
        %mul3A_498 = vector.broadcast %squeeze3A_474 : f32 to vector<16xf32>
        %mul3A_499 = arith.mulf %get3A_497, %mul3A_498 : vector<16xf32>
        %swap3A_500 = arith.index_cast %add3A_478 : i32 to index
        %swap3A_501 = arith.constant 32 : index
        %swap3A_502 = tpu.vector_load %arg8[%swap3A_500, %swap3A_501] {strides = array<i32>} : memref<128x128xf32, #tpu.memory_space<vmem>>, vector<16xf32>,
        tpu.vector_store %arg8[%swap3A_500, %swap3A_501], %mul3A_499 {strides = array<i32>} : memref<128x128xf32, #tpu.memory_space<vmem>>, vector<16xf32>,
        %get3A_503 = arith.index_cast %add3A_478 : i32 to index
        %get3A_504 = arith.constant 48 : index
        %get3A_505 = tpu.vector_load %arg8[%get3A_503, %get3A_504] {strides = array<i32>} : memref<128x128xf32, #tpu.memory_space<vmem>>, vector<16xf32>,
        %mul3A_506 = vector.broadcast %squeeze3A_474 : f32 to vector<16xf32>
        %mul3A_507 = arith.mulf %get3A_505, %mul3A_506 : vector<16xf32>
        %swap3A_508 = arith.index_cast %add3A_478 : i32 to index
        %swap3A_509 = arith.constant 48 : index
        %swap3A_510 = tpu.vector_load %arg8[%swap3A_508, %swap3A_509] {strides = array<i32>} : memref<128x128xf32, #tpu.memory_space<vmem>>, vector<16xf32>,
        tpu.vector_store %arg8[%swap3A_508, %swap3A_509], %mul3A_507 {strides = array<i32>} : memref<128x128xf32, #tpu.memory_space<vmem>>, vector<16xf32>,
        %get3A_511 = arith.index_cast %add3A_478 : i32 to index
        %get3A_512 = arith.constant 64 : index
        %get3A_513 = tpu.vector_load %arg8[%get3A_511, %get3A_512] {strides = array<i32>} : memref<128x128xf32, #tpu.memory_space<vmem>>, vector<16xf32>,
        %mul3A_514 = vector.broadcast %squeeze3A_474 : f32 to vector<16xf32>
        %mul3A_515 = arith.mulf %get3A_513, %mul3A_514 : vector<16xf32>
        %swap3A_516 = arith.index_cast %add3A_478 : i32 to index
        %swap3A_517 = arith.constant 64 : index
        %swap3A_518 = tpu.vector_load %arg8[%swap3A_516, %swap3A_517] {strides = array<i32>} : memref<128x128xf32, #tpu.memory_space<vmem>>, vector<16xf32>,
        tpu.vector_store %arg8[%swap3A_516, %swap3A_517], %mul3A_515 {strides = array<i32>} : memref<128x128xf32, #tpu.memory_space<vmem>>, vector<16xf32>,
        %get3A_519 = arith.index_cast %add3A_478 : i32 to index
        %get3A_520 = arith.constant 80 : index
        %get3A_521 = tpu.vector_load %arg8[%get3A_519, %get3A_520] {strides = array<i32>} : memref<128x128xf32, #tpu.memory_space<vmem>>, vector<16xf32>,
        %mul3A_522 = vector.broadcast %squeeze3A_474 : f32 to vector<16xf32>
        %mul3A_523 = arith.mulf %get3A_521, %mul3A_522 : vector<16xf32>
        %swap3A_524 = arith.index_cast %add3A_478 : i32 to index
        %swap3A_525 = arith.constant 80 : index
        %swap3A_526 = tpu.vector_load %arg8[%swap3A_524, %swap3A_525] {strides = array<i32>} : memref<128x128xf32, #tpu.memory_space<vmem>>, vector<16xf32>,
        tpu.vector_store %arg8[%swap3A_524, %swap3A_525], %mul3A_523 {strides = array<i32>} : memref<128x128xf32, #tpu.memory_space<vmem>>, vector<16xf32>,
        %get3A_527 = arith.index_cast %add3A_478 : i32 to index
        %get3A_528 = arith.constant 96 : index
        %get3A_529 = tpu.vector_load %arg8[%get3A_527, %get3A_528] {strides = array<i32>} : memref<128x128xf32, #tpu.memory_space<vmem>>, vector<16xf32>,
        %mul3A_530 = vector.broadcast %squeeze3A_474 : f32 to vector<16xf32>
        %mul3A_531 = arith.mulf %get3A_529, %mul3A_530 : vector<16xf32>
        %swap3A_532 = arith.index_cast %add3A_478 : i32 to index
        %swap3A_533 = arith.constant 96 : index
        %swap3A_534 = tpu.vector_load %arg8[%swap3A_532, %swap3A_533] {strides = array<i32>} : memref<128x128xf32, #tpu.memory_space<vmem>>, vector<16xf32>,
        tpu.vector_store %arg8[%swap3A_532, %swap3A_533], %mul3A_531 {strides = array<i32>} : memref<128x128xf32, #tpu.memory_space<vmem>>, vector<16xf32>,
        %get3A_535 = arith.index_cast %add3A_478 : i32 to index
        %get3A_536 = arith.constant 112 : index
        %get3A_537 = tpu.vector_load %arg8[%get3A_535, %get3A_536] {strides = array<i32>} : memref<128x128xf32, #tpu.memory_space<vmem>>, vector<16xf32>,
        %mul3A_538 = vector.broadcast %squeeze3A_474 : f32 to vector<16xf32>
        %mul3A_539 = arith.mulf %get3A_537, %mul3A_538 : vector<16xf32>
        %swap3A_540 = arith.index_cast %add3A_478 : i32 to index
        %swap3A_541 = arith.constant 112 : index
        %swap3A_542 = tpu.vector_load %arg8[%swap3A_540, %swap3A_541] {strides = array<i32>} : memref<128x128xf32, #tpu.memory_space<vmem>>, vector<16xf32>,
        tpu.vector_store %arg8[%swap3A_540, %swap3A_541], %mul3A_539 {strides = array<i32>} : memref<128x128xf32, #tpu.memory_space<vmem>>, vector<16xf32>,
        %slice3A_543 = vector.extract_strided_slice %get3A_55 {offsets = [7], sizes = [1], strides = [1]} : vector<16xf32> to vector<1xf32>
        %squeeze3A_544 = vector.extract %slice3A_543[0] : f32 from vector<1xf32>
        %mul3A_545 = arith.constant 16 : i32
        %mul3A_546 = arith.muli %scan3A_52, %mul3A_545 : i32
        %add3A_547 = arith.constant 7 : i32
        %add3A_548 = arith.addi %mul3A_546, %add3A_547 : i32
        %get3A_549 = arith.index_cast %add3A_548 : i32 to index
        %get3A_550 = arith.constant 0 : index
        %get3A_551 = tpu.vector_load %arg8[%get3A_549, %get3A_550] {strides = array<i32>} : memref<128x128xf32, #tpu.memory_space<vmem>>, vector<16xf32>,
        %mul3A_552 = vector.broadcast %squeeze3A_544 : f32 to vector<16xf32>
        %mul3A_553 = arith.mulf %get3A_551, %mul3A_552 : vector<16xf32>
        %swap3A_554 = arith.index_cast %add3A_548 : i32 to index
        %swap3A_555 = arith.constant 0 : index
        %swap3A_556 = tpu.vector_load %arg8[%swap3A_554, %swap3A_555] {strides = array<i32>} : memref<128x128xf32, #tpu.memory_space<vmem>>, vector<16xf32>,
        tpu.vector_store %arg8[%swap3A_554, %swap3A_555], %mul3A_553 {strides = array<i32>} : memref<128x128xf32, #tpu.memory_space<vmem>>, vector<16xf32>,
        %get3A_557 = arith.index_cast %add3A_548 : i32 to index
        %get3A_558 = arith.constant 16 : index
        %get3A_559 = tpu.vector_load %arg8[%get3A_557, %get3A_558] {strides = array<i32>} : memref<128x128xf32, #tpu.memory_space<vmem>>, vector<16xf32>,
        %mul3A_560 = vector.broadcast %squeeze3A_544 : f32 to vector<16xf32>
        %mul3A_561 = arith.mulf %get3A_559, %mul3A_560 : vector<16xf32>
        %swap3A_562 = arith.index_cast %add3A_548 : i32 to index
        %swap3A_563 = arith.constant 16 : index
        %swap3A_564 = tpu.vector_load %arg8[%swap3A_562, %swap3A_563] {strides = array<i32>} : memref<128x128xf32, #tpu.memory_space<vmem>>, vector<16xf32>,
        tpu.vector_store %arg8[%swap3A_562, %swap3A_563], %mul3A_561 {strides = array<i32>} : memref<128x128xf32, #tpu.memory_space<vmem>>, vector<16xf32>,
        %get3A_565 = arith.index_cast %add3A_548 : i32 to index
        %get3A_566 = arith.constant 32 : index
        %get3A_567 = tpu.vector_load %arg8[%get3A_565, %get3A_566] {strides = array<i32>} : memref<128x128xf32, #tpu.memory_space<vmem>>, vector<16xf32>,
        %mul3A_568 = vector.broadcast %squeeze3A_544 : f32 to vector<16xf32>
        %mul3A_569 = arith.mulf %get3A_567, %mul3A_568 : vector<16xf32>
        %swap3A_570 = arith.index_cast %add3A_548 : i32 to index
        %swap3A_571 = arith.constant 32 : index
        %swap3A_572 = tpu.vector_load %arg8[%swap3A_570, %swap3A_571] {strides = array<i32>} : memref<128x128xf32, #tpu.memory_space<vmem>>, vector<16xf32>,
        tpu.vector_store %arg8[%swap3A_570, %swap3A_571], %mul3A_569 {strides = array<i32>} : memref<128x128xf32, #tpu.memory_space<vmem>>, vector<16xf32>,
        %get3A_573 = arith.index_cast %add3A_548 : i32 to index
        %get3A_574 = arith.constant 48 : index
        %get3A_575 = tpu.vector_load %arg8[%get3A_573, %get3A_574] {strides = array<i32>} : memref<128x128xf32, #tpu.memory_space<vmem>>, vector<16xf32>,
        %mul3A_576 = vector.broadcast %squeeze3A_544 : f32 to vector<16xf32>
        %mul3A_577 = arith.mulf %get3A_575, %mul3A_576 : vector<16xf32>
        %swap3A_578 = arith.index_cast %add3A_548 : i32 to index
        %swap3A_579 = arith.constant 48 : index
        %swap3A_580 = tpu.vector_load %arg8[%swap3A_578, %swap3A_579] {strides = array<i32>} : memref<128x128xf32, #tpu.memory_space<vmem>>, vector<16xf32>,
        tpu.vector_store %arg8[%swap3A_578, %swap3A_579], %mul3A_577 {strides = array<i32>} : memref<128x128xf32, #tpu.memory_space<vmem>>, vector<16xf32>,
        %get3A_581 = arith.index_cast %add3A_548 : i32 to index
        %get3A_582 = arith.constant 64 : index
        %get3A_583 = tpu.vector_load %arg8[%get3A_581, %get3A_582] {strides = array<i32>} : memref<128x128xf32, #tpu.memory_space<vmem>>, vector<16xf32>,
        %mul3A_584 = vector.broadcast %squeeze3A_544 : f32 to vector<16xf32>
        %mul3A_585 = arith.mulf %get3A_583, %mul3A_584 : vector<16xf32>
        %swap3A_586 = arith.index_cast %add3A_548 : i32 to index
        %swap3A_587 = arith.constant 64 : index
        %swap3A_588 = tpu.vector_load %arg8[%swap3A_586, %swap3A_587] {strides = array<i32>} : memref<128x128xf32, #tpu.memory_space<vmem>>, vector<16xf32>,
        tpu.vector_store %arg8[%swap3A_586, %swap3A_587], %mul3A_585 {strides = array<i32>} : memref<128x128xf32, #tpu.memory_space<vmem>>, vector<16xf32>,
        %get3A_589 = arith.index_cast %add3A_548 : i32 to index
        %get3A_590 = arith.constant 80 : index
        %get3A_591 = tpu.vector_load %arg8[%get3A_589, %get3A_590] {strides = array<i32>} : memref<128x128xf32, #tpu.memory_space<vmem>>, vector<16xf32>,
        %mul3A_592 = vector.broadcast %squeeze3A_544 : f32 to vector<16xf32>
        %mul3A_593 = arith.mulf %get3A_591, %mul3A_592 : vector<16xf32>
        %swap3A_594 = arith.index_cast %add3A_548 : i32 to index
        %swap3A_595 = arith.constant 80 : index
        %swap3A_596 = tpu.vector_load %arg8[%swap3A_594, %swap3A_595] {strides = array<i32>} : memref<128x128xf32, #tpu.memory_space<vmem>>, vector<16xf32>,
        tpu.vector_store %arg8[%swap3A_594, %swap3A_595], %mul3A_593 {strides = array<i32>} : memref<128x128xf32, #tpu.memory_space<vmem>>, vector<16xf32>,
        %get3A_597 = arith.index_cast %add3A_548 : i32 to index
        %get3A_598 = arith.constant 96 : index
        %get3A_599 = tpu.vector_load %arg8[%get3A_597, %get3A_598] {strides = array<i32>} : memref<128x128xf32, #tpu.memory_space<vmem>>, vector<16xf32>,
        %mul3A_600 = vector.broadcast %squeeze3A_544 : f32 to vector<16xf32>
        %mul3A_601 = arith.mulf %get3A_599, %mul3A_600 : vector<16xf32>
        %swap3A_602 = arith.index_cast %add3A_548 : i32 to index
        %swap3A_603 = arith.constant 96 : index
        %swap3A_604 = tpu.vector_load %arg8[%swap3A_602, %swap3A_603] {strides = array<i32>} : memref<128x128xf32, #tpu.memory_space<vmem>>, vector<16xf32>,
        tpu.vector_store %arg8[%swap3A_602, %swap3A_603], %mul3A_601 {strides = array<i32>} : memref<128x128xf32, #tpu.memory_space<vmem>>, vector<16xf32>,
        %get3A_605 = arith.index_cast %add3A_548 : i32 to index
        %get3A_606 = arith.constant 112 : index
        %get3A_607 = tpu.vector_load %arg8[%get3A_605, %get3A_606] {strides = array<i32>} : memref<128x128xf32, #tpu.memory_space<vmem>>, vector<16xf32>,
        %mul3A_608 = vector.broadcast %squeeze3A_544 : f32 to vector<16xf32>
        %mul3A_609 = arith.mulf %get3A_607, %mul3A_608 : vector<16xf32>
        %swap3A_610 = arith.index_cast %add3A_548 : i32 to index
        %swap3A_611 = arith.constant 112 : index
        %swap3A_612 = tpu.vector_load %arg8[%swap3A_610, %swap3A_611] {strides = array<i32>} : memref<128x128xf32, #tpu.memory_space<vmem>>, vector<16xf32>,
        tpu.vector_store %arg8[%swap3A_610, %swap3A_611], %mul3A_609 {strides = array<i32>} : memref<128x128xf32, #tpu.memory_space<vmem>>, vector<16xf32>,
        %slice3A_613 = vector.extract_strided_slice %get3A_55 {offsets = [8], sizes = [1], strides = [1]} : vector<16xf32> to vector<1xf32>
        %squeeze3A_614 = vector.extract %slice3A_613[0] : f32 from vector<1xf32>
        %mul3A_615 = arith.constant 16 : i32
        %mul3A_616 = arith.muli %scan3A_52, %mul3A_615 : i32
        %add3A_617 = arith.constant 8 : i32
        %add3A_618 = arith.addi %mul3A_616, %add3A_617 : i32
        %get3A_619 = arith.index_cast %add3A_618 : i32 to index
        %get3A_620 = arith.constant 0 : index
        %get3A_621 = tpu.vector_load %arg8[%get3A_619, %get3A_620] {strides = array<i32>} : memref<128x128xf32, #tpu.memory_space<vmem>>, vector<16xf32>,
        %mul3A_622 = vector.broadcast %squeeze3A_614 : f32 to vector<16xf32>
        %mul3A_623 = arith.mulf %get3A_621, %mul3A_622 : vector<16xf32>
        %swap3A_624 = arith.index_cast %add3A_618 : i32 to index
        %swap3A_625 = arith.constant 0 : index
        %swap3A_626 = tpu.vector_load %arg8[%swap3A_624, %swap3A_625] {strides = array<i32>} : memref<128x128xf32, #tpu.memory_space<vmem>>, vector<16xf32>,
        tpu.vector_store %arg8[%swap3A_624, %swap3A_625], %mul3A_623 {strides = array<i32>} : memref<128x128xf32, #tpu.memory_space<vmem>>, vector<16xf32>,
        %get3A_627 = arith.index_cast %add3A_618 : i32 to index
        %get3A_628 = arith.constant 16 : index
        %get3A_629 = tpu.vector_load %arg8[%get3A_627, %get3A_628] {strides = array<i32>} : memref<128x128xf32, #tpu.memory_space<vmem>>, vector<16xf32>,
        %mul3A_630 = vector.broadcast %squeeze3A_614 : f32 to vector<16xf32>
        %mul3A_631 = arith.mulf %get3A_629, %mul3A_630 : vector<16xf32>
        %swap3A_632 = arith.index_cast %add3A_618 : i32 to index
        %swap3A_633 = arith.constant 16 : index
        %swap3A_634 = tpu.vector_load %arg8[%swap3A_632, %swap3A_633] {strides = array<i32>} : memref<128x128xf32, #tpu.memory_space<vmem>>, vector<16xf32>,
        tpu.vector_store %arg8[%swap3A_632, %swap3A_633], %mul3A_631 {strides = array<i32>} : memref<128x128xf32, #tpu.memory_space<vmem>>, vector<16xf32>,
        %get3A_635 = arith.index_cast %add3A_618 : i32 to index
        %get3A_636 = arith.constant 32 : index
        %get3A_637 = tpu.vector_load %arg8[%get3A_635, %get3A_636] {strides = array<i32>} : memref<128x128xf32, #tpu.memory_space<vmem>>, vector<16xf32>,
        %mul3A_638 = vector.broadcast %squeeze3A_614 : f32 to vector<16xf32>
        %mul3A_639 = arith.mulf %get3A_637, %mul3A_638 : vector<16xf32>
        %swap3A_640 = arith.index_cast %add3A_618 : i32 to index
        %swap3A_641 = arith.constant 32 : index
        %swap3A_642 = tpu.vector_load %arg8[%swap3A_640, %swap3A_641] {strides = array<i32>} : memref<128x128xf32, #tpu.memory_space<vmem>>, vector<16xf32>,
        tpu.vector_store %arg8[%swap3A_640, %swap3A_641], %mul3A_639 {strides = array<i32>} : memref<128x128xf32, #tpu.memory_space<vmem>>, vector<16xf32>,
        %get3A_643 = arith.index_cast %add3A_618 : i32 to index
        %get3A_644 = arith.constant 48 : index
        %get3A_645 = tpu.vector_load %arg8[%get3A_643, %get3A_644] {strides = array<i32>} : memref<128x128xf32, #tpu.memory_space<vmem>>, vector<16xf32>,
        %mul3A_646 = vector.broadcast %squeeze3A_614 : f32 to vector<16xf32>
        %mul3A_647 = arith.mulf %get3A_645, %mul3A_646 : vector<16xf32>
        %swap3A_648 = arith.index_cast %add3A_618 : i32 to index
        %swap3A_649 = arith.constant 48 : index
        %swap3A_650 = tpu.vector_load %arg8[%swap3A_648, %swap3A_649] {strides = array<i32>} : memref<128x128xf32, #tpu.memory_space<vmem>>, vector<16xf32>,
        tpu.vector_store %arg8[%swap3A_648, %swap3A_649], %mul3A_647 {strides = array<i32>} : memref<128x128xf32, #tpu.memory_space<vmem>>, vector<16xf32>,
        %get3A_651 = arith.index_cast %add3A_618 : i32 to index
        %get3A_652 = arith.constant 64 : index
        %get3A_653 = tpu.vector_load %arg8[%get3A_651, %get3A_652] {strides = array<i32>} : memref<128x128xf32, #tpu.memory_space<vmem>>, vector<16xf32>,
        %mul3A_654 = vector.broadcast %squeeze3A_614 : f32 to vector<16xf32>
        %mul3A_655 = arith.mulf %get3A_653, %mul3A_654 : vector<16xf32>
        %swap3A_656 = arith.index_cast %add3A_618 : i32 to index
        %swap3A_657 = arith.constant 64 : index
        %swap3A_658 = tpu.vector_load %arg8[%swap3A_656, %swap3A_657] {strides = array<i32>} : memref<128x128xf32, #tpu.memory_space<vmem>>, vector<16xf32>,
        tpu.vector_store %arg8[%swap3A_656, %swap3A_657], %mul3A_655 {strides = array<i32>} : memref<128x128xf32, #tpu.memory_space<vmem>>, vector<16xf32>,
        %get3A_659 = arith.index_cast %add3A_618 : i32 to index
        %get3A_660 = arith.constant 80 : index
        %get3A_661 = tpu.vector_load %arg8[%get3A_659, %get3A_660] {strides = array<i32>} : memref<128x128xf32, #tpu.memory_space<vmem>>, vector<16xf32>,
        %mul3A_662 = vector.broadcast %squeeze3A_614 : f32 to vector<16xf32>
        %mul3A_663 = arith.mulf %get3A_661, %mul3A_662 : vector<16xf32>
        %swap3A_664 = arith.index_cast %add3A_618 : i32 to index
        %swap3A_665 = arith.constant 80 : index
        %swap3A_666 = tpu.vector_load %arg8[%swap3A_664, %swap3A_665] {strides = array<i32>} : memref<128x128xf32, #tpu.memory_space<vmem>>, vector<16xf32>,
        tpu.vector_store %arg8[%swap3A_664, %swap3A_665], %mul3A_663 {strides = array<i32>} : memref<128x128xf32, #tpu.memory_space<vmem>>, vector<16xf32>,
        %get3A_667 = arith.index_cast %add3A_618 : i32 to index
        %get3A_668 = arith.constant 96 : index
        %get3A_669 = tpu.vector_load %arg8[%get3A_667, %get3A_668] {strides = array<i32>} : memref<128x128xf32, #tpu.memory_space<vmem>>, vector<16xf32>,
        %mul3A_670 = vector.broadcast %squeeze3A_614 : f32 to vector<16xf32>
        %mul3A_671 = arith.mulf %get3A_669, %mul3A_670 : vector<16xf32>
        %swap3A_672 = arith.index_cast %add3A_618 : i32 to index
        %swap3A_673 = arith.constant 96 : index
        %swap3A_674 = tpu.vector_load %arg8[%swap3A_672, %swap3A_673] {strides = array<i32>} : memref<128x128xf32, #tpu.memory_space<vmem>>, vector<16xf32>,
        tpu.vector_store %arg8[%swap3A_672, %swap3A_673], %mul3A_671 {strides = array<i32>} : memref<128x128xf32, #tpu.memory_space<vmem>>, vector<16xf32>,
        %get3A_675 = arith.index_cast %add3A_618 : i32 to index
        %get3A_676 = arith.constant 112 : index
        %get3A_677 = tpu.vector_load %arg8[%get3A_675, %get3A_676] {strides = array<i32>} : memref<128x128xf32, #tpu.memory_space<vmem>>, vector<16xf32>,
        %mul3A_678 = vector.broadcast %squeeze3A_614 : f32 to vector<16xf32>
        %mul3A_679 = arith.mulf %get3A_677, %mul3A_678 : vector<16xf32>
        %swap3A_680 = arith.index_cast %add3A_618 : i32 to index
        %swap3A_681 = arith.constant 112 : index
        %swap3A_682 = tpu.vector_load %arg8[%swap3A_680, %swap3A_681] {strides = array<i32>} : memref<128x128xf32, #tpu.memory_space<vmem>>, vector<16xf32>,
        tpu.vector_store %arg8[%swap3A_680, %swap3A_681], %mul3A_679 {strides = array<i32>} : memref<128x128xf32, #tpu.memory_space<vmem>>, vector<16xf32>,
        %slice3A_683 = vector.extract_strided_slice %get3A_55 {offsets = [9], sizes = [1], strides = [1]} : vector<16xf32> to vector<1xf32>
        %squeeze3A_684 = vector.extract %slice3A_683[0] : f32 from vector<1xf32>
        %mul3A_685 = arith.constant 16 : i32
        %mul3A_686 = arith.muli %scan3A_52, %mul3A_685 : i32
        %add3A_687 = arith.constant 9 : i32
        %add3A_688 = arith.addi %mul3A_686, %add3A_687 : i32
        %get3A_689 = arith.index_cast %add3A_688 : i32 to index
        %get3A_690 = arith.constant 0 : index
        %get3A_691 = tpu.vector_load %arg8[%get3A_689, %get3A_690] {strides = array<i32>} : memref<128x128xf32, #tpu.memory_space<vmem>>, vector<16xf32>,
        %mul3A_692 = vector.broadcast %squeeze3A_684 : f32 to vector<16xf32>
        %mul3A_693 = arith.mulf %get3A_691, %mul3A_692 : vector<16xf32>
        %swap3A_694 = arith.index_cast %add3A_688 : i32 to index
        %swap3A_695 = arith.constant 0 : index
        %swap3A_696 = tpu.vector_load %arg8[%swap3A_694, %swap3A_695] {strides = array<i32>} : memref<128x128xf32, #tpu.memory_space<vmem>>, vector<16xf32>,
        tpu.vector_store %arg8[%swap3A_694, %swap3A_695], %mul3A_693 {strides = array<i32>} : memref<128x128xf32, #tpu.memory_space<vmem>>, vector<16xf32>,
        %get3A_697 = arith.index_cast %add3A_688 : i32 to index
        %get3A_698 = arith.constant 16 : index
        %get3A_699 = tpu.vector_load %arg8[%get3A_697, %get3A_698] {strides = array<i32>} : memref<128x128xf32, #tpu.memory_space<vmem>>, vector<16xf32>,
        %mul3A_700 = vector.broadcast %squeeze3A_684 : f32 to vector<16xf32>
        %mul3A_701 = arith.mulf %get3A_699, %mul3A_700 : vector<16xf32>
        %swap3A_702 = arith.index_cast %add3A_688 : i32 to index
        %swap3A_703 = arith.constant 16 : index
        %swap3A_704 = tpu.vector_load %arg8[%swap3A_702, %swap3A_703] {strides = array<i32>} : memref<128x128xf32, #tpu.memory_space<vmem>>, vector<16xf32>,
        tpu.vector_store %arg8[%swap3A_702, %swap3A_703], %mul3A_701 {strides = array<i32>} : memref<128x128xf32, #tpu.memory_space<vmem>>, vector<16xf32>,
        %get3A_705 = arith.index_cast %add3A_688 : i32 to index
        %get3A_706 = arith.constant 32 : index
        %get3A_707 = tpu.vector_load %arg8[%get3A_705, %get3A_706] {strides = array<i32>} : memref<128x128xf32, #tpu.memory_space<vmem>>, vector<16xf32>,
        %mul3A_708 = vector.broadcast %squeeze3A_684 : f32 to vector<16xf32>
        %mul3A_709 = arith.mulf %get3A_707, %mul3A_708 : vector<16xf32>
        %swap3A_710 = arith.index_cast %add3A_688 : i32 to index
        %swap3A_711 = arith.constant 32 : index
        %swap3A_712 = tpu.vector_load %arg8[%swap3A_710, %swap3A_711] {strides = array<i32>} : memref<128x128xf32, #tpu.memory_space<vmem>>, vector<16xf32>,
        tpu.vector_store %arg8[%swap3A_710, %swap3A_711], %mul3A_709 {strides = array<i32>} : memref<128x128xf32, #tpu.memory_space<vmem>>, vector<16xf32>,
        %get3A_713 = arith.index_cast %add3A_688 : i32 to index
        %get3A_714 = arith.constant 48 : index
        %get3A_715 = tpu.vector_load %arg8[%get3A_713, %get3A_714] {strides = array<i32>} : memref<128x128xf32, #tpu.memory_space<vmem>>, vector<16xf32>,
        %mul3A_716 = vector.broadcast %squeeze3A_684 : f32 to vector<16xf32>
        %mul3A_717 = arith.mulf %get3A_715, %mul3A_716 : vector<16xf32>
        %swap3A_718 = arith.index_cast %add3A_688 : i32 to index
        %swap3A_719 = arith.constant 48 : index
        %swap3A_720 = tpu.vector_load %arg8[%swap3A_718, %swap3A_719] {strides = array<i32>} : memref<128x128xf32, #tpu.memory_space<vmem>>, vector<16xf32>,
        tpu.vector_store %arg8[%swap3A_718, %swap3A_719], %mul3A_717 {strides = array<i32>} : memref<128x128xf32, #tpu.memory_space<vmem>>, vector<16xf32>,
        %get3A_721 = arith.index_cast %add3A_688 : i32 to index
        %get3A_722 = arith.constant 64 : index
        %get3A_723 = tpu.vector_load %arg8[%get3A_721, %get3A_722] {strides = array<i32>} : memref<128x128xf32, #tpu.memory_space<vmem>>, vector<16xf32>,
        %mul3A_724 = vector.broadcast %squeeze3A_684 : f32 to vector<16xf32>
        %mul3A_725 = arith.mulf %get3A_723, %mul3A_724 : vector<16xf32>
        %swap3A_726 = arith.index_cast %add3A_688 : i32 to index
        %swap3A_727 = arith.constant 64 : index
        %swap3A_728 = tpu.vector_load %arg8[%swap3A_726, %swap3A_727] {strides = array<i32>} : memref<128x128xf32, #tpu.memory_space<vmem>>, vector<16xf32>,
        tpu.vector_store %arg8[%swap3A_726, %swap3A_727], %mul3A_725 {strides = array<i32>} : memref<128x128xf32, #tpu.memory_space<vmem>>, vector<16xf32>,
        %get3A_729 = arith.index_cast %add3A_688 : i32 to index
        %get3A_730 = arith.constant 80 : index
        %get3A_731 = tpu.vector_load %arg8[%get3A_729, %get3A_730] {strides = array<i32>} : memref<128x128xf32, #tpu.memory_space<vmem>>, vector<16xf32>,
        %mul3A_732 = vector.broadcast %squeeze3A_684 : f32 to vector<16xf32>
        %mul3A_733 = arith.mulf %get3A_731, %mul3A_732 : vector<16xf32>
        %swap3A_734 = arith.index_cast %add3A_688 : i32 to index
        %swap3A_735 = arith.constant 80 : index
        %swap3A_736 = tpu.vector_load %arg8[%swap3A_734, %swap3A_735] {strides = array<i32>} : memref<128x128xf32, #tpu.memory_space<vmem>>, vector<16xf32>,
        tpu.vector_store %arg8[%swap3A_734, %swap3A_735], %mul3A_733 {strides = array<i32>} : memref<128x128xf32, #tpu.memory_space<vmem>>, vector<16xf32>,
        %get3A_737 = arith.index_cast %add3A_688 : i32 to index
        %get3A_738 = arith.constant 96 : index
        %get3A_739 = tpu.vector_load %arg8[%get3A_737, %get3A_738] {strides = array<i32>} : memref<128x128xf32, #tpu.memory_space<vmem>>, vector<16xf32>,
        %mul3A_740 = vector.broadcast %squeeze3A_684 : f32 to vector<16xf32>
        %mul3A_741 = arith.mulf %get3A_739, %mul3A_740 : vector<16xf32>
        %swap3A_742 = arith.index_cast %add3A_688 : i32 to index
        %swap3A_743 = arith.constant 96 : index
        %swap3A_744 = tpu.vector_load %arg8[%swap3A_742, %swap3A_743] {strides = array<i32>} : memref<128x128xf32, #tpu.memory_space<vmem>>, vector<16xf32>,
        tpu.vector_store %arg8[%swap3A_742, %swap3A_743], %mul3A_741 {strides = array<i32>} : memref<128x128xf32, #tpu.memory_space<vmem>>, vector<16xf32>,
        %get3A_745 = arith.index_cast %add3A_688 : i32 to index
        %get3A_746 = arith.constant 112 : index
        %get3A_747 = tpu.vector_load %arg8[%get3A_745, %get3A_746] {strides = array<i32>} : memref<128x128xf32, #tpu.memory_space<vmem>>, vector<16xf32>,
        %mul3A_748 = vector.broadcast %squeeze3A_684 : f32 to vector<16xf32>
        %mul3A_749 = arith.mulf %get3A_747, %mul3A_748 : vector<16xf32>
        %swap3A_750 = arith.index_cast %add3A_688 : i32 to index
        %swap3A_751 = arith.constant 112 : index
        %swap3A_752 = tpu.vector_load %arg8[%swap3A_750, %swap3A_751] {strides = array<i32>} : memref<128x128xf32, #tpu.memory_space<vmem>>, vector<16xf32>,
        tpu.vector_store %arg8[%swap3A_750, %swap3A_751], %mul3A_749 {strides = array<i32>} : memref<128x128xf32, #tpu.memory_space<vmem>>, vector<16xf32>,
        %slice3A_753 = vector.extract_strided_slice %get3A_55 {offsets = [10], sizes = [1], strides = [1]} : vector<16xf32> to vector<1xf32>
        %squeeze3A_754 = vector.extract %slice3A_753[0] : f32 from vector<1xf32>
        %mul3A_755 = arith.constant 16 : i32
        %mul3A_756 = arith.muli %scan3A_52, %mul3A_755 : i32
        %add3A_757 = arith.constant 10 : i32
        %add3A_758 = arith.addi %mul3A_756, %add3A_757 : i32
        %get3A_759 = arith.index_cast %add3A_758 : i32 to index
        %get3A_760 = arith.constant 0 : index
        %get3A_761 = tpu.vector_load %arg8[%get3A_759, %get3A_760] {strides = array<i32>} : memref<128x128xf32, #tpu.memory_space<vmem>>, vector<16xf32>,
        %mul3A_762 = vector.broadcast %squeeze3A_754 : f32 to vector<16xf32>
        %mul3A_763 = arith.mulf %get3A_761, %mul3A_762 : vector<16xf32>
        %swap3A_764 = arith.index_cast %add3A_758 : i32 to index
        %swap3A_765 = arith.constant 0 : index
        %swap3A_766 = tpu.vector_load %arg8[%swap3A_764, %swap3A_765] {strides = array<i32>} : memref<128x128xf32, #tpu.memory_space<vmem>>, vector<16xf32>,
        tpu.vector_store %arg8[%swap3A_764, %swap3A_765], %mul3A_763 {strides = array<i32>} : memref<128x128xf32, #tpu.memory_space<vmem>>, vector<16xf32>,
        %get3A_767 = arith.index_cast %add3A_758 : i32 to index
        %get3A_768 = arith.constant 16 : index
        %get3A_769 = tpu.vector_load %arg8[%get3A_767, %get3A_768] {strides = array<i32>} : memref<128x128xf32, #tpu.memory_space<vmem>>, vector<16xf32>,
        %mul3A_770 = vector.broadcast %squeeze3A_754 : f32 to vector<16xf32>
        %mul3A_771 = arith.mulf %get3A_769, %mul3A_770 : vector<16xf32>
        %swap3A_772 = arith.index_cast %add3A_758 : i32 to index
        %swap3A_773 = arith.constant 16 : index
        %swap3A_774 = tpu.vector_load %arg8[%swap3A_772, %swap3A_773] {strides = array<i32>} : memref<128x128xf32, #tpu.memory_space<vmem>>, vector<16xf32>,
        tpu.vector_store %arg8[%swap3A_772, %swap3A_773], %mul3A_771 {strides = array<i32>} : memref<128x128xf32, #tpu.memory_space<vmem>>, vector<16xf32>,
        %get3A_775 = arith.index_cast %add3A_758 : i32 to index
        %get3A_776 = arith.constant 32 : index
        %get3A_777 = tpu.vector_load %arg8[%get3A_775, %get3A_776] {strides = array<i32>} : memref<128x128xf32, #tpu.memory_space<vmem>>, vector<16xf32>,
        %mul3A_778 = vector.broadcast %squeeze3A_754 : f32 to vector<16xf32>
        %mul3A_779 = arith.mulf %get3A_777, %mul3A_778 : vector<16xf32>
        %swap3A_780 = arith.index_cast %add3A_758 : i32 to index
        %swap3A_781 = arith.constant 32 : index
        %swap3A_782 = tpu.vector_load %arg8[%swap3A_780, %swap3A_781] {strides = array<i32>} : memref<128x128xf32, #tpu.memory_space<vmem>>, vector<16xf32>,
        tpu.vector_store %arg8[%swap3A_780, %swap3A_781], %mul3A_779 {strides = array<i32>} : memref<128x128xf32, #tpu.memory_space<vmem>>, vector<16xf32>,
        %get3A_783 = arith.index_cast %add3A_758 : i32 to index
        %get3A_784 = arith.constant 48 : index
        %get3A_785 = tpu.vector_load %arg8[%get3A_783, %get3A_784] {strides = array<i32>} : memref<128x128xf32, #tpu.memory_space<vmem>>, vector<16xf32>,
        %mul3A_786 = vector.broadcast %squeeze3A_754 : f32 to vector<16xf32>
        %mul3A_787 = arith.mulf %get3A_785, %mul3A_786 : vector<16xf32>
        %swap3A_788 = arith.index_cast %add3A_758 : i32 to index
        %swap3A_789 = arith.constant 48 : index
        %swap3A_790 = tpu.vector_load %arg8[%swap3A_788, %swap3A_789] {strides = array<i32>} : memref<128x128xf32, #tpu.memory_space<vmem>>, vector<16xf32>,
        tpu.vector_store %arg8[%swap3A_788, %swap3A_789], %mul3A_787 {strides = array<i32>} : memref<128x128xf32, #tpu.memory_space<vmem>>, vector<16xf32>,
        %get3A_791 = arith.index_cast %add3A_758 : i32 to index
        %get3A_792 = arith.constant 64 : index
        %get3A_793 = tpu.vector_load %arg8[%get3A_791, %get3A_792] {strides = array<i32>} : memref<128x128xf32, #tpu.memory_space<vmem>>, vector<16xf32>,
        %mul3A_794 = vector.broadcast %squeeze3A_754 : f32 to vector<16xf32>
        %mul3A_795 = arith.mulf %get3A_793, %mul3A_794 : vector<16xf32>
        %swap3A_796 = arith.index_cast %add3A_758 : i32 to index
        %swap3A_797 = arith.constant 64 : index
        %swap3A_798 = tpu.vector_load %arg8[%swap3A_796, %swap3A_797] {strides = array<i32>} : memref<128x128xf32, #tpu.memory_space<vmem>>, vector<16xf32>,
        tpu.vector_store %arg8[%swap3A_796, %swap3A_797], %mul3A_795 {strides = array<i32>} : memref<128x128xf32, #tpu.memory_space<vmem>>, vector<16xf32>,
        %get3A_799 = arith.index_cast %add3A_758 : i32 to index
        %get3A_800 = arith.constant 80 : index
        %get3A_801 = tpu.vector_load %arg8[%get3A_799, %get3A_800] {strides = array<i32>} : memref<128x128xf32, #tpu.memory_space<vmem>>, vector<16xf32>,
        %mul3A_802 = vector.broadcast %squeeze3A_754 : f32 to vector<16xf32>
        %mul3A_803 = arith.mulf %get3A_801, %mul3A_802 : vector<16xf32>
        %swap3A_804 = arith.index_cast %add3A_758 : i32 to index
        %swap3A_805 = arith.constant 80 : index
        %swap3A_806 = tpu.vector_load %arg8[%swap3A_804, %swap3A_805] {strides = array<i32>} : memref<128x128xf32, #tpu.memory_space<vmem>>, vector<16xf32>,
        tpu.vector_store %arg8[%swap3A_804, %swap3A_805], %mul3A_803 {strides = array<i32>} : memref<128x128xf32, #tpu.memory_space<vmem>>, vector<16xf32>,
        %get3A_807 = arith.index_cast %add3A_758 : i32 to index
        %get3A_808 = arith.constant 96 : index
        %get3A_809 = tpu.vector_load %arg8[%get3A_807, %get3A_808] {strides = array<i32>} : memref<128x128xf32, #tpu.memory_space<vmem>>, vector<16xf32>,
        %mul3A_810 = vector.broadcast %squeeze3A_754 : f32 to vector<16xf32>
        %mul3A_811 = arith.mulf %get3A_809, %mul3A_810 : vector<16xf32>
        %swap3A_812 = arith.index_cast %add3A_758 : i32 to index
        %swap3A_813 = arith.constant 96 : index
        %swap3A_814 = tpu.vector_load %arg8[%swap3A_812, %swap3A_813] {strides = array<i32>} : memref<128x128xf32, #tpu.memory_space<vmem>>, vector<16xf32>,
        tpu.vector_store %arg8[%swap3A_812, %swap3A_813], %mul3A_811 {strides = array<i32>} : memref<128x128xf32, #tpu.memory_space<vmem>>, vector<16xf32>,
        %get3A_815 = arith.index_cast %add3A_758 : i32 to index
        %get3A_816 = arith.constant 112 : index
        %get3A_817 = tpu.vector_load %arg8[%get3A_815, %get3A_816] {strides = array<i32>} : memref<128x128xf32, #tpu.memory_space<vmem>>, vector<16xf32>,
        %mul3A_818 = vector.broadcast %squeeze3A_754 : f32 to vector<16xf32>
        %mul3A_819 = arith.mulf %get3A_817, %mul3A_818 : vector<16xf32>
        %swap3A_820 = arith.index_cast %add3A_758 : i32 to index
        %swap3A_821 = arith.constant 112 : index
        %swap3A_822 = tpu.vector_load %arg8[%swap3A_820, %swap3A_821] {strides = array<i32>} : memref<128x128xf32, #tpu.memory_space<vmem>>, vector<16xf32>,
        tpu.vector_store %arg8[%swap3A_820, %swap3A_821], %mul3A_819 {strides = array<i32>} : memref<128x128xf32, #tpu.memory_space<vmem>>, vector<16xf32>,
        %slice3A_823 = vector.extract_strided_slice %get3A_55 {offsets = [11], sizes = [1], strides = [1]} : vector<16xf32> to vector<1xf32>
        %squeeze3A_824 = vector.extract %slice3A_823[0] : f32 from vector<1xf32>
        %mul3A_825 = arith.constant 16 : i32
        %mul3A_826 = arith.muli %scan3A_52, %mul3A_825 : i32
        %add3A_827 = arith.constant 11 : i32
        %add3A_828 = arith.addi %mul3A_826, %add3A_827 : i32
        %get3A_829 = arith.index_cast %add3A_828 : i32 to index
        %get3A_830 = arith.constant 0 : index
        %get3A_831 = tpu.vector_load %arg8[%get3A_829, %get3A_830] {strides = array<i32>} : memref<128x128xf32, #tpu.memory_space<vmem>>, vector<16xf32>,
        %mul3A_832 = vector.broadcast %squeeze3A_824 : f32 to vector<16xf32>
        %mul3A_833 = arith.mulf %get3A_831, %mul3A_832 : vector<16xf32>
        %swap3A_834 = arith.index_cast %add3A_828 : i32 to index
        %swap3A_835 = arith.constant 0 : index
        %swap3A_836 = tpu.vector_load %arg8[%swap3A_834, %swap3A_835] {strides = array<i32>} : memref<128x128xf32, #tpu.memory_space<vmem>>, vector<16xf32>,
        tpu.vector_store %arg8[%swap3A_834, %swap3A_835], %mul3A_833 {strides = array<i32>} : memref<128x128xf32, #tpu.memory_space<vmem>>, vector<16xf32>,
        %get3A_837 = arith.index_cast %add3A_828 : i32 to index
        %get3A_838 = arith.constant 16 : index
        %get3A_839 = tpu.vector_load %arg8[%get3A_837, %get3A_838] {strides = array<i32>} : memref<128x128xf32, #tpu.memory_space<vmem>>, vector<16xf32>,
        %mul3A_840 = vector.broadcast %squeeze3A_824 : f32 to vector<16xf32>
        %mul3A_841 = arith.mulf %get3A_839, %mul3A_840 : vector<16xf32>
        %swap3A_842 = arith.index_cast %add3A_828 : i32 to index
        %swap3A_843 = arith.constant 16 : index
        %swap3A_844 = tpu.vector_load %arg8[%swap3A_842, %swap3A_843] {strides = array<i32>} : memref<128x128xf32, #tpu.memory_space<vmem>>, vector<16xf32>,
        tpu.vector_store %arg8[%swap3A_842, %swap3A_843], %mul3A_841 {strides = array<i32>} : memref<128x128xf32, #tpu.memory_space<vmem>>, vector<16xf32>,
        %get3A_845 = arith.index_cast %add3A_828 : i32 to index
        %get3A_846 = arith.constant 32 : index
        %get3A_847 = tpu.vector_load %arg8[%get3A_845, %get3A_846] {strides = array<i32>} : memref<128x128xf32, #tpu.memory_space<vmem>>, vector<16xf32>,
        %mul3A_848 = vector.broadcast %squeeze3A_824 : f32 to vector<16xf32>
        %mul3A_849 = arith.mulf %get3A_847, %mul3A_848 : vector<16xf32>
        %swap3A_850 = arith.index_cast %add3A_828 : i32 to index
        %swap3A_851 = arith.constant 32 : index
        %swap3A_852 = tpu.vector_load %arg8[%swap3A_850, %swap3A_851] {strides = array<i32>} : memref<128x128xf32, #tpu.memory_space<vmem>>, vector<16xf32>,
        tpu.vector_store %arg8[%swap3A_850, %swap3A_851], %mul3A_849 {strides = array<i32>} : memref<128x128xf32, #tpu.memory_space<vmem>>, vector<16xf32>,
        %get3A_853 = arith.index_cast %add3A_828 : i32 to index
        %get3A_854 = arith.constant 48 : index
        %get3A_855 = tpu.vector_load %arg8[%get3A_853, %get3A_854] {strides = array<i32>} : memref<128x128xf32, #tpu.memory_space<vmem>>, vector<16xf32>,
        %mul3A_856 = vector.broadcast %squeeze3A_824 : f32 to vector<16xf32>
        %mul3A_857 = arith.mulf %get3A_855, %mul3A_856 : vector<16xf32>
        %swap3A_858 = arith.index_cast %add3A_828 : i32 to index
        %swap3A_859 = arith.constant 48 : index
        %swap3A_860 = tpu.vector_load %arg8[%swap3A_858, %swap3A_859] {strides = array<i32>} : memref<128x128xf32, #tpu.memory_space<vmem>>, vector<16xf32>,
        tpu.vector_store %arg8[%swap3A_858, %swap3A_859], %mul3A_857 {strides = array<i32>} : memref<128x128xf32, #tpu.memory_space<vmem>>, vector<16xf32>,
        %get3A_861 = arith.index_cast %add3A_828 : i32 to index
        %get3A_862 = arith.constant 64 : index
        %get3A_863 = tpu.vector_load %arg8[%get3A_861, %get3A_862] {strides = array<i32>} : memref<128x128xf32, #tpu.memory_space<vmem>>, vector<16xf32>,
        %mul3A_864 = vector.broadcast %squeeze3A_824 : f32 to vector<16xf32>
        %mul3A_865 = arith.mulf %get3A_863, %mul3A_864 : vector<16xf32>
        %swap3A_866 = arith.index_cast %add3A_828 : i32 to index
        %swap3A_867 = arith.constant 64 : index
        %swap3A_868 = tpu.vector_load %arg8[%swap3A_866, %swap3A_867] {strides = array<i32>} : memref<128x128xf32, #tpu.memory_space<vmem>>, vector<16xf32>,
        tpu.vector_store %arg8[%swap3A_866, %swap3A_867], %mul3A_865 {strides = array<i32>} : memref<128x128xf32, #tpu.memory_space<vmem>>, vector<16xf32>,
        %get3A_869 = arith.index_cast %add3A_828 : i32 to index
        %get3A_870 = arith.constant 80 : index
        %get3A_871 = tpu.vector_load %arg8[%get3A_869, %get3A_870] {strides = array<i32>} : memref<128x128xf32, #tpu.memory_space<vmem>>, vector<16xf32>,
        %mul3A_872 = vector.broadcast %squeeze3A_824 : f32 to vector<16xf32>
        %mul3A_873 = arith.mulf %get3A_871, %mul3A_872 : vector<16xf32>
        %swap3A_874 = arith.index_cast %add3A_828 : i32 to index
        %swap3A_875 = arith.constant 80 : index
        %swap3A_876 = tpu.vector_load %arg8[%swap3A_874, %swap3A_875] {strides = array<i32>} : memref<128x128xf32, #tpu.memory_space<vmem>>, vector<16xf32>,
        tpu.vector_store %arg8[%swap3A_874, %swap3A_875], %mul3A_873 {strides = array<i32>} : memref<128x128xf32, #tpu.memory_space<vmem>>, vector<16xf32>,
        %get3A_877 = arith.index_cast %add3A_828 : i32 to index
        %get3A_878 = arith.constant 96 : index
        %get3A_879 = tpu.vector_load %arg8[%get3A_877, %get3A_878] {strides = array<i32>} : memref<128x128xf32, #tpu.memory_space<vmem>>, vector<16xf32>,
        %mul3A_880 = vector.broadcast %squeeze3A_824 : f32 to vector<16xf32>
        %mul3A_881 = arith.mulf %get3A_879, %mul3A_880 : vector<16xf32>
        %swap3A_882 = arith.index_cast %add3A_828 : i32 to index
        %swap3A_883 = arith.constant 96 : index
        %swap3A_884 = tpu.vector_load %arg8[%swap3A_882, %swap3A_883] {strides = array<i32>} : memref<128x128xf32, #tpu.memory_space<vmem>>, vector<16xf32>,
        tpu.vector_store %arg8[%swap3A_882, %swap3A_883], %mul3A_881 {strides = array<i32>} : memref<128x128xf32, #tpu.memory_space<vmem>>, vector<16xf32>,
        %get3A_885 = arith.index_cast %add3A_828 : i32 to index
        %get3A_886 = arith.constant 112 : index
        %get3A_887 = tpu.vector_load %arg8[%get3A_885, %get3A_886] {strides = array<i32>} : memref<128x128xf32, #tpu.memory_space<vmem>>, vector<16xf32>,
        %mul3A_888 = vector.broadcast %squeeze3A_824 : f32 to vector<16xf32>
        %mul3A_889 = arith.mulf %get3A_887, %mul3A_888 : vector<16xf32>
        %swap3A_890 = arith.index_cast %add3A_828 : i32 to index
        %swap3A_891 = arith.constant 112 : index
        %swap3A_892 = tpu.vector_load %arg8[%swap3A_890, %swap3A_891] {strides = array<i32>} : memref<128x128xf32, #tpu.memory_space<vmem>>, vector<16xf32>,
        tpu.vector_store %arg8[%swap3A_890, %swap3A_891], %mul3A_889 {strides = array<i32>} : memref<128x128xf32, #tpu.memory_space<vmem>>, vector<16xf32>,
        %slice3A_893 = vector.extract_strided_slice %get3A_55 {offsets = [12], sizes = [1], strides = [1]} : vector<16xf32> to vector<1xf32>
        %squeeze3A_894 = vector.extract %slice3A_893[0] : f32 from vector<1xf32>
        %mul3A_895 = arith.constant 16 : i32
        %mul3A_896 = arith.muli %scan3A_52, %mul3A_895 : i32
        %add3A_897 = arith.constant 12 : i32
        %add3A_898 = arith.addi %mul3A_896, %add3A_897 : i32
        %get3A_899 = arith.index_cast %add3A_898 : i32 to index
        %get3A_900 = arith.constant 0 : index
        %get3A_901 = tpu.vector_load %arg8[%get3A_899, %get3A_900] {strides = array<i32>} : memref<128x128xf32, #tpu.memory_space<vmem>>, vector<16xf32>,
        %mul3A_902 = vector.broadcast %squeeze3A_894 : f32 to vector<16xf32>
        %mul3A_903 = arith.mulf %get3A_901, %mul3A_902 : vector<16xf32>
        %swap3A_904 = arith.index_cast %add3A_898 : i32 to index
        %swap3A_905 = arith.constant 0 : index
        %swap3A_906 = tpu.vector_load %arg8[%swap3A_904, %swap3A_905] {strides = array<i32>} : memref<128x128xf32, #tpu.memory_space<vmem>>, vector<16xf32>,
        tpu.vector_store %arg8[%swap3A_904, %swap3A_905], %mul3A_903 {strides = array<i32>} : memref<128x128xf32, #tpu.memory_space<vmem>>, vector<16xf32>,
        %get3A_907 = arith.index_cast %add3A_898 : i32 to index
        %get3A_908 = arith.constant 16 : index
        %get3A_909 = tpu.vector_load %arg8[%get3A_907, %get3A_908] {strides = array<i32>} : memref<128x128xf32, #tpu.memory_space<vmem>>, vector<16xf32>,
        %mul3A_910 = vector.broadcast %squeeze3A_894 : f32 to vector<16xf32>
        %mul3A_911 = arith.mulf %get3A_909, %mul3A_910 : vector<16xf32>
        %swap3A_912 = arith.index_cast %add3A_898 : i32 to index
        %swap3A_913 = arith.constant 16 : index
        %swap3A_914 = tpu.vector_load %arg8[%swap3A_912, %swap3A_913] {strides = array<i32>} : memref<128x128xf32, #tpu.memory_space<vmem>>, vector<16xf32>,
        tpu.vector_store %arg8[%swap3A_912, %swap3A_913], %mul3A_911 {strides = array<i32>} : memref<128x128xf32, #tpu.memory_space<vmem>>, vector<16xf32>,
        %get3A_915 = arith.index_cast %add3A_898 : i32 to index
        %get3A_916 = arith.constant 32 : index
        %get3A_917 = tpu.vector_load %arg8[%get3A_915, %get3A_916] {strides = array<i32>} : memref<128x128xf32, #tpu.memory_space<vmem>>, vector<16xf32>,
        %mul3A_918 = vector.broadcast %squeeze3A_894 : f32 to vector<16xf32>
        %mul3A_919 = arith.mulf %get3A_917, %mul3A_918 : vector<16xf32>
        %swap3A_920 = arith.index_cast %add3A_898 : i32 to index
        %swap3A_921 = arith.constant 32 : index
        %swap3A_922 = tpu.vector_load %arg8[%swap3A_920, %swap3A_921] {strides = array<i32>} : memref<128x128xf32, #tpu.memory_space<vmem>>, vector<16xf32>,
        tpu.vector_store %arg8[%swap3A_920, %swap3A_921], %mul3A_919 {strides = array<i32>} : memref<128x128xf32, #tpu.memory_space<vmem>>, vector<16xf32>,
        %get3A_923 = arith.index_cast %add3A_898 : i32 to index
        %get3A_924 = arith.constant 48 : index
        %get3A_925 = tpu.vector_load %arg8[%get3A_923, %get3A_924] {strides = array<i32>} : memref<128x128xf32, #tpu.memory_space<vmem>>, vector<16xf32>,
        %mul3A_926 = vector.broadcast %squeeze3A_894 : f32 to vector<16xf32>
        %mul3A_927 = arith.mulf %get3A_925, %mul3A_926 : vector<16xf32>
        %swap3A_928 = arith.index_cast %add3A_898 : i32 to index
        %swap3A_929 = arith.constant 48 : index
        %swap3A_930 = tpu.vector_load %arg8[%swap3A_928, %swap3A_929] {strides = array<i32>} : memref<128x128xf32, #tpu.memory_space<vmem>>, vector<16xf32>,
        tpu.vector_store %arg8[%swap3A_928, %swap3A_929], %mul3A_927 {strides = array<i32>} : memref<128x128xf32, #tpu.memory_space<vmem>>, vector<16xf32>,
        %get3A_931 = arith.index_cast %add3A_898 : i32 to index
        %get3A_932 = arith.constant 64 : index
        %get3A_933 = tpu.vector_load %arg8[%get3A_931, %get3A_932] {strides = array<i32>} : memref<128x128xf32, #tpu.memory_space<vmem>>, vector<16xf32>,
        %mul3A_934 = vector.broadcast %squeeze3A_894 : f32 to vector<16xf32>
        %mul3A_935 = arith.mulf %get3A_933, %mul3A_934 : vector<16xf32>
        %swap3A_936 = arith.index_cast %add3A_898 : i32 to index
        %swap3A_937 = arith.constant 64 : index
        %swap3A_938 = tpu.vector_load %arg8[%swap3A_936, %swap3A_937] {strides = array<i32>} : memref<128x128xf32, #tpu.memory_space<vmem>>, vector<16xf32>,
        tpu.vector_store %arg8[%swap3A_936, %swap3A_937], %mul3A_935 {strides = array<i32>} : memref<128x128xf32, #tpu.memory_space<vmem>>, vector<16xf32>,
        %get3A_939 = arith.index_cast %add3A_898 : i32 to index
        %get3A_940 = arith.constant 80 : index
        %get3A_941 = tpu.vector_load %arg8[%get3A_939, %get3A_940] {strides = array<i32>} : memref<128x128xf32, #tpu.memory_space<vmem>>, vector<16xf32>,
        %mul3A_942 = vector.broadcast %squeeze3A_894 : f32 to vector<16xf32>
        %mul3A_943 = arith.mulf %get3A_941, %mul3A_942 : vector<16xf32>
        %swap3A_944 = arith.index_cast %add3A_898 : i32 to index
        %swap3A_945 = arith.constant 80 : index
        %swap3A_946 = tpu.vector_load %arg8[%swap3A_944, %swap3A_945] {strides = array<i32>} : memref<128x128xf32, #tpu.memory_space<vmem>>, vector<16xf32>,
        tpu.vector_store %arg8[%swap3A_944, %swap3A_945], %mul3A_943 {strides = array<i32>} : memref<128x128xf32, #tpu.memory_space<vmem>>, vector<16xf32>,
        %get3A_947 = arith.index_cast %add3A_898 : i32 to index
        %get3A_948 = arith.constant 96 : index
        %get3A_949 = tpu.vector_load %arg8[%get3A_947, %get3A_948] {strides = array<i32>} : memref<128x128xf32, #tpu.memory_space<vmem>>, vector<16xf32>,
        %mul3A_950 = vector.broadcast %squeeze3A_894 : f32 to vector<16xf32>
        %mul3A_951 = arith.mulf %get3A_949, %mul3A_950 : vector<16xf32>
        %swap3A_952 = arith.index_cast %add3A_898 : i32 to index
        %swap3A_953 = arith.constant 96 : index
        %swap3A_954 = tpu.vector_load %arg8[%swap3A_952, %swap3A_953] {strides = array<i32>} : memref<128x128xf32, #tpu.memory_space<vmem>>, vector<16xf32>,
        tpu.vector_store %arg8[%swap3A_952, %swap3A_953], %mul3A_951 {strides = array<i32>} : memref<128x128xf32, #tpu.memory_space<vmem>>, vector<16xf32>,
        %get3A_955 = arith.index_cast %add3A_898 : i32 to index
        %get3A_956 = arith.constant 112 : index
        %get3A_957 = tpu.vector_load %arg8[%get3A_955, %get3A_956] {strides = array<i32>} : memref<128x128xf32, #tpu.memory_space<vmem>>, vector<16xf32>,
        %mul3A_958 = vector.broadcast %squeeze3A_894 : f32 to vector<16xf32>
        %mul3A_959 = arith.mulf %get3A_957, %mul3A_958 : vector<16xf32>
        %swap3A_960 = arith.index_cast %add3A_898 : i32 to index
        %swap3A_961 = arith.constant 112 : index
        %swap3A_962 = tpu.vector_load %arg8[%swap3A_960, %swap3A_961] {strides = array<i32>} : memref<128x128xf32, #tpu.memory_space<vmem>>, vector<16xf32>,
        tpu.vector_store %arg8[%swap3A_960, %swap3A_961], %mul3A_959 {strides = array<i32>} : memref<128x128xf32, #tpu.memory_space<vmem>>, vector<16xf32>,
        %slice3A_963 = vector.extract_strided_slice %get3A_55 {offsets = [13], sizes = [1], strides = [1]} : vector<16xf32> to vector<1xf32>
        %squeeze3A_964 = vector.extract %slice3A_963[0] : f32 from vector<1xf32>
        %mul3A_965 = arith.constant 16 : i32
        %mul3A_966 = arith.muli %scan3A_52, %mul3A_965 : i32
        %add3A_967 = arith.constant 13 : i32
        %add3A_968 = arith.addi %mul3A_966, %add3A_967 : i32
        %get3A_969 = arith.index_cast %add3A_968 : i32 to index
        %get3A_970 = arith.constant 0 : index
        %get3A_971 = tpu.vector_load %arg8[%get3A_969, %get3A_970] {strides = array<i32>} : memref<128x128xf32, #tpu.memory_space<vmem>>, vector<16xf32>,
        %mul3A_972 = vector.broadcast %squeeze3A_964 : f32 to vector<16xf32>
        %mul3A_973 = arith.mulf %get3A_971, %mul3A_972 : vector<16xf32>
        %swap3A_974 = arith.index_cast %add3A_968 : i32 to index
        %swap3A_975 = arith.constant 0 : index
        %swap3A_976 = tpu.vector_load %arg8[%swap3A_974, %swap3A_975] {strides = array<i32>} : memref<128x128xf32, #tpu.memory_space<vmem>>, vector<16xf32>,
        tpu.vector_store %arg8[%swap3A_974, %swap3A_975], %mul3A_973 {strides = array<i32>} : memref<128x128xf32, #tpu.memory_space<vmem>>, vector<16xf32>,
        %get3A_977 = arith.index_cast %add3A_968 : i32 to index
        %get3A_978 = arith.constant 16 : index
        %get3A_979 = tpu.vector_load %arg8[%get3A_977, %get3A_978] {strides = array<i32>} : memref<128x128xf32, #tpu.memory_space<vmem>>, vector<16xf32>,
        %mul3A_980 = vector.broadcast %squeeze3A_964 : f32 to vector<16xf32>
        %mul3A_981 = arith.mulf %get3A_979, %mul3A_980 : vector<16xf32>
        %swap3A_982 = arith.index_cast %add3A_968 : i32 to index
        %swap3A_983 = arith.constant 16 : index
        %swap3A_984 = tpu.vector_load %arg8[%swap3A_982, %swap3A_983] {strides = array<i32>} : memref<128x128xf32, #tpu.memory_space<vmem>>, vector<16xf32>,
        tpu.vector_store %arg8[%swap3A_982, %swap3A_983], %mul3A_981 {strides = array<i32>} : memref<128x128xf32, #tpu.memory_space<vmem>>, vector<16xf32>,
        %get3A_985 = arith.index_cast %add3A_968 : i32 to index
        %get3A_986 = arith.constant 32 : index
        %get3A_987 = tpu.vector_load %arg8[%get3A_985, %get3A_986] {strides = array<i32>} : memref<128x128xf32, #tpu.memory_space<vmem>>, vector<16xf32>,
        %mul3A_988 = vector.broadcast %squeeze3A_964 : f32 to vector<16xf32>
        %mul3A_989 = arith.mulf %get3A_987, %mul3A_988 : vector<16xf32>
        %swap3A_990 = arith.index_cast %add3A_968 : i32 to index
        %swap3A_991 = arith.constant 32 : index
        %swap3A_992 = tpu.vector_load %arg8[%swap3A_990, %swap3A_991] {strides = array<i32>} : memref<128x128xf32, #tpu.memory_space<vmem>>, vector<16xf32>,
        tpu.vector_store %arg8[%swap3A_990, %swap3A_991], %mul3A_989 {strides = array<i32>} : memref<128x128xf32, #tpu.memory_space<vmem>>, vector<16xf32>,
        %get3A_993 = arith.index_cast %add3A_968 : i32 to index
        %get3A_994 = arith.constant 48 : index
        %get3A_995 = tpu.vector_load %arg8[%get3A_993, %get3A_994] {strides = array<i32>} : memref<128x128xf32, #tpu.memory_space<vmem>>, vector<16xf32>,
        %mul3A_996 = vector.broadcast %squeeze3A_964 : f32 to vector<16xf32>
        %mul3A_997 = arith.mulf %get3A_995, %mul3A_996 : vector<16xf32>
        %swap3A_998 = arith.index_cast %add3A_968 : i32 to index
        %swap3A_999 = arith.constant 48 : index
        %swap3A_1000 = tpu.vector_load %arg8[%swap3A_998, %swap3A_999] {strides = array<i32>} : memref<128x128xf32, #tpu.memory_space<vmem>>, vector<16xf32>,
        tpu.vector_store %arg8[%swap3A_998, %swap3A_999], %mul3A_997 {strides = array<i32>} : memref<128x128xf32, #tpu.memory_space<vmem>>, vector<16xf32>,
        %get3A_1001 = arith.index_cast %add3A_968 : i32 to index
        %get3A_1002 = arith.constant 64 : index
        %get3A_1003 = tpu.vector_load %arg8[%get3A_1001, %get3A_1002] {strides = array<i32>} : memref<128x128xf32, #tpu.memory_space<vmem>>, vector<16xf32>,
        %mul3A_1004 = vector.broadcast %squeeze3A_964 : f32 to vector<16xf32>
        %mul3A_1005 = arith.mulf %get3A_1003, %mul3A_1004 : vector<16xf32>
        %swap3A_1006 = arith.index_cast %add3A_968 : i32 to index
        %swap3A_1007 = arith.constant 64 : index
        %swap3A_1008 = tpu.vector_load %arg8[%swap3A_1006, %swap3A_1007] {strides = array<i32>} : memref<128x128xf32, #tpu.memory_space<vmem>>, vector<16xf32>,
        tpu.vector_store %arg8[%swap3A_1006, %swap3A_1007], %mul3A_1005 {strides = array<i32>} : memref<128x128xf32, #tpu.memory_space<vmem>>, vector<16xf32>,
        %get3A_1009 = arith.index_cast %add3A_968 : i32 to index
        %get3A_1010 = arith.constant 80 : index
        %get3A_1011 = tpu.vector_load %arg8[%get3A_1009, %get3A_1010] {strides = array<i32>} : memref<128x128xf32, #tpu.memory_space<vmem>>, vector<16xf32>,
        %mul3A_1012 = vector.broadcast %squeeze3A_964 : f32 to vector<16xf32>
        %mul3A_1013 = arith.mulf %get3A_1011, %mul3A_1012 : vector<16xf32>
        %swap3A_1014 = arith.index_cast %add3A_968 : i32 to index
        %swap3A_1015 = arith.constant 80 : index
        %swap3A_1016 = tpu.vector_load %arg8[%swap3A_1014, %swap3A_1015] {strides = array<i32>} : memref<128x128xf32, #tpu.memory_space<vmem>>, vector<16xf32>,
        tpu.vector_store %arg8[%swap3A_1014, %swap3A_1015], %mul3A_1013 {strides = array<i32>} : memref<128x128xf32, #tpu.memory_space<vmem>>, vector<16xf32>,
        %get3A_1017 = arith.index_cast %add3A_968 : i32 to index
        %get3A_1018 = arith.constant 96 : index
        %get3A_1019 = tpu.vector_load %arg8[%get3A_1017, %get3A_1018] {strides = array<i32>} : memref<128x128xf32, #tpu.memory_space<vmem>>, vector<16xf32>,
        %mul3A_1020 = vector.broadcast %squeeze3A_964 : f32 to vector<16xf32>
        %mul3A_1021 = arith.mulf %get3A_1019, %mul3A_1020 : vector<16xf32>
        %swap3A_1022 = arith.index_cast %add3A_968 : i32 to index
        %swap3A_1023 = arith.constant 96 : index
        %swap3A_1024 = tpu.vector_load %arg8[%swap3A_1022, %swap3A_1023] {strides = array<i32>} : memref<128x128xf32, #tpu.memory_space<vmem>>, vector<16xf32>,
        tpu.vector_store %arg8[%swap3A_1022, %swap3A_1023], %mul3A_1021 {strides = array<i32>} : memref<128x128xf32, #tpu.memory_space<vmem>>, vector<16xf32>,
        %get3A_1025 = arith.index_cast %add3A_968 : i32 to index
        %get3A_1026 = arith.constant 112 : index
        %get3A_1027 = tpu.vector_load %arg8[%get3A_1025, %get3A_1026] {strides = array<i32>} : memref<128x128xf32, #tpu.memory_space<vmem>>, vector<16xf32>,
        %mul3A_1028 = vector.broadcast %squeeze3A_964 : f32 to vector<16xf32>
        %mul3A_1029 = arith.mulf %get3A_1027, %mul3A_1028 : vector<16xf32>
        %swap3A_1030 = arith.index_cast %add3A_968 : i32 to index
        %swap3A_1031 = arith.constant 112 : index
        %swap3A_1032 = tpu.vector_load %arg8[%swap3A_1030, %swap3A_1031] {strides = array<i32>} : memref<128x128xf32, #tpu.memory_space<vmem>>, vector<16xf32>,
        tpu.vector_store %arg8[%swap3A_1030, %swap3A_1031], %mul3A_1029 {strides = array<i32>} : memref<128x128xf32, #tpu.memory_space<vmem>>, vector<16xf32>,
        %slice3A_1033 = vector.extract_strided_slice %get3A_55 {offsets = [14], sizes = [1], strides = [1]} : vector<16xf32> to vector<1xf32>
        %squeeze3A_1034 = vector.extract %slice3A_1033[0] : f32 from vector<1xf32>
        %mul3A_1035 = arith.constant 16 : i32
        %mul3A_1036 = arith.muli %scan3A_52, %mul3A_1035 : i32
        %add3A_1037 = arith.constant 14 : i32
        %add3A_1038 = arith.addi %mul3A_1036, %add3A_1037 : i32
        %get3A_1039 = arith.index_cast %add3A_1038 : i32 to index
        %get3A_1040 = arith.constant 0 : index
        %get3A_1041 = tpu.vector_load %arg8[%get3A_1039, %get3A_1040] {strides = array<i32>} : memref<128x128xf32, #tpu.memory_space<vmem>>, vector<16xf32>,
        %mul3A_1042 = vector.broadcast %squeeze3A_1034 : f32 to vector<16xf32>
        %mul3A_1043 = arith.mulf %get3A_1041, %mul3A_1042 : vector<16xf32>
        %swap3A_1044 = arith.index_cast %add3A_1038 : i32 to index
        %swap3A_1045 = arith.constant 0 : index
        %swap3A_1046 = tpu.vector_load %arg8[%swap3A_1044, %swap3A_1045] {strides = array<i32>} : memref<128x128xf32, #tpu.memory_space<vmem>>, vector<16xf32>,
        tpu.vector_store %arg8[%swap3A_1044, %swap3A_1045], %mul3A_1043 {strides = array<i32>} : memref<128x128xf32, #tpu.memory_space<vmem>>, vector<16xf32>,
        %get3A_1047 = arith.index_cast %add3A_1038 : i32 to index
        %get3A_1048 = arith.constant 16 : index
        %get3A_1049 = tpu.vector_load %arg8[%get3A_1047, %get3A_1048] {strides = array<i32>} : memref<128x128xf32, #tpu.memory_space<vmem>>, vector<16xf32>,
        %mul3A_1050 = vector.broadcast %squeeze3A_1034 : f32 to vector<16xf32>
        %mul3A_1051 = arith.mulf %get3A_1049, %mul3A_1050 : vector<16xf32>
        %swap3A_1052 = arith.index_cast %add3A_1038 : i32 to index
        %swap3A_1053 = arith.constant 16 : index
        %swap3A_1054 = tpu.vector_load %arg8[%swap3A_1052, %swap3A_1053] {strides = array<i32>} : memref<128x128xf32, #tpu.memory_space<vmem>>, vector<16xf32>,
        tpu.vector_store %arg8[%swap3A_1052, %swap3A_1053], %mul3A_1051 {strides = array<i32>} : memref<128x128xf32, #tpu.memory_space<vmem>>, vector<16xf32>,
        %get3A_1055 = arith.index_cast %add3A_1038 : i32 to index
        %get3A_1056 = arith.constant 32 : index
        %get3A_1057 = tpu.vector_load %arg8[%get3A_1055, %get3A_1056] {strides = array<i32>} : memref<128x128xf32, #tpu.memory_space<vmem>>, vector<16xf32>,
        %mul3A_1058 = vector.broadcast %squeeze3A_1034 : f32 to vector<16xf32>
        %mul3A_1059 = arith.mulf %get3A_1057, %mul3A_1058 : vector<16xf32>
        %swap3A_1060 = arith.index_cast %add3A_1038 : i32 to index
        %swap3A_1061 = arith.constant 32 : index
        %swap3A_1062 = tpu.vector_load %arg8[%swap3A_1060, %swap3A_1061] {strides = array<i32>} : memref<128x128xf32, #tpu.memory_space<vmem>>, vector<16xf32>,
        tpu.vector_store %arg8[%swap3A_1060, %swap3A_1061], %mul3A_1059 {strides = array<i32>} : memref<128x128xf32, #tpu.memory_space<vmem>>, vector<16xf32>,
        %get3A_1063 = arith.index_cast %add3A_1038 : i32 to index
        %get3A_1064 = arith.constant 48 : index
        %get3A_1065 = tpu.vector_load %arg8[%get3A_1063, %get3A_1064] {strides = array<i32>} : memref<128x128xf32, #tpu.memory_space<vmem>>, vector<16xf32>,
        %mul3A_1066 = vector.broadcast %squeeze3A_1034 : f32 to vector<16xf32>
        %mul3A_1067 = arith.mulf %get3A_1065, %mul3A_1066 : vector<16xf32>
        %swap3A_1068 = arith.index_cast %add3A_1038 : i32 to index
        %swap3A_1069 = arith.constant 48 : index
        %swap3A_1070 = tpu.vector_load %arg8[%swap3A_1068, %swap3A_1069] {strides = array<i32>} : memref<128x128xf32, #tpu.memory_space<vmem>>, vector<16xf32>,
        tpu.vector_store %arg8[%swap3A_1068, %swap3A_1069], %mul3A_1067 {strides = array<i32>} : memref<128x128xf32, #tpu.memory_space<vmem>>, vector<16xf32>,
        %get3A_1071 = arith.index_cast %add3A_1038 : i32 to index
        %get3A_1072 = arith.constant 64 : index
        %get3A_1073 = tpu.vector_load %arg8[%get3A_1071, %get3A_1072] {strides = array<i32>} : memref<128x128xf32, #tpu.memory_space<vmem>>, vector<16xf32>,
        %mul3A_1074 = vector.broadcast %squeeze3A_1034 : f32 to vector<16xf32>
        %mul3A_1075 = arith.mulf %get3A_1073, %mul3A_1074 : vector<16xf32>
        %swap3A_1076 = arith.index_cast %add3A_1038 : i32 to index
        %swap3A_1077 = arith.constant 64 : index
        %swap3A_1078 = tpu.vector_load %arg8[%swap3A_1076, %swap3A_1077] {strides = array<i32>} : memref<128x128xf32, #tpu.memory_space<vmem>>, vector<16xf32>,
        tpu.vector_store %arg8[%swap3A_1076, %swap3A_1077], %mul3A_1075 {strides = array<i32>} : memref<128x128xf32, #tpu.memory_space<vmem>>, vector<16xf32>,
        %get3A_1079 = arith.index_cast %add3A_1038 : i32 to index
        %get3A_1080 = arith.constant 80 : index
        %get3A_1081 = tpu.vector_load %arg8[%get3A_1079, %get3A_1080] {strides = array<i32>} : memref<128x128xf32, #tpu.memory_space<vmem>>, vector<16xf32>,
        %mul3A_1082 = vector.broadcast %squeeze3A_1034 : f32 to vector<16xf32>
        %mul3A_1083 = arith.mulf %get3A_1081, %mul3A_1082 : vector<16xf32>
        %swap3A_1084 = arith.index_cast %add3A_1038 : i32 to index
        %swap3A_1085 = arith.constant 80 : index
        %swap3A_1086 = tpu.vector_load %arg8[%swap3A_1084, %swap3A_1085] {strides = array<i32>} : memref<128x128xf32, #tpu.memory_space<vmem>>, vector<16xf32>,
        tpu.vector_store %arg8[%swap3A_1084, %swap3A_1085], %mul3A_1083 {strides = array<i32>} : memref<128x128xf32, #tpu.memory_space<vmem>>, vector<16xf32>,
        %get3A_1087 = arith.index_cast %add3A_1038 : i32 to index
        %get3A_1088 = arith.constant 96 : index
        %get3A_1089 = tpu.vector_load %arg8[%get3A_1087, %get3A_1088] {strides = array<i32>} : memref<128x128xf32, #tpu.memory_space<vmem>>, vector<16xf32>,
        %mul3A_1090 = vector.broadcast %squeeze3A_1034 : f32 to vector<16xf32>
        %mul3A_1091 = arith.mulf %get3A_1089, %mul3A_1090 : vector<16xf32>
        %swap3A_1092 = arith.index_cast %add3A_1038 : i32 to index
        %swap3A_1093 = arith.constant 96 : index
        %swap3A_1094 = tpu.vector_load %arg8[%swap3A_1092, %swap3A_1093] {strides = array<i32>} : memref<128x128xf32, #tpu.memory_space<vmem>>, vector<16xf32>,
        tpu.vector_store %arg8[%swap3A_1092, %swap3A_1093], %mul3A_1091 {strides = array<i32>} : memref<128x128xf32, #tpu.memory_space<vmem>>, vector<16xf32>,
        %get3A_1095 = arith.index_cast %add3A_1038 : i32 to index
        %get3A_1096 = arith.constant 112 : index
        %get3A_1097 = tpu.vector_load %arg8[%get3A_1095, %get3A_1096] {strides = array<i32>} : memref<128x128xf32, #tpu.memory_space<vmem>>, vector<16xf32>,
        %mul3A_1098 = vector.broadcast %squeeze3A_1034 : f32 to vector<16xf32>
        %mul3A_1099 = arith.mulf %get3A_1097, %mul3A_1098 : vector<16xf32>
        %swap3A_1100 = arith.index_cast %add3A_1038 : i32 to index
        %swap3A_1101 = arith.constant 112 : index
        %swap3A_1102 = tpu.vector_load %arg8[%swap3A_1100, %swap3A_1101] {strides = array<i32>} : memref<128x128xf32, #tpu.memory_space<vmem>>, vector<16xf32>,
        tpu.vector_store %arg8[%swap3A_1100, %swap3A_1101], %mul3A_1099 {strides = array<i32>} : memref<128x128xf32, #tpu.memory_space<vmem>>, vector<16xf32>,
        %slice3A_1103 = vector.extract_strided_slice %get3A_55 {offsets = [15], sizes = [1], strides = [1]} : vector<16xf32> to vector<1xf32>
        %squeeze3A_1104 = vector.extract %slice3A_1103[0] : f32 from vector<1xf32>
        %mul3A_1105 = arith.constant 16 : i32
        %mul3A_1106 = arith.muli %scan3A_52, %mul3A_1105 : i32
        %add3A_1107 = arith.constant 15 : i32
        %add3A_1108 = arith.addi %mul3A_1106, %add3A_1107 : i32
        %get3A_1109 = arith.index_cast %add3A_1108 : i32 to index
        %get3A_1110 = arith.constant 0 : index
        %get3A_1111 = tpu.vector_load %arg8[%get3A_1109, %get3A_1110] {strides = array<i32>} : memref<128x128xf32, #tpu.memory_space<vmem>>, vector<16xf32>,
        %mul3A_1112 = vector.broadcast %squeeze3A_1104 : f32 to vector<16xf32>
        %mul3A_1113 = arith.mulf %get3A_1111, %mul3A_1112 : vector<16xf32>
        %swap3A_1114 = arith.index_cast %add3A_1108 : i32 to index
        %swap3A_1115 = arith.constant 0 : index
        %swap3A_1116 = tpu.vector_load %arg8[%swap3A_1114, %swap3A_1115] {strides = array<i32>} : memref<128x128xf32, #tpu.memory_space<vmem>>, vector<16xf32>,
        tpu.vector_store %arg8[%swap3A_1114, %swap3A_1115], %mul3A_1113 {strides = array<i32>} : memref<128x128xf32, #tpu.memory_space<vmem>>, vector<16xf32>,
        %get3A_1117 = arith.index_cast %add3A_1108 : i32 to index
        %get3A_1118 = arith.constant 16 : index
        %get3A_1119 = tpu.vector_load %arg8[%get3A_1117, %get3A_1118] {strides = array<i32>} : memref<128x128xf32, #tpu.memory_space<vmem>>, vector<16xf32>,
        %mul3A_1120 = vector.broadcast %squeeze3A_1104 : f32 to vector<16xf32>
        %mul3A_1121 = arith.mulf %get3A_1119, %mul3A_1120 : vector<16xf32>
        %swap3A_1122 = arith.index_cast %add3A_1108 : i32 to index
        %swap3A_1123 = arith.constant 16 : index
        %swap3A_1124 = tpu.vector_load %arg8[%swap3A_1122, %swap3A_1123] {strides = array<i32>} : memref<128x128xf32, #tpu.memory_space<vmem>>, vector<16xf32>,
        tpu.vector_store %arg8[%swap3A_1122, %swap3A_1123], %mul3A_1121 {strides = array<i32>} : memref<128x128xf32, #tpu.memory_space<vmem>>, vector<16xf32>,
        %get3A_1125 = arith.index_cast %add3A_1108 : i32 to index
        %get3A_1126 = arith.constant 32 : index
        %get3A_1127 = tpu.vector_load %arg8[%get3A_1125, %get3A_1126] {strides = array<i32>} : memref<128x128xf32, #tpu.memory_space<vmem>>, vector<16xf32>,
        %mul3A_1128 = vector.broadcast %squeeze3A_1104 : f32 to vector<16xf32>
        %mul3A_1129 = arith.mulf %get3A_1127, %mul3A_1128 : vector<16xf32>
        %swap3A_1130 = arith.index_cast %add3A_1108 : i32 to index
        %swap3A_1131 = arith.constant 32 : index
        %swap3A_1132 = tpu.vector_load %arg8[%swap3A_1130, %swap3A_1131] {strides = array<i32>} : memref<128x128xf32, #tpu.memory_space<vmem>>, vector<16xf32>,
        tpu.vector_store %arg8[%swap3A_1130, %swap3A_1131], %mul3A_1129 {strides = array<i32>} : memref<128x128xf32, #tpu.memory_space<vmem>>, vector<16xf32>,
        %get3A_1133 = arith.index_cast %add3A_1108 : i32 to index
        %get3A_1134 = arith.constant 48 : index
        %get3A_1135 = tpu.vector_load %arg8[%get3A_1133, %get3A_1134] {strides = array<i32>} : memref<128x128xf32, #tpu.memory_space<vmem>>, vector<16xf32>,
        %mul3A_1136 = vector.broadcast %squeeze3A_1104 : f32 to vector<16xf32>
        %mul3A_1137 = arith.mulf %get3A_1135, %mul3A_1136 : vector<16xf32>
        %swap3A_1138 = arith.index_cast %add3A_1108 : i32 to index
        %swap3A_1139 = arith.constant 48 : index
        %swap3A_1140 = tpu.vector_load %arg8[%swap3A_1138, %swap3A_1139] {strides = array<i32>} : memref<128x128xf32, #tpu.memory_space<vmem>>, vector<16xf32>,
        tpu.vector_store %arg8[%swap3A_1138, %swap3A_1139], %mul3A_1137 {strides = array<i32>} : memref<128x128xf32, #tpu.memory_space<vmem>>, vector<16xf32>,
        %get3A_1141 = arith.index_cast %add3A_1108 : i32 to index
        %get3A_1142 = arith.constant 64 : index
        %get3A_1143 = tpu.vector_load %arg8[%get3A_1141, %get3A_1142] {strides = array<i32>} : memref<128x128xf32, #tpu.memory_space<vmem>>, vector<16xf32>,
        %mul3A_1144 = vector.broadcast %squeeze3A_1104 : f32 to vector<16xf32>
        %mul3A_1145 = arith.mulf %get3A_1143, %mul3A_1144 : vector<16xf32>
        %swap3A_1146 = arith.index_cast %add3A_1108 : i32 to index
        %swap3A_1147 = arith.constant 64 : index
        %swap3A_1148 = tpu.vector_load %arg8[%swap3A_1146, %swap3A_1147] {strides = array<i32>} : memref<128x128xf32, #tpu.memory_space<vmem>>, vector<16xf32>,
        tpu.vector_store %arg8[%swap3A_1146, %swap3A_1147], %mul3A_1145 {strides = array<i32>} : memref<128x128xf32, #tpu.memory_space<vmem>>, vector<16xf32>,
        %get3A_1149 = arith.index_cast %add3A_1108 : i32 to index
        %get3A_1150 = arith.constant 80 : index
        %get3A_1151 = tpu.vector_load %arg8[%get3A_1149, %get3A_1150] {strides = array<i32>} : memref<128x128xf32, #tpu.memory_space<vmem>>, vector<16xf32>,
        %mul3A_1152 = vector.broadcast %squeeze3A_1104 : f32 to vector<16xf32>
        %mul3A_1153 = arith.mulf %get3A_1151, %mul3A_1152 : vector<16xf32>
        %swap3A_1154 = arith.index_cast %add3A_1108 : i32 to index
        %swap3A_1155 = arith.constant 80 : index
        %swap3A_1156 = tpu.vector_load %arg8[%swap3A_1154, %swap3A_1155] {strides = array<i32>} : memref<128x128xf32, #tpu.memory_space<vmem>>, vector<16xf32>,
        tpu.vector_store %arg8[%swap3A_1154, %swap3A_1155], %mul3A_1153 {strides = array<i32>} : memref<128x128xf32, #tpu.memory_space<vmem>>, vector<16xf32>,
        %get3A_1157 = arith.index_cast %add3A_1108 : i32 to index
        %get3A_1158 = arith.constant 96 : index
        %get3A_1159 = tpu.vector_load %arg8[%get3A_1157, %get3A_1158] {strides = array<i32>} : memref<128x128xf32, #tpu.memory_space<vmem>>, vector<16xf32>,
        %mul3A_1160 = vector.broadcast %squeeze3A_1104 : f32 to vector<16xf32>
        %mul3A_1161 = arith.mulf %get3A_1159, %mul3A_1160 : vector<16xf32>
        %swap3A_1162 = arith.index_cast %add3A_1108 : i32 to index
        %swap3A_1163 = arith.constant 96 : index
        %swap3A_1164 = tpu.vector_load %arg8[%swap3A_1162, %swap3A_1163] {strides = array<i32>} : memref<128x128xf32, #tpu.memory_space<vmem>>, vector<16xf32>,
        tpu.vector_store %arg8[%swap3A_1162, %swap3A_1163], %mul3A_1161 {strides = array<i32>} : memref<128x128xf32, #tpu.memory_space<vmem>>, vector<16xf32>,
        %get3A_1165 = arith.index_cast %add3A_1108 : i32 to index
        %get3A_1166 = arith.constant 112 : index
        %get3A_1167 = tpu.vector_load %arg8[%get3A_1165, %get3A_1166] {strides = array<i32>} : memref<128x128xf32, #tpu.memory_space<vmem>>, vector<16xf32>,
        %mul3A_1168 = vector.broadcast %squeeze3A_1104 : f32 to vector<16xf32>
        %mul3A_1169 = arith.mulf %get3A_1167, %mul3A_1168 : vector<16xf32>
        %swap3A_1170 = arith.index_cast %add3A_1108 : i32 to index
        %swap3A_1171 = arith.constant 112 : index
        %swap3A_1172 = tpu.vector_load %arg8[%swap3A_1170, %swap3A_1171] {strides = array<i32>} : memref<128x128xf32, #tpu.memory_space<vmem>>, vector<16xf32>,
        tpu.vector_store %arg8[%swap3A_1170, %swap3A_1171], %mul3A_1169 {strides = array<i32>} : memref<128x128xf32, #tpu.memory_space<vmem>>, vector<16xf32>,
      }
      %scan3A_51 = arith.constant 8 : i32
      "tpu.region"() ({
        %run_scoped3A = tpu.sem_alloc : memref<!tpu.dma_semaphore, #tpu.memory_space<semaphore_mem>>
        %dma_start3A = arith.constant 0 : i32
        %dma_start3A_52 = arith.constant 0 : i32
        %dma_start3A_53 = tpu.memref_slice %arg16[%dma_start3A, %dma_start3A_52] : memref<512x128xf32, #tpu.memory_space<vmem_shared>> -> memref<512x128xf32, #tpu.memory_space<vmem_shared>>
        tpu.enqueue_indirect_dma source(%arg8 : memref<128x128xf32, #tpu.memory_space<vmem>>) target(%dma_start3A_53 : memref<512x128xf32, #tpu.memory_space<vmem_shared>>) offsets(%arg9 : memref<128xi32, #tpu.memory_space<vmem>>) semaphore(%run_scoped3A : memref<!tpu.dma_semaphore, #tpu.memory_space<semaphore_mem>>) {add = true}
        %dma_wait3A = arith.constant 0 : i32
        %dma_wait3A_54 = arith.constant 0 : i32
        %dma_wait3A_55 = tpu.memref_slice %arg16[%dma_wait3A, %dma_wait3A_54] : memref<512x128xf32, #tpu.memory_space<vmem_shared>> -> memref<512x128xf32, #tpu.memory_space<vmem_shared>>
        tpu.wait_indirect_dma semaphore(%run_scoped3A : memref<!tpu.dma_semaphore, #tpu.memory_space<semaphore_mem>>) src(%arg8 : memref<128x128xf32, #tpu.memory_space<vmem>>) dst(%dma_wait3A_55 : memref<512x128xf32, #tpu.memory_space<vmem_shared>>)
        tpu.yield
      }) : () -> ()
    }
    %while3A_23 = arith.constant 1 : i32
    scf.for %while3A_32 = %while3A_21 to %while3A_17 step %while3A_23  : i32 {
      %mul3A_33 = arith.constant 32 : i32
      %mul3A_34 = arith.muli %mul3A_33, %while3A_32 : i32
      %add3A_35 = arith.addi %add3A, %mul3A_34 : i32
      %mul3A_36 = arith.constant 128 : i32
      %mul3A_37 = arith.muli %add3A_35, %mul3A_36 : i32
      "tpu.region"() ({
        %run_scoped3A = tpu.sem_alloc : memref<!tpu.dma_semaphore, #tpu.memory_space<semaphore_mem>>
        %dma_start3A = arith.constant 0 : i32
        %dma_start3A_52 = tpu.memref_slice %arg2[%mul3A_37, %dma_start3A] : memref<100000x128xf32, #tpu.memory_space<hbm>> -> memref<128x128xf32, #tpu.memory_space<hbm>>
        %dma_start3A_53 = arith.constant 0 : i32
        %dma_start3A_54 = tpu.memref_slice %arg2[%mul3A_37, %dma_start3A_53] : memref<100000x128xf32, #tpu.memory_space<hbm>> -> memref<128x128xf32, #tpu.memory_space<hbm>>
        tpu.enqueue_dma source(%dma_start3A_54 : memref<128x128xf32, #tpu.memory_space<hbm>>) target(%arg8 : memref<128x128xf32, #tpu.memory_space<vmem>>) target_semaphore(%run_scoped3A : memref<!tpu.dma_semaphore, #tpu.memory_space<semaphore_mem>>)
        %dma_wait3A = arith.constant 0 : i32
        %dma_wait3A_55 = tpu.memref_slice %arg2[%mul3A_37, %dma_wait3A] : memref<100000x128xf32, #tpu.memory_space<hbm>> -> memref<128x128xf32, #tpu.memory_space<hbm>>
        %dma_wait3A_56 = arith.constant 0 : i32
        %dma_wait3A_57 = tpu.memref_slice %arg2[%mul3A_37, %dma_wait3A_56] : memref<100000x128xf32, #tpu.memory_space<hbm>> -> memref<128x128xf32, #tpu.memory_space<hbm>>
        tpu.wait_dma2 semaphore(%run_scoped3A : memref<!tpu.dma_semaphore, #tpu.memory_space<semaphore_mem>>) src(%dma_wait3A_57 : memref<128x128xf32, #tpu.memory_space<hbm>>) dst(%arg8 : memref<128x128xf32, #tpu.memory_space<vmem>>)
        tpu.yield
      }) : () -> ()
      "tpu.region"() ({
        %run_scoped3A = tpu.sem_alloc : memref<!tpu.dma_semaphore, #tpu.memory_space<semaphore_mem>>
        %dma_start3A = tpu.memref_slice %arg5[%mul3A_37] : memref<100000xi32, #tpu.memory_space<hbm>> -> memref<128xi32, #tpu.memory_space<hbm>>
        %dma_start3A_52 = tpu.memref_slice %arg5[%mul3A_37] : memref<100000xi32, #tpu.memory_space<hbm>> -> memref<128xi32, #tpu.memory_space<hbm>>
        tpu.enqueue_dma source(%dma_start3A_52 : memref<128xi32, #tpu.memory_space<hbm>>) target(%arg9 : memref<128xi32, #tpu.memory_space<vmem>>) target_semaphore(%run_scoped3A : memref<!tpu.dma_semaphore, #tpu.memory_space<semaphore_mem>>)
        %dma_wait3A = tpu.memref_slice %arg5[%mul3A_37] : memref<100000xi32, #tpu.memory_space<hbm>> -> memref<128xi32, #tpu.memory_space<hbm>>
        %dma_wait3A_53 = tpu.memref_slice %arg5[%mul3A_37] : memref<100000xi32, #tpu.memory_space<hbm>> -> memref<128xi32, #tpu.memory_space<hbm>>
        tpu.wait_dma2 semaphore(%run_scoped3A : memref<!tpu.dma_semaphore, #tpu.memory_space<semaphore_mem>>) src(%dma_wait3A_53 : memref<128xi32, #tpu.memory_space<hbm>>) dst(%arg9 : memref<128xi32, #tpu.memory_space<vmem>>)
        tpu.yield
      }) : () -> ()
      "tpu.region"() ({
        %run_scoped3A = tpu.sem_alloc : memref<!tpu.dma_semaphore, #tpu.memory_space<semaphore_mem>>
        %dma_start3A = arith.constant 0 : i32
        %dma_start3A_52 = tpu.memref_slice %arg3[%dma_start3A, %mul3A_37] : memref<8x102400xf32, #tpu.memory_space<hbm>> -> memref<8x128xf32, #tpu.memory_space<hbm>>
        %dma_start3A_53 = arith.constant 0 : i32
        %dma_start3A_54 = tpu.memref_slice %arg3[%dma_start3A_53, %mul3A_37] : memref<8x102400xf32, #tpu.memory_space<hbm>> -> memref<8x128xf32, #tpu.memory_space<hbm>>
        tpu.enqueue_dma source(%dma_start3A_54 : memref<8x128xf32, #tpu.memory_space<hbm>>) target(%arg11 : memref<8x128xf32, #tpu.memory_space<vmem>>) target_semaphore(%run_scoped3A : memref<!tpu.dma_semaphore, #tpu.memory_space<semaphore_mem>>)
        %dma_wait3A = arith.constant 0 : i32
        %dma_wait3A_55 = tpu.memref_slice %arg3[%dma_wait3A, %mul3A_37] : memref<8x102400xf32, #tpu.memory_space<hbm>> -> memref<8x128xf32, #tpu.memory_space<hbm>>
        %dma_wait3A_56 = arith.constant 0 : i32
        %dma_wait3A_57 = tpu.memref_slice %arg3[%dma_wait3A_56, %mul3A_37] : memref<8x102400xf32, #tpu.memory_space<hbm>> -> memref<8x128xf32, #tpu.memory_space<hbm>>
        tpu.wait_dma2 semaphore(%run_scoped3A : memref<!tpu.dma_semaphore, #tpu.memory_space<semaphore_mem>>) src(%dma_wait3A_57 : memref<8x128xf32, #tpu.memory_space<hbm>>) dst(%arg11 : memref<8x128xf32, #tpu.memory_space<vmem>>)
        tpu.yield
      }) : () -> ()
      %scan3A_38 = arith.constant 0 : i32
      %scan3A_39 = arith.constant 0 : i32
      %scan3A_40 = arith.constant 8 : i32
      %scan3A_41 = arith.addi %scan3A_39, %scan3A_40 : i32
      %scan3A_42 = arith.constant 1 : i32
      scf.for %scan3A_52 = %scan3A_39 to %scan3A_41 step %scan3A_42  : i32 {
        %mul3A_53 = arith.constant 16 : i32
        %mul3A_54 = arith.muli %scan3A_52, %mul3A_53 : i32
        %get3A = arith.index_cast %mul3A_54 : i32 to index
        %get3A_55 = tpu.vector_load %arg9[%get3A] {strides = array<i32>} : memref<128xi32, #tpu.memory_space<vmem>>, vector<16xi32>,
        %mul3A_56 = arith.constant 16 : i32
        %mul3A_57 = arith.muli %scan3A_52, %mul3A_56 : i32
        %add3A_58 = vector.broadcast %mul3A_57 : i32 to vector<16xi32>
        %add3A_59 = arith.addi %add3A_58, %iota3A : vector<16xi32>
        %mul3A_60 = arith.constant 128 : i32
        %mul3A_61 = arith.muli %scan3A_52, %mul3A_60 : i32
        %add3A_62 = vector.broadcast %mul3A_61 : i32 to vector<16xi32>
        %add3A_63 = arith.addi %add3A_62, %mul3A_10 : vector<16xi32>
        %broadcast_in_dim3A = arith.constant 0.000000e+00 : f32
        %broadcast_in_dim3A_64 = vector.broadcast %broadcast_in_dim3A : f32 to vector<16xf32>
        %broadcast_in_dim3A_65 = arith.constant 0 : i32
        %broadcast_in_dim3A_66 = vector.broadcast %broadcast_in_dim3A_65 : i32 to vector<16xi32>
        %gather3A = tpu.vector_load_idx %arg11[%broadcast_in_dim3A_66, %add3A_59] : memref<8x128xf32, #tpu.memory_space<vmem>>[vector<16xi32>, vector<16xi32>], vector<16xf32>,
        %gather3A_67 = tpu.vector_load_idx %arg14[%broadcast_in_dim3A_66, %get3A_55] : memref<8x512xf32, #tpu.memory_space<vmem>>[vector<16xi32>, vector<16xi32>], vector<16xf32>,
        %mul3A_68 = arith.mulf %gather3A, %gather3A_67 : vector<16xf32>
        %add3A_69 = arith.constant 0 : i32
        %add3A_70 = vector.broadcast %add3A_69 : i32 to vector<16xi32>
        %add3A_71 = arith.addi %add3A_63, %add3A_70 : vector<16xi32>
        tpu.vector_store_idx %arg12[%add3A_71], %mul3A_68 : memref<1024xf32, #tpu.memory_space<vmem>>[vector<16xi32>], vector<16xf32>,
        %add3A_72 = arith.addf %broadcast_in_dim3A_64, %mul3A_68 : vector<16xf32>
        %broadcast_in_dim3A_73 = arith.constant 1 : i32
        %broadcast_in_dim3A_74 = vector.broadcast %broadcast_in_dim3A_73 : i32 to vector<16xi32>
        %gather3A_75 = tpu.vector_load_idx %arg11[%broadcast_in_dim3A_74, %add3A_59] : memref<8x128xf32, #tpu.memory_space<vmem>>[vector<16xi32>, vector<16xi32>], vector<16xf32>,
        %gather3A_76 = tpu.vector_load_idx %arg14[%broadcast_in_dim3A_74, %get3A_55] : memref<8x512xf32, #tpu.memory_space<vmem>>[vector<16xi32>, vector<16xi32>], vector<16xf32>,
        %mul3A_77 = arith.mulf %gather3A_75, %gather3A_76 : vector<16xf32>
        %add3A_78 = arith.constant 1 : i32
        %add3A_79 = vector.broadcast %add3A_78 : i32 to vector<16xi32>
        %add3A_80 = arith.addi %add3A_63, %add3A_79 : vector<16xi32>
        tpu.vector_store_idx %arg12[%add3A_80], %mul3A_77 : memref<1024xf32, #tpu.memory_space<vmem>>[vector<16xi32>], vector<16xf32>,
        %add3A_81 = arith.addf %add3A_72, %mul3A_77 : vector<16xf32>
        %broadcast_in_dim3A_82 = arith.constant 2 : i32
        %broadcast_in_dim3A_83 = vector.broadcast %broadcast_in_dim3A_82 : i32 to vector<16xi32>
        %gather3A_84 = tpu.vector_load_idx %arg11[%broadcast_in_dim3A_83, %add3A_59] : memref<8x128xf32, #tpu.memory_space<vmem>>[vector<16xi32>, vector<16xi32>], vector<16xf32>,
        %gather3A_85 = tpu.vector_load_idx %arg14[%broadcast_in_dim3A_83, %get3A_55] : memref<8x512xf32, #tpu.memory_space<vmem>>[vector<16xi32>, vector<16xi32>], vector<16xf32>,
        %mul3A_86 = arith.mulf %gather3A_84, %gather3A_85 : vector<16xf32>
        %add3A_87 = arith.constant 2 : i32
        %add3A_88 = vector.broadcast %add3A_87 : i32 to vector<16xi32>
        %add3A_89 = arith.addi %add3A_63, %add3A_88 : vector<16xi32>
        tpu.vector_store_idx %arg12[%add3A_89], %mul3A_86 : memref<1024xf32, #tpu.memory_space<vmem>>[vector<16xi32>], vector<16xf32>,
        %add3A_90 = arith.addf %add3A_81, %mul3A_86 : vector<16xf32>
        %broadcast_in_dim3A_91 = arith.constant 3 : i32
        %broadcast_in_dim3A_92 = vector.broadcast %broadcast_in_dim3A_91 : i32 to vector<16xi32>
        %gather3A_93 = tpu.vector_load_idx %arg11[%broadcast_in_dim3A_92, %add3A_59] : memref<8x128xf32, #tpu.memory_space<vmem>>[vector<16xi32>, vector<16xi32>], vector<16xf32>,
        %gather3A_94 = tpu.vector_load_idx %arg14[%broadcast_in_dim3A_92, %get3A_55] : memref<8x512xf32, #tpu.memory_space<vmem>>[vector<16xi32>, vector<16xi32>], vector<16xf32>,
        %mul3A_95 = arith.mulf %gather3A_93, %gather3A_94 : vector<16xf32>
        %add3A_96 = arith.constant 3 : i32
        %add3A_97 = vector.broadcast %add3A_96 : i32 to vector<16xi32>
        %add3A_98 = arith.addi %add3A_63, %add3A_97 : vector<16xi32>
        tpu.vector_store_idx %arg12[%add3A_98], %mul3A_95 : memref<1024xf32, #tpu.memory_space<vmem>>[vector<16xi32>], vector<16xf32>,
        %add3A_99 = arith.addf %add3A_90, %mul3A_95 : vector<16xf32>
        %broadcast_in_dim3A_100 = arith.constant 4 : i32
        %broadcast_in_dim3A_101 = vector.broadcast %broadcast_in_dim3A_100 : i32 to vector<16xi32>
        %gather3A_102 = tpu.vector_load_idx %arg11[%broadcast_in_dim3A_101, %add3A_59] : memref<8x128xf32, #tpu.memory_space<vmem>>[vector<16xi32>, vector<16xi32>], vector<16xf32>,
        %gather3A_103 = tpu.vector_load_idx %arg14[%broadcast_in_dim3A_101, %get3A_55] : memref<8x512xf32, #tpu.memory_space<vmem>>[vector<16xi32>, vector<16xi32>], vector<16xf32>,
        %mul3A_104 = arith.mulf %gather3A_102, %gather3A_103 : vector<16xf32>
        %add3A_105 = arith.constant 4 : i32
        %add3A_106 = vector.broadcast %add3A_105 : i32 to vector<16xi32>
        %add3A_107 = arith.addi %add3A_63, %add3A_106 : vector<16xi32>
        tpu.vector_store_idx %arg12[%add3A_107], %mul3A_104 : memref<1024xf32, #tpu.memory_space<vmem>>[vector<16xi32>], vector<16xf32>,
        %add3A_108 = arith.addf %add3A_99, %mul3A_104 : vector<16xf32>
        %broadcast_in_dim3A_109 = arith.constant 5 : i32
        %broadcast_in_dim3A_110 = vector.broadcast %broadcast_in_dim3A_109 : i32 to vector<16xi32>
        %gather3A_111 = tpu.vector_load_idx %arg11[%broadcast_in_dim3A_110, %add3A_59] : memref<8x128xf32, #tpu.memory_space<vmem>>[vector<16xi32>, vector<16xi32>], vector<16xf32>,
        %gather3A_112 = tpu.vector_load_idx %arg14[%broadcast_in_dim3A_110, %get3A_55] : memref<8x512xf32, #tpu.memory_space<vmem>>[vector<16xi32>, vector<16xi32>], vector<16xf32>,
        %mul3A_113 = arith.mulf %gather3A_111, %gather3A_112 : vector<16xf32>
        %add3A_114 = arith.constant 5 : i32
        %add3A_115 = vector.broadcast %add3A_114 : i32 to vector<16xi32>
        %add3A_116 = arith.addi %add3A_63, %add3A_115 : vector<16xi32>
        tpu.vector_store_idx %arg12[%add3A_116], %mul3A_113 : memref<1024xf32, #tpu.memory_space<vmem>>[vector<16xi32>], vector<16xf32>,
        %add3A_117 = arith.addf %add3A_108, %mul3A_113 : vector<16xf32>
        %broadcast_in_dim3A_118 = arith.constant 6 : i32
        %broadcast_in_dim3A_119 = vector.broadcast %broadcast_in_dim3A_118 : i32 to vector<16xi32>
        %gather3A_120 = tpu.vector_load_idx %arg11[%broadcast_in_dim3A_119, %add3A_59] : memref<8x128xf32, #tpu.memory_space<vmem>>[vector<16xi32>, vector<16xi32>], vector<16xf32>,
        %gather3A_121 = tpu.vector_load_idx %arg14[%broadcast_in_dim3A_119, %get3A_55] : memref<8x512xf32, #tpu.memory_space<vmem>>[vector<16xi32>, vector<16xi32>], vector<16xf32>,
        %mul3A_122 = arith.mulf %gather3A_120, %gather3A_121 : vector<16xf32>
        %add3A_123 = arith.constant 6 : i32
        %add3A_124 = vector.broadcast %add3A_123 : i32 to vector<16xi32>
        %add3A_125 = arith.addi %add3A_63, %add3A_124 : vector<16xi32>
        tpu.vector_store_idx %arg12[%add3A_125], %mul3A_122 : memref<1024xf32, #tpu.memory_space<vmem>>[vector<16xi32>], vector<16xf32>,
        %add3A_126 = arith.addf %add3A_117, %mul3A_122 : vector<16xf32>
        %broadcast_in_dim3A_127 = arith.constant 7 : i32
        %broadcast_in_dim3A_128 = vector.broadcast %broadcast_in_dim3A_127 : i32 to vector<16xi32>
        %gather3A_129 = tpu.vector_load_idx %arg11[%broadcast_in_dim3A_128, %add3A_59] : memref<8x128xf32, #tpu.memory_space<vmem>>[vector<16xi32>, vector<16xi32>], vector<16xf32>,
        %gather3A_130 = tpu.vector_load_idx %arg14[%broadcast_in_dim3A_128, %get3A_55] : memref<8x512xf32, #tpu.memory_space<vmem>>[vector<16xi32>, vector<16xi32>], vector<16xf32>,
        %mul3A_131 = arith.mulf %gather3A_129, %gather3A_130 : vector<16xf32>
        %add3A_132 = arith.constant 7 : i32
        %add3A_133 = vector.broadcast %add3A_132 : i32 to vector<16xi32>
        %add3A_134 = arith.addi %add3A_63, %add3A_133 : vector<16xi32>
        tpu.vector_store_idx %arg12[%add3A_134], %mul3A_131 : memref<1024xf32, #tpu.memory_space<vmem>>[vector<16xi32>], vector<16xf32>,
        %add3A_135 = arith.addf %add3A_126, %mul3A_131 : vector<16xf32>
        %mul3A_136 = arith.constant 16 : i32
        %mul3A_137 = arith.muli %scan3A_52, %mul3A_136 : i32
        %swap3A = arith.index_cast %mul3A_137 : i32 to index
        %swap3A_138 = tpu.vector_load %arg13[%swap3A] {strides = array<i32>} : memref<128xf32, #tpu.memory_space<vmem>>, vector<16xf32>,
        tpu.vector_store %arg13[%swap3A], %add3A_135 {strides = array<i32>} : memref<128xf32, #tpu.memory_space<vmem>>, vector<16xf32>,
      }
      %scan3A_43 = arith.constant 8 : i32
      %mul3A_44 = arith.constant 8 : i32
      %mul3A_45 = arith.muli %mul3A_37, %mul3A_44 : i32
      "tpu.region"() ({
        %run_scoped3A = tpu.sem_alloc : memref<!tpu.dma_semaphore, #tpu.memory_space<semaphore_mem>>
        %dma_start3A = arith.constant 0 : i32
        %dma_start3A_52 = tpu.memref_slice %arg12[%dma_start3A] : memref<1024xf32, #tpu.memory_space<vmem>> -> memref<1024xf32, #tpu.memory_space<vmem>>
        %dma_start3A_53 = tpu.memref_slice %arg6[%mul3A_45] : memref<800000xf32, #tpu.memory_space<hbm>> -> memref<1024xf32, #tpu.memory_space<hbm>>
        %dma_start3A_54 = tpu.memref_slice %arg6[%mul3A_45] : memref<800000xf32, #tpu.memory_space<hbm>> -> memref<1024xf32, #tpu.memory_space<hbm>>
        %dma_start3A_55 = arith.constant 0 : i32
        %dma_start3A_56 = tpu.memref_slice %arg12[%dma_start3A_55] : memref<1024xf32, #tpu.memory_space<vmem>> -> memref<1024xf32, #tpu.memory_space<vmem>>
        tpu.enqueue_dma source(%dma_start3A_56 : memref<1024xf32, #tpu.memory_space<vmem>>) target(%dma_start3A_54 : memref<1024xf32, #tpu.memory_space<hbm>>) target_semaphore(%run_scoped3A : memref<!tpu.dma_semaphore, #tpu.memory_space<semaphore_mem>>)
        %dma_wait3A = arith.constant 0 : i32
        %dma_wait3A_57 = tpu.memref_slice %arg12[%dma_wait3A] : memref<1024xf32, #tpu.memory_space<vmem>> -> memref<1024xf32, #tpu.memory_space<vmem>>
        %dma_wait3A_58 = tpu.memref_slice %arg6[%mul3A_45] : memref<800000xf32, #tpu.memory_space<hbm>> -> memref<1024xf32, #tpu.memory_space<hbm>>
        %dma_wait3A_59 = tpu.memref_slice %arg6[%mul3A_45] : memref<800000xf32, #tpu.memory_space<hbm>> -> memref<1024xf32, #tpu.memory_space<hbm>>
        %dma_wait3A_60 = arith.constant 0 : i32
        %dma_wait3A_61 = tpu.memref_slice %arg12[%dma_wait3A_60] : memref<1024xf32, #tpu.memory_space<vmem>> -> memref<1024xf32, #tpu.memory_space<vmem>>
        tpu.wait_dma2 semaphore(%run_scoped3A : memref<!tpu.dma_semaphore, #tpu.memory_space<semaphore_mem>>) src(%dma_wait3A_61 : memref<1024xf32, #tpu.memory_space<vmem>>) dst(%dma_wait3A_59 : memref<1024xf32, #tpu.memory_space<hbm>>)
        tpu.yield
      }) : () -> ()
      %scan3A_46 = arith.constant 0 : i32
      %scan3A_47 = arith.constant 0 : i32
      %scan3A_48 = arith.constant 8 : i32
      %scan3A_49 = arith.addi %scan3A_47, %scan3A_48 : i32
      %scan3A_50 = arith.constant 1 : i32
      scf.for %scan3A_52 = %scan3A_47 to %scan3A_49 step %scan3A_50  : i32 {
        %mul3A_53 = arith.constant 16 : i32
        %mul3A_54 = arith.muli %scan3A_52, %mul3A_53 : i32
        %get3A = arith.index_cast %mul3A_54 : i32 to index
        %get3A_55 = tpu.vector_load %arg13[%get3A] {strides = array<i32>} : memref<128xf32, #tpu.memory_space<vmem>>, vector<16xf32>,
        %slice3A = vector.extract_strided_slice %get3A_55 {offsets = [0], sizes = [1], strides = [1]} : vector<16xf32> to vector<1xf32>
        %squeeze3A = vector.extract %slice3A[0] : f32 from vector<1xf32>
        %mul3A_56 = arith.constant 16 : i32
        %mul3A_57 = arith.muli %scan3A_52, %mul3A_56 : i32
        %add3A_58 = arith.constant 0 : i32
        %add3A_59 = arith.addi %mul3A_57, %add3A_58 : i32
        %get3A_60 = arith.index_cast %add3A_59 : i32 to index
        %get3A_61 = arith.constant 0 : index
        %get3A_62 = tpu.vector_load %arg8[%get3A_60, %get3A_61] {strides = array<i32>} : memref<128x128xf32, #tpu.memory_space<vmem>>, vector<16xf32>,
        %mul3A_63 = vector.broadcast %squeeze3A : f32 to vector<16xf32>
        %mul3A_64 = arith.mulf %get3A_62, %mul3A_63 : vector<16xf32>
        %swap3A = arith.index_cast %add3A_59 : i32 to index
        %swap3A_65 = arith.constant 0 : index
        %swap3A_66 = tpu.vector_load %arg8[%swap3A, %swap3A_65] {strides = array<i32>} : memref<128x128xf32, #tpu.memory_space<vmem>>, vector<16xf32>,
        tpu.vector_store %arg8[%swap3A, %swap3A_65], %mul3A_64 {strides = array<i32>} : memref<128x128xf32, #tpu.memory_space<vmem>>, vector<16xf32>,
        %get3A_67 = arith.index_cast %add3A_59 : i32 to index
        %get3A_68 = arith.constant 16 : index
        %get3A_69 = tpu.vector_load %arg8[%get3A_67, %get3A_68] {strides = array<i32>} : memref<128x128xf32, #tpu.memory_space<vmem>>, vector<16xf32>,
        %mul3A_70 = vector.broadcast %squeeze3A : f32 to vector<16xf32>
        %mul3A_71 = arith.mulf %get3A_69, %mul3A_70 : vector<16xf32>
        %swap3A_72 = arith.index_cast %add3A_59 : i32 to index
        %swap3A_73 = arith.constant 16 : index
        %swap3A_74 = tpu.vector_load %arg8[%swap3A_72, %swap3A_73] {strides = array<i32>} : memref<128x128xf32, #tpu.memory_space<vmem>>, vector<16xf32>,
        tpu.vector_store %arg8[%swap3A_72, %swap3A_73], %mul3A_71 {strides = array<i32>} : memref<128x128xf32, #tpu.memory_space<vmem>>, vector<16xf32>,
        %get3A_75 = arith.index_cast %add3A_59 : i32 to index
        %get3A_76 = arith.constant 32 : index
        %get3A_77 = tpu.vector_load %arg8[%get3A_75, %get3A_76] {strides = array<i32>} : memref<128x128xf32, #tpu.memory_space<vmem>>, vector<16xf32>,
        %mul3A_78 = vector.broadcast %squeeze3A : f32 to vector<16xf32>
        %mul3A_79 = arith.mulf %get3A_77, %mul3A_78 : vector<16xf32>
        %swap3A_80 = arith.index_cast %add3A_59 : i32 to index
        %swap3A_81 = arith.constant 32 : index
        %swap3A_82 = tpu.vector_load %arg8[%swap3A_80, %swap3A_81] {strides = array<i32>} : memref<128x128xf32, #tpu.memory_space<vmem>>, vector<16xf32>,
        tpu.vector_store %arg8[%swap3A_80, %swap3A_81], %mul3A_79 {strides = array<i32>} : memref<128x128xf32, #tpu.memory_space<vmem>>, vector<16xf32>,
        %get3A_83 = arith.index_cast %add3A_59 : i32 to index
        %get3A_84 = arith.constant 48 : index
        %get3A_85 = tpu.vector_load %arg8[%get3A_83, %get3A_84] {strides = array<i32>} : memref<128x128xf32, #tpu.memory_space<vmem>>, vector<16xf32>,
        %mul3A_86 = vector.broadcast %squeeze3A : f32 to vector<16xf32>
        %mul3A_87 = arith.mulf %get3A_85, %mul3A_86 : vector<16xf32>
        %swap3A_88 = arith.index_cast %add3A_59 : i32 to index
        %swap3A_89 = arith.constant 48 : index
        %swap3A_90 = tpu.vector_load %arg8[%swap3A_88, %swap3A_89] {strides = array<i32>} : memref<128x128xf32, #tpu.memory_space<vmem>>, vector<16xf32>,
        tpu.vector_store %arg8[%swap3A_88, %swap3A_89], %mul3A_87 {strides = array<i32>} : memref<128x128xf32, #tpu.memory_space<vmem>>, vector<16xf32>,
        %get3A_91 = arith.index_cast %add3A_59 : i32 to index
        %get3A_92 = arith.constant 64 : index
        %get3A_93 = tpu.vector_load %arg8[%get3A_91, %get3A_92] {strides = array<i32>} : memref<128x128xf32, #tpu.memory_space<vmem>>, vector<16xf32>,
        %mul3A_94 = vector.broadcast %squeeze3A : f32 to vector<16xf32>
        %mul3A_95 = arith.mulf %get3A_93, %mul3A_94 : vector<16xf32>
        %swap3A_96 = arith.index_cast %add3A_59 : i32 to index
        %swap3A_97 = arith.constant 64 : index
        %swap3A_98 = tpu.vector_load %arg8[%swap3A_96, %swap3A_97] {strides = array<i32>} : memref<128x128xf32, #tpu.memory_space<vmem>>, vector<16xf32>,
        tpu.vector_store %arg8[%swap3A_96, %swap3A_97], %mul3A_95 {strides = array<i32>} : memref<128x128xf32, #tpu.memory_space<vmem>>, vector<16xf32>,
        %get3A_99 = arith.index_cast %add3A_59 : i32 to index
        %get3A_100 = arith.constant 80 : index
        %get3A_101 = tpu.vector_load %arg8[%get3A_99, %get3A_100] {strides = array<i32>} : memref<128x128xf32, #tpu.memory_space<vmem>>, vector<16xf32>,
        %mul3A_102 = vector.broadcast %squeeze3A : f32 to vector<16xf32>
        %mul3A_103 = arith.mulf %get3A_101, %mul3A_102 : vector<16xf32>
        %swap3A_104 = arith.index_cast %add3A_59 : i32 to index
        %swap3A_105 = arith.constant 80 : index
        %swap3A_106 = tpu.vector_load %arg8[%swap3A_104, %swap3A_105] {strides = array<i32>} : memref<128x128xf32, #tpu.memory_space<vmem>>, vector<16xf32>,
        tpu.vector_store %arg8[%swap3A_104, %swap3A_105], %mul3A_103 {strides = array<i32>} : memref<128x128xf32, #tpu.memory_space<vmem>>, vector<16xf32>,
        %get3A_107 = arith.index_cast %add3A_59 : i32 to index
        %get3A_108 = arith.constant 96 : index
        %get3A_109 = tpu.vector_load %arg8[%get3A_107, %get3A_108] {strides = array<i32>} : memref<128x128xf32, #tpu.memory_space<vmem>>, vector<16xf32>,
        %mul3A_110 = vector.broadcast %squeeze3A : f32 to vector<16xf32>
        %mul3A_111 = arith.mulf %get3A_109, %mul3A_110 : vector<16xf32>
        %swap3A_112 = arith.index_cast %add3A_59 : i32 to index
        %swap3A_113 = arith.constant 96 : index
        %swap3A_114 = tpu.vector_load %arg8[%swap3A_112, %swap3A_113] {strides = array<i32>} : memref<128x128xf32, #tpu.memory_space<vmem>>, vector<16xf32>,
        tpu.vector_store %arg8[%swap3A_112, %swap3A_113], %mul3A_111 {strides = array<i32>} : memref<128x128xf32, #tpu.memory_space<vmem>>, vector<16xf32>,
        %get3A_115 = arith.index_cast %add3A_59 : i32 to index
        %get3A_116 = arith.constant 112 : index
        %get3A_117 = tpu.vector_load %arg8[%get3A_115, %get3A_116] {strides = array<i32>} : memref<128x128xf32, #tpu.memory_space<vmem>>, vector<16xf32>,
        %mul3A_118 = vector.broadcast %squeeze3A : f32 to vector<16xf32>
        %mul3A_119 = arith.mulf %get3A_117, %mul3A_118 : vector<16xf32>
        %swap3A_120 = arith.index_cast %add3A_59 : i32 to index
        %swap3A_121 = arith.constant 112 : index
        %swap3A_122 = tpu.vector_load %arg8[%swap3A_120, %swap3A_121] {strides = array<i32>} : memref<128x128xf32, #tpu.memory_space<vmem>>, vector<16xf32>,
        tpu.vector_store %arg8[%swap3A_120, %swap3A_121], %mul3A_119 {strides = array<i32>} : memref<128x128xf32, #tpu.memory_space<vmem>>, vector<16xf32>,
        %slice3A_123 = vector.extract_strided_slice %get3A_55 {offsets = [1], sizes = [1], strides = [1]} : vector<16xf32> to vector<1xf32>
        %squeeze3A_124 = vector.extract %slice3A_123[0] : f32 from vector<1xf32>
        %mul3A_125 = arith.constant 16 : i32
        %mul3A_126 = arith.muli %scan3A_52, %mul3A_125 : i32
        %add3A_127 = arith.constant 1 : i32
        %add3A_128 = arith.addi %mul3A_126, %add3A_127 : i32
        %get3A_129 = arith.index_cast %add3A_128 : i32 to index
        %get3A_130 = arith.constant 0 : index
        %get3A_131 = tpu.vector_load %arg8[%get3A_129, %get3A_130] {strides = array<i32>} : memref<128x128xf32, #tpu.memory_space<vmem>>, vector<16xf32>,
        %mul3A_132 = vector.broadcast %squeeze3A_124 : f32 to vector<16xf32>
        %mul3A_133 = arith.mulf %get3A_131, %mul3A_132 : vector<16xf32>
        %swap3A_134 = arith.index_cast %add3A_128 : i32 to index
        %swap3A_135 = arith.constant 0 : index
        %swap3A_136 = tpu.vector_load %arg8[%swap3A_134, %swap3A_135] {strides = array<i32>} : memref<128x128xf32, #tpu.memory_space<vmem>>, vector<16xf32>,
        tpu.vector_store %arg8[%swap3A_134, %swap3A_135], %mul3A_133 {strides = array<i32>} : memref<128x128xf32, #tpu.memory_space<vmem>>, vector<16xf32>,
        %get3A_137 = arith.index_cast %add3A_128 : i32 to index
        %get3A_138 = arith.constant 16 : index
        %get3A_139 = tpu.vector_load %arg8[%get3A_137, %get3A_138] {strides = array<i32>} : memref<128x128xf32, #tpu.memory_space<vmem>>, vector<16xf32>,
        %mul3A_140 = vector.broadcast %squeeze3A_124 : f32 to vector<16xf32>
        %mul3A_141 = arith.mulf %get3A_139, %mul3A_140 : vector<16xf32>
        %swap3A_142 = arith.index_cast %add3A_128 : i32 to index
        %swap3A_143 = arith.constant 16 : index
        %swap3A_144 = tpu.vector_load %arg8[%swap3A_142, %swap3A_143] {strides = array<i32>} : memref<128x128xf32, #tpu.memory_space<vmem>>, vector<16xf32>,
        tpu.vector_store %arg8[%swap3A_142, %swap3A_143], %mul3A_141 {strides = array<i32>} : memref<128x128xf32, #tpu.memory_space<vmem>>, vector<16xf32>,
        %get3A_145 = arith.index_cast %add3A_128 : i32 to index
        %get3A_146 = arith.constant 32 : index
        %get3A_147 = tpu.vector_load %arg8[%get3A_145, %get3A_146] {strides = array<i32>} : memref<128x128xf32, #tpu.memory_space<vmem>>, vector<16xf32>,
        %mul3A_148 = vector.broadcast %squeeze3A_124 : f32 to vector<16xf32>
        %mul3A_149 = arith.mulf %get3A_147, %mul3A_148 : vector<16xf32>
        %swap3A_150 = arith.index_cast %add3A_128 : i32 to index
        %swap3A_151 = arith.constant 32 : index
        %swap3A_152 = tpu.vector_load %arg8[%swap3A_150, %swap3A_151] {strides = array<i32>} : memref<128x128xf32, #tpu.memory_space<vmem>>, vector<16xf32>,
        tpu.vector_store %arg8[%swap3A_150, %swap3A_151], %mul3A_149 {strides = array<i32>} : memref<128x128xf32, #tpu.memory_space<vmem>>, vector<16xf32>,
        %get3A_153 = arith.index_cast %add3A_128 : i32 to index
        %get3A_154 = arith.constant 48 : index
        %get3A_155 = tpu.vector_load %arg8[%get3A_153, %get3A_154] {strides = array<i32>} : memref<128x128xf32, #tpu.memory_space<vmem>>, vector<16xf32>,
        %mul3A_156 = vector.broadcast %squeeze3A_124 : f32 to vector<16xf32>
        %mul3A_157 = arith.mulf %get3A_155, %mul3A_156 : vector<16xf32>
        %swap3A_158 = arith.index_cast %add3A_128 : i32 to index
        %swap3A_159 = arith.constant 48 : index
        %swap3A_160 = tpu.vector_load %arg8[%swap3A_158, %swap3A_159] {strides = array<i32>} : memref<128x128xf32, #tpu.memory_space<vmem>>, vector<16xf32>,
        tpu.vector_store %arg8[%swap3A_158, %swap3A_159], %mul3A_157 {strides = array<i32>} : memref<128x128xf32, #tpu.memory_space<vmem>>, vector<16xf32>,
        %get3A_161 = arith.index_cast %add3A_128 : i32 to index
        %get3A_162 = arith.constant 64 : index
        %get3A_163 = tpu.vector_load %arg8[%get3A_161, %get3A_162] {strides = array<i32>} : memref<128x128xf32, #tpu.memory_space<vmem>>, vector<16xf32>,
        %mul3A_164 = vector.broadcast %squeeze3A_124 : f32 to vector<16xf32>
        %mul3A_165 = arith.mulf %get3A_163, %mul3A_164 : vector<16xf32>
        %swap3A_166 = arith.index_cast %add3A_128 : i32 to index
        %swap3A_167 = arith.constant 64 : index
        %swap3A_168 = tpu.vector_load %arg8[%swap3A_166, %swap3A_167] {strides = array<i32>} : memref<128x128xf32, #tpu.memory_space<vmem>>, vector<16xf32>,
        tpu.vector_store %arg8[%swap3A_166, %swap3A_167], %mul3A_165 {strides = array<i32>} : memref<128x128xf32, #tpu.memory_space<vmem>>, vector<16xf32>,
        %get3A_169 = arith.index_cast %add3A_128 : i32 to index
        %get3A_170 = arith.constant 80 : index
        %get3A_171 = tpu.vector_load %arg8[%get3A_169, %get3A_170] {strides = array<i32>} : memref<128x128xf32, #tpu.memory_space<vmem>>, vector<16xf32>,
        %mul3A_172 = vector.broadcast %squeeze3A_124 : f32 to vector<16xf32>
        %mul3A_173 = arith.mulf %get3A_171, %mul3A_172 : vector<16xf32>
        %swap3A_174 = arith.index_cast %add3A_128 : i32 to index
        %swap3A_175 = arith.constant 80 : index
        %swap3A_176 = tpu.vector_load %arg8[%swap3A_174, %swap3A_175] {strides = array<i32>} : memref<128x128xf32, #tpu.memory_space<vmem>>, vector<16xf32>,
        tpu.vector_store %arg8[%swap3A_174, %swap3A_175], %mul3A_173 {strides = array<i32>} : memref<128x128xf32, #tpu.memory_space<vmem>>, vector<16xf32>,
        %get3A_177 = arith.index_cast %add3A_128 : i32 to index
        %get3A_178 = arith.constant 96 : index
        %get3A_179 = tpu.vector_load %arg8[%get3A_177, %get3A_178] {strides = array<i32>} : memref<128x128xf32, #tpu.memory_space<vmem>>, vector<16xf32>,
        %mul3A_180 = vector.broadcast %squeeze3A_124 : f32 to vector<16xf32>
        %mul3A_181 = arith.mulf %get3A_179, %mul3A_180 : vector<16xf32>
        %swap3A_182 = arith.index_cast %add3A_128 : i32 to index
        %swap3A_183 = arith.constant 96 : index
        %swap3A_184 = tpu.vector_load %arg8[%swap3A_182, %swap3A_183] {strides = array<i32>} : memref<128x128xf32, #tpu.memory_space<vmem>>, vector<16xf32>,
        tpu.vector_store %arg8[%swap3A_182, %swap3A_183], %mul3A_181 {strides = array<i32>} : memref<128x128xf32, #tpu.memory_space<vmem>>, vector<16xf32>,
        %get3A_185 = arith.index_cast %add3A_128 : i32 to index
        %get3A_186 = arith.constant 112 : index
        %get3A_187 = tpu.vector_load %arg8[%get3A_185, %get3A_186] {strides = array<i32>} : memref<128x128xf32, #tpu.memory_space<vmem>>, vector<16xf32>,
        %mul3A_188 = vector.broadcast %squeeze3A_124 : f32 to vector<16xf32>
        %mul3A_189 = arith.mulf %get3A_187, %mul3A_188 : vector<16xf32>
        %swap3A_190 = arith.index_cast %add3A_128 : i32 to index
        %swap3A_191 = arith.constant 112 : index
        %swap3A_192 = tpu.vector_load %arg8[%swap3A_190, %swap3A_191] {strides = array<i32>} : memref<128x128xf32, #tpu.memory_space<vmem>>, vector<16xf32>,
        tpu.vector_store %arg8[%swap3A_190, %swap3A_191], %mul3A_189 {strides = array<i32>} : memref<128x128xf32, #tpu.memory_space<vmem>>, vector<16xf32>,
        %slice3A_193 = vector.extract_strided_slice %get3A_55 {offsets = [2], sizes = [1], strides = [1]} : vector<16xf32> to vector<1xf32>
        %squeeze3A_194 = vector.extract %slice3A_193[0] : f32 from vector<1xf32>
        %mul3A_195 = arith.constant 16 : i32
        %mul3A_196 = arith.muli %scan3A_52, %mul3A_195 : i32
        %add3A_197 = arith.constant 2 : i32
        %add3A_198 = arith.addi %mul3A_196, %add3A_197 : i32
        %get3A_199 = arith.index_cast %add3A_198 : i32 to index
        %get3A_200 = arith.constant 0 : index
        %get3A_201 = tpu.vector_load %arg8[%get3A_199, %get3A_200] {strides = array<i32>} : memref<128x128xf32, #tpu.memory_space<vmem>>, vector<16xf32>,
        %mul3A_202 = vector.broadcast %squeeze3A_194 : f32 to vector<16xf32>
        %mul3A_203 = arith.mulf %get3A_201, %mul3A_202 : vector<16xf32>
        %swap3A_204 = arith.index_cast %add3A_198 : i32 to index
        %swap3A_205 = arith.constant 0 : index
        %swap3A_206 = tpu.vector_load %arg8[%swap3A_204, %swap3A_205] {strides = array<i32>} : memref<128x128xf32, #tpu.memory_space<vmem>>, vector<16xf32>,
        tpu.vector_store %arg8[%swap3A_204, %swap3A_205], %mul3A_203 {strides = array<i32>} : memref<128x128xf32, #tpu.memory_space<vmem>>, vector<16xf32>,
        %get3A_207 = arith.index_cast %add3A_198 : i32 to index
        %get3A_208 = arith.constant 16 : index
        %get3A_209 = tpu.vector_load %arg8[%get3A_207, %get3A_208] {strides = array<i32>} : memref<128x128xf32, #tpu.memory_space<vmem>>, vector<16xf32>,
        %mul3A_210 = vector.broadcast %squeeze3A_194 : f32 to vector<16xf32>
        %mul3A_211 = arith.mulf %get3A_209, %mul3A_210 : vector<16xf32>
        %swap3A_212 = arith.index_cast %add3A_198 : i32 to index
        %swap3A_213 = arith.constant 16 : index
        %swap3A_214 = tpu.vector_load %arg8[%swap3A_212, %swap3A_213] {strides = array<i32>} : memref<128x128xf32, #tpu.memory_space<vmem>>, vector<16xf32>,
        tpu.vector_store %arg8[%swap3A_212, %swap3A_213], %mul3A_211 {strides = array<i32>} : memref<128x128xf32, #tpu.memory_space<vmem>>, vector<16xf32>,
        %get3A_215 = arith.index_cast %add3A_198 : i32 to index
        %get3A_216 = arith.constant 32 : index
        %get3A_217 = tpu.vector_load %arg8[%get3A_215, %get3A_216] {strides = array<i32>} : memref<128x128xf32, #tpu.memory_space<vmem>>, vector<16xf32>,
        %mul3A_218 = vector.broadcast %squeeze3A_194 : f32 to vector<16xf32>
        %mul3A_219 = arith.mulf %get3A_217, %mul3A_218 : vector<16xf32>
        %swap3A_220 = arith.index_cast %add3A_198 : i32 to index
        %swap3A_221 = arith.constant 32 : index
        %swap3A_222 = tpu.vector_load %arg8[%swap3A_220, %swap3A_221] {strides = array<i32>} : memref<128x128xf32, #tpu.memory_space<vmem>>, vector<16xf32>,
        tpu.vector_store %arg8[%swap3A_220, %swap3A_221], %mul3A_219 {strides = array<i32>} : memref<128x128xf32, #tpu.memory_space<vmem>>, vector<16xf32>,
        %get3A_223 = arith.index_cast %add3A_198 : i32 to index
        %get3A_224 = arith.constant 48 : index
        %get3A_225 = tpu.vector_load %arg8[%get3A_223, %get3A_224] {strides = array<i32>} : memref<128x128xf32, #tpu.memory_space<vmem>>, vector<16xf32>,
        %mul3A_226 = vector.broadcast %squeeze3A_194 : f32 to vector<16xf32>
        %mul3A_227 = arith.mulf %get3A_225, %mul3A_226 : vector<16xf32>
        %swap3A_228 = arith.index_cast %add3A_198 : i32 to index
        %swap3A_229 = arith.constant 48 : index
        %swap3A_230 = tpu.vector_load %arg8[%swap3A_228, %swap3A_229] {strides = array<i32>} : memref<128x128xf32, #tpu.memory_space<vmem>>, vector<16xf32>,
        tpu.vector_store %arg8[%swap3A_228, %swap3A_229], %mul3A_227 {strides = array<i32>} : memref<128x128xf32, #tpu.memory_space<vmem>>, vector<16xf32>,
        %get3A_231 = arith.index_cast %add3A_198 : i32 to index
        %get3A_232 = arith.constant 64 : index
        %get3A_233 = tpu.vector_load %arg8[%get3A_231, %get3A_232] {strides = array<i32>} : memref<128x128xf32, #tpu.memory_space<vmem>>, vector<16xf32>,
        %mul3A_234 = vector.broadcast %squeeze3A_194 : f32 to vector<16xf32>
        %mul3A_235 = arith.mulf %get3A_233, %mul3A_234 : vector<16xf32>
        %swap3A_236 = arith.index_cast %add3A_198 : i32 to index
        %swap3A_237 = arith.constant 64 : index
        %swap3A_238 = tpu.vector_load %arg8[%swap3A_236, %swap3A_237] {strides = array<i32>} : memref<128x128xf32, #tpu.memory_space<vmem>>, vector<16xf32>,
        tpu.vector_store %arg8[%swap3A_236, %swap3A_237], %mul3A_235 {strides = array<i32>} : memref<128x128xf32, #tpu.memory_space<vmem>>, vector<16xf32>,
        %get3A_239 = arith.index_cast %add3A_198 : i32 to index
        %get3A_240 = arith.constant 80 : index
        %get3A_241 = tpu.vector_load %arg8[%get3A_239, %get3A_240] {strides = array<i32>} : memref<128x128xf32, #tpu.memory_space<vmem>>, vector<16xf32>,
        %mul3A_242 = vector.broadcast %squeeze3A_194 : f32 to vector<16xf32>
        %mul3A_243 = arith.mulf %get3A_241, %mul3A_242 : vector<16xf32>
        %swap3A_244 = arith.index_cast %add3A_198 : i32 to index
        %swap3A_245 = arith.constant 80 : index
        %swap3A_246 = tpu.vector_load %arg8[%swap3A_244, %swap3A_245] {strides = array<i32>} : memref<128x128xf32, #tpu.memory_space<vmem>>, vector<16xf32>,
        tpu.vector_store %arg8[%swap3A_244, %swap3A_245], %mul3A_243 {strides = array<i32>} : memref<128x128xf32, #tpu.memory_space<vmem>>, vector<16xf32>,
        %get3A_247 = arith.index_cast %add3A_198 : i32 to index
        %get3A_248 = arith.constant 96 : index
        %get3A_249 = tpu.vector_load %arg8[%get3A_247, %get3A_248] {strides = array<i32>} : memref<128x128xf32, #tpu.memory_space<vmem>>, vector<16xf32>,
        %mul3A_250 = vector.broadcast %squeeze3A_194 : f32 to vector<16xf32>
        %mul3A_251 = arith.mulf %get3A_249, %mul3A_250 : vector<16xf32>
        %swap3A_252 = arith.index_cast %add3A_198 : i32 to index
        %swap3A_253 = arith.constant 96 : index
        %swap3A_254 = tpu.vector_load %arg8[%swap3A_252, %swap3A_253] {strides = array<i32>} : memref<128x128xf32, #tpu.memory_space<vmem>>, vector<16xf32>,
        tpu.vector_store %arg8[%swap3A_252, %swap3A_253], %mul3A_251 {strides = array<i32>} : memref<128x128xf32, #tpu.memory_space<vmem>>, vector<16xf32>,
        %get3A_255 = arith.index_cast %add3A_198 : i32 to index
        %get3A_256 = arith.constant 112 : index
        %get3A_257 = tpu.vector_load %arg8[%get3A_255, %get3A_256] {strides = array<i32>} : memref<128x128xf32, #tpu.memory_space<vmem>>, vector<16xf32>,
        %mul3A_258 = vector.broadcast %squeeze3A_194 : f32 to vector<16xf32>
        %mul3A_259 = arith.mulf %get3A_257, %mul3A_258 : vector<16xf32>
        %swap3A_260 = arith.index_cast %add3A_198 : i32 to index
        %swap3A_261 = arith.constant 112 : index
        %swap3A_262 = tpu.vector_load %arg8[%swap3A_260, %swap3A_261] {strides = array<i32>} : memref<128x128xf32, #tpu.memory_space<vmem>>, vector<16xf32>,
        tpu.vector_store %arg8[%swap3A_260, %swap3A_261], %mul3A_259 {strides = array<i32>} : memref<128x128xf32, #tpu.memory_space<vmem>>, vector<16xf32>,
        %slice3A_263 = vector.extract_strided_slice %get3A_55 {offsets = [3], sizes = [1], strides = [1]} : vector<16xf32> to vector<1xf32>
        %squeeze3A_264 = vector.extract %slice3A_263[0] : f32 from vector<1xf32>
        %mul3A_265 = arith.constant 16 : i32
        %mul3A_266 = arith.muli %scan3A_52, %mul3A_265 : i32
        %add3A_267 = arith.constant 3 : i32
        %add3A_268 = arith.addi %mul3A_266, %add3A_267 : i32
        %get3A_269 = arith.index_cast %add3A_268 : i32 to index
        %get3A_270 = arith.constant 0 : index
        %get3A_271 = tpu.vector_load %arg8[%get3A_269, %get3A_270] {strides = array<i32>} : memref<128x128xf32, #tpu.memory_space<vmem>>, vector<16xf32>,
        %mul3A_272 = vector.broadcast %squeeze3A_264 : f32 to vector<16xf32>
        %mul3A_273 = arith.mulf %get3A_271, %mul3A_272 : vector<16xf32>
        %swap3A_274 = arith.index_cast %add3A_268 : i32 to index
        %swap3A_275 = arith.constant 0 : index
        %swap3A_276 = tpu.vector_load %arg8[%swap3A_274, %swap3A_275] {strides = array<i32>} : memref<128x128xf32, #tpu.memory_space<vmem>>, vector<16xf32>,
        tpu.vector_store %arg8[%swap3A_274, %swap3A_275], %mul3A_273 {strides = array<i32>} : memref<128x128xf32, #tpu.memory_space<vmem>>, vector<16xf32>,
        %get3A_277 = arith.index_cast %add3A_268 : i32 to index
        %get3A_278 = arith.constant 16 : index
        %get3A_279 = tpu.vector_load %arg8[%get3A_277, %get3A_278] {strides = array<i32>} : memref<128x128xf32, #tpu.memory_space<vmem>>, vector<16xf32>,
        %mul3A_280 = vector.broadcast %squeeze3A_264 : f32 to vector<16xf32>
        %mul3A_281 = arith.mulf %get3A_279, %mul3A_280 : vector<16xf32>
        %swap3A_282 = arith.index_cast %add3A_268 : i32 to index
        %swap3A_283 = arith.constant 16 : index
        %swap3A_284 = tpu.vector_load %arg8[%swap3A_282, %swap3A_283] {strides = array<i32>} : memref<128x128xf32, #tpu.memory_space<vmem>>, vector<16xf32>,
        tpu.vector_store %arg8[%swap3A_282, %swap3A_283], %mul3A_281 {strides = array<i32>} : memref<128x128xf32, #tpu.memory_space<vmem>>, vector<16xf32>,
        %get3A_285 = arith.index_cast %add3A_268 : i32 to index
        %get3A_286 = arith.constant 32 : index
        %get3A_287 = tpu.vector_load %arg8[%get3A_285, %get3A_286] {strides = array<i32>} : memref<128x128xf32, #tpu.memory_space<vmem>>, vector<16xf32>,
        %mul3A_288 = vector.broadcast %squeeze3A_264 : f32 to vector<16xf32>
        %mul3A_289 = arith.mulf %get3A_287, %mul3A_288 : vector<16xf32>
        %swap3A_290 = arith.index_cast %add3A_268 : i32 to index
        %swap3A_291 = arith.constant 32 : index
        %swap3A_292 = tpu.vector_load %arg8[%swap3A_290, %swap3A_291] {strides = array<i32>} : memref<128x128xf32, #tpu.memory_space<vmem>>, vector<16xf32>,
        tpu.vector_store %arg8[%swap3A_290, %swap3A_291], %mul3A_289 {strides = array<i32>} : memref<128x128xf32, #tpu.memory_space<vmem>>, vector<16xf32>,
        %get3A_293 = arith.index_cast %add3A_268 : i32 to index
        %get3A_294 = arith.constant 48 : index
        %get3A_295 = tpu.vector_load %arg8[%get3A_293, %get3A_294] {strides = array<i32>} : memref<128x128xf32, #tpu.memory_space<vmem>>, vector<16xf32>,
        %mul3A_296 = vector.broadcast %squeeze3A_264 : f32 to vector<16xf32>
        %mul3A_297 = arith.mulf %get3A_295, %mul3A_296 : vector<16xf32>
        %swap3A_298 = arith.index_cast %add3A_268 : i32 to index
        %swap3A_299 = arith.constant 48 : index
        %swap3A_300 = tpu.vector_load %arg8[%swap3A_298, %swap3A_299] {strides = array<i32>} : memref<128x128xf32, #tpu.memory_space<vmem>>, vector<16xf32>,
        tpu.vector_store %arg8[%swap3A_298, %swap3A_299], %mul3A_297 {strides = array<i32>} : memref<128x128xf32, #tpu.memory_space<vmem>>, vector<16xf32>,
        %get3A_301 = arith.index_cast %add3A_268 : i32 to index
        %get3A_302 = arith.constant 64 : index
        %get3A_303 = tpu.vector_load %arg8[%get3A_301, %get3A_302] {strides = array<i32>} : memref<128x128xf32, #tpu.memory_space<vmem>>, vector<16xf32>,
        %mul3A_304 = vector.broadcast %squeeze3A_264 : f32 to vector<16xf32>
        %mul3A_305 = arith.mulf %get3A_303, %mul3A_304 : vector<16xf32>
        %swap3A_306 = arith.index_cast %add3A_268 : i32 to index
        %swap3A_307 = arith.constant 64 : index
        %swap3A_308 = tpu.vector_load %arg8[%swap3A_306, %swap3A_307] {strides = array<i32>} : memref<128x128xf32, #tpu.memory_space<vmem>>, vector<16xf32>,
        tpu.vector_store %arg8[%swap3A_306, %swap3A_307], %mul3A_305 {strides = array<i32>} : memref<128x128xf32, #tpu.memory_space<vmem>>, vector<16xf32>,
        %get3A_309 = arith.index_cast %add3A_268 : i32 to index
        %get3A_310 = arith.constant 80 : index
        %get3A_311 = tpu.vector_load %arg8[%get3A_309, %get3A_310] {strides = array<i32>} : memref<128x128xf32, #tpu.memory_space<vmem>>, vector<16xf32>,
        %mul3A_312 = vector.broadcast %squeeze3A_264 : f32 to vector<16xf32>
        %mul3A_313 = arith.mulf %get3A_311, %mul3A_312 : vector<16xf32>
        %swap3A_314 = arith.index_cast %add3A_268 : i32 to index
        %swap3A_315 = arith.constant 80 : index
        %swap3A_316 = tpu.vector_load %arg8[%swap3A_314, %swap3A_315] {strides = array<i32>} : memref<128x128xf32, #tpu.memory_space<vmem>>, vector<16xf32>,
        tpu.vector_store %arg8[%swap3A_314, %swap3A_315], %mul3A_313 {strides = array<i32>} : memref<128x128xf32, #tpu.memory_space<vmem>>, vector<16xf32>,
        %get3A_317 = arith.index_cast %add3A_268 : i32 to index
        %get3A_318 = arith.constant 96 : index
        %get3A_319 = tpu.vector_load %arg8[%get3A_317, %get3A_318] {strides = array<i32>} : memref<128x128xf32, #tpu.memory_space<vmem>>, vector<16xf32>,
        %mul3A_320 = vector.broadcast %squeeze3A_264 : f32 to vector<16xf32>
        %mul3A_321 = arith.mulf %get3A_319, %mul3A_320 : vector<16xf32>
        %swap3A_322 = arith.index_cast %add3A_268 : i32 to index
        %swap3A_323 = arith.constant 96 : index
        %swap3A_324 = tpu.vector_load %arg8[%swap3A_322, %swap3A_323] {strides = array<i32>} : memref<128x128xf32, #tpu.memory_space<vmem>>, vector<16xf32>,
        tpu.vector_store %arg8[%swap3A_322, %swap3A_323], %mul3A_321 {strides = array<i32>} : memref<128x128xf32, #tpu.memory_space<vmem>>, vector<16xf32>,
        %get3A_325 = arith.index_cast %add3A_268 : i32 to index
        %get3A_326 = arith.constant 112 : index
        %get3A_327 = tpu.vector_load %arg8[%get3A_325, %get3A_326] {strides = array<i32>} : memref<128x128xf32, #tpu.memory_space<vmem>>, vector<16xf32>,
        %mul3A_328 = vector.broadcast %squeeze3A_264 : f32 to vector<16xf32>
        %mul3A_329 = arith.mulf %get3A_327, %mul3A_328 : vector<16xf32>
        %swap3A_330 = arith.index_cast %add3A_268 : i32 to index
        %swap3A_331 = arith.constant 112 : index
        %swap3A_332 = tpu.vector_load %arg8[%swap3A_330, %swap3A_331] {strides = array<i32>} : memref<128x128xf32, #tpu.memory_space<vmem>>, vector<16xf32>,
        tpu.vector_store %arg8[%swap3A_330, %swap3A_331], %mul3A_329 {strides = array<i32>} : memref<128x128xf32, #tpu.memory_space<vmem>>, vector<16xf32>,
        %slice3A_333 = vector.extract_strided_slice %get3A_55 {offsets = [4], sizes = [1], strides = [1]} : vector<16xf32> to vector<1xf32>
        %squeeze3A_334 = vector.extract %slice3A_333[0] : f32 from vector<1xf32>
        %mul3A_335 = arith.constant 16 : i32
        %mul3A_336 = arith.muli %scan3A_52, %mul3A_335 : i32
        %add3A_337 = arith.constant 4 : i32
        %add3A_338 = arith.addi %mul3A_336, %add3A_337 : i32
        %get3A_339 = arith.index_cast %add3A_338 : i32 to index
        %get3A_340 = arith.constant 0 : index
        %get3A_341 = tpu.vector_load %arg8[%get3A_339, %get3A_340] {strides = array<i32>} : memref<128x128xf32, #tpu.memory_space<vmem>>, vector<16xf32>,
        %mul3A_342 = vector.broadcast %squeeze3A_334 : f32 to vector<16xf32>
        %mul3A_343 = arith.mulf %get3A_341, %mul3A_342 : vector<16xf32>
        %swap3A_344 = arith.index_cast %add3A_338 : i32 to index
        %swap3A_345 = arith.constant 0 : index
        %swap3A_346 = tpu.vector_load %arg8[%swap3A_344, %swap3A_345] {strides = array<i32>} : memref<128x128xf32, #tpu.memory_space<vmem>>, vector<16xf32>,
        tpu.vector_store %arg8[%swap3A_344, %swap3A_345], %mul3A_343 {strides = array<i32>} : memref<128x128xf32, #tpu.memory_space<vmem>>, vector<16xf32>,
        %get3A_347 = arith.index_cast %add3A_338 : i32 to index
        %get3A_348 = arith.constant 16 : index
        %get3A_349 = tpu.vector_load %arg8[%get3A_347, %get3A_348] {strides = array<i32>} : memref<128x128xf32, #tpu.memory_space<vmem>>, vector<16xf32>,
        %mul3A_350 = vector.broadcast %squeeze3A_334 : f32 to vector<16xf32>
        %mul3A_351 = arith.mulf %get3A_349, %mul3A_350 : vector<16xf32>
        %swap3A_352 = arith.index_cast %add3A_338 : i32 to index
        %swap3A_353 = arith.constant 16 : index
        %swap3A_354 = tpu.vector_load %arg8[%swap3A_352, %swap3A_353] {strides = array<i32>} : memref<128x128xf32, #tpu.memory_space<vmem>>, vector<16xf32>,
        tpu.vector_store %arg8[%swap3A_352, %swap3A_353], %mul3A_351 {strides = array<i32>} : memref<128x128xf32, #tpu.memory_space<vmem>>, vector<16xf32>,
        %get3A_355 = arith.index_cast %add3A_338 : i32 to index
        %get3A_356 = arith.constant 32 : index
        %get3A_357 = tpu.vector_load %arg8[%get3A_355, %get3A_356] {strides = array<i32>} : memref<128x128xf32, #tpu.memory_space<vmem>>, vector<16xf32>,
        %mul3A_358 = vector.broadcast %squeeze3A_334 : f32 to vector<16xf32>
        %mul3A_359 = arith.mulf %get3A_357, %mul3A_358 : vector<16xf32>
        %swap3A_360 = arith.index_cast %add3A_338 : i32 to index
        %swap3A_361 = arith.constant 32 : index
        %swap3A_362 = tpu.vector_load %arg8[%swap3A_360, %swap3A_361] {strides = array<i32>} : memref<128x128xf32, #tpu.memory_space<vmem>>, vector<16xf32>,
        tpu.vector_store %arg8[%swap3A_360, %swap3A_361], %mul3A_359 {strides = array<i32>} : memref<128x128xf32, #tpu.memory_space<vmem>>, vector<16xf32>,
        %get3A_363 = arith.index_cast %add3A_338 : i32 to index
        %get3A_364 = arith.constant 48 : index
        %get3A_365 = tpu.vector_load %arg8[%get3A_363, %get3A_364] {strides = array<i32>} : memref<128x128xf32, #tpu.memory_space<vmem>>, vector<16xf32>,
        %mul3A_366 = vector.broadcast %squeeze3A_334 : f32 to vector<16xf32>
        %mul3A_367 = arith.mulf %get3A_365, %mul3A_366 : vector<16xf32>
        %swap3A_368 = arith.index_cast %add3A_338 : i32 to index
        %swap3A_369 = arith.constant 48 : index
        %swap3A_370 = tpu.vector_load %arg8[%swap3A_368, %swap3A_369] {strides = array<i32>} : memref<128x128xf32, #tpu.memory_space<vmem>>, vector<16xf32>,
        tpu.vector_store %arg8[%swap3A_368, %swap3A_369], %mul3A_367 {strides = array<i32>} : memref<128x128xf32, #tpu.memory_space<vmem>>, vector<16xf32>,
        %get3A_371 = arith.index_cast %add3A_338 : i32 to index
        %get3A_372 = arith.constant 64 : index
        %get3A_373 = tpu.vector_load %arg8[%get3A_371, %get3A_372] {strides = array<i32>} : memref<128x128xf32, #tpu.memory_space<vmem>>, vector<16xf32>,
        %mul3A_374 = vector.broadcast %squeeze3A_334 : f32 to vector<16xf32>
        %mul3A_375 = arith.mulf %get3A_373, %mul3A_374 : vector<16xf32>
        %swap3A_376 = arith.index_cast %add3A_338 : i32 to index
        %swap3A_377 = arith.constant 64 : index
        %swap3A_378 = tpu.vector_load %arg8[%swap3A_376, %swap3A_377] {strides = array<i32>} : memref<128x128xf32, #tpu.memory_space<vmem>>, vector<16xf32>,
        tpu.vector_store %arg8[%swap3A_376, %swap3A_377], %mul3A_375 {strides = array<i32>} : memref<128x128xf32, #tpu.memory_space<vmem>>, vector<16xf32>,
        %get3A_379 = arith.index_cast %add3A_338 : i32 to index
        %get3A_380 = arith.constant 80 : index
        %get3A_381 = tpu.vector_load %arg8[%get3A_379, %get3A_380] {strides = array<i32>} : memref<128x128xf32, #tpu.memory_space<vmem>>, vector<16xf32>,
        %mul3A_382 = vector.broadcast %squeeze3A_334 : f32 to vector<16xf32>
        %mul3A_383 = arith.mulf %get3A_381, %mul3A_382 : vector<16xf32>
        %swap3A_384 = arith.index_cast %add3A_338 : i32 to index
        %swap3A_385 = arith.constant 80 : index
        %swap3A_386 = tpu.vector_load %arg8[%swap3A_384, %swap3A_385] {strides = array<i32>} : memref<128x128xf32, #tpu.memory_space<vmem>>, vector<16xf32>,
        tpu.vector_store %arg8[%swap3A_384, %swap3A_385], %mul3A_383 {strides = array<i32>} : memref<128x128xf32, #tpu.memory_space<vmem>>, vector<16xf32>,
        %get3A_387 = arith.index_cast %add3A_338 : i32 to index
        %get3A_388 = arith.constant 96 : index
        %get3A_389 = tpu.vector_load %arg8[%get3A_387, %get3A_388] {strides = array<i32>} : memref<128x128xf32, #tpu.memory_space<vmem>>, vector<16xf32>,
        %mul3A_390 = vector.broadcast %squeeze3A_334 : f32 to vector<16xf32>
        %mul3A_391 = arith.mulf %get3A_389, %mul3A_390 : vector<16xf32>
        %swap3A_392 = arith.index_cast %add3A_338 : i32 to index
        %swap3A_393 = arith.constant 96 : index
        %swap3A_394 = tpu.vector_load %arg8[%swap3A_392, %swap3A_393] {strides = array<i32>} : memref<128x128xf32, #tpu.memory_space<vmem>>, vector<16xf32>,
        tpu.vector_store %arg8[%swap3A_392, %swap3A_393], %mul3A_391 {strides = array<i32>} : memref<128x128xf32, #tpu.memory_space<vmem>>, vector<16xf32>,
        %get3A_395 = arith.index_cast %add3A_338 : i32 to index
        %get3A_396 = arith.constant 112 : index
        %get3A_397 = tpu.vector_load %arg8[%get3A_395, %get3A_396] {strides = array<i32>} : memref<128x128xf32, #tpu.memory_space<vmem>>, vector<16xf32>,
        %mul3A_398 = vector.broadcast %squeeze3A_334 : f32 to vector<16xf32>
        %mul3A_399 = arith.mulf %get3A_397, %mul3A_398 : vector<16xf32>
        %swap3A_400 = arith.index_cast %add3A_338 : i32 to index
        %swap3A_401 = arith.constant 112 : index
        %swap3A_402 = tpu.vector_load %arg8[%swap3A_400, %swap3A_401] {strides = array<i32>} : memref<128x128xf32, #tpu.memory_space<vmem>>, vector<16xf32>,
        tpu.vector_store %arg8[%swap3A_400, %swap3A_401], %mul3A_399 {strides = array<i32>} : memref<128x128xf32, #tpu.memory_space<vmem>>, vector<16xf32>,
        %slice3A_403 = vector.extract_strided_slice %get3A_55 {offsets = [5], sizes = [1], strides = [1]} : vector<16xf32> to vector<1xf32>
        %squeeze3A_404 = vector.extract %slice3A_403[0] : f32 from vector<1xf32>
        %mul3A_405 = arith.constant 16 : i32
        %mul3A_406 = arith.muli %scan3A_52, %mul3A_405 : i32
        %add3A_407 = arith.constant 5 : i32
        %add3A_408 = arith.addi %mul3A_406, %add3A_407 : i32
        %get3A_409 = arith.index_cast %add3A_408 : i32 to index
        %get3A_410 = arith.constant 0 : index
        %get3A_411 = tpu.vector_load %arg8[%get3A_409, %get3A_410] {strides = array<i32>} : memref<128x128xf32, #tpu.memory_space<vmem>>, vector<16xf32>,
        %mul3A_412 = vector.broadcast %squeeze3A_404 : f32 to vector<16xf32>
        %mul3A_413 = arith.mulf %get3A_411, %mul3A_412 : vector<16xf32>
        %swap3A_414 = arith.index_cast %add3A_408 : i32 to index
        %swap3A_415 = arith.constant 0 : index
        %swap3A_416 = tpu.vector_load %arg8[%swap3A_414, %swap3A_415] {strides = array<i32>} : memref<128x128xf32, #tpu.memory_space<vmem>>, vector<16xf32>,
        tpu.vector_store %arg8[%swap3A_414, %swap3A_415], %mul3A_413 {strides = array<i32>} : memref<128x128xf32, #tpu.memory_space<vmem>>, vector<16xf32>,
        %get3A_417 = arith.index_cast %add3A_408 : i32 to index
        %get3A_418 = arith.constant 16 : index
        %get3A_419 = tpu.vector_load %arg8[%get3A_417, %get3A_418] {strides = array<i32>} : memref<128x128xf32, #tpu.memory_space<vmem>>, vector<16xf32>,
        %mul3A_420 = vector.broadcast %squeeze3A_404 : f32 to vector<16xf32>
        %mul3A_421 = arith.mulf %get3A_419, %mul3A_420 : vector<16xf32>
        %swap3A_422 = arith.index_cast %add3A_408 : i32 to index
        %swap3A_423 = arith.constant 16 : index
        %swap3A_424 = tpu.vector_load %arg8[%swap3A_422, %swap3A_423] {strides = array<i32>} : memref<128x128xf32, #tpu.memory_space<vmem>>, vector<16xf32>,
        tpu.vector_store %arg8[%swap3A_422, %swap3A_423], %mul3A_421 {strides = array<i32>} : memref<128x128xf32, #tpu.memory_space<vmem>>, vector<16xf32>,
        %get3A_425 = arith.index_cast %add3A_408 : i32 to index
        %get3A_426 = arith.constant 32 : index
        %get3A_427 = tpu.vector_load %arg8[%get3A_425, %get3A_426] {strides = array<i32>} : memref<128x128xf32, #tpu.memory_space<vmem>>, vector<16xf32>,
        %mul3A_428 = vector.broadcast %squeeze3A_404 : f32 to vector<16xf32>
        %mul3A_429 = arith.mulf %get3A_427, %mul3A_428 : vector<16xf32>
        %swap3A_430 = arith.index_cast %add3A_408 : i32 to index
        %swap3A_431 = arith.constant 32 : index
        %swap3A_432 = tpu.vector_load %arg8[%swap3A_430, %swap3A_431] {strides = array<i32>} : memref<128x128xf32, #tpu.memory_space<vmem>>, vector<16xf32>,
        tpu.vector_store %arg8[%swap3A_430, %swap3A_431], %mul3A_429 {strides = array<i32>} : memref<128x128xf32, #tpu.memory_space<vmem>>, vector<16xf32>,
        %get3A_433 = arith.index_cast %add3A_408 : i32 to index
        %get3A_434 = arith.constant 48 : index
        %get3A_435 = tpu.vector_load %arg8[%get3A_433, %get3A_434] {strides = array<i32>} : memref<128x128xf32, #tpu.memory_space<vmem>>, vector<16xf32>,
        %mul3A_436 = vector.broadcast %squeeze3A_404 : f32 to vector<16xf32>
        %mul3A_437 = arith.mulf %get3A_435, %mul3A_436 : vector<16xf32>
        %swap3A_438 = arith.index_cast %add3A_408 : i32 to index
        %swap3A_439 = arith.constant 48 : index
        %swap3A_440 = tpu.vector_load %arg8[%swap3A_438, %swap3A_439] {strides = array<i32>} : memref<128x128xf32, #tpu.memory_space<vmem>>, vector<16xf32>,
        tpu.vector_store %arg8[%swap3A_438, %swap3A_439], %mul3A_437 {strides = array<i32>} : memref<128x128xf32, #tpu.memory_space<vmem>>, vector<16xf32>,
        %get3A_441 = arith.index_cast %add3A_408 : i32 to index
        %get3A_442 = arith.constant 64 : index
        %get3A_443 = tpu.vector_load %arg8[%get3A_441, %get3A_442] {strides = array<i32>} : memref<128x128xf32, #tpu.memory_space<vmem>>, vector<16xf32>,
        %mul3A_444 = vector.broadcast %squeeze3A_404 : f32 to vector<16xf32>
        %mul3A_445 = arith.mulf %get3A_443, %mul3A_444 : vector<16xf32>
        %swap3A_446 = arith.index_cast %add3A_408 : i32 to index
        %swap3A_447 = arith.constant 64 : index
        %swap3A_448 = tpu.vector_load %arg8[%swap3A_446, %swap3A_447] {strides = array<i32>} : memref<128x128xf32, #tpu.memory_space<vmem>>, vector<16xf32>,
        tpu.vector_store %arg8[%swap3A_446, %swap3A_447], %mul3A_445 {strides = array<i32>} : memref<128x128xf32, #tpu.memory_space<vmem>>, vector<16xf32>,
        %get3A_449 = arith.index_cast %add3A_408 : i32 to index
        %get3A_450 = arith.constant 80 : index
        %get3A_451 = tpu.vector_load %arg8[%get3A_449, %get3A_450] {strides = array<i32>} : memref<128x128xf32, #tpu.memory_space<vmem>>, vector<16xf32>,
        %mul3A_452 = vector.broadcast %squeeze3A_404 : f32 to vector<16xf32>
        %mul3A_453 = arith.mulf %get3A_451, %mul3A_452 : vector<16xf32>
        %swap3A_454 = arith.index_cast %add3A_408 : i32 to index
        %swap3A_455 = arith.constant 80 : index
        %swap3A_456 = tpu.vector_load %arg8[%swap3A_454, %swap3A_455] {strides = array<i32>} : memref<128x128xf32, #tpu.memory_space<vmem>>, vector<16xf32>,
        tpu.vector_store %arg8[%swap3A_454, %swap3A_455], %mul3A_453 {strides = array<i32>} : memref<128x128xf32, #tpu.memory_space<vmem>>, vector<16xf32>,
        %get3A_457 = arith.index_cast %add3A_408 : i32 to index
        %get3A_458 = arith.constant 96 : index
        %get3A_459 = tpu.vector_load %arg8[%get3A_457, %get3A_458] {strides = array<i32>} : memref<128x128xf32, #tpu.memory_space<vmem>>, vector<16xf32>,
        %mul3A_460 = vector.broadcast %squeeze3A_404 : f32 to vector<16xf32>
        %mul3A_461 = arith.mulf %get3A_459, %mul3A_460 : vector<16xf32>
        %swap3A_462 = arith.index_cast %add3A_408 : i32 to index
        %swap3A_463 = arith.constant 96 : index
        %swap3A_464 = tpu.vector_load %arg8[%swap3A_462, %swap3A_463] {strides = array<i32>} : memref<128x128xf32, #tpu.memory_space<vmem>>, vector<16xf32>,
        tpu.vector_store %arg8[%swap3A_462, %swap3A_463], %mul3A_461 {strides = array<i32>} : memref<128x128xf32, #tpu.memory_space<vmem>>, vector<16xf32>,
        %get3A_465 = arith.index_cast %add3A_408 : i32 to index
        %get3A_466 = arith.constant 112 : index
        %get3A_467 = tpu.vector_load %arg8[%get3A_465, %get3A_466] {strides = array<i32>} : memref<128x128xf32, #tpu.memory_space<vmem>>, vector<16xf32>,
        %mul3A_468 = vector.broadcast %squeeze3A_404 : f32 to vector<16xf32>
        %mul3A_469 = arith.mulf %get3A_467, %mul3A_468 : vector<16xf32>
        %swap3A_470 = arith.index_cast %add3A_408 : i32 to index
        %swap3A_471 = arith.constant 112 : index
        %swap3A_472 = tpu.vector_load %arg8[%swap3A_470, %swap3A_471] {strides = array<i32>} : memref<128x128xf32, #tpu.memory_space<vmem>>, vector<16xf32>,
        tpu.vector_store %arg8[%swap3A_470, %swap3A_471], %mul3A_469 {strides = array<i32>} : memref<128x128xf32, #tpu.memory_space<vmem>>, vector<16xf32>,
        %slice3A_473 = vector.extract_strided_slice %get3A_55 {offsets = [6], sizes = [1], strides = [1]} : vector<16xf32> to vector<1xf32>
        %squeeze3A_474 = vector.extract %slice3A_473[0] : f32 from vector<1xf32>
        %mul3A_475 = arith.constant 16 : i32
        %mul3A_476 = arith.muli %scan3A_52, %mul3A_475 : i32
        %add3A_477 = arith.constant 6 : i32
        %add3A_478 = arith.addi %mul3A_476, %add3A_477 : i32
        %get3A_479 = arith.index_cast %add3A_478 : i32 to index
        %get3A_480 = arith.constant 0 : index
        %get3A_481 = tpu.vector_load %arg8[%get3A_479, %get3A_480] {strides = array<i32>} : memref<128x128xf32, #tpu.memory_space<vmem>>, vector<16xf32>,
        %mul3A_482 = vector.broadcast %squeeze3A_474 : f32 to vector<16xf32>
        %mul3A_483 = arith.mulf %get3A_481, %mul3A_482 : vector<16xf32>
        %swap3A_484 = arith.index_cast %add3A_478 : i32 to index
        %swap3A_485 = arith.constant 0 : index
        %swap3A_486 = tpu.vector_load %arg8[%swap3A_484, %swap3A_485] {strides = array<i32>} : memref<128x128xf32, #tpu.memory_space<vmem>>, vector<16xf32>,
        tpu.vector_store %arg8[%swap3A_484, %swap3A_485], %mul3A_483 {strides = array<i32>} : memref<128x128xf32, #tpu.memory_space<vmem>>, vector<16xf32>,
        %get3A_487 = arith.index_cast %add3A_478 : i32 to index
        %get3A_488 = arith.constant 16 : index
        %get3A_489 = tpu.vector_load %arg8[%get3A_487, %get3A_488] {strides = array<i32>} : memref<128x128xf32, #tpu.memory_space<vmem>>, vector<16xf32>,
        %mul3A_490 = vector.broadcast %squeeze3A_474 : f32 to vector<16xf32>
        %mul3A_491 = arith.mulf %get3A_489, %mul3A_490 : vector<16xf32>
        %swap3A_492 = arith.index_cast %add3A_478 : i32 to index
        %swap3A_493 = arith.constant 16 : index
        %swap3A_494 = tpu.vector_load %arg8[%swap3A_492, %swap3A_493] {strides = array<i32>} : memref<128x128xf32, #tpu.memory_space<vmem>>, vector<16xf32>,
        tpu.vector_store %arg8[%swap3A_492, %swap3A_493], %mul3A_491 {strides = array<i32>} : memref<128x128xf32, #tpu.memory_space<vmem>>, vector<16xf32>,
        %get3A_495 = arith.index_cast %add3A_478 : i32 to index
        %get3A_496 = arith.constant 32 : index
        %get3A_497 = tpu.vector_load %arg8[%get3A_495, %get3A_496] {strides = array<i32>} : memref<128x128xf32, #tpu.memory_space<vmem>>, vector<16xf32>,
        %mul3A_498 = vector.broadcast %squeeze3A_474 : f32 to vector<16xf32>
        %mul3A_499 = arith.mulf %get3A_497, %mul3A_498 : vector<16xf32>
        %swap3A_500 = arith.index_cast %add3A_478 : i32 to index
        %swap3A_501 = arith.constant 32 : index
        %swap3A_502 = tpu.vector_load %arg8[%swap3A_500, %swap3A_501] {strides = array<i32>} : memref<128x128xf32, #tpu.memory_space<vmem>>, vector<16xf32>,
        tpu.vector_store %arg8[%swap3A_500, %swap3A_501], %mul3A_499 {strides = array<i32>} : memref<128x128xf32, #tpu.memory_space<vmem>>, vector<16xf32>,
        %get3A_503 = arith.index_cast %add3A_478 : i32 to index
        %get3A_504 = arith.constant 48 : index
        %get3A_505 = tpu.vector_load %arg8[%get3A_503, %get3A_504] {strides = array<i32>} : memref<128x128xf32, #tpu.memory_space<vmem>>, vector<16xf32>,
        %mul3A_506 = vector.broadcast %squeeze3A_474 : f32 to vector<16xf32>
        %mul3A_507 = arith.mulf %get3A_505, %mul3A_506 : vector<16xf32>
        %swap3A_508 = arith.index_cast %add3A_478 : i32 to index
        %swap3A_509 = arith.constant 48 : index
        %swap3A_510 = tpu.vector_load %arg8[%swap3A_508, %swap3A_509] {strides = array<i32>} : memref<128x128xf32, #tpu.memory_space<vmem>>, vector<16xf32>,
        tpu.vector_store %arg8[%swap3A_508, %swap3A_509], %mul3A_507 {strides = array<i32>} : memref<128x128xf32, #tpu.memory_space<vmem>>, vector<16xf32>,
        %get3A_511 = arith.index_cast %add3A_478 : i32 to index
        %get3A_512 = arith.constant 64 : index
        %get3A_513 = tpu.vector_load %arg8[%get3A_511, %get3A_512] {strides = array<i32>} : memref<128x128xf32, #tpu.memory_space<vmem>>, vector<16xf32>,
        %mul3A_514 = vector.broadcast %squeeze3A_474 : f32 to vector<16xf32>
        %mul3A_515 = arith.mulf %get3A_513, %mul3A_514 : vector<16xf32>
        %swap3A_516 = arith.index_cast %add3A_478 : i32 to index
        %swap3A_517 = arith.constant 64 : index
        %swap3A_518 = tpu.vector_load %arg8[%swap3A_516, %swap3A_517] {strides = array<i32>} : memref<128x128xf32, #tpu.memory_space<vmem>>, vector<16xf32>,
        tpu.vector_store %arg8[%swap3A_516, %swap3A_517], %mul3A_515 {strides = array<i32>} : memref<128x128xf32, #tpu.memory_space<vmem>>, vector<16xf32>,
        %get3A_519 = arith.index_cast %add3A_478 : i32 to index
        %get3A_520 = arith.constant 80 : index
        %get3A_521 = tpu.vector_load %arg8[%get3A_519, %get3A_520] {strides = array<i32>} : memref<128x128xf32, #tpu.memory_space<vmem>>, vector<16xf32>,
        %mul3A_522 = vector.broadcast %squeeze3A_474 : f32 to vector<16xf32>
        %mul3A_523 = arith.mulf %get3A_521, %mul3A_522 : vector<16xf32>
        %swap3A_524 = arith.index_cast %add3A_478 : i32 to index
        %swap3A_525 = arith.constant 80 : index
        %swap3A_526 = tpu.vector_load %arg8[%swap3A_524, %swap3A_525] {strides = array<i32>} : memref<128x128xf32, #tpu.memory_space<vmem>>, vector<16xf32>,
        tpu.vector_store %arg8[%swap3A_524, %swap3A_525], %mul3A_523 {strides = array<i32>} : memref<128x128xf32, #tpu.memory_space<vmem>>, vector<16xf32>,
        %get3A_527 = arith.index_cast %add3A_478 : i32 to index
        %get3A_528 = arith.constant 96 : index
        %get3A_529 = tpu.vector_load %arg8[%get3A_527, %get3A_528] {strides = array<i32>} : memref<128x128xf32, #tpu.memory_space<vmem>>, vector<16xf32>,
        %mul3A_530 = vector.broadcast %squeeze3A_474 : f32 to vector<16xf32>
        %mul3A_531 = arith.mulf %get3A_529, %mul3A_530 : vector<16xf32>
        %swap3A_532 = arith.index_cast %add3A_478 : i32 to index
        %swap3A_533 = arith.constant 96 : index
        %swap3A_534 = tpu.vector_load %arg8[%swap3A_532, %swap3A_533] {strides = array<i32>} : memref<128x128xf32, #tpu.memory_space<vmem>>, vector<16xf32>,
        tpu.vector_store %arg8[%swap3A_532, %swap3A_533], %mul3A_531 {strides = array<i32>} : memref<128x128xf32, #tpu.memory_space<vmem>>, vector<16xf32>,
        %get3A_535 = arith.index_cast %add3A_478 : i32 to index
        %get3A_536 = arith.constant 112 : index
        %get3A_537 = tpu.vector_load %arg8[%get3A_535, %get3A_536] {strides = array<i32>} : memref<128x128xf32, #tpu.memory_space<vmem>>, vector<16xf32>,
        %mul3A_538 = vector.broadcast %squeeze3A_474 : f32 to vector<16xf32>
        %mul3A_539 = arith.mulf %get3A_537, %mul3A_538 : vector<16xf32>
        %swap3A_540 = arith.index_cast %add3A_478 : i32 to index
        %swap3A_541 = arith.constant 112 : index
        %swap3A_542 = tpu.vector_load %arg8[%swap3A_540, %swap3A_541] {strides = array<i32>} : memref<128x128xf32, #tpu.memory_space<vmem>>, vector<16xf32>,
        tpu.vector_store %arg8[%swap3A_540, %swap3A_541], %mul3A_539 {strides = array<i32>} : memref<128x128xf32, #tpu.memory_space<vmem>>, vector<16xf32>,
        %slice3A_543 = vector.extract_strided_slice %get3A_55 {offsets = [7], sizes = [1], strides = [1]} : vector<16xf32> to vector<1xf32>
        %squeeze3A_544 = vector.extract %slice3A_543[0] : f32 from vector<1xf32>
        %mul3A_545 = arith.constant 16 : i32
        %mul3A_546 = arith.muli %scan3A_52, %mul3A_545 : i32
        %add3A_547 = arith.constant 7 : i32
        %add3A_548 = arith.addi %mul3A_546, %add3A_547 : i32
        %get3A_549 = arith.index_cast %add3A_548 : i32 to index
        %get3A_550 = arith.constant 0 : index
        %get3A_551 = tpu.vector_load %arg8[%get3A_549, %get3A_550] {strides = array<i32>} : memref<128x128xf32, #tpu.memory_space<vmem>>, vector<16xf32>,
        %mul3A_552 = vector.broadcast %squeeze3A_544 : f32 to vector<16xf32>
        %mul3A_553 = arith.mulf %get3A_551, %mul3A_552 : vector<16xf32>
        %swap3A_554 = arith.index_cast %add3A_548 : i32 to index
        %swap3A_555 = arith.constant 0 : index
        %swap3A_556 = tpu.vector_load %arg8[%swap3A_554, %swap3A_555] {strides = array<i32>} : memref<128x128xf32, #tpu.memory_space<vmem>>, vector<16xf32>,
        tpu.vector_store %arg8[%swap3A_554, %swap3A_555], %mul3A_553 {strides = array<i32>} : memref<128x128xf32, #tpu.memory_space<vmem>>, vector<16xf32>,
        %get3A_557 = arith.index_cast %add3A_548 : i32 to index
        %get3A_558 = arith.constant 16 : index
        %get3A_559 = tpu.vector_load %arg8[%get3A_557, %get3A_558] {strides = array<i32>} : memref<128x128xf32, #tpu.memory_space<vmem>>, vector<16xf32>,
        %mul3A_560 = vector.broadcast %squeeze3A_544 : f32 to vector<16xf32>
        %mul3A_561 = arith.mulf %get3A_559, %mul3A_560 : vector<16xf32>
        %swap3A_562 = arith.index_cast %add3A_548 : i32 to index
        %swap3A_563 = arith.constant 16 : index
        %swap3A_564 = tpu.vector_load %arg8[%swap3A_562, %swap3A_563] {strides = array<i32>} : memref<128x128xf32, #tpu.memory_space<vmem>>, vector<16xf32>,
        tpu.vector_store %arg8[%swap3A_562, %swap3A_563], %mul3A_561 {strides = array<i32>} : memref<128x128xf32, #tpu.memory_space<vmem>>, vector<16xf32>,
        %get3A_565 = arith.index_cast %add3A_548 : i32 to index
        %get3A_566 = arith.constant 32 : index
        %get3A_567 = tpu.vector_load %arg8[%get3A_565, %get3A_566] {strides = array<i32>} : memref<128x128xf32, #tpu.memory_space<vmem>>, vector<16xf32>,
        %mul3A_568 = vector.broadcast %squeeze3A_544 : f32 to vector<16xf32>
        %mul3A_569 = arith.mulf %get3A_567, %mul3A_568 : vector<16xf32>
        %swap3A_570 = arith.index_cast %add3A_548 : i32 to index
        %swap3A_571 = arith.constant 32 : index
        %swap3A_572 = tpu.vector_load %arg8[%swap3A_570, %swap3A_571] {strides = array<i32>} : memref<128x128xf32, #tpu.memory_space<vmem>>, vector<16xf32>,
        tpu.vector_store %arg8[%swap3A_570, %swap3A_571], %mul3A_569 {strides = array<i32>} : memref<128x128xf32, #tpu.memory_space<vmem>>, vector<16xf32>,
        %get3A_573 = arith.index_cast %add3A_548 : i32 to index
        %get3A_574 = arith.constant 48 : index
        %get3A_575 = tpu.vector_load %arg8[%get3A_573, %get3A_574] {strides = array<i32>} : memref<128x128xf32, #tpu.memory_space<vmem>>, vector<16xf32>,
        %mul3A_576 = vector.broadcast %squeeze3A_544 : f32 to vector<16xf32>
        %mul3A_577 = arith.mulf %get3A_575, %mul3A_576 : vector<16xf32>
        %swap3A_578 = arith.index_cast %add3A_548 : i32 to index
        %swap3A_579 = arith.constant 48 : index
        %swap3A_580 = tpu.vector_load %arg8[%swap3A_578, %swap3A_579] {strides = array<i32>} : memref<128x128xf32, #tpu.memory_space<vmem>>, vector<16xf32>,
        tpu.vector_store %arg8[%swap3A_578, %swap3A_579], %mul3A_577 {strides = array<i32>} : memref<128x128xf32, #tpu.memory_space<vmem>>, vector<16xf32>,
        %get3A_581 = arith.index_cast %add3A_548 : i32 to index
        %get3A_582 = arith.constant 64 : index
        %get3A_583 = tpu.vector_load %arg8[%get3A_581, %get3A_582] {strides = array<i32>} : memref<128x128xf32, #tpu.memory_space<vmem>>, vector<16xf32>,
        %mul3A_584 = vector.broadcast %squeeze3A_544 : f32 to vector<16xf32>
        %mul3A_585 = arith.mulf %get3A_583, %mul3A_584 : vector<16xf32>
        %swap3A_586 = arith.index_cast %add3A_548 : i32 to index
        %swap3A_587 = arith.constant 64 : index
        %swap3A_588 = tpu.vector_load %arg8[%swap3A_586, %swap3A_587] {strides = array<i32>} : memref<128x128xf32, #tpu.memory_space<vmem>>, vector<16xf32>,
        tpu.vector_store %arg8[%swap3A_586, %swap3A_587], %mul3A_585 {strides = array<i32>} : memref<128x128xf32, #tpu.memory_space<vmem>>, vector<16xf32>,
        %get3A_589 = arith.index_cast %add3A_548 : i32 to index
        %get3A_590 = arith.constant 80 : index
        %get3A_591 = tpu.vector_load %arg8[%get3A_589, %get3A_590] {strides = array<i32>} : memref<128x128xf32, #tpu.memory_space<vmem>>, vector<16xf32>,
        %mul3A_592 = vector.broadcast %squeeze3A_544 : f32 to vector<16xf32>
        %mul3A_593 = arith.mulf %get3A_591, %mul3A_592 : vector<16xf32>
        %swap3A_594 = arith.index_cast %add3A_548 : i32 to index
        %swap3A_595 = arith.constant 80 : index
        %swap3A_596 = tpu.vector_load %arg8[%swap3A_594, %swap3A_595] {strides = array<i32>} : memref<128x128xf32, #tpu.memory_space<vmem>>, vector<16xf32>,
        tpu.vector_store %arg8[%swap3A_594, %swap3A_595], %mul3A_593 {strides = array<i32>} : memref<128x128xf32, #tpu.memory_space<vmem>>, vector<16xf32>,
        %get3A_597 = arith.index_cast %add3A_548 : i32 to index
        %get3A_598 = arith.constant 96 : index
        %get3A_599 = tpu.vector_load %arg8[%get3A_597, %get3A_598] {strides = array<i32>} : memref<128x128xf32, #tpu.memory_space<vmem>>, vector<16xf32>,
        %mul3A_600 = vector.broadcast %squeeze3A_544 : f32 to vector<16xf32>
        %mul3A_601 = arith.mulf %get3A_599, %mul3A_600 : vector<16xf32>
        %swap3A_602 = arith.index_cast %add3A_548 : i32 to index
        %swap3A_603 = arith.constant 96 : index
        %swap3A_604 = tpu.vector_load %arg8[%swap3A_602, %swap3A_603] {strides = array<i32>} : memref<128x128xf32, #tpu.memory_space<vmem>>, vector<16xf32>,
        tpu.vector_store %arg8[%swap3A_602, %swap3A_603], %mul3A_601 {strides = array<i32>} : memref<128x128xf32, #tpu.memory_space<vmem>>, vector<16xf32>,
        %get3A_605 = arith.index_cast %add3A_548 : i32 to index
        %get3A_606 = arith.constant 112 : index
        %get3A_607 = tpu.vector_load %arg8[%get3A_605, %get3A_606] {strides = array<i32>} : memref<128x128xf32, #tpu.memory_space<vmem>>, vector<16xf32>,
        %mul3A_608 = vector.broadcast %squeeze3A_544 : f32 to vector<16xf32>
        %mul3A_609 = arith.mulf %get3A_607, %mul3A_608 : vector<16xf32>
        %swap3A_610 = arith.index_cast %add3A_548 : i32 to index
        %swap3A_611 = arith.constant 112 : index
        %swap3A_612 = tpu.vector_load %arg8[%swap3A_610, %swap3A_611] {strides = array<i32>} : memref<128x128xf32, #tpu.memory_space<vmem>>, vector<16xf32>,
        tpu.vector_store %arg8[%swap3A_610, %swap3A_611], %mul3A_609 {strides = array<i32>} : memref<128x128xf32, #tpu.memory_space<vmem>>, vector<16xf32>,
        %slice3A_613 = vector.extract_strided_slice %get3A_55 {offsets = [8], sizes = [1], strides = [1]} : vector<16xf32> to vector<1xf32>
        %squeeze3A_614 = vector.extract %slice3A_613[0] : f32 from vector<1xf32>
        %mul3A_615 = arith.constant 16 : i32
        %mul3A_616 = arith.muli %scan3A_52, %mul3A_615 : i32
        %add3A_617 = arith.constant 8 : i32
        %add3A_618 = arith.addi %mul3A_616, %add3A_617 : i32
        %get3A_619 = arith.index_cast %add3A_618 : i32 to index
        %get3A_620 = arith.constant 0 : index
        %get3A_621 = tpu.vector_load %arg8[%get3A_619, %get3A_620] {strides = array<i32>} : memref<128x128xf32, #tpu.memory_space<vmem>>, vector<16xf32>,
        %mul3A_622 = vector.broadcast %squeeze3A_614 : f32 to vector<16xf32>
        %mul3A_623 = arith.mulf %get3A_621, %mul3A_622 : vector<16xf32>
        %swap3A_624 = arith.index_cast %add3A_618 : i32 to index
        %swap3A_625 = arith.constant 0 : index
        %swap3A_626 = tpu.vector_load %arg8[%swap3A_624, %swap3A_625] {strides = array<i32>} : memref<128x128xf32, #tpu.memory_space<vmem>>, vector<16xf32>,
        tpu.vector_store %arg8[%swap3A_624, %swap3A_625], %mul3A_623 {strides = array<i32>} : memref<128x128xf32, #tpu.memory_space<vmem>>, vector<16xf32>,
        %get3A_627 = arith.index_cast %add3A_618 : i32 to index
        %get3A_628 = arith.constant 16 : index
        %get3A_629 = tpu.vector_load %arg8[%get3A_627, %get3A_628] {strides = array<i32>} : memref<128x128xf32, #tpu.memory_space<vmem>>, vector<16xf32>,
        %mul3A_630 = vector.broadcast %squeeze3A_614 : f32 to vector<16xf32>
        %mul3A_631 = arith.mulf %get3A_629, %mul3A_630 : vector<16xf32>
        %swap3A_632 = arith.index_cast %add3A_618 : i32 to index
        %swap3A_633 = arith.constant 16 : index
        %swap3A_634 = tpu.vector_load %arg8[%swap3A_632, %swap3A_633] {strides = array<i32>} : memref<128x128xf32, #tpu.memory_space<vmem>>, vector<16xf32>,
        tpu.vector_store %arg8[%swap3A_632, %swap3A_633], %mul3A_631 {strides = array<i32>} : memref<128x128xf32, #tpu.memory_space<vmem>>, vector<16xf32>,
        %get3A_635 = arith.index_cast %add3A_618 : i32 to index
        %get3A_636 = arith.constant 32 : index
        %get3A_637 = tpu.vector_load %arg8[%get3A_635, %get3A_636] {strides = array<i32>} : memref<128x128xf32, #tpu.memory_space<vmem>>, vector<16xf32>,
        %mul3A_638 = vector.broadcast %squeeze3A_614 : f32 to vector<16xf32>
        %mul3A_639 = arith.mulf %get3A_637, %mul3A_638 : vector<16xf32>
        %swap3A_640 = arith.index_cast %add3A_618 : i32 to index
        %swap3A_641 = arith.constant 32 : index
        %swap3A_642 = tpu.vector_load %arg8[%swap3A_640, %swap3A_641] {strides = array<i32>} : memref<128x128xf32, #tpu.memory_space<vmem>>, vector<16xf32>,
        tpu.vector_store %arg8[%swap3A_640, %swap3A_641], %mul3A_639 {strides = array<i32>} : memref<128x128xf32, #tpu.memory_space<vmem>>, vector<16xf32>,
        %get3A_643 = arith.index_cast %add3A_618 : i32 to index
        %get3A_644 = arith.constant 48 : index
        %get3A_645 = tpu.vector_load %arg8[%get3A_643, %get3A_644] {strides = array<i32>} : memref<128x128xf32, #tpu.memory_space<vmem>>, vector<16xf32>,
        %mul3A_646 = vector.broadcast %squeeze3A_614 : f32 to vector<16xf32>
        %mul3A_647 = arith.mulf %get3A_645, %mul3A_646 : vector<16xf32>
        %swap3A_648 = arith.index_cast %add3A_618 : i32 to index
        %swap3A_649 = arith.constant 48 : index
        %swap3A_650 = tpu.vector_load %arg8[%swap3A_648, %swap3A_649] {strides = array<i32>} : memref<128x128xf32, #tpu.memory_space<vmem>>, vector<16xf32>,
        tpu.vector_store %arg8[%swap3A_648, %swap3A_649], %mul3A_647 {strides = array<i32>} : memref<128x128xf32, #tpu.memory_space<vmem>>, vector<16xf32>,
        %get3A_651 = arith.index_cast %add3A_618 : i32 to index
        %get3A_652 = arith.constant 64 : index
        %get3A_653 = tpu.vector_load %arg8[%get3A_651, %get3A_652] {strides = array<i32>} : memref<128x128xf32, #tpu.memory_space<vmem>>, vector<16xf32>,
        %mul3A_654 = vector.broadcast %squeeze3A_614 : f32 to vector<16xf32>
        %mul3A_655 = arith.mulf %get3A_653, %mul3A_654 : vector<16xf32>
        %swap3A_656 = arith.index_cast %add3A_618 : i32 to index
        %swap3A_657 = arith.constant 64 : index
        %swap3A_658 = tpu.vector_load %arg8[%swap3A_656, %swap3A_657] {strides = array<i32>} : memref<128x128xf32, #tpu.memory_space<vmem>>, vector<16xf32>,
        tpu.vector_store %arg8[%swap3A_656, %swap3A_657], %mul3A_655 {strides = array<i32>} : memref<128x128xf32, #tpu.memory_space<vmem>>, vector<16xf32>,
        %get3A_659 = arith.index_cast %add3A_618 : i32 to index
        %get3A_660 = arith.constant 80 : index
        %get3A_661 = tpu.vector_load %arg8[%get3A_659, %get3A_660] {strides = array<i32>} : memref<128x128xf32, #tpu.memory_space<vmem>>, vector<16xf32>,
        %mul3A_662 = vector.broadcast %squeeze3A_614 : f32 to vector<16xf32>
        %mul3A_663 = arith.mulf %get3A_661, %mul3A_662 : vector<16xf32>
        %swap3A_664 = arith.index_cast %add3A_618 : i32 to index
        %swap3A_665 = arith.constant 80 : index
        %swap3A_666 = tpu.vector_load %arg8[%swap3A_664, %swap3A_665] {strides = array<i32>} : memref<128x128xf32, #tpu.memory_space<vmem>>, vector<16xf32>,
        tpu.vector_store %arg8[%swap3A_664, %swap3A_665], %mul3A_663 {strides = array<i32>} : memref<128x128xf32, #tpu.memory_space<vmem>>, vector<16xf32>,
        %get3A_667 = arith.index_cast %add3A_618 : i32 to index
        %get3A_668 = arith.constant 96 : index
        %get3A_669 = tpu.vector_load %arg8[%get3A_667, %get3A_668] {strides = array<i32>} : memref<128x128xf32, #tpu.memory_space<vmem>>, vector<16xf32>,
        %mul3A_670 = vector.broadcast %squeeze3A_614 : f32 to vector<16xf32>
        %mul3A_671 = arith.mulf %get3A_669, %mul3A_670 : vector<16xf32>
        %swap3A_672 = arith.index_cast %add3A_618 : i32 to index
        %swap3A_673 = arith.constant 96 : index
        %swap3A_674 = tpu.vector_load %arg8[%swap3A_672, %swap3A_673] {strides = array<i32>} : memref<128x128xf32, #tpu.memory_space<vmem>>, vector<16xf32>,
        tpu.vector_store %arg8[%swap3A_672, %swap3A_673], %mul3A_671 {strides = array<i32>} : memref<128x128xf32, #tpu.memory_space<vmem>>, vector<16xf32>,
        %get3A_675 = arith.index_cast %add3A_618 : i32 to index
        %get3A_676 = arith.constant 112 : index
        %get3A_677 = tpu.vector_load %arg8[%get3A_675, %get3A_676] {strides = array<i32>} : memref<128x128xf32, #tpu.memory_space<vmem>>, vector<16xf32>,
        %mul3A_678 = vector.broadcast %squeeze3A_614 : f32 to vector<16xf32>
        %mul3A_679 = arith.mulf %get3A_677, %mul3A_678 : vector<16xf32>
        %swap3A_680 = arith.index_cast %add3A_618 : i32 to index
        %swap3A_681 = arith.constant 112 : index
        %swap3A_682 = tpu.vector_load %arg8[%swap3A_680, %swap3A_681] {strides = array<i32>} : memref<128x128xf32, #tpu.memory_space<vmem>>, vector<16xf32>,
        tpu.vector_store %arg8[%swap3A_680, %swap3A_681], %mul3A_679 {strides = array<i32>} : memref<128x128xf32, #tpu.memory_space<vmem>>, vector<16xf32>,
        %slice3A_683 = vector.extract_strided_slice %get3A_55 {offsets = [9], sizes = [1], strides = [1]} : vector<16xf32> to vector<1xf32>
        %squeeze3A_684 = vector.extract %slice3A_683[0] : f32 from vector<1xf32>
        %mul3A_685 = arith.constant 16 : i32
        %mul3A_686 = arith.muli %scan3A_52, %mul3A_685 : i32
        %add3A_687 = arith.constant 9 : i32
        %add3A_688 = arith.addi %mul3A_686, %add3A_687 : i32
        %get3A_689 = arith.index_cast %add3A_688 : i32 to index
        %get3A_690 = arith.constant 0 : index
        %get3A_691 = tpu.vector_load %arg8[%get3A_689, %get3A_690] {strides = array<i32>} : memref<128x128xf32, #tpu.memory_space<vmem>>, vector<16xf32>,
        %mul3A_692 = vector.broadcast %squeeze3A_684 : f32 to vector<16xf32>
        %mul3A_693 = arith.mulf %get3A_691, %mul3A_692 : vector<16xf32>
        %swap3A_694 = arith.index_cast %add3A_688 : i32 to index
        %swap3A_695 = arith.constant 0 : index
        %swap3A_696 = tpu.vector_load %arg8[%swap3A_694, %swap3A_695] {strides = array<i32>} : memref<128x128xf32, #tpu.memory_space<vmem>>, vector<16xf32>,
        tpu.vector_store %arg8[%swap3A_694, %swap3A_695], %mul3A_693 {strides = array<i32>} : memref<128x128xf32, #tpu.memory_space<vmem>>, vector<16xf32>,
        %get3A_697 = arith.index_cast %add3A_688 : i32 to index
        %get3A_698 = arith.constant 16 : index
        %get3A_699 = tpu.vector_load %arg8[%get3A_697, %get3A_698] {strides = array<i32>} : memref<128x128xf32, #tpu.memory_space<vmem>>, vector<16xf32>,
        %mul3A_700 = vector.broadcast %squeeze3A_684 : f32 to vector<16xf32>
        %mul3A_701 = arith.mulf %get3A_699, %mul3A_700 : vector<16xf32>
        %swap3A_702 = arith.index_cast %add3A_688 : i32 to index
        %swap3A_703 = arith.constant 16 : index
        %swap3A_704 = tpu.vector_load %arg8[%swap3A_702, %swap3A_703] {strides = array<i32>} : memref<128x128xf32, #tpu.memory_space<vmem>>, vector<16xf32>,
        tpu.vector_store %arg8[%swap3A_702, %swap3A_703], %mul3A_701 {strides = array<i32>} : memref<128x128xf32, #tpu.memory_space<vmem>>, vector<16xf32>,
        %get3A_705 = arith.index_cast %add3A_688 : i32 to index
        %get3A_706 = arith.constant 32 : index
        %get3A_707 = tpu.vector_load %arg8[%get3A_705, %get3A_706] {strides = array<i32>} : memref<128x128xf32, #tpu.memory_space<vmem>>, vector<16xf32>,
        %mul3A_708 = vector.broadcast %squeeze3A_684 : f32 to vector<16xf32>
        %mul3A_709 = arith.mulf %get3A_707, %mul3A_708 : vector<16xf32>
        %swap3A_710 = arith.index_cast %add3A_688 : i32 to index
        %swap3A_711 = arith.constant 32 : index
        %swap3A_712 = tpu.vector_load %arg8[%swap3A_710, %swap3A_711] {strides = array<i32>} : memref<128x128xf32, #tpu.memory_space<vmem>>, vector<16xf32>,
        tpu.vector_store %arg8[%swap3A_710, %swap3A_711], %mul3A_709 {strides = array<i32>} : memref<128x128xf32, #tpu.memory_space<vmem>>, vector<16xf32>,
        %get3A_713 = arith.index_cast %add3A_688 : i32 to index
        %get3A_714 = arith.constant 48 : index
        %get3A_715 = tpu.vector_load %arg8[%get3A_713, %get3A_714] {strides = array<i32>} : memref<128x128xf32, #tpu.memory_space<vmem>>, vector<16xf32>,
        %mul3A_716 = vector.broadcast %squeeze3A_684 : f32 to vector<16xf32>
        %mul3A_717 = arith.mulf %get3A_715, %mul3A_716 : vector<16xf32>
        %swap3A_718 = arith.index_cast %add3A_688 : i32 to index
        %swap3A_719 = arith.constant 48 : index
        %swap3A_720 = tpu.vector_load %arg8[%swap3A_718, %swap3A_719] {strides = array<i32>} : memref<128x128xf32, #tpu.memory_space<vmem>>, vector<16xf32>,
        tpu.vector_store %arg8[%swap3A_718, %swap3A_719], %mul3A_717 {strides = array<i32>} : memref<128x128xf32, #tpu.memory_space<vmem>>, vector<16xf32>,
        %get3A_721 = arith.index_cast %add3A_688 : i32 to index
        %get3A_722 = arith.constant 64 : index
        %get3A_723 = tpu.vector_load %arg8[%get3A_721, %get3A_722] {strides = array<i32>} : memref<128x128xf32, #tpu.memory_space<vmem>>, vector<16xf32>,
        %mul3A_724 = vector.broadcast %squeeze3A_684 : f32 to vector<16xf32>
        %mul3A_725 = arith.mulf %get3A_723, %mul3A_724 : vector<16xf32>
        %swap3A_726 = arith.index_cast %add3A_688 : i32 to index
        %swap3A_727 = arith.constant 64 : index
        %swap3A_728 = tpu.vector_load %arg8[%swap3A_726, %swap3A_727] {strides = array<i32>} : memref<128x128xf32, #tpu.memory_space<vmem>>, vector<16xf32>,
        tpu.vector_store %arg8[%swap3A_726, %swap3A_727], %mul3A_725 {strides = array<i32>} : memref<128x128xf32, #tpu.memory_space<vmem>>, vector<16xf32>,
        %get3A_729 = arith.index_cast %add3A_688 : i32 to index
        %get3A_730 = arith.constant 80 : index
        %get3A_731 = tpu.vector_load %arg8[%get3A_729, %get3A_730] {strides = array<i32>} : memref<128x128xf32, #tpu.memory_space<vmem>>, vector<16xf32>,
        %mul3A_732 = vector.broadcast %squeeze3A_684 : f32 to vector<16xf32>
        %mul3A_733 = arith.mulf %get3A_731, %mul3A_732 : vector<16xf32>
        %swap3A_734 = arith.index_cast %add3A_688 : i32 to index
        %swap3A_735 = arith.constant 80 : index
        %swap3A_736 = tpu.vector_load %arg8[%swap3A_734, %swap3A_735] {strides = array<i32>} : memref<128x128xf32, #tpu.memory_space<vmem>>, vector<16xf32>,
        tpu.vector_store %arg8[%swap3A_734, %swap3A_735], %mul3A_733 {strides = array<i32>} : memref<128x128xf32, #tpu.memory_space<vmem>>, vector<16xf32>,
        %get3A_737 = arith.index_cast %add3A_688 : i32 to index
        %get3A_738 = arith.constant 96 : index
        %get3A_739 = tpu.vector_load %arg8[%get3A_737, %get3A_738] {strides = array<i32>} : memref<128x128xf32, #tpu.memory_space<vmem>>, vector<16xf32>,
        %mul3A_740 = vector.broadcast %squeeze3A_684 : f32 to vector<16xf32>
        %mul3A_741 = arith.mulf %get3A_739, %mul3A_740 : vector<16xf32>
        %swap3A_742 = arith.index_cast %add3A_688 : i32 to index
        %swap3A_743 = arith.constant 96 : index
        %swap3A_744 = tpu.vector_load %arg8[%swap3A_742, %swap3A_743] {strides = array<i32>} : memref<128x128xf32, #tpu.memory_space<vmem>>, vector<16xf32>,
        tpu.vector_store %arg8[%swap3A_742, %swap3A_743], %mul3A_741 {strides = array<i32>} : memref<128x128xf32, #tpu.memory_space<vmem>>, vector<16xf32>,
        %get3A_745 = arith.index_cast %add3A_688 : i32 to index
        %get3A_746 = arith.constant 112 : index
        %get3A_747 = tpu.vector_load %arg8[%get3A_745, %get3A_746] {strides = array<i32>} : memref<128x128xf32, #tpu.memory_space<vmem>>, vector<16xf32>,
        %mul3A_748 = vector.broadcast %squeeze3A_684 : f32 to vector<16xf32>
        %mul3A_749 = arith.mulf %get3A_747, %mul3A_748 : vector<16xf32>
        %swap3A_750 = arith.index_cast %add3A_688 : i32 to index
        %swap3A_751 = arith.constant 112 : index
        %swap3A_752 = tpu.vector_load %arg8[%swap3A_750, %swap3A_751] {strides = array<i32>} : memref<128x128xf32, #tpu.memory_space<vmem>>, vector<16xf32>,
        tpu.vector_store %arg8[%swap3A_750, %swap3A_751], %mul3A_749 {strides = array<i32>} : memref<128x128xf32, #tpu.memory_space<vmem>>, vector<16xf32>,
        %slice3A_753 = vector.extract_strided_slice %get3A_55 {offsets = [10], sizes = [1], strides = [1]} : vector<16xf32> to vector<1xf32>
        %squeeze3A_754 = vector.extract %slice3A_753[0] : f32 from vector<1xf32>
        %mul3A_755 = arith.constant 16 : i32
        %mul3A_756 = arith.muli %scan3A_52, %mul3A_755 : i32
        %add3A_757 = arith.constant 10 : i32
        %add3A_758 = arith.addi %mul3A_756, %add3A_757 : i32
        %get3A_759 = arith.index_cast %add3A_758 : i32 to index
        %get3A_760 = arith.constant 0 : index
        %get3A_761 = tpu.vector_load %arg8[%get3A_759, %get3A_760] {strides = array<i32>} : memref<128x128xf32, #tpu.memory_space<vmem>>, vector<16xf32>,
        %mul3A_762 = vector.broadcast %squeeze3A_754 : f32 to vector<16xf32>
        %mul3A_763 = arith.mulf %get3A_761, %mul3A_762 : vector<16xf32>
        %swap3A_764 = arith.index_cast %add3A_758 : i32 to index
        %swap3A_765 = arith.constant 0 : index
        %swap3A_766 = tpu.vector_load %arg8[%swap3A_764, %swap3A_765] {strides = array<i32>} : memref<128x128xf32, #tpu.memory_space<vmem>>, vector<16xf32>,
        tpu.vector_store %arg8[%swap3A_764, %swap3A_765], %mul3A_763 {strides = array<i32>} : memref<128x128xf32, #tpu.memory_space<vmem>>, vector<16xf32>,
        %get3A_767 = arith.index_cast %add3A_758 : i32 to index
        %get3A_768 = arith.constant 16 : index
        %get3A_769 = tpu.vector_load %arg8[%get3A_767, %get3A_768] {strides = array<i32>} : memref<128x128xf32, #tpu.memory_space<vmem>>, vector<16xf32>,
        %mul3A_770 = vector.broadcast %squeeze3A_754 : f32 to vector<16xf32>
        %mul3A_771 = arith.mulf %get3A_769, %mul3A_770 : vector<16xf32>
        %swap3A_772 = arith.index_cast %add3A_758 : i32 to index
        %swap3A_773 = arith.constant 16 : index
        %swap3A_774 = tpu.vector_load %arg8[%swap3A_772, %swap3A_773] {strides = array<i32>} : memref<128x128xf32, #tpu.memory_space<vmem>>, vector<16xf32>,
        tpu.vector_store %arg8[%swap3A_772, %swap3A_773], %mul3A_771 {strides = array<i32>} : memref<128x128xf32, #tpu.memory_space<vmem>>, vector<16xf32>,
        %get3A_775 = arith.index_cast %add3A_758 : i32 to index
        %get3A_776 = arith.constant 32 : index
        %get3A_777 = tpu.vector_load %arg8[%get3A_775, %get3A_776] {strides = array<i32>} : memref<128x128xf32, #tpu.memory_space<vmem>>, vector<16xf32>,
        %mul3A_778 = vector.broadcast %squeeze3A_754 : f32 to vector<16xf32>
        %mul3A_779 = arith.mulf %get3A_777, %mul3A_778 : vector<16xf32>
        %swap3A_780 = arith.index_cast %add3A_758 : i32 to index
        %swap3A_781 = arith.constant 32 : index
        %swap3A_782 = tpu.vector_load %arg8[%swap3A_780, %swap3A_781] {strides = array<i32>} : memref<128x128xf32, #tpu.memory_space<vmem>>, vector<16xf32>,
        tpu.vector_store %arg8[%swap3A_780, %swap3A_781], %mul3A_779 {strides = array<i32>} : memref<128x128xf32, #tpu.memory_space<vmem>>, vector<16xf32>,
        %get3A_783 = arith.index_cast %add3A_758 : i32 to index
        %get3A_784 = arith.constant 48 : index
        %get3A_785 = tpu.vector_load %arg8[%get3A_783, %get3A_784] {strides = array<i32>} : memref<128x128xf32, #tpu.memory_space<vmem>>, vector<16xf32>,
        %mul3A_786 = vector.broadcast %squeeze3A_754 : f32 to vector<16xf32>
        %mul3A_787 = arith.mulf %get3A_785, %mul3A_786 : vector<16xf32>
        %swap3A_788 = arith.index_cast %add3A_758 : i32 to index
        %swap3A_789 = arith.constant 48 : index
        %swap3A_790 = tpu.vector_load %arg8[%swap3A_788, %swap3A_789] {strides = array<i32>} : memref<128x128xf32, #tpu.memory_space<vmem>>, vector<16xf32>,
        tpu.vector_store %arg8[%swap3A_788, %swap3A_789], %mul3A_787 {strides = array<i32>} : memref<128x128xf32, #tpu.memory_space<vmem>>, vector<16xf32>,
        %get3A_791 = arith.index_cast %add3A_758 : i32 to index
        %get3A_792 = arith.constant 64 : index
        %get3A_793 = tpu.vector_load %arg8[%get3A_791, %get3A_792] {strides = array<i32>} : memref<128x128xf32, #tpu.memory_space<vmem>>, vector<16xf32>,
        %mul3A_794 = vector.broadcast %squeeze3A_754 : f32 to vector<16xf32>
        %mul3A_795 = arith.mulf %get3A_793, %mul3A_794 : vector<16xf32>
        %swap3A_796 = arith.index_cast %add3A_758 : i32 to index
        %swap3A_797 = arith.constant 64 : index
        %swap3A_798 = tpu.vector_load %arg8[%swap3A_796, %swap3A_797] {strides = array<i32>} : memref<128x128xf32, #tpu.memory_space<vmem>>, vector<16xf32>,
        tpu.vector_store %arg8[%swap3A_796, %swap3A_797], %mul3A_795 {strides = array<i32>} : memref<128x128xf32, #tpu.memory_space<vmem>>, vector<16xf32>,
        %get3A_799 = arith.index_cast %add3A_758 : i32 to index
        %get3A_800 = arith.constant 80 : index
        %get3A_801 = tpu.vector_load %arg8[%get3A_799, %get3A_800] {strides = array<i32>} : memref<128x128xf32, #tpu.memory_space<vmem>>, vector<16xf32>,
        %mul3A_802 = vector.broadcast %squeeze3A_754 : f32 to vector<16xf32>
        %mul3A_803 = arith.mulf %get3A_801, %mul3A_802 : vector<16xf32>
        %swap3A_804 = arith.index_cast %add3A_758 : i32 to index
        %swap3A_805 = arith.constant 80 : index
        %swap3A_806 = tpu.vector_load %arg8[%swap3A_804, %swap3A_805] {strides = array<i32>} : memref<128x128xf32, #tpu.memory_space<vmem>>, vector<16xf32>,
        tpu.vector_store %arg8[%swap3A_804, %swap3A_805], %mul3A_803 {strides = array<i32>} : memref<128x128xf32, #tpu.memory_space<vmem>>, vector<16xf32>,
        %get3A_807 = arith.index_cast %add3A_758 : i32 to index
        %get3A_808 = arith.constant 96 : index
        %get3A_809 = tpu.vector_load %arg8[%get3A_807, %get3A_808] {strides = array<i32>} : memref<128x128xf32, #tpu.memory_space<vmem>>, vector<16xf32>,
        %mul3A_810 = vector.broadcast %squeeze3A_754 : f32 to vector<16xf32>
        %mul3A_811 = arith.mulf %get3A_809, %mul3A_810 : vector<16xf32>
        %swap3A_812 = arith.index_cast %add3A_758 : i32 to index
        %swap3A_813 = arith.constant 96 : index
        %swap3A_814 = tpu.vector_load %arg8[%swap3A_812, %swap3A_813] {strides = array<i32>} : memref<128x128xf32, #tpu.memory_space<vmem>>, vector<16xf32>,
        tpu.vector_store %arg8[%swap3A_812, %swap3A_813], %mul3A_811 {strides = array<i32>} : memref<128x128xf32, #tpu.memory_space<vmem>>, vector<16xf32>,
        %get3A_815 = arith.index_cast %add3A_758 : i32 to index
        %get3A_816 = arith.constant 112 : index
        %get3A_817 = tpu.vector_load %arg8[%get3A_815, %get3A_816] {strides = array<i32>} : memref<128x128xf32, #tpu.memory_space<vmem>>, vector<16xf32>,
        %mul3A_818 = vector.broadcast %squeeze3A_754 : f32 to vector<16xf32>
        %mul3A_819 = arith.mulf %get3A_817, %mul3A_818 : vector<16xf32>
        %swap3A_820 = arith.index_cast %add3A_758 : i32 to index
        %swap3A_821 = arith.constant 112 : index
        %swap3A_822 = tpu.vector_load %arg8[%swap3A_820, %swap3A_821] {strides = array<i32>} : memref<128x128xf32, #tpu.memory_space<vmem>>, vector<16xf32>,
        tpu.vector_store %arg8[%swap3A_820, %swap3A_821], %mul3A_819 {strides = array<i32>} : memref<128x128xf32, #tpu.memory_space<vmem>>, vector<16xf32>,
        %slice3A_823 = vector.extract_strided_slice %get3A_55 {offsets = [11], sizes = [1], strides = [1]} : vector<16xf32> to vector<1xf32>
        %squeeze3A_824 = vector.extract %slice3A_823[0] : f32 from vector<1xf32>
        %mul3A_825 = arith.constant 16 : i32
        %mul3A_826 = arith.muli %scan3A_52, %mul3A_825 : i32
        %add3A_827 = arith.constant 11 : i32
        %add3A_828 = arith.addi %mul3A_826, %add3A_827 : i32
        %get3A_829 = arith.index_cast %add3A_828 : i32 to index
        %get3A_830 = arith.constant 0 : index
        %get3A_831 = tpu.vector_load %arg8[%get3A_829, %get3A_830] {strides = array<i32>} : memref<128x128xf32, #tpu.memory_space<vmem>>, vector<16xf32>,
        %mul3A_832 = vector.broadcast %squeeze3A_824 : f32 to vector<16xf32>
        %mul3A_833 = arith.mulf %get3A_831, %mul3A_832 : vector<16xf32>
        %swap3A_834 = arith.index_cast %add3A_828 : i32 to index
        %swap3A_835 = arith.constant 0 : index
        %swap3A_836 = tpu.vector_load %arg8[%swap3A_834, %swap3A_835] {strides = array<i32>} : memref<128x128xf32, #tpu.memory_space<vmem>>, vector<16xf32>,
        tpu.vector_store %arg8[%swap3A_834, %swap3A_835], %mul3A_833 {strides = array<i32>} : memref<128x128xf32, #tpu.memory_space<vmem>>, vector<16xf32>,
        %get3A_837 = arith.index_cast %add3A_828 : i32 to index
        %get3A_838 = arith.constant 16 : index
        %get3A_839 = tpu.vector_load %arg8[%get3A_837, %get3A_838] {strides = array<i32>} : memref<128x128xf32, #tpu.memory_space<vmem>>, vector<16xf32>,
        %mul3A_840 = vector.broadcast %squeeze3A_824 : f32 to vector<16xf32>
        %mul3A_841 = arith.mulf %get3A_839, %mul3A_840 : vector<16xf32>
        %swap3A_842 = arith.index_cast %add3A_828 : i32 to index
        %swap3A_843 = arith.constant 16 : index
        %swap3A_844 = tpu.vector_load %arg8[%swap3A_842, %swap3A_843] {strides = array<i32>} : memref<128x128xf32, #tpu.memory_space<vmem>>, vector<16xf32>,
        tpu.vector_store %arg8[%swap3A_842, %swap3A_843], %mul3A_841 {strides = array<i32>} : memref<128x128xf32, #tpu.memory_space<vmem>>, vector<16xf32>,
        %get3A_845 = arith.index_cast %add3A_828 : i32 to index
        %get3A_846 = arith.constant 32 : index
        %get3A_847 = tpu.vector_load %arg8[%get3A_845, %get3A_846] {strides = array<i32>} : memref<128x128xf32, #tpu.memory_space<vmem>>, vector<16xf32>,
        %mul3A_848 = vector.broadcast %squeeze3A_824 : f32 to vector<16xf32>
        %mul3A_849 = arith.mulf %get3A_847, %mul3A_848 : vector<16xf32>
        %swap3A_850 = arith.index_cast %add3A_828 : i32 to index
        %swap3A_851 = arith.constant 32 : index
        %swap3A_852 = tpu.vector_load %arg8[%swap3A_850, %swap3A_851] {strides = array<i32>} : memref<128x128xf32, #tpu.memory_space<vmem>>, vector<16xf32>,
        tpu.vector_store %arg8[%swap3A_850, %swap3A_851], %mul3A_849 {strides = array<i32>} : memref<128x128xf32, #tpu.memory_space<vmem>>, vector<16xf32>,
        %get3A_853 = arith.index_cast %add3A_828 : i32 to index
        %get3A_854 = arith.constant 48 : index
        %get3A_855 = tpu.vector_load %arg8[%get3A_853, %get3A_854] {strides = array<i32>} : memref<128x128xf32, #tpu.memory_space<vmem>>, vector<16xf32>,
        %mul3A_856 = vector.broadcast %squeeze3A_824 : f32 to vector<16xf32>
        %mul3A_857 = arith.mulf %get3A_855, %mul3A_856 : vector<16xf32>
        %swap3A_858 = arith.index_cast %add3A_828 : i32 to index
        %swap3A_859 = arith.constant 48 : index
        %swap3A_860 = tpu.vector_load %arg8[%swap3A_858, %swap3A_859] {strides = array<i32>} : memref<128x128xf32, #tpu.memory_space<vmem>>, vector<16xf32>,
        tpu.vector_store %arg8[%swap3A_858, %swap3A_859], %mul3A_857 {strides = array<i32>} : memref<128x128xf32, #tpu.memory_space<vmem>>, vector<16xf32>,
        %get3A_861 = arith.index_cast %add3A_828 : i32 to index
        %get3A_862 = arith.constant 64 : index
        %get3A_863 = tpu.vector_load %arg8[%get3A_861, %get3A_862] {strides = array<i32>} : memref<128x128xf32, #tpu.memory_space<vmem>>, vector<16xf32>,
        %mul3A_864 = vector.broadcast %squeeze3A_824 : f32 to vector<16xf32>
        %mul3A_865 = arith.mulf %get3A_863, %mul3A_864 : vector<16xf32>
        %swap3A_866 = arith.index_cast %add3A_828 : i32 to index
        %swap3A_867 = arith.constant 64 : index
        %swap3A_868 = tpu.vector_load %arg8[%swap3A_866, %swap3A_867] {strides = array<i32>} : memref<128x128xf32, #tpu.memory_space<vmem>>, vector<16xf32>,
        tpu.vector_store %arg8[%swap3A_866, %swap3A_867], %mul3A_865 {strides = array<i32>} : memref<128x128xf32, #tpu.memory_space<vmem>>, vector<16xf32>,
        %get3A_869 = arith.index_cast %add3A_828 : i32 to index
        %get3A_870 = arith.constant 80 : index
        %get3A_871 = tpu.vector_load %arg8[%get3A_869, %get3A_870] {strides = array<i32>} : memref<128x128xf32, #tpu.memory_space<vmem>>, vector<16xf32>,
        %mul3A_872 = vector.broadcast %squeeze3A_824 : f32 to vector<16xf32>
        %mul3A_873 = arith.mulf %get3A_871, %mul3A_872 : vector<16xf32>
        %swap3A_874 = arith.index_cast %add3A_828 : i32 to index
        %swap3A_875 = arith.constant 80 : index
        %swap3A_876 = tpu.vector_load %arg8[%swap3A_874, %swap3A_875] {strides = array<i32>} : memref<128x128xf32, #tpu.memory_space<vmem>>, vector<16xf32>,
        tpu.vector_store %arg8[%swap3A_874, %swap3A_875], %mul3A_873 {strides = array<i32>} : memref<128x128xf32, #tpu.memory_space<vmem>>, vector<16xf32>,
        %get3A_877 = arith.index_cast %add3A_828 : i32 to index
        %get3A_878 = arith.constant 96 : index
        %get3A_879 = tpu.vector_load %arg8[%get3A_877, %get3A_878] {strides = array<i32>} : memref<128x128xf32, #tpu.memory_space<vmem>>, vector<16xf32>,
        %mul3A_880 = vector.broadcast %squeeze3A_824 : f32 to vector<16xf32>
        %mul3A_881 = arith.mulf %get3A_879, %mul3A_880 : vector<16xf32>
        %swap3A_882 = arith.index_cast %add3A_828 : i32 to index
        %swap3A_883 = arith.constant 96 : index
        %swap3A_884 = tpu.vector_load %arg8[%swap3A_882, %swap3A_883] {strides = array<i32>} : memref<128x128xf32, #tpu.memory_space<vmem>>, vector<16xf32>,
        tpu.vector_store %arg8[%swap3A_882, %swap3A_883], %mul3A_881 {strides = array<i32>} : memref<128x128xf32, #tpu.memory_space<vmem>>, vector<16xf32>,
        %get3A_885 = arith.index_cast %add3A_828 : i32 to index
        %get3A_886 = arith.constant 112 : index
        %get3A_887 = tpu.vector_load %arg8[%get3A_885, %get3A_886] {strides = array<i32>} : memref<128x128xf32, #tpu.memory_space<vmem>>, vector<16xf32>,
        %mul3A_888 = vector.broadcast %squeeze3A_824 : f32 to vector<16xf32>
        %mul3A_889 = arith.mulf %get3A_887, %mul3A_888 : vector<16xf32>
        %swap3A_890 = arith.index_cast %add3A_828 : i32 to index
        %swap3A_891 = arith.constant 112 : index
        %swap3A_892 = tpu.vector_load %arg8[%swap3A_890, %swap3A_891] {strides = array<i32>} : memref<128x128xf32, #tpu.memory_space<vmem>>, vector<16xf32>,
        tpu.vector_store %arg8[%swap3A_890, %swap3A_891], %mul3A_889 {strides = array<i32>} : memref<128x128xf32, #tpu.memory_space<vmem>>, vector<16xf32>,
        %slice3A_893 = vector.extract_strided_slice %get3A_55 {offsets = [12], sizes = [1], strides = [1]} : vector<16xf32> to vector<1xf32>
        %squeeze3A_894 = vector.extract %slice3A_893[0] : f32 from vector<1xf32>
        %mul3A_895 = arith.constant 16 : i32
        %mul3A_896 = arith.muli %scan3A_52, %mul3A_895 : i32
        %add3A_897 = arith.constant 12 : i32
        %add3A_898 = arith.addi %mul3A_896, %add3A_897 : i32
        %get3A_899 = arith.index_cast %add3A_898 : i32 to index
        %get3A_900 = arith.constant 0 : index
        %get3A_901 = tpu.vector_load %arg8[%get3A_899, %get3A_900] {strides = array<i32>} : memref<128x128xf32, #tpu.memory_space<vmem>>, vector<16xf32>,
        %mul3A_902 = vector.broadcast %squeeze3A_894 : f32 to vector<16xf32>
        %mul3A_903 = arith.mulf %get3A_901, %mul3A_902 : vector<16xf32>
        %swap3A_904 = arith.index_cast %add3A_898 : i32 to index
        %swap3A_905 = arith.constant 0 : index
        %swap3A_906 = tpu.vector_load %arg8[%swap3A_904, %swap3A_905] {strides = array<i32>} : memref<128x128xf32, #tpu.memory_space<vmem>>, vector<16xf32>,
        tpu.vector_store %arg8[%swap3A_904, %swap3A_905], %mul3A_903 {strides = array<i32>} : memref<128x128xf32, #tpu.memory_space<vmem>>, vector<16xf32>,
        %get3A_907 = arith.index_cast %add3A_898 : i32 to index
        %get3A_908 = arith.constant 16 : index
        %get3A_909 = tpu.vector_load %arg8[%get3A_907, %get3A_908] {strides = array<i32>} : memref<128x128xf32, #tpu.memory_space<vmem>>, vector<16xf32>,
        %mul3A_910 = vector.broadcast %squeeze3A_894 : f32 to vector<16xf32>
        %mul3A_911 = arith.mulf %get3A_909, %mul3A_910 : vector<16xf32>
        %swap3A_912 = arith.index_cast %add3A_898 : i32 to index
        %swap3A_913 = arith.constant 16 : index
        %swap3A_914 = tpu.vector_load %arg8[%swap3A_912, %swap3A_913] {strides = array<i32>} : memref<128x128xf32, #tpu.memory_space<vmem>>, vector<16xf32>,
        tpu.vector_store %arg8[%swap3A_912, %swap3A_913], %mul3A_911 {strides = array<i32>} : memref<128x128xf32, #tpu.memory_space<vmem>>, vector<16xf32>,
        %get3A_915 = arith.index_cast %add3A_898 : i32 to index
        %get3A_916 = arith.constant 32 : index
        %get3A_917 = tpu.vector_load %arg8[%get3A_915, %get3A_916] {strides = array<i32>} : memref<128x128xf32, #tpu.memory_space<vmem>>, vector<16xf32>,
        %mul3A_918 = vector.broadcast %squeeze3A_894 : f32 to vector<16xf32>
        %mul3A_919 = arith.mulf %get3A_917, %mul3A_918 : vector<16xf32>
        %swap3A_920 = arith.index_cast %add3A_898 : i32 to index
        %swap3A_921 = arith.constant 32 : index
        %swap3A_922 = tpu.vector_load %arg8[%swap3A_920, %swap3A_921] {strides = array<i32>} : memref<128x128xf32, #tpu.memory_space<vmem>>, vector<16xf32>,
        tpu.vector_store %arg8[%swap3A_920, %swap3A_921], %mul3A_919 {strides = array<i32>} : memref<128x128xf32, #tpu.memory_space<vmem>>, vector<16xf32>,
        %get3A_923 = arith.index_cast %add3A_898 : i32 to index
        %get3A_924 = arith.constant 48 : index
        %get3A_925 = tpu.vector_load %arg8[%get3A_923, %get3A_924] {strides = array<i32>} : memref<128x128xf32, #tpu.memory_space<vmem>>, vector<16xf32>,
        %mul3A_926 = vector.broadcast %squeeze3A_894 : f32 to vector<16xf32>
        %mul3A_927 = arith.mulf %get3A_925, %mul3A_926 : vector<16xf32>
        %swap3A_928 = arith.index_cast %add3A_898 : i32 to index
        %swap3A_929 = arith.constant 48 : index
        %swap3A_930 = tpu.vector_load %arg8[%swap3A_928, %swap3A_929] {strides = array<i32>} : memref<128x128xf32, #tpu.memory_space<vmem>>, vector<16xf32>,
        tpu.vector_store %arg8[%swap3A_928, %swap3A_929], %mul3A_927 {strides = array<i32>} : memref<128x128xf32, #tpu.memory_space<vmem>>, vector<16xf32>,
        %get3A_931 = arith.index_cast %add3A_898 : i32 to index
        %get3A_932 = arith.constant 64 : index
        %get3A_933 = tpu.vector_load %arg8[%get3A_931, %get3A_932] {strides = array<i32>} : memref<128x128xf32, #tpu.memory_space<vmem>>, vector<16xf32>,
        %mul3A_934 = vector.broadcast %squeeze3A_894 : f32 to vector<16xf32>
        %mul3A_935 = arith.mulf %get3A_933, %mul3A_934 : vector<16xf32>
        %swap3A_936 = arith.index_cast %add3A_898 : i32 to index
        %swap3A_937 = arith.constant 64 : index
        %swap3A_938 = tpu.vector_load %arg8[%swap3A_936, %swap3A_937] {strides = array<i32>} : memref<128x128xf32, #tpu.memory_space<vmem>>, vector<16xf32>,
        tpu.vector_store %arg8[%swap3A_936, %swap3A_937], %mul3A_935 {strides = array<i32>} : memref<128x128xf32, #tpu.memory_space<vmem>>, vector<16xf32>,
        %get3A_939 = arith.index_cast %add3A_898 : i32 to index
        %get3A_940 = arith.constant 80 : index
        %get3A_941 = tpu.vector_load %arg8[%get3A_939, %get3A_940] {strides = array<i32>} : memref<128x128xf32, #tpu.memory_space<vmem>>, vector<16xf32>,
        %mul3A_942 = vector.broadcast %squeeze3A_894 : f32 to vector<16xf32>
        %mul3A_943 = arith.mulf %get3A_941, %mul3A_942 : vector<16xf32>
        %swap3A_944 = arith.index_cast %add3A_898 : i32 to index
        %swap3A_945 = arith.constant 80 : index
        %swap3A_946 = tpu.vector_load %arg8[%swap3A_944, %swap3A_945] {strides = array<i32>} : memref<128x128xf32, #tpu.memory_space<vmem>>, vector<16xf32>,
        tpu.vector_store %arg8[%swap3A_944, %swap3A_945], %mul3A_943 {strides = array<i32>} : memref<128x128xf32, #tpu.memory_space<vmem>>, vector<16xf32>,
        %get3A_947 = arith.index_cast %add3A_898 : i32 to index
        %get3A_948 = arith.constant 96 : index
        %get3A_949 = tpu.vector_load %arg8[%get3A_947, %get3A_948] {strides = array<i32>} : memref<128x128xf32, #tpu.memory_space<vmem>>, vector<16xf32>,
        %mul3A_950 = vector.broadcast %squeeze3A_894 : f32 to vector<16xf32>
        %mul3A_951 = arith.mulf %get3A_949, %mul3A_950 : vector<16xf32>
        %swap3A_952 = arith.index_cast %add3A_898 : i32 to index
        %swap3A_953 = arith.constant 96 : index
        %swap3A_954 = tpu.vector_load %arg8[%swap3A_952, %swap3A_953] {strides = array<i32>} : memref<128x128xf32, #tpu.memory_space<vmem>>, vector<16xf32>,
        tpu.vector_store %arg8[%swap3A_952, %swap3A_953], %mul3A_951 {strides = array<i32>} : memref<128x128xf32, #tpu.memory_space<vmem>>, vector<16xf32>,
        %get3A_955 = arith.index_cast %add3A_898 : i32 to index
        %get3A_956 = arith.constant 112 : index
        %get3A_957 = tpu.vector_load %arg8[%get3A_955, %get3A_956] {strides = array<i32>} : memref<128x128xf32, #tpu.memory_space<vmem>>, vector<16xf32>,
        %mul3A_958 = vector.broadcast %squeeze3A_894 : f32 to vector<16xf32>
        %mul3A_959 = arith.mulf %get3A_957, %mul3A_958 : vector<16xf32>
        %swap3A_960 = arith.index_cast %add3A_898 : i32 to index
        %swap3A_961 = arith.constant 112 : index
        %swap3A_962 = tpu.vector_load %arg8[%swap3A_960, %swap3A_961] {strides = array<i32>} : memref<128x128xf32, #tpu.memory_space<vmem>>, vector<16xf32>,
        tpu.vector_store %arg8[%swap3A_960, %swap3A_961], %mul3A_959 {strides = array<i32>} : memref<128x128xf32, #tpu.memory_space<vmem>>, vector<16xf32>,
        %slice3A_963 = vector.extract_strided_slice %get3A_55 {offsets = [13], sizes = [1], strides = [1]} : vector<16xf32> to vector<1xf32>
        %squeeze3A_964 = vector.extract %slice3A_963[0] : f32 from vector<1xf32>
        %mul3A_965 = arith.constant 16 : i32
        %mul3A_966 = arith.muli %scan3A_52, %mul3A_965 : i32
        %add3A_967 = arith.constant 13 : i32
        %add3A_968 = arith.addi %mul3A_966, %add3A_967 : i32
        %get3A_969 = arith.index_cast %add3A_968 : i32 to index
        %get3A_970 = arith.constant 0 : index
        %get3A_971 = tpu.vector_load %arg8[%get3A_969, %get3A_970] {strides = array<i32>} : memref<128x128xf32, #tpu.memory_space<vmem>>, vector<16xf32>,
        %mul3A_972 = vector.broadcast %squeeze3A_964 : f32 to vector<16xf32>
        %mul3A_973 = arith.mulf %get3A_971, %mul3A_972 : vector<16xf32>
        %swap3A_974 = arith.index_cast %add3A_968 : i32 to index
        %swap3A_975 = arith.constant 0 : index
        %swap3A_976 = tpu.vector_load %arg8[%swap3A_974, %swap3A_975] {strides = array<i32>} : memref<128x128xf32, #tpu.memory_space<vmem>>, vector<16xf32>,
        tpu.vector_store %arg8[%swap3A_974, %swap3A_975], %mul3A_973 {strides = array<i32>} : memref<128x128xf32, #tpu.memory_space<vmem>>, vector<16xf32>,
        %get3A_977 = arith.index_cast %add3A_968 : i32 to index
        %get3A_978 = arith.constant 16 : index
        %get3A_979 = tpu.vector_load %arg8[%get3A_977, %get3A_978] {strides = array<i32>} : memref<128x128xf32, #tpu.memory_space<vmem>>, vector<16xf32>,
        %mul3A_980 = vector.broadcast %squeeze3A_964 : f32 to vector<16xf32>
        %mul3A_981 = arith.mulf %get3A_979, %mul3A_980 : vector<16xf32>
        %swap3A_982 = arith.index_cast %add3A_968 : i32 to index
        %swap3A_983 = arith.constant 16 : index
        %swap3A_984 = tpu.vector_load %arg8[%swap3A_982, %swap3A_983] {strides = array<i32>} : memref<128x128xf32, #tpu.memory_space<vmem>>, vector<16xf32>,
        tpu.vector_store %arg8[%swap3A_982, %swap3A_983], %mul3A_981 {strides = array<i32>} : memref<128x128xf32, #tpu.memory_space<vmem>>, vector<16xf32>,
        %get3A_985 = arith.index_cast %add3A_968 : i32 to index
        %get3A_986 = arith.constant 32 : index
        %get3A_987 = tpu.vector_load %arg8[%get3A_985, %get3A_986] {strides = array<i32>} : memref<128x128xf32, #tpu.memory_space<vmem>>, vector<16xf32>,
        %mul3A_988 = vector.broadcast %squeeze3A_964 : f32 to vector<16xf32>
        %mul3A_989 = arith.mulf %get3A_987, %mul3A_988 : vector<16xf32>
        %swap3A_990 = arith.index_cast %add3A_968 : i32 to index
        %swap3A_991 = arith.constant 32 : index
        %swap3A_992 = tpu.vector_load %arg8[%swap3A_990, %swap3A_991] {strides = array<i32>} : memref<128x128xf32, #tpu.memory_space<vmem>>, vector<16xf32>,
        tpu.vector_store %arg8[%swap3A_990, %swap3A_991], %mul3A_989 {strides = array<i32>} : memref<128x128xf32, #tpu.memory_space<vmem>>, vector<16xf32>,
        %get3A_993 = arith.index_cast %add3A_968 : i32 to index
        %get3A_994 = arith.constant 48 : index
        %get3A_995 = tpu.vector_load %arg8[%get3A_993, %get3A_994] {strides = array<i32>} : memref<128x128xf32, #tpu.memory_space<vmem>>, vector<16xf32>,
        %mul3A_996 = vector.broadcast %squeeze3A_964 : f32 to vector<16xf32>
        %mul3A_997 = arith.mulf %get3A_995, %mul3A_996 : vector<16xf32>
        %swap3A_998 = arith.index_cast %add3A_968 : i32 to index
        %swap3A_999 = arith.constant 48 : index
        %swap3A_1000 = tpu.vector_load %arg8[%swap3A_998, %swap3A_999] {strides = array<i32>} : memref<128x128xf32, #tpu.memory_space<vmem>>, vector<16xf32>,
        tpu.vector_store %arg8[%swap3A_998, %swap3A_999], %mul3A_997 {strides = array<i32>} : memref<128x128xf32, #tpu.memory_space<vmem>>, vector<16xf32>,
        %get3A_1001 = arith.index_cast %add3A_968 : i32 to index
        %get3A_1002 = arith.constant 64 : index
        %get3A_1003 = tpu.vector_load %arg8[%get3A_1001, %get3A_1002] {strides = array<i32>} : memref<128x128xf32, #tpu.memory_space<vmem>>, vector<16xf32>,
        %mul3A_1004 = vector.broadcast %squeeze3A_964 : f32 to vector<16xf32>
        %mul3A_1005 = arith.mulf %get3A_1003, %mul3A_1004 : vector<16xf32>
        %swap3A_1006 = arith.index_cast %add3A_968 : i32 to index
        %swap3A_1007 = arith.constant 64 : index
        %swap3A_1008 = tpu.vector_load %arg8[%swap3A_1006, %swap3A_1007] {strides = array<i32>} : memref<128x128xf32, #tpu.memory_space<vmem>>, vector<16xf32>,
        tpu.vector_store %arg8[%swap3A_1006, %swap3A_1007], %mul3A_1005 {strides = array<i32>} : memref<128x128xf32, #tpu.memory_space<vmem>>, vector<16xf32>,
        %get3A_1009 = arith.index_cast %add3A_968 : i32 to index
        %get3A_1010 = arith.constant 80 : index
        %get3A_1011 = tpu.vector_load %arg8[%get3A_1009, %get3A_1010] {strides = array<i32>} : memref<128x128xf32, #tpu.memory_space<vmem>>, vector<16xf32>,
        %mul3A_1012 = vector.broadcast %squeeze3A_964 : f32 to vector<16xf32>
        %mul3A_1013 = arith.mulf %get3A_1011, %mul3A_1012 : vector<16xf32>
        %swap3A_1014 = arith.index_cast %add3A_968 : i32 to index
        %swap3A_1015 = arith.constant 80 : index
        %swap3A_1016 = tpu.vector_load %arg8[%swap3A_1014, %swap3A_1015] {strides = array<i32>} : memref<128x128xf32, #tpu.memory_space<vmem>>, vector<16xf32>,
        tpu.vector_store %arg8[%swap3A_1014, %swap3A_1015], %mul3A_1013 {strides = array<i32>} : memref<128x128xf32, #tpu.memory_space<vmem>>, vector<16xf32>,
        %get3A_1017 = arith.index_cast %add3A_968 : i32 to index
        %get3A_1018 = arith.constant 96 : index
        %get3A_1019 = tpu.vector_load %arg8[%get3A_1017, %get3A_1018] {strides = array<i32>} : memref<128x128xf32, #tpu.memory_space<vmem>>, vector<16xf32>,
        %mul3A_1020 = vector.broadcast %squeeze3A_964 : f32 to vector<16xf32>
        %mul3A_1021 = arith.mulf %get3A_1019, %mul3A_1020 : vector<16xf32>
        %swap3A_1022 = arith.index_cast %add3A_968 : i32 to index
        %swap3A_1023 = arith.constant 96 : index
        %swap3A_1024 = tpu.vector_load %arg8[%swap3A_1022, %swap3A_1023] {strides = array<i32>} : memref<128x128xf32, #tpu.memory_space<vmem>>, vector<16xf32>,
        tpu.vector_store %arg8[%swap3A_1022, %swap3A_1023], %mul3A_1021 {strides = array<i32>} : memref<128x128xf32, #tpu.memory_space<vmem>>, vector<16xf32>,
        %get3A_1025 = arith.index_cast %add3A_968 : i32 to index
        %get3A_1026 = arith.constant 112 : index
        %get3A_1027 = tpu.vector_load %arg8[%get3A_1025, %get3A_1026] {strides = array<i32>} : memref<128x128xf32, #tpu.memory_space<vmem>>, vector<16xf32>,
        %mul3A_1028 = vector.broadcast %squeeze3A_964 : f32 to vector<16xf32>
        %mul3A_1029 = arith.mulf %get3A_1027, %mul3A_1028 : vector<16xf32>
        %swap3A_1030 = arith.index_cast %add3A_968 : i32 to index
        %swap3A_1031 = arith.constant 112 : index
        %swap3A_1032 = tpu.vector_load %arg8[%swap3A_1030, %swap3A_1031] {strides = array<i32>} : memref<128x128xf32, #tpu.memory_space<vmem>>, vector<16xf32>,
        tpu.vector_store %arg8[%swap3A_1030, %swap3A_1031], %mul3A_1029 {strides = array<i32>} : memref<128x128xf32, #tpu.memory_space<vmem>>, vector<16xf32>,
        %slice3A_1033 = vector.extract_strided_slice %get3A_55 {offsets = [14], sizes = [1], strides = [1]} : vector<16xf32> to vector<1xf32>
        %squeeze3A_1034 = vector.extract %slice3A_1033[0] : f32 from vector<1xf32>
        %mul3A_1035 = arith.constant 16 : i32
        %mul3A_1036 = arith.muli %scan3A_52, %mul3A_1035 : i32
        %add3A_1037 = arith.constant 14 : i32
        %add3A_1038 = arith.addi %mul3A_1036, %add3A_1037 : i32
        %get3A_1039 = arith.index_cast %add3A_1038 : i32 to index
        %get3A_1040 = arith.constant 0 : index
        %get3A_1041 = tpu.vector_load %arg8[%get3A_1039, %get3A_1040] {strides = array<i32>} : memref<128x128xf32, #tpu.memory_space<vmem>>, vector<16xf32>,
        %mul3A_1042 = vector.broadcast %squeeze3A_1034 : f32 to vector<16xf32>
        %mul3A_1043 = arith.mulf %get3A_1041, %mul3A_1042 : vector<16xf32>
        %swap3A_1044 = arith.index_cast %add3A_1038 : i32 to index
        %swap3A_1045 = arith.constant 0 : index
        %swap3A_1046 = tpu.vector_load %arg8[%swap3A_1044, %swap3A_1045] {strides = array<i32>} : memref<128x128xf32, #tpu.memory_space<vmem>>, vector<16xf32>,
        tpu.vector_store %arg8[%swap3A_1044, %swap3A_1045], %mul3A_1043 {strides = array<i32>} : memref<128x128xf32, #tpu.memory_space<vmem>>, vector<16xf32>,
        %get3A_1047 = arith.index_cast %add3A_1038 : i32 to index
        %get3A_1048 = arith.constant 16 : index
        %get3A_1049 = tpu.vector_load %arg8[%get3A_1047, %get3A_1048] {strides = array<i32>} : memref<128x128xf32, #tpu.memory_space<vmem>>, vector<16xf32>,
        %mul3A_1050 = vector.broadcast %squeeze3A_1034 : f32 to vector<16xf32>
        %mul3A_1051 = arith.mulf %get3A_1049, %mul3A_1050 : vector<16xf32>
        %swap3A_1052 = arith.index_cast %add3A_1038 : i32 to index
        %swap3A_1053 = arith.constant 16 : index
        %swap3A_1054 = tpu.vector_load %arg8[%swap3A_1052, %swap3A_1053] {strides = array<i32>} : memref<128x128xf32, #tpu.memory_space<vmem>>, vector<16xf32>,
        tpu.vector_store %arg8[%swap3A_1052, %swap3A_1053], %mul3A_1051 {strides = array<i32>} : memref<128x128xf32, #tpu.memory_space<vmem>>, vector<16xf32>,
        %get3A_1055 = arith.index_cast %add3A_1038 : i32 to index
        %get3A_1056 = arith.constant 32 : index
        %get3A_1057 = tpu.vector_load %arg8[%get3A_1055, %get3A_1056] {strides = array<i32>} : memref<128x128xf32, #tpu.memory_space<vmem>>, vector<16xf32>,
        %mul3A_1058 = vector.broadcast %squeeze3A_1034 : f32 to vector<16xf32>
        %mul3A_1059 = arith.mulf %get3A_1057, %mul3A_1058 : vector<16xf32>
        %swap3A_1060 = arith.index_cast %add3A_1038 : i32 to index
        %swap3A_1061 = arith.constant 32 : index
        %swap3A_1062 = tpu.vector_load %arg8[%swap3A_1060, %swap3A_1061] {strides = array<i32>} : memref<128x128xf32, #tpu.memory_space<vmem>>, vector<16xf32>,
        tpu.vector_store %arg8[%swap3A_1060, %swap3A_1061], %mul3A_1059 {strides = array<i32>} : memref<128x128xf32, #tpu.memory_space<vmem>>, vector<16xf32>,
        %get3A_1063 = arith.index_cast %add3A_1038 : i32 to index
        %get3A_1064 = arith.constant 48 : index
        %get3A_1065 = tpu.vector_load %arg8[%get3A_1063, %get3A_1064] {strides = array<i32>} : memref<128x128xf32, #tpu.memory_space<vmem>>, vector<16xf32>,
        %mul3A_1066 = vector.broadcast %squeeze3A_1034 : f32 to vector<16xf32>
        %mul3A_1067 = arith.mulf %get3A_1065, %mul3A_1066 : vector<16xf32>
        %swap3A_1068 = arith.index_cast %add3A_1038 : i32 to index
        %swap3A_1069 = arith.constant 48 : index
        %swap3A_1070 = tpu.vector_load %arg8[%swap3A_1068, %swap3A_1069] {strides = array<i32>} : memref<128x128xf32, #tpu.memory_space<vmem>>, vector<16xf32>,
        tpu.vector_store %arg8[%swap3A_1068, %swap3A_1069], %mul3A_1067 {strides = array<i32>} : memref<128x128xf32, #tpu.memory_space<vmem>>, vector<16xf32>,
        %get3A_1071 = arith.index_cast %add3A_1038 : i32 to index
        %get3A_1072 = arith.constant 64 : index
        %get3A_1073 = tpu.vector_load %arg8[%get3A_1071, %get3A_1072] {strides = array<i32>} : memref<128x128xf32, #tpu.memory_space<vmem>>, vector<16xf32>,
        %mul3A_1074 = vector.broadcast %squeeze3A_1034 : f32 to vector<16xf32>
        %mul3A_1075 = arith.mulf %get3A_1073, %mul3A_1074 : vector<16xf32>
        %swap3A_1076 = arith.index_cast %add3A_1038 : i32 to index
        %swap3A_1077 = arith.constant 64 : index
        %swap3A_1078 = tpu.vector_load %arg8[%swap3A_1076, %swap3A_1077] {strides = array<i32>} : memref<128x128xf32, #tpu.memory_space<vmem>>, vector<16xf32>,
        tpu.vector_store %arg8[%swap3A_1076, %swap3A_1077], %mul3A_1075 {strides = array<i32>} : memref<128x128xf32, #tpu.memory_space<vmem>>, vector<16xf32>,
        %get3A_1079 = arith.index_cast %add3A_1038 : i32 to index
        %get3A_1080 = arith.constant 80 : index
        %get3A_1081 = tpu.vector_load %arg8[%get3A_1079, %get3A_1080] {strides = array<i32>} : memref<128x128xf32, #tpu.memory_space<vmem>>, vector<16xf32>,
        %mul3A_1082 = vector.broadcast %squeeze3A_1034 : f32 to vector<16xf32>
        %mul3A_1083 = arith.mulf %get3A_1081, %mul3A_1082 : vector<16xf32>
        %swap3A_1084 = arith.index_cast %add3A_1038 : i32 to index
        %swap3A_1085 = arith.constant 80 : index
        %swap3A_1086 = tpu.vector_load %arg8[%swap3A_1084, %swap3A_1085] {strides = array<i32>} : memref<128x128xf32, #tpu.memory_space<vmem>>, vector<16xf32>,
        tpu.vector_store %arg8[%swap3A_1084, %swap3A_1085], %mul3A_1083 {strides = array<i32>} : memref<128x128xf32, #tpu.memory_space<vmem>>, vector<16xf32>,
        %get3A_1087 = arith.index_cast %add3A_1038 : i32 to index
        %get3A_1088 = arith.constant 96 : index
        %get3A_1089 = tpu.vector_load %arg8[%get3A_1087, %get3A_1088] {strides = array<i32>} : memref<128x128xf32, #tpu.memory_space<vmem>>, vector<16xf32>,
        %mul3A_1090 = vector.broadcast %squeeze3A_1034 : f32 to vector<16xf32>
        %mul3A_1091 = arith.mulf %get3A_1089, %mul3A_1090 : vector<16xf32>
        %swap3A_1092 = arith.index_cast %add3A_1038 : i32 to index
        %swap3A_1093 = arith.constant 96 : index
        %swap3A_1094 = tpu.vector_load %arg8[%swap3A_1092, %swap3A_1093] {strides = array<i32>} : memref<128x128xf32, #tpu.memory_space<vmem>>, vector<16xf32>,
        tpu.vector_store %arg8[%swap3A_1092, %swap3A_1093], %mul3A_1091 {strides = array<i32>} : memref<128x128xf32, #tpu.memory_space<vmem>>, vector<16xf32>,
        %get3A_1095 = arith.index_cast %add3A_1038 : i32 to index
        %get3A_1096 = arith.constant 112 : index
        %get3A_1097 = tpu.vector_load %arg8[%get3A_1095, %get3A_1096] {strides = array<i32>} : memref<128x128xf32, #tpu.memory_space<vmem>>, vector<16xf32>,
        %mul3A_1098 = vector.broadcast %squeeze3A_1034 : f32 to vector<16xf32>
        %mul3A_1099 = arith.mulf %get3A_1097, %mul3A_1098 : vector<16xf32>
        %swap3A_1100 = arith.index_cast %add3A_1038 : i32 to index
        %swap3A_1101 = arith.constant 112 : index
        %swap3A_1102 = tpu.vector_load %arg8[%swap3A_1100, %swap3A_1101] {strides = array<i32>} : memref<128x128xf32, #tpu.memory_space<vmem>>, vector<16xf32>,
        tpu.vector_store %arg8[%swap3A_1100, %swap3A_1101], %mul3A_1099 {strides = array<i32>} : memref<128x128xf32, #tpu.memory_space<vmem>>, vector<16xf32>,
        %slice3A_1103 = vector.extract_strided_slice %get3A_55 {offsets = [15], sizes = [1], strides = [1]} : vector<16xf32> to vector<1xf32>
        %squeeze3A_1104 = vector.extract %slice3A_1103[0] : f32 from vector<1xf32>
        %mul3A_1105 = arith.constant 16 : i32
        %mul3A_1106 = arith.muli %scan3A_52, %mul3A_1105 : i32
        %add3A_1107 = arith.constant 15 : i32
        %add3A_1108 = arith.addi %mul3A_1106, %add3A_1107 : i32
        %get3A_1109 = arith.index_cast %add3A_1108 : i32 to index
        %get3A_1110 = arith.constant 0 : index
        %get3A_1111 = tpu.vector_load %arg8[%get3A_1109, %get3A_1110] {strides = array<i32>} : memref<128x128xf32, #tpu.memory_space<vmem>>, vector<16xf32>,
        %mul3A_1112 = vector.broadcast %squeeze3A_1104 : f32 to vector<16xf32>
        %mul3A_1113 = arith.mulf %get3A_1111, %mul3A_1112 : vector<16xf32>
        %swap3A_1114 = arith.index_cast %add3A_1108 : i32 to index
        %swap3A_1115 = arith.constant 0 : index
        %swap3A_1116 = tpu.vector_load %arg8[%swap3A_1114, %swap3A_1115] {strides = array<i32>} : memref<128x128xf32, #tpu.memory_space<vmem>>, vector<16xf32>,
        tpu.vector_store %arg8[%swap3A_1114, %swap3A_1115], %mul3A_1113 {strides = array<i32>} : memref<128x128xf32, #tpu.memory_space<vmem>>, vector<16xf32>,
        %get3A_1117 = arith.index_cast %add3A_1108 : i32 to index
        %get3A_1118 = arith.constant 16 : index
        %get3A_1119 = tpu.vector_load %arg8[%get3A_1117, %get3A_1118] {strides = array<i32>} : memref<128x128xf32, #tpu.memory_space<vmem>>, vector<16xf32>,
        %mul3A_1120 = vector.broadcast %squeeze3A_1104 : f32 to vector<16xf32>
        %mul3A_1121 = arith.mulf %get3A_1119, %mul3A_1120 : vector<16xf32>
        %swap3A_1122 = arith.index_cast %add3A_1108 : i32 to index
        %swap3A_1123 = arith.constant 16 : index
        %swap3A_1124 = tpu.vector_load %arg8[%swap3A_1122, %swap3A_1123] {strides = array<i32>} : memref<128x128xf32, #tpu.memory_space<vmem>>, vector<16xf32>,
        tpu.vector_store %arg8[%swap3A_1122, %swap3A_1123], %mul3A_1121 {strides = array<i32>} : memref<128x128xf32, #tpu.memory_space<vmem>>, vector<16xf32>,
        %get3A_1125 = arith.index_cast %add3A_1108 : i32 to index
        %get3A_1126 = arith.constant 32 : index
        %get3A_1127 = tpu.vector_load %arg8[%get3A_1125, %get3A_1126] {strides = array<i32>} : memref<128x128xf32, #tpu.memory_space<vmem>>, vector<16xf32>,
        %mul3A_1128 = vector.broadcast %squeeze3A_1104 : f32 to vector<16xf32>
        %mul3A_1129 = arith.mulf %get3A_1127, %mul3A_1128 : vector<16xf32>
        %swap3A_1130 = arith.index_cast %add3A_1108 : i32 to index
        %swap3A_1131 = arith.constant 32 : index
        %swap3A_1132 = tpu.vector_load %arg8[%swap3A_1130, %swap3A_1131] {strides = array<i32>} : memref<128x128xf32, #tpu.memory_space<vmem>>, vector<16xf32>,
        tpu.vector_store %arg8[%swap3A_1130, %swap3A_1131], %mul3A_1129 {strides = array<i32>} : memref<128x128xf32, #tpu.memory_space<vmem>>, vector<16xf32>,
        %get3A_1133 = arith.index_cast %add3A_1108 : i32 to index
        %get3A_1134 = arith.constant 48 : index
        %get3A_1135 = tpu.vector_load %arg8[%get3A_1133, %get3A_1134] {strides = array<i32>} : memref<128x128xf32, #tpu.memory_space<vmem>>, vector<16xf32>,
        %mul3A_1136 = vector.broadcast %squeeze3A_1104 : f32 to vector<16xf32>
        %mul3A_1137 = arith.mulf %get3A_1135, %mul3A_1136 : vector<16xf32>
        %swap3A_1138 = arith.index_cast %add3A_1108 : i32 to index
        %swap3A_1139 = arith.constant 48 : index
        %swap3A_1140 = tpu.vector_load %arg8[%swap3A_1138, %swap3A_1139] {strides = array<i32>} : memref<128x128xf32, #tpu.memory_space<vmem>>, vector<16xf32>,
        tpu.vector_store %arg8[%swap3A_1138, %swap3A_1139], %mul3A_1137 {strides = array<i32>} : memref<128x128xf32, #tpu.memory_space<vmem>>, vector<16xf32>,
        %get3A_1141 = arith.index_cast %add3A_1108 : i32 to index
        %get3A_1142 = arith.constant 64 : index
        %get3A_1143 = tpu.vector_load %arg8[%get3A_1141, %get3A_1142] {strides = array<i32>} : memref<128x128xf32, #tpu.memory_space<vmem>>, vector<16xf32>,
        %mul3A_1144 = vector.broadcast %squeeze3A_1104 : f32 to vector<16xf32>
        %mul3A_1145 = arith.mulf %get3A_1143, %mul3A_1144 : vector<16xf32>
        %swap3A_1146 = arith.index_cast %add3A_1108 : i32 to index
        %swap3A_1147 = arith.constant 64 : index
        %swap3A_1148 = tpu.vector_load %arg8[%swap3A_1146, %swap3A_1147] {strides = array<i32>} : memref<128x128xf32, #tpu.memory_space<vmem>>, vector<16xf32>,
        tpu.vector_store %arg8[%swap3A_1146, %swap3A_1147], %mul3A_1145 {strides = array<i32>} : memref<128x128xf32, #tpu.memory_space<vmem>>, vector<16xf32>,
        %get3A_1149 = arith.index_cast %add3A_1108 : i32 to index
        %get3A_1150 = arith.constant 80 : index
        %get3A_1151 = tpu.vector_load %arg8[%get3A_1149, %get3A_1150] {strides = array<i32>} : memref<128x128xf32, #tpu.memory_space<vmem>>, vector<16xf32>,
        %mul3A_1152 = vector.broadcast %squeeze3A_1104 : f32 to vector<16xf32>
        %mul3A_1153 = arith.mulf %get3A_1151, %mul3A_1152 : vector<16xf32>
        %swap3A_1154 = arith.index_cast %add3A_1108 : i32 to index
        %swap3A_1155 = arith.constant 80 : index
        %swap3A_1156 = tpu.vector_load %arg8[%swap3A_1154, %swap3A_1155] {strides = array<i32>} : memref<128x128xf32, #tpu.memory_space<vmem>>, vector<16xf32>,
        tpu.vector_store %arg8[%swap3A_1154, %swap3A_1155], %mul3A_1153 {strides = array<i32>} : memref<128x128xf32, #tpu.memory_space<vmem>>, vector<16xf32>,
        %get3A_1157 = arith.index_cast %add3A_1108 : i32 to index
        %get3A_1158 = arith.constant 96 : index
        %get3A_1159 = tpu.vector_load %arg8[%get3A_1157, %get3A_1158] {strides = array<i32>} : memref<128x128xf32, #tpu.memory_space<vmem>>, vector<16xf32>,
        %mul3A_1160 = vector.broadcast %squeeze3A_1104 : f32 to vector<16xf32>
        %mul3A_1161 = arith.mulf %get3A_1159, %mul3A_1160 : vector<16xf32>
        %swap3A_1162 = arith.index_cast %add3A_1108 : i32 to index
        %swap3A_1163 = arith.constant 96 : index
        %swap3A_1164 = tpu.vector_load %arg8[%swap3A_1162, %swap3A_1163] {strides = array<i32>} : memref<128x128xf32, #tpu.memory_space<vmem>>, vector<16xf32>,
        tpu.vector_store %arg8[%swap3A_1162, %swap3A_1163], %mul3A_1161 {strides = array<i32>} : memref<128x128xf32, #tpu.memory_space<vmem>>, vector<16xf32>,
        %get3A_1165 = arith.index_cast %add3A_1108 : i32 to index
        %get3A_1166 = arith.constant 112 : index
        %get3A_1167 = tpu.vector_load %arg8[%get3A_1165, %get3A_1166] {strides = array<i32>} : memref<128x128xf32, #tpu.memory_space<vmem>>, vector<16xf32>,
        %mul3A_1168 = vector.broadcast %squeeze3A_1104 : f32 to vector<16xf32>
        %mul3A_1169 = arith.mulf %get3A_1167, %mul3A_1168 : vector<16xf32>
        %swap3A_1170 = arith.index_cast %add3A_1108 : i32 to index
        %swap3A_1171 = arith.constant 112 : index
        %swap3A_1172 = tpu.vector_load %arg8[%swap3A_1170, %swap3A_1171] {strides = array<i32>} : memref<128x128xf32, #tpu.memory_space<vmem>>, vector<16xf32>,
        tpu.vector_store %arg8[%swap3A_1170, %swap3A_1171], %mul3A_1169 {strides = array<i32>} : memref<128x128xf32, #tpu.memory_space<vmem>>, vector<16xf32>,
      }
      %scan3A_51 = arith.constant 8 : i32
      "tpu.region"() ({
        %run_scoped3A = tpu.sem_alloc : memref<!tpu.dma_semaphore, #tpu.memory_space<semaphore_mem>>
        %dma_start3A = arith.constant 0 : i32
        %dma_start3A_52 = arith.constant 0 : i32
        %dma_start3A_53 = tpu.memref_slice %arg16[%dma_start3A, %dma_start3A_52] : memref<512x128xf32, #tpu.memory_space<vmem_shared>> -> memref<512x128xf32, #tpu.memory_space<vmem_shared>>
        tpu.enqueue_indirect_dma source(%arg8 : memref<128x128xf32, #tpu.memory_space<vmem>>) target(%dma_start3A_53 : memref<512x128xf32, #tpu.memory_space<vmem_shared>>) offsets(%arg9 : memref<128xi32, #tpu.memory_space<vmem>>) semaphore(%run_scoped3A : memref<!tpu.dma_semaphore, #tpu.memory_space<semaphore_mem>>) {add = true}
        %dma_wait3A = arith.constant 0 : i32
        %dma_wait3A_54 = arith.constant 0 : i32
        %dma_wait3A_55 = tpu.memref_slice %arg16[%dma_wait3A, %dma_wait3A_54] : memref<512x128xf32, #tpu.memory_space<vmem_shared>> -> memref<512x128xf32, #tpu.memory_space<vmem_shared>>
        tpu.wait_indirect_dma semaphore(%run_scoped3A : memref<!tpu.dma_semaphore, #tpu.memory_space<semaphore_mem>>) src(%arg8 : memref<128x128xf32, #tpu.memory_space<vmem>>) dst(%dma_wait3A_55 : memref<512x128xf32, #tpu.memory_space<vmem_shared>>)
        tpu.yield
      }) : () -> ()
    }
    %eq3A = arith.constant 31 : i32
    %eq3A_24 = arith.cmpi eq, %add3A, %eq3A : i32
    %convert_element_type3A = arith.extui %eq3A_24 : i1 to i32
    %cond3A = arith.constant 0 : i32
    %cond3A_25 = arith.cmpi ne, %convert_element_type3A, %cond3A : i32
    scf.if %cond3A_25 {
      "tpu.region"() ({
        %run_scoped3A = tpu.sem_alloc : memref<!tpu.dma_semaphore, #tpu.memory_space<semaphore_mem>>
        %dma_start3A = arith.constant 0 : i32
        %dma_start3A_44 = arith.constant 0 : i32
        %dma_start3A_45 = tpu.memref_slice %arg8[%dma_start3A, %dma_start3A_44] : memref<128x128xf32, #tpu.memory_space<vmem>> -> memref<32x128xf32, #tpu.memory_space<vmem>>
        %dma_start3A_46 = arith.constant 99968 : i32
        %dma_start3A_47 = arith.constant 0 : i32
        %dma_start3A_48 = tpu.memref_slice %arg2[%dma_start3A_46, %dma_start3A_47] : memref<100000x128xf32, #tpu.memory_space<hbm>> -> memref<32x128xf32, #tpu.memory_space<hbm>>
        %dma_start3A_49 = arith.constant 0 : i32
        %dma_start3A_50 = arith.constant 0 : i32
        %dma_start3A_51 = tpu.memref_slice %arg8[%dma_start3A_49, %dma_start3A_50] : memref<128x128xf32, #tpu.memory_space<vmem>> -> memref<32x128xf32, #tpu.memory_space<vmem>>
        %dma_start3A_52 = arith.constant 99968 : i32
        %dma_start3A_53 = arith.constant 0 : i32
        %dma_start3A_54 = tpu.memref_slice %arg2[%dma_start3A_52, %dma_start3A_53] : memref<100000x128xf32, #tpu.memory_space<hbm>> -> memref<32x128xf32, #tpu.memory_space<hbm>>
        tpu.enqueue_dma source(%dma_start3A_54 : memref<32x128xf32, #tpu.memory_space<hbm>>) target(%dma_start3A_51 : memref<32x128xf32, #tpu.memory_space<vmem>>) target_semaphore(%run_scoped3A : memref<!tpu.dma_semaphore, #tpu.memory_space<semaphore_mem>>)
        %dma_wait3A = arith.constant 0 : i32
        %dma_wait3A_55 = arith.constant 0 : i32
        %dma_wait3A_56 = tpu.memref_slice %arg8[%dma_wait3A, %dma_wait3A_55] : memref<128x128xf32, #tpu.memory_space<vmem>> -> memref<32x128xf32, #tpu.memory_space<vmem>>
        %dma_wait3A_57 = arith.constant 99968 : i32
        %dma_wait3A_58 = arith.constant 0 : i32
        %dma_wait3A_59 = tpu.memref_slice %arg2[%dma_wait3A_57, %dma_wait3A_58] : memref<100000x128xf32, #tpu.memory_space<hbm>> -> memref<32x128xf32, #tpu.memory_space<hbm>>
        %dma_wait3A_60 = arith.constant 0 : i32
        %dma_wait3A_61 = arith.constant 0 : i32
        %dma_wait3A_62 = tpu.memref_slice %arg8[%dma_wait3A_60, %dma_wait3A_61] : memref<128x128xf32, #tpu.memory_space<vmem>> -> memref<32x128xf32, #tpu.memory_space<vmem>>
        %dma_wait3A_63 = arith.constant 99968 : i32
        %dma_wait3A_64 = arith.constant 0 : i32
        %dma_wait3A_65 = tpu.memref_slice %arg2[%dma_wait3A_63, %dma_wait3A_64] : memref<100000x128xf32, #tpu.memory_space<hbm>> -> memref<32x128xf32, #tpu.memory_space<hbm>>
        tpu.wait_dma2 semaphore(%run_scoped3A : memref<!tpu.dma_semaphore, #tpu.memory_space<semaphore_mem>>) src(%dma_wait3A_65 : memref<32x128xf32, #tpu.memory_space<hbm>>) dst(%dma_wait3A_62 : memref<32x128xf32, #tpu.memory_space<vmem>>)
        tpu.yield
      }) : () -> ()
      "tpu.region"() ({
        %run_scoped3A = tpu.sem_alloc : memref<!tpu.dma_semaphore, #tpu.memory_space<semaphore_mem>>
        %dma_start3A = arith.constant 99968 : i32
        %dma_start3A_44 = tpu.memref_slice %arg5[%dma_start3A] : memref<100000xi32, #tpu.memory_space<hbm>> -> memref<32xi32, #tpu.memory_space<hbm>>
        %dma_start3A_45 = arith.constant 99968 : i32
        %dma_start3A_46 = tpu.memref_slice %arg5[%dma_start3A_45] : memref<100000xi32, #tpu.memory_space<hbm>> -> memref<32xi32, #tpu.memory_space<hbm>>
        tpu.enqueue_dma source(%dma_start3A_46 : memref<32xi32, #tpu.memory_space<hbm>>) target(%arg10 : memref<32xi32, #tpu.memory_space<vmem>>) target_semaphore(%run_scoped3A : memref<!tpu.dma_semaphore, #tpu.memory_space<semaphore_mem>>)
        %dma_wait3A = arith.constant 99968 : i32
        %dma_wait3A_47 = tpu.memref_slice %arg5[%dma_wait3A] : memref<100000xi32, #tpu.memory_space<hbm>> -> memref<32xi32, #tpu.memory_space<hbm>>
        %dma_wait3A_48 = arith.constant 99968 : i32
        %dma_wait3A_49 = tpu.memref_slice %arg5[%dma_wait3A_48] : memref<100000xi32, #tpu.memory_space<hbm>> -> memref<32xi32, #tpu.memory_space<hbm>>
        tpu.wait_dma2 semaphore(%run_scoped3A : memref<!tpu.dma_semaphore, #tpu.memory_space<semaphore_mem>>) src(%dma_wait3A_49 : memref<32xi32, #tpu.memory_space<hbm>>) dst(%arg10 : memref<32xi32, #tpu.memory_space<vmem>>)
        tpu.yield
      }) : () -> ()
      "tpu.region"() ({
        %run_scoped3A = tpu.sem_alloc : memref<!tpu.dma_semaphore, #tpu.memory_space<semaphore_mem>>
        %dma_start3A = arith.constant 0 : i32
        %dma_start3A_44 = arith.constant 0 : i32
        %dma_start3A_45 = tpu.memref_slice %arg11[%dma_start3A, %dma_start3A_44] : memref<8x128xf32, #tpu.memory_space<vmem>> -> memref<8x32xf32, #tpu.memory_space<vmem>>
        %dma_start3A_46 = arith.constant 0 : i32
        %dma_start3A_47 = arith.constant 99968 : i32
        %dma_start3A_48 = tpu.memref_slice %arg3[%dma_start3A_46, %dma_start3A_47] : memref<8x102400xf32, #tpu.memory_space<hbm>> -> memref<8x32xf32, #tpu.memory_space<hbm>>
        %dma_start3A_49 = arith.constant 0 : i32
        %dma_start3A_50 = arith.constant 0 : i32
        %dma_start3A_51 = tpu.memref_slice %arg11[%dma_start3A_49, %dma_start3A_50] : memref<8x128xf32, #tpu.memory_space<vmem>> -> memref<8x32xf32, #tpu.memory_space<vmem>>
        %dma_start3A_52 = arith.constant 0 : i32
        %dma_start3A_53 = arith.constant 99968 : i32
        %dma_start3A_54 = tpu.memref_slice %arg3[%dma_start3A_52, %dma_start3A_53] : memref<8x102400xf32, #tpu.memory_space<hbm>> -> memref<8x32xf32, #tpu.memory_space<hbm>>
        tpu.enqueue_dma source(%dma_start3A_54 : memref<8x32xf32, #tpu.memory_space<hbm>>) target(%dma_start3A_51 : memref<8x32xf32, #tpu.memory_space<vmem>>) target_semaphore(%run_scoped3A : memref<!tpu.dma_semaphore, #tpu.memory_space<semaphore_mem>>)
        %dma_wait3A = arith.constant 0 : i32
        %dma_wait3A_55 = arith.constant 0 : i32
        %dma_wait3A_56 = tpu.memref_slice %arg11[%dma_wait3A, %dma_wait3A_55] : memref<8x128xf32, #tpu.memory_space<vmem>> -> memref<8x32xf32, #tpu.memory_space<vmem>>
        %dma_wait3A_57 = arith.constant 0 : i32
        %dma_wait3A_58 = arith.constant 99968 : i32
        %dma_wait3A_59 = tpu.memref_slice %arg3[%dma_wait3A_57, %dma_wait3A_58] : memref<8x102400xf32, #tpu.memory_space<hbm>> -> memref<8x32xf32, #tpu.memory_space<hbm>>
        %dma_wait3A_60 = arith.constant 0 : i32
        %dma_wait3A_61 = arith.constant 0 : i32
        %dma_wait3A_62 = tpu.memref_slice %arg11[%dma_wait3A_60, %dma_wait3A_61] : memref<8x128xf32, #tpu.memory_space<vmem>> -> memref<8x32xf32, #tpu.memory_space<vmem>>
        %dma_wait3A_63 = arith.constant 0 : i32
        %dma_wait3A_64 = arith.constant 99968 : i32
        %dma_wait3A_65 = tpu.memref_slice %arg3[%dma_wait3A_63, %dma_wait3A_64] : memref<8x102400xf32, #tpu.memory_space<hbm>> -> memref<8x32xf32, #tpu.memory_space<hbm>>
        tpu.wait_dma2 semaphore(%run_scoped3A : memref<!tpu.dma_semaphore, #tpu.memory_space<semaphore_mem>>) src(%dma_wait3A_65 : memref<8x32xf32, #tpu.memory_space<hbm>>) dst(%dma_wait3A_62 : memref<8x32xf32, #tpu.memory_space<vmem>>)
        tpu.yield
      }) : () -> ()
      %scan3A_32 = arith.constant 0 : i32
      %scan3A_33 = arith.constant 0 : i32
      %scan3A_34 = arith.constant 2 : i32
      %scan3A_35 = arith.addi %scan3A_33, %scan3A_34 : i32
      %scan3A_36 = arith.constant 1 : i32
      scf.for %scan3A_44 = %scan3A_33 to %scan3A_35 step %scan3A_36  : i32 {
        %mul3A_45 = arith.constant 16 : i32
        %mul3A_46 = arith.muli %scan3A_44, %mul3A_45 : i32
        %get3A = arith.index_cast %mul3A_46 : i32 to index
        %get3A_47 = tpu.vector_load %arg10[%get3A] {strides = array<i32>} : memref<32xi32, #tpu.memory_space<vmem>>, vector<16xi32>,
        %mul3A_48 = arith.constant 16 : i32
        %mul3A_49 = arith.muli %scan3A_44, %mul3A_48 : i32
        %add3A_50 = vector.broadcast %mul3A_49 : i32 to vector<16xi32>
        %add3A_51 = arith.addi %add3A_50, %iota3A : vector<16xi32>
        %mul3A_52 = arith.constant 128 : i32
        %mul3A_53 = arith.muli %scan3A_44, %mul3A_52 : i32
        %add3A_54 = vector.broadcast %mul3A_53 : i32 to vector<16xi32>
        %add3A_55 = arith.addi %add3A_54, %mul3A_10 : vector<16xi32>
        %broadcast_in_dim3A = arith.constant 0.000000e+00 : f32
        %broadcast_in_dim3A_56 = vector.broadcast %broadcast_in_dim3A : f32 to vector<16xf32>
        %broadcast_in_dim3A_57 = arith.constant 0 : i32
        %broadcast_in_dim3A_58 = vector.broadcast %broadcast_in_dim3A_57 : i32 to vector<16xi32>
        %gather3A = tpu.vector_load_idx %arg11[%broadcast_in_dim3A_58, %add3A_51] : memref<8x128xf32, #tpu.memory_space<vmem>>[vector<16xi32>, vector<16xi32>], vector<16xf32>,
        %gather3A_59 = tpu.vector_load_idx %arg14[%broadcast_in_dim3A_58, %get3A_47] : memref<8x512xf32, #tpu.memory_space<vmem>>[vector<16xi32>, vector<16xi32>], vector<16xf32>,
        %mul3A_60 = arith.mulf %gather3A, %gather3A_59 : vector<16xf32>
        %add3A_61 = arith.constant 0 : i32
        %add3A_62 = vector.broadcast %add3A_61 : i32 to vector<16xi32>
        %add3A_63 = arith.addi %add3A_55, %add3A_62 : vector<16xi32>
        tpu.vector_store_idx %arg12[%add3A_63], %mul3A_60 : memref<1024xf32, #tpu.memory_space<vmem>>[vector<16xi32>], vector<16xf32>,
        %add3A_64 = arith.addf %broadcast_in_dim3A_56, %mul3A_60 : vector<16xf32>
        %broadcast_in_dim3A_65 = arith.constant 1 : i32
        %broadcast_in_dim3A_66 = vector.broadcast %broadcast_in_dim3A_65 : i32 to vector<16xi32>
        %gather3A_67 = tpu.vector_load_idx %arg11[%broadcast_in_dim3A_66, %add3A_51] : memref<8x128xf32, #tpu.memory_space<vmem>>[vector<16xi32>, vector<16xi32>], vector<16xf32>,
        %gather3A_68 = tpu.vector_load_idx %arg14[%broadcast_in_dim3A_66, %get3A_47] : memref<8x512xf32, #tpu.memory_space<vmem>>[vector<16xi32>, vector<16xi32>], vector<16xf32>,
        %mul3A_69 = arith.mulf %gather3A_67, %gather3A_68 : vector<16xf32>
        %add3A_70 = arith.constant 1 : i32
        %add3A_71 = vector.broadcast %add3A_70 : i32 to vector<16xi32>
        %add3A_72 = arith.addi %add3A_55, %add3A_71 : vector<16xi32>
        tpu.vector_store_idx %arg12[%add3A_72], %mul3A_69 : memref<1024xf32, #tpu.memory_space<vmem>>[vector<16xi32>], vector<16xf32>,
        %add3A_73 = arith.addf %add3A_64, %mul3A_69 : vector<16xf32>
        %broadcast_in_dim3A_74 = arith.constant 2 : i32
        %broadcast_in_dim3A_75 = vector.broadcast %broadcast_in_dim3A_74 : i32 to vector<16xi32>
        %gather3A_76 = tpu.vector_load_idx %arg11[%broadcast_in_dim3A_75, %add3A_51] : memref<8x128xf32, #tpu.memory_space<vmem>>[vector<16xi32>, vector<16xi32>], vector<16xf32>,
        %gather3A_77 = tpu.vector_load_idx %arg14[%broadcast_in_dim3A_75, %get3A_47] : memref<8x512xf32, #tpu.memory_space<vmem>>[vector<16xi32>, vector<16xi32>], vector<16xf32>,
        %mul3A_78 = arith.mulf %gather3A_76, %gather3A_77 : vector<16xf32>
        %add3A_79 = arith.constant 2 : i32
        %add3A_80 = vector.broadcast %add3A_79 : i32 to vector<16xi32>
        %add3A_81 = arith.addi %add3A_55, %add3A_80 : vector<16xi32>
        tpu.vector_store_idx %arg12[%add3A_81], %mul3A_78 : memref<1024xf32, #tpu.memory_space<vmem>>[vector<16xi32>], vector<16xf32>,
        %add3A_82 = arith.addf %add3A_73, %mul3A_78 : vector<16xf32>
        %broadcast_in_dim3A_83 = arith.constant 3 : i32
        %broadcast_in_dim3A_84 = vector.broadcast %broadcast_in_dim3A_83 : i32 to vector<16xi32>
        %gather3A_85 = tpu.vector_load_idx %arg11[%broadcast_in_dim3A_84, %add3A_51] : memref<8x128xf32, #tpu.memory_space<vmem>>[vector<16xi32>, vector<16xi32>], vector<16xf32>,
        %gather3A_86 = tpu.vector_load_idx %arg14[%broadcast_in_dim3A_84, %get3A_47] : memref<8x512xf32, #tpu.memory_space<vmem>>[vector<16xi32>, vector<16xi32>], vector<16xf32>,
        %mul3A_87 = arith.mulf %gather3A_85, %gather3A_86 : vector<16xf32>
        %add3A_88 = arith.constant 3 : i32
        %add3A_89 = vector.broadcast %add3A_88 : i32 to vector<16xi32>
        %add3A_90 = arith.addi %add3A_55, %add3A_89 : vector<16xi32>
        tpu.vector_store_idx %arg12[%add3A_90], %mul3A_87 : memref<1024xf32, #tpu.memory_space<vmem>>[vector<16xi32>], vector<16xf32>,
        %add3A_91 = arith.addf %add3A_82, %mul3A_87 : vector<16xf32>
        %broadcast_in_dim3A_92 = arith.constant 4 : i32
        %broadcast_in_dim3A_93 = vector.broadcast %broadcast_in_dim3A_92 : i32 to vector<16xi32>
        %gather3A_94 = tpu.vector_load_idx %arg11[%broadcast_in_dim3A_93, %add3A_51] : memref<8x128xf32, #tpu.memory_space<vmem>>[vector<16xi32>, vector<16xi32>], vector<16xf32>,
        %gather3A_95 = tpu.vector_load_idx %arg14[%broadcast_in_dim3A_93, %get3A_47] : memref<8x512xf32, #tpu.memory_space<vmem>>[vector<16xi32>, vector<16xi32>], vector<16xf32>,
        %mul3A_96 = arith.mulf %gather3A_94, %gather3A_95 : vector<16xf32>
        %add3A_97 = arith.constant 4 : i32
        %add3A_98 = vector.broadcast %add3A_97 : i32 to vector<16xi32>
        %add3A_99 = arith.addi %add3A_55, %add3A_98 : vector<16xi32>
        tpu.vector_store_idx %arg12[%add3A_99], %mul3A_96 : memref<1024xf32, #tpu.memory_space<vmem>>[vector<16xi32>], vector<16xf32>,
        %add3A_100 = arith.addf %add3A_91, %mul3A_96 : vector<16xf32>
        %broadcast_in_dim3A_101 = arith.constant 5 : i32
        %broadcast_in_dim3A_102 = vector.broadcast %broadcast_in_dim3A_101 : i32 to vector<16xi32>
        %gather3A_103 = tpu.vector_load_idx %arg11[%broadcast_in_dim3A_102, %add3A_51] : memref<8x128xf32, #tpu.memory_space<vmem>>[vector<16xi32>, vector<16xi32>], vector<16xf32>,
        %gather3A_104 = tpu.vector_load_idx %arg14[%broadcast_in_dim3A_102, %get3A_47] : memref<8x512xf32, #tpu.memory_space<vmem>>[vector<16xi32>, vector<16xi32>], vector<16xf32>,
        %mul3A_105 = arith.mulf %gather3A_103, %gather3A_104 : vector<16xf32>
        %add3A_106 = arith.constant 5 : i32
        %add3A_107 = vector.broadcast %add3A_106 : i32 to vector<16xi32>
        %add3A_108 = arith.addi %add3A_55, %add3A_107 : vector<16xi32>
        tpu.vector_store_idx %arg12[%add3A_108], %mul3A_105 : memref<1024xf32, #tpu.memory_space<vmem>>[vector<16xi32>], vector<16xf32>,
        %add3A_109 = arith.addf %add3A_100, %mul3A_105 : vector<16xf32>
        %broadcast_in_dim3A_110 = arith.constant 6 : i32
        %broadcast_in_dim3A_111 = vector.broadcast %broadcast_in_dim3A_110 : i32 to vector<16xi32>
        %gather3A_112 = tpu.vector_load_idx %arg11[%broadcast_in_dim3A_111, %add3A_51] : memref<8x128xf32, #tpu.memory_space<vmem>>[vector<16xi32>, vector<16xi32>], vector<16xf32>,
        %gather3A_113 = tpu.vector_load_idx %arg14[%broadcast_in_dim3A_111, %get3A_47] : memref<8x512xf32, #tpu.memory_space<vmem>>[vector<16xi32>, vector<16xi32>], vector<16xf32>,
        %mul3A_114 = arith.mulf %gather3A_112, %gather3A_113 : vector<16xf32>
        %add3A_115 = arith.constant 6 : i32
        %add3A_116 = vector.broadcast %add3A_115 : i32 to vector<16xi32>
        %add3A_117 = arith.addi %add3A_55, %add3A_116 : vector<16xi32>
        tpu.vector_store_idx %arg12[%add3A_117], %mul3A_114 : memref<1024xf32, #tpu.memory_space<vmem>>[vector<16xi32>], vector<16xf32>,
        %add3A_118 = arith.addf %add3A_109, %mul3A_114 : vector<16xf32>
        %broadcast_in_dim3A_119 = arith.constant 7 : i32
        %broadcast_in_dim3A_120 = vector.broadcast %broadcast_in_dim3A_119 : i32 to vector<16xi32>
        %gather3A_121 = tpu.vector_load_idx %arg11[%broadcast_in_dim3A_120, %add3A_51] : memref<8x128xf32, #tpu.memory_space<vmem>>[vector<16xi32>, vector<16xi32>], vector<16xf32>,
        %gather3A_122 = tpu.vector_load_idx %arg14[%broadcast_in_dim3A_120, %get3A_47] : memref<8x512xf32, #tpu.memory_space<vmem>>[vector<16xi32>, vector<16xi32>], vector<16xf32>,
        %mul3A_123 = arith.mulf %gather3A_121, %gather3A_122 : vector<16xf32>
        %add3A_124 = arith.constant 7 : i32
        %add3A_125 = vector.broadcast %add3A_124 : i32 to vector<16xi32>
        %add3A_126 = arith.addi %add3A_55, %add3A_125 : vector<16xi32>
        tpu.vector_store_idx %arg12[%add3A_126], %mul3A_123 : memref<1024xf32, #tpu.memory_space<vmem>>[vector<16xi32>], vector<16xf32>,
        %add3A_127 = arith.addf %add3A_118, %mul3A_123 : vector<16xf32>
        %mul3A_128 = arith.constant 16 : i32
        %mul3A_129 = arith.muli %scan3A_44, %mul3A_128 : i32
        %swap3A = arith.index_cast %mul3A_129 : i32 to index
        %swap3A_130 = tpu.vector_load %arg13[%swap3A] {strides = array<i32>} : memref<128xf32, #tpu.memory_space<vmem>>, vector<16xf32>,
        tpu.vector_store %arg13[%swap3A], %add3A_127 {strides = array<i32>} : memref<128xf32, #tpu.memory_space<vmem>>, vector<16xf32>,
      }
      %scan3A_37 = arith.constant 2 : i32
      "tpu.region"() ({
        %run_scoped3A = tpu.sem_alloc : memref<!tpu.dma_semaphore, #tpu.memory_space<semaphore_mem>>
        %dma_start3A = arith.constant 0 : i32
        %dma_start3A_44 = tpu.memref_slice %arg12[%dma_start3A] : memref<1024xf32, #tpu.memory_space<vmem>> -> memref<256xf32, #tpu.memory_space<vmem>>
        %dma_start3A_45 = arith.constant 799744 : i32
        %dma_start3A_46 = tpu.memref_slice %arg6[%dma_start3A_45] : memref<800000xf32, #tpu.memory_space<hbm>> -> memref<256xf32, #tpu.memory_space<hbm>>
        %dma_start3A_47 = arith.constant 799744 : i32
        %dma_start3A_48 = tpu.memref_slice %arg6[%dma_start3A_47] : memref<800000xf32, #tpu.memory_space<hbm>> -> memref<256xf32, #tpu.memory_space<hbm>>
        %dma_start3A_49 = arith.constant 0 : i32
        %dma_start3A_50 = tpu.memref_slice %arg12[%dma_start3A_49] : memref<1024xf32, #tpu.memory_space<vmem>> -> memref<256xf32, #tpu.memory_space<vmem>>
        tpu.enqueue_dma source(%dma_start3A_50 : memref<256xf32, #tpu.memory_space<vmem>>) target(%dma_start3A_48 : memref<256xf32, #tpu.memory_space<hbm>>) target_semaphore(%run_scoped3A : memref<!tpu.dma_semaphore, #tpu.memory_space<semaphore_mem>>)
        %dma_wait3A = arith.constant 0 : i32
        %dma_wait3A_51 = tpu.memref_slice %arg12[%dma_wait3A] : memref<1024xf32, #tpu.memory_space<vmem>> -> memref<256xf32, #tpu.memory_space<vmem>>
        %dma_wait3A_52 = arith.constant 799744 : i32
        %dma_wait3A_53 = tpu.memref_slice %arg6[%dma_wait3A_52] : memref<800000xf32, #tpu.memory_space<hbm>> -> memref<256xf32, #tpu.memory_space<hbm>>
        %dma_wait3A_54 = arith.constant 799744 : i32
        %dma_wait3A_55 = tpu.memref_slice %arg6[%dma_wait3A_54] : memref<800000xf32, #tpu.memory_space<hbm>> -> memref<256xf32, #tpu.memory_space<hbm>>
        %dma_wait3A_56 = arith.constant 0 : i32
        %dma_wait3A_57 = tpu.memref_slice %arg12[%dma_wait3A_56] : memref<1024xf32, #tpu.memory_space<vmem>> -> memref<256xf32, #tpu.memory_space<vmem>>
        tpu.wait_dma2 semaphore(%run_scoped3A : memref<!tpu.dma_semaphore, #tpu.memory_space<semaphore_mem>>) src(%dma_wait3A_57 : memref<256xf32, #tpu.memory_space<vmem>>) dst(%dma_wait3A_55 : memref<256xf32, #tpu.memory_space<hbm>>)
        tpu.yield
      }) : () -> ()
      %scan3A_38 = arith.constant 0 : i32
      %scan3A_39 = arith.constant 0 : i32
      %scan3A_40 = arith.constant 2 : i32
      %scan3A_41 = arith.addi %scan3A_39, %scan3A_40 : i32
      %scan3A_42 = arith.constant 1 : i32
      scf.for %scan3A_44 = %scan3A_39 to %scan3A_41 step %scan3A_42  : i32 {
        %mul3A_45 = arith.constant 16 : i32
        %mul3A_46 = arith.muli %scan3A_44, %mul3A_45 : i32
        %get3A = arith.index_cast %mul3A_46 : i32 to index
        %get3A_47 = tpu.vector_load %arg13[%get3A] {strides = array<i32>} : memref<128xf32, #tpu.memory_space<vmem>>, vector<16xf32>,
        %slice3A = vector.extract_strided_slice %get3A_47 {offsets = [0], sizes = [1], strides = [1]} : vector<16xf32> to vector<1xf32>
        %squeeze3A = vector.extract %slice3A[0] : f32 from vector<1xf32>
        %mul3A_48 = arith.constant 16 : i32
        %mul3A_49 = arith.muli %scan3A_44, %mul3A_48 : i32
        %add3A_50 = arith.constant 0 : i32
        %add3A_51 = arith.addi %mul3A_49, %add3A_50 : i32
        %get3A_52 = arith.index_cast %add3A_51 : i32 to index
        %get3A_53 = arith.constant 0 : index
        %get3A_54 = tpu.vector_load %arg8[%get3A_52, %get3A_53] {strides = array<i32>} : memref<128x128xf32, #tpu.memory_space<vmem>>, vector<16xf32>,
        %mul3A_55 = vector.broadcast %squeeze3A : f32 to vector<16xf32>
        %mul3A_56 = arith.mulf %get3A_54, %mul3A_55 : vector<16xf32>
        %swap3A = arith.index_cast %add3A_51 : i32 to index
        %swap3A_57 = arith.constant 0 : index
        %swap3A_58 = tpu.vector_load %arg8[%swap3A, %swap3A_57] {strides = array<i32>} : memref<128x128xf32, #tpu.memory_space<vmem>>, vector<16xf32>,
        tpu.vector_store %arg8[%swap3A, %swap3A_57], %mul3A_56 {strides = array<i32>} : memref<128x128xf32, #tpu.memory_space<vmem>>, vector<16xf32>,
        %get3A_59 = arith.index_cast %add3A_51 : i32 to index
        %get3A_60 = arith.constant 16 : index
        %get3A_61 = tpu.vector_load %arg8[%get3A_59, %get3A_60] {strides = array<i32>} : memref<128x128xf32, #tpu.memory_space<vmem>>, vector<16xf32>,
        %mul3A_62 = vector.broadcast %squeeze3A : f32 to vector<16xf32>
        %mul3A_63 = arith.mulf %get3A_61, %mul3A_62 : vector<16xf32>
        %swap3A_64 = arith.index_cast %add3A_51 : i32 to index
        %swap3A_65 = arith.constant 16 : index
        %swap3A_66 = tpu.vector_load %arg8[%swap3A_64, %swap3A_65] {strides = array<i32>} : memref<128x128xf32, #tpu.memory_space<vmem>>, vector<16xf32>,
        tpu.vector_store %arg8[%swap3A_64, %swap3A_65], %mul3A_63 {strides = array<i32>} : memref<128x128xf32, #tpu.memory_space<vmem>>, vector<16xf32>,
        %get3A_67 = arith.index_cast %add3A_51 : i32 to index
        %get3A_68 = arith.constant 32 : index
        %get3A_69 = tpu.vector_load %arg8[%get3A_67, %get3A_68] {strides = array<i32>} : memref<128x128xf32, #tpu.memory_space<vmem>>, vector<16xf32>,
        %mul3A_70 = vector.broadcast %squeeze3A : f32 to vector<16xf32>
        %mul3A_71 = arith.mulf %get3A_69, %mul3A_70 : vector<16xf32>
        %swap3A_72 = arith.index_cast %add3A_51 : i32 to index
        %swap3A_73 = arith.constant 32 : index
        %swap3A_74 = tpu.vector_load %arg8[%swap3A_72, %swap3A_73] {strides = array<i32>} : memref<128x128xf32, #tpu.memory_space<vmem>>, vector<16xf32>,
        tpu.vector_store %arg8[%swap3A_72, %swap3A_73], %mul3A_71 {strides = array<i32>} : memref<128x128xf32, #tpu.memory_space<vmem>>, vector<16xf32>,
        %get3A_75 = arith.index_cast %add3A_51 : i32 to index
        %get3A_76 = arith.constant 48 : index
        %get3A_77 = tpu.vector_load %arg8[%get3A_75, %get3A_76] {strides = array<i32>} : memref<128x128xf32, #tpu.memory_space<vmem>>, vector<16xf32>,
        %mul3A_78 = vector.broadcast %squeeze3A : f32 to vector<16xf32>
        %mul3A_79 = arith.mulf %get3A_77, %mul3A_78 : vector<16xf32>
        %swap3A_80 = arith.index_cast %add3A_51 : i32 to index
        %swap3A_81 = arith.constant 48 : index
        %swap3A_82 = tpu.vector_load %arg8[%swap3A_80, %swap3A_81] {strides = array<i32>} : memref<128x128xf32, #tpu.memory_space<vmem>>, vector<16xf32>,
        tpu.vector_store %arg8[%swap3A_80, %swap3A_81], %mul3A_79 {strides = array<i32>} : memref<128x128xf32, #tpu.memory_space<vmem>>, vector<16xf32>,
        %get3A_83 = arith.index_cast %add3A_51 : i32 to index
        %get3A_84 = arith.constant 64 : index
        %get3A_85 = tpu.vector_load %arg8[%get3A_83, %get3A_84] {strides = array<i32>} : memref<128x128xf32, #tpu.memory_space<vmem>>, vector<16xf32>,
        %mul3A_86 = vector.broadcast %squeeze3A : f32 to vector<16xf32>
        %mul3A_87 = arith.mulf %get3A_85, %mul3A_86 : vector<16xf32>
        %swap3A_88 = arith.index_cast %add3A_51 : i32 to index
        %swap3A_89 = arith.constant 64 : index
        %swap3A_90 = tpu.vector_load %arg8[%swap3A_88, %swap3A_89] {strides = array<i32>} : memref<128x128xf32, #tpu.memory_space<vmem>>, vector<16xf32>,
        tpu.vector_store %arg8[%swap3A_88, %swap3A_89], %mul3A_87 {strides = array<i32>} : memref<128x128xf32, #tpu.memory_space<vmem>>, vector<16xf32>,
        %get3A_91 = arith.index_cast %add3A_51 : i32 to index
        %get3A_92 = arith.constant 80 : index
        %get3A_93 = tpu.vector_load %arg8[%get3A_91, %get3A_92] {strides = array<i32>} : memref<128x128xf32, #tpu.memory_space<vmem>>, vector<16xf32>,
        %mul3A_94 = vector.broadcast %squeeze3A : f32 to vector<16xf32>
        %mul3A_95 = arith.mulf %get3A_93, %mul3A_94 : vector<16xf32>
        %swap3A_96 = arith.index_cast %add3A_51 : i32 to index
        %swap3A_97 = arith.constant 80 : index
        %swap3A_98 = tpu.vector_load %arg8[%swap3A_96, %swap3A_97] {strides = array<i32>} : memref<128x128xf32, #tpu.memory_space<vmem>>, vector<16xf32>,
        tpu.vector_store %arg8[%swap3A_96, %swap3A_97], %mul3A_95 {strides = array<i32>} : memref<128x128xf32, #tpu.memory_space<vmem>>, vector<16xf32>,
        %get3A_99 = arith.index_cast %add3A_51 : i32 to index
        %get3A_100 = arith.constant 96 : index
        %get3A_101 = tpu.vector_load %arg8[%get3A_99, %get3A_100] {strides = array<i32>} : memref<128x128xf32, #tpu.memory_space<vmem>>, vector<16xf32>,
        %mul3A_102 = vector.broadcast %squeeze3A : f32 to vector<16xf32>
        %mul3A_103 = arith.mulf %get3A_101, %mul3A_102 : vector<16xf32>
        %swap3A_104 = arith.index_cast %add3A_51 : i32 to index
        %swap3A_105 = arith.constant 96 : index
        %swap3A_106 = tpu.vector_load %arg8[%swap3A_104, %swap3A_105] {strides = array<i32>} : memref<128x128xf32, #tpu.memory_space<vmem>>, vector<16xf32>,
        tpu.vector_store %arg8[%swap3A_104, %swap3A_105], %mul3A_103 {strides = array<i32>} : memref<128x128xf32, #tpu.memory_space<vmem>>, vector<16xf32>,
        %get3A_107 = arith.index_cast %add3A_51 : i32 to index
        %get3A_108 = arith.constant 112 : index
        %get3A_109 = tpu.vector_load %arg8[%get3A_107, %get3A_108] {strides = array<i32>} : memref<128x128xf32, #tpu.memory_space<vmem>>, vector<16xf32>,
        %mul3A_110 = vector.broadcast %squeeze3A : f32 to vector<16xf32>
        %mul3A_111 = arith.mulf %get3A_109, %mul3A_110 : vector<16xf32>
        %swap3A_112 = arith.index_cast %add3A_51 : i32 to index
        %swap3A_113 = arith.constant 112 : index
        %swap3A_114 = tpu.vector_load %arg8[%swap3A_112, %swap3A_113] {strides = array<i32>} : memref<128x128xf32, #tpu.memory_space<vmem>>, vector<16xf32>,
        tpu.vector_store %arg8[%swap3A_112, %swap3A_113], %mul3A_111 {strides = array<i32>} : memref<128x128xf32, #tpu.memory_space<vmem>>, vector<16xf32>,
        %slice3A_115 = vector.extract_strided_slice %get3A_47 {offsets = [1], sizes = [1], strides = [1]} : vector<16xf32> to vector<1xf32>
        %squeeze3A_116 = vector.extract %slice3A_115[0] : f32 from vector<1xf32>
        %mul3A_117 = arith.constant 16 : i32
        %mul3A_118 = arith.muli %scan3A_44, %mul3A_117 : i32
        %add3A_119 = arith.constant 1 : i32
        %add3A_120 = arith.addi %mul3A_118, %add3A_119 : i32
        %get3A_121 = arith.index_cast %add3A_120 : i32 to index
        %get3A_122 = arith.constant 0 : index
        %get3A_123 = tpu.vector_load %arg8[%get3A_121, %get3A_122] {strides = array<i32>} : memref<128x128xf32, #tpu.memory_space<vmem>>, vector<16xf32>,
        %mul3A_124 = vector.broadcast %squeeze3A_116 : f32 to vector<16xf32>
        %mul3A_125 = arith.mulf %get3A_123, %mul3A_124 : vector<16xf32>
        %swap3A_126 = arith.index_cast %add3A_120 : i32 to index
        %swap3A_127 = arith.constant 0 : index
        %swap3A_128 = tpu.vector_load %arg8[%swap3A_126, %swap3A_127] {strides = array<i32>} : memref<128x128xf32, #tpu.memory_space<vmem>>, vector<16xf32>,
        tpu.vector_store %arg8[%swap3A_126, %swap3A_127], %mul3A_125 {strides = array<i32>} : memref<128x128xf32, #tpu.memory_space<vmem>>, vector<16xf32>,
        %get3A_129 = arith.index_cast %add3A_120 : i32 to index
        %get3A_130 = arith.constant 16 : index
        %get3A_131 = tpu.vector_load %arg8[%get3A_129, %get3A_130] {strides = array<i32>} : memref<128x128xf32, #tpu.memory_space<vmem>>, vector<16xf32>,
        %mul3A_132 = vector.broadcast %squeeze3A_116 : f32 to vector<16xf32>
        %mul3A_133 = arith.mulf %get3A_131, %mul3A_132 : vector<16xf32>
        %swap3A_134 = arith.index_cast %add3A_120 : i32 to index
        %swap3A_135 = arith.constant 16 : index
        %swap3A_136 = tpu.vector_load %arg8[%swap3A_134, %swap3A_135] {strides = array<i32>} : memref<128x128xf32, #tpu.memory_space<vmem>>, vector<16xf32>,
        tpu.vector_store %arg8[%swap3A_134, %swap3A_135], %mul3A_133 {strides = array<i32>} : memref<128x128xf32, #tpu.memory_space<vmem>>, vector<16xf32>,
        %get3A_137 = arith.index_cast %add3A_120 : i32 to index
        %get3A_138 = arith.constant 32 : index
        %get3A_139 = tpu.vector_load %arg8[%get3A_137, %get3A_138] {strides = array<i32>} : memref<128x128xf32, #tpu.memory_space<vmem>>, vector<16xf32>,
        %mul3A_140 = vector.broadcast %squeeze3A_116 : f32 to vector<16xf32>
        %mul3A_141 = arith.mulf %get3A_139, %mul3A_140 : vector<16xf32>
        %swap3A_142 = arith.index_cast %add3A_120 : i32 to index
        %swap3A_143 = arith.constant 32 : index
        %swap3A_144 = tpu.vector_load %arg8[%swap3A_142, %swap3A_143] {strides = array<i32>} : memref<128x128xf32, #tpu.memory_space<vmem>>, vector<16xf32>,
        tpu.vector_store %arg8[%swap3A_142, %swap3A_143], %mul3A_141 {strides = array<i32>} : memref<128x128xf32, #tpu.memory_space<vmem>>, vector<16xf32>,
        %get3A_145 = arith.index_cast %add3A_120 : i32 to index
        %get3A_146 = arith.constant 48 : index
        %get3A_147 = tpu.vector_load %arg8[%get3A_145, %get3A_146] {strides = array<i32>} : memref<128x128xf32, #tpu.memory_space<vmem>>, vector<16xf32>,
        %mul3A_148 = vector.broadcast %squeeze3A_116 : f32 to vector<16xf32>
        %mul3A_149 = arith.mulf %get3A_147, %mul3A_148 : vector<16xf32>
        %swap3A_150 = arith.index_cast %add3A_120 : i32 to index
        %swap3A_151 = arith.constant 48 : index
        %swap3A_152 = tpu.vector_load %arg8[%swap3A_150, %swap3A_151] {strides = array<i32>} : memref<128x128xf32, #tpu.memory_space<vmem>>, vector<16xf32>,
        tpu.vector_store %arg8[%swap3A_150, %swap3A_151], %mul3A_149 {strides = array<i32>} : memref<128x128xf32, #tpu.memory_space<vmem>>, vector<16xf32>,
        %get3A_153 = arith.index_cast %add3A_120 : i32 to index
        %get3A_154 = arith.constant 64 : index
        %get3A_155 = tpu.vector_load %arg8[%get3A_153, %get3A_154] {strides = array<i32>} : memref<128x128xf32, #tpu.memory_space<vmem>>, vector<16xf32>,
        %mul3A_156 = vector.broadcast %squeeze3A_116 : f32 to vector<16xf32>
        %mul3A_157 = arith.mulf %get3A_155, %mul3A_156 : vector<16xf32>
        %swap3A_158 = arith.index_cast %add3A_120 : i32 to index
        %swap3A_159 = arith.constant 64 : index
        %swap3A_160 = tpu.vector_load %arg8[%swap3A_158, %swap3A_159] {strides = array<i32>} : memref<128x128xf32, #tpu.memory_space<vmem>>, vector<16xf32>,
        tpu.vector_store %arg8[%swap3A_158, %swap3A_159], %mul3A_157 {strides = array<i32>} : memref<128x128xf32, #tpu.memory_space<vmem>>, vector<16xf32>,
        %get3A_161 = arith.index_cast %add3A_120 : i32 to index
        %get3A_162 = arith.constant 80 : index
        %get3A_163 = tpu.vector_load %arg8[%get3A_161, %get3A_162] {strides = array<i32>} : memref<128x128xf32, #tpu.memory_space<vmem>>, vector<16xf32>,
        %mul3A_164 = vector.broadcast %squeeze3A_116 : f32 to vector<16xf32>
        %mul3A_165 = arith.mulf %get3A_163, %mul3A_164 : vector<16xf32>
        %swap3A_166 = arith.index_cast %add3A_120 : i32 to index
        %swap3A_167 = arith.constant 80 : index
        %swap3A_168 = tpu.vector_load %arg8[%swap3A_166, %swap3A_167] {strides = array<i32>} : memref<128x128xf32, #tpu.memory_space<vmem>>, vector<16xf32>,
        tpu.vector_store %arg8[%swap3A_166, %swap3A_167], %mul3A_165 {strides = array<i32>} : memref<128x128xf32, #tpu.memory_space<vmem>>, vector<16xf32>,
        %get3A_169 = arith.index_cast %add3A_120 : i32 to index
        %get3A_170 = arith.constant 96 : index
        %get3A_171 = tpu.vector_load %arg8[%get3A_169, %get3A_170] {strides = array<i32>} : memref<128x128xf32, #tpu.memory_space<vmem>>, vector<16xf32>,
        %mul3A_172 = vector.broadcast %squeeze3A_116 : f32 to vector<16xf32>
        %mul3A_173 = arith.mulf %get3A_171, %mul3A_172 : vector<16xf32>
        %swap3A_174 = arith.index_cast %add3A_120 : i32 to index
        %swap3A_175 = arith.constant 96 : index
        %swap3A_176 = tpu.vector_load %arg8[%swap3A_174, %swap3A_175] {strides = array<i32>} : memref<128x128xf32, #tpu.memory_space<vmem>>, vector<16xf32>,
        tpu.vector_store %arg8[%swap3A_174, %swap3A_175], %mul3A_173 {strides = array<i32>} : memref<128x128xf32, #tpu.memory_space<vmem>>, vector<16xf32>,
        %get3A_177 = arith.index_cast %add3A_120 : i32 to index
        %get3A_178 = arith.constant 112 : index
        %get3A_179 = tpu.vector_load %arg8[%get3A_177, %get3A_178] {strides = array<i32>} : memref<128x128xf32, #tpu.memory_space<vmem>>, vector<16xf32>,
        %mul3A_180 = vector.broadcast %squeeze3A_116 : f32 to vector<16xf32>
        %mul3A_181 = arith.mulf %get3A_179, %mul3A_180 : vector<16xf32>
        %swap3A_182 = arith.index_cast %add3A_120 : i32 to index
        %swap3A_183 = arith.constant 112 : index
        %swap3A_184 = tpu.vector_load %arg8[%swap3A_182, %swap3A_183] {strides = array<i32>} : memref<128x128xf32, #tpu.memory_space<vmem>>, vector<16xf32>,
        tpu.vector_store %arg8[%swap3A_182, %swap3A_183], %mul3A_181 {strides = array<i32>} : memref<128x128xf32, #tpu.memory_space<vmem>>, vector<16xf32>,
        %slice3A_185 = vector.extract_strided_slice %get3A_47 {offsets = [2], sizes = [1], strides = [1]} : vector<16xf32> to vector<1xf32>
        %squeeze3A_186 = vector.extract %slice3A_185[0] : f32 from vector<1xf32>
        %mul3A_187 = arith.constant 16 : i32
        %mul3A_188 = arith.muli %scan3A_44, %mul3A_187 : i32
        %add3A_189 = arith.constant 2 : i32
        %add3A_190 = arith.addi %mul3A_188, %add3A_189 : i32
        %get3A_191 = arith.index_cast %add3A_190 : i32 to index
        %get3A_192 = arith.constant 0 : index
        %get3A_193 = tpu.vector_load %arg8[%get3A_191, %get3A_192] {strides = array<i32>} : memref<128x128xf32, #tpu.memory_space<vmem>>, vector<16xf32>,
        %mul3A_194 = vector.broadcast %squeeze3A_186 : f32 to vector<16xf32>
        %mul3A_195 = arith.mulf %get3A_193, %mul3A_194 : vector<16xf32>
        %swap3A_196 = arith.index_cast %add3A_190 : i32 to index
        %swap3A_197 = arith.constant 0 : index
        %swap3A_198 = tpu.vector_load %arg8[%swap3A_196, %swap3A_197] {strides = array<i32>} : memref<128x128xf32, #tpu.memory_space<vmem>>, vector<16xf32>,
        tpu.vector_store %arg8[%swap3A_196, %swap3A_197], %mul3A_195 {strides = array<i32>} : memref<128x128xf32, #tpu.memory_space<vmem>>, vector<16xf32>,
        %get3A_199 = arith.index_cast %add3A_190 : i32 to index
        %get3A_200 = arith.constant 16 : index
        %get3A_201 = tpu.vector_load %arg8[%get3A_199, %get3A_200] {strides = array<i32>} : memref<128x128xf32, #tpu.memory_space<vmem>>, vector<16xf32>,
        %mul3A_202 = vector.broadcast %squeeze3A_186 : f32 to vector<16xf32>
        %mul3A_203 = arith.mulf %get3A_201, %mul3A_202 : vector<16xf32>
        %swap3A_204 = arith.index_cast %add3A_190 : i32 to index
        %swap3A_205 = arith.constant 16 : index
        %swap3A_206 = tpu.vector_load %arg8[%swap3A_204, %swap3A_205] {strides = array<i32>} : memref<128x128xf32, #tpu.memory_space<vmem>>, vector<16xf32>,
        tpu.vector_store %arg8[%swap3A_204, %swap3A_205], %mul3A_203 {strides = array<i32>} : memref<128x128xf32, #tpu.memory_space<vmem>>, vector<16xf32>,
        %get3A_207 = arith.index_cast %add3A_190 : i32 to index
        %get3A_208 = arith.constant 32 : index
        %get3A_209 = tpu.vector_load %arg8[%get3A_207, %get3A_208] {strides = array<i32>} : memref<128x128xf32, #tpu.memory_space<vmem>>, vector<16xf32>,
        %mul3A_210 = vector.broadcast %squeeze3A_186 : f32 to vector<16xf32>
        %mul3A_211 = arith.mulf %get3A_209, %mul3A_210 : vector<16xf32>
        %swap3A_212 = arith.index_cast %add3A_190 : i32 to index
        %swap3A_213 = arith.constant 32 : index
        %swap3A_214 = tpu.vector_load %arg8[%swap3A_212, %swap3A_213] {strides = array<i32>} : memref<128x128xf32, #tpu.memory_space<vmem>>, vector<16xf32>,
        tpu.vector_store %arg8[%swap3A_212, %swap3A_213], %mul3A_211 {strides = array<i32>} : memref<128x128xf32, #tpu.memory_space<vmem>>, vector<16xf32>,
        %get3A_215 = arith.index_cast %add3A_190 : i32 to index
        %get3A_216 = arith.constant 48 : index
        %get3A_217 = tpu.vector_load %arg8[%get3A_215, %get3A_216] {strides = array<i32>} : memref<128x128xf32, #tpu.memory_space<vmem>>, vector<16xf32>,
        %mul3A_218 = vector.broadcast %squeeze3A_186 : f32 to vector<16xf32>
        %mul3A_219 = arith.mulf %get3A_217, %mul3A_218 : vector<16xf32>
        %swap3A_220 = arith.index_cast %add3A_190 : i32 to index
        %swap3A_221 = arith.constant 48 : index
        %swap3A_222 = tpu.vector_load %arg8[%swap3A_220, %swap3A_221] {strides = array<i32>} : memref<128x128xf32, #tpu.memory_space<vmem>>, vector<16xf32>,
        tpu.vector_store %arg8[%swap3A_220, %swap3A_221], %mul3A_219 {strides = array<i32>} : memref<128x128xf32, #tpu.memory_space<vmem>>, vector<16xf32>,
        %get3A_223 = arith.index_cast %add3A_190 : i32 to index
        %get3A_224 = arith.constant 64 : index
        %get3A_225 = tpu.vector_load %arg8[%get3A_223, %get3A_224] {strides = array<i32>} : memref<128x128xf32, #tpu.memory_space<vmem>>, vector<16xf32>,
        %mul3A_226 = vector.broadcast %squeeze3A_186 : f32 to vector<16xf32>
        %mul3A_227 = arith.mulf %get3A_225, %mul3A_226 : vector<16xf32>
        %swap3A_228 = arith.index_cast %add3A_190 : i32 to index
        %swap3A_229 = arith.constant 64 : index
        %swap3A_230 = tpu.vector_load %arg8[%swap3A_228, %swap3A_229] {strides = array<i32>} : memref<128x128xf32, #tpu.memory_space<vmem>>, vector<16xf32>,
        tpu.vector_store %arg8[%swap3A_228, %swap3A_229], %mul3A_227 {strides = array<i32>} : memref<128x128xf32, #tpu.memory_space<vmem>>, vector<16xf32>,
        %get3A_231 = arith.index_cast %add3A_190 : i32 to index
        %get3A_232 = arith.constant 80 : index
        %get3A_233 = tpu.vector_load %arg8[%get3A_231, %get3A_232] {strides = array<i32>} : memref<128x128xf32, #tpu.memory_space<vmem>>, vector<16xf32>,
        %mul3A_234 = vector.broadcast %squeeze3A_186 : f32 to vector<16xf32>
        %mul3A_235 = arith.mulf %get3A_233, %mul3A_234 : vector<16xf32>
        %swap3A_236 = arith.index_cast %add3A_190 : i32 to index
        %swap3A_237 = arith.constant 80 : index
        %swap3A_238 = tpu.vector_load %arg8[%swap3A_236, %swap3A_237] {strides = array<i32>} : memref<128x128xf32, #tpu.memory_space<vmem>>, vector<16xf32>,
        tpu.vector_store %arg8[%swap3A_236, %swap3A_237], %mul3A_235 {strides = array<i32>} : memref<128x128xf32, #tpu.memory_space<vmem>>, vector<16xf32>,
        %get3A_239 = arith.index_cast %add3A_190 : i32 to index
        %get3A_240 = arith.constant 96 : index
        %get3A_241 = tpu.vector_load %arg8[%get3A_239, %get3A_240] {strides = array<i32>} : memref<128x128xf32, #tpu.memory_space<vmem>>, vector<16xf32>,
        %mul3A_242 = vector.broadcast %squeeze3A_186 : f32 to vector<16xf32>
        %mul3A_243 = arith.mulf %get3A_241, %mul3A_242 : vector<16xf32>
        %swap3A_244 = arith.index_cast %add3A_190 : i32 to index
        %swap3A_245 = arith.constant 96 : index
        %swap3A_246 = tpu.vector_load %arg8[%swap3A_244, %swap3A_245] {strides = array<i32>} : memref<128x128xf32, #tpu.memory_space<vmem>>, vector<16xf32>,
        tpu.vector_store %arg8[%swap3A_244, %swap3A_245], %mul3A_243 {strides = array<i32>} : memref<128x128xf32, #tpu.memory_space<vmem>>, vector<16xf32>,
        %get3A_247 = arith.index_cast %add3A_190 : i32 to index
        %get3A_248 = arith.constant 112 : index
        %get3A_249 = tpu.vector_load %arg8[%get3A_247, %get3A_248] {strides = array<i32>} : memref<128x128xf32, #tpu.memory_space<vmem>>, vector<16xf32>,
        %mul3A_250 = vector.broadcast %squeeze3A_186 : f32 to vector<16xf32>
        %mul3A_251 = arith.mulf %get3A_249, %mul3A_250 : vector<16xf32>
        %swap3A_252 = arith.index_cast %add3A_190 : i32 to index
        %swap3A_253 = arith.constant 112 : index
        %swap3A_254 = tpu.vector_load %arg8[%swap3A_252, %swap3A_253] {strides = array<i32>} : memref<128x128xf32, #tpu.memory_space<vmem>>, vector<16xf32>,
        tpu.vector_store %arg8[%swap3A_252, %swap3A_253], %mul3A_251 {strides = array<i32>} : memref<128x128xf32, #tpu.memory_space<vmem>>, vector<16xf32>,
        %slice3A_255 = vector.extract_strided_slice %get3A_47 {offsets = [3], sizes = [1], strides = [1]} : vector<16xf32> to vector<1xf32>
        %squeeze3A_256 = vector.extract %slice3A_255[0] : f32 from vector<1xf32>
        %mul3A_257 = arith.constant 16 : i32
        %mul3A_258 = arith.muli %scan3A_44, %mul3A_257 : i32
        %add3A_259 = arith.constant 3 : i32
        %add3A_260 = arith.addi %mul3A_258, %add3A_259 : i32
        %get3A_261 = arith.index_cast %add3A_260 : i32 to index
        %get3A_262 = arith.constant 0 : index
        %get3A_263 = tpu.vector_load %arg8[%get3A_261, %get3A_262] {strides = array<i32>} : memref<128x128xf32, #tpu.memory_space<vmem>>, vector<16xf32>,
        %mul3A_264 = vector.broadcast %squeeze3A_256 : f32 to vector<16xf32>
        %mul3A_265 = arith.mulf %get3A_263, %mul3A_264 : vector<16xf32>
        %swap3A_266 = arith.index_cast %add3A_260 : i32 to index
        %swap3A_267 = arith.constant 0 : index
        %swap3A_268 = tpu.vector_load %arg8[%swap3A_266, %swap3A_267] {strides = array<i32>} : memref<128x128xf32, #tpu.memory_space<vmem>>, vector<16xf32>,
        tpu.vector_store %arg8[%swap3A_266, %swap3A_267], %mul3A_265 {strides = array<i32>} : memref<128x128xf32, #tpu.memory_space<vmem>>, vector<16xf32>,
        %get3A_269 = arith.index_cast %add3A_260 : i32 to index
        %get3A_270 = arith.constant 16 : index
        %get3A_271 = tpu.vector_load %arg8[%get3A_269, %get3A_270] {strides = array<i32>} : memref<128x128xf32, #tpu.memory_space<vmem>>, vector<16xf32>,
        %mul3A_272 = vector.broadcast %squeeze3A_256 : f32 to vector<16xf32>
        %mul3A_273 = arith.mulf %get3A_271, %mul3A_272 : vector<16xf32>
        %swap3A_274 = arith.index_cast %add3A_260 : i32 to index
        %swap3A_275 = arith.constant 16 : index
        %swap3A_276 = tpu.vector_load %arg8[%swap3A_274, %swap3A_275] {strides = array<i32>} : memref<128x128xf32, #tpu.memory_space<vmem>>, vector<16xf32>,
        tpu.vector_store %arg8[%swap3A_274, %swap3A_275], %mul3A_273 {strides = array<i32>} : memref<128x128xf32, #tpu.memory_space<vmem>>, vector<16xf32>,
        %get3A_277 = arith.index_cast %add3A_260 : i32 to index
        %get3A_278 = arith.constant 32 : index
        %get3A_279 = tpu.vector_load %arg8[%get3A_277, %get3A_278] {strides = array<i32>} : memref<128x128xf32, #tpu.memory_space<vmem>>, vector<16xf32>,
        %mul3A_280 = vector.broadcast %squeeze3A_256 : f32 to vector<16xf32>
        %mul3A_281 = arith.mulf %get3A_279, %mul3A_280 : vector<16xf32>
        %swap3A_282 = arith.index_cast %add3A_260 : i32 to index
        %swap3A_283 = arith.constant 32 : index
        %swap3A_284 = tpu.vector_load %arg8[%swap3A_282, %swap3A_283] {strides = array<i32>} : memref<128x128xf32, #tpu.memory_space<vmem>>, vector<16xf32>,
        tpu.vector_store %arg8[%swap3A_282, %swap3A_283], %mul3A_281 {strides = array<i32>} : memref<128x128xf32, #tpu.memory_space<vmem>>, vector<16xf32>,
        %get3A_285 = arith.index_cast %add3A_260 : i32 to index
        %get3A_286 = arith.constant 48 : index
        %get3A_287 = tpu.vector_load %arg8[%get3A_285, %get3A_286] {strides = array<i32>} : memref<128x128xf32, #tpu.memory_space<vmem>>, vector<16xf32>,
        %mul3A_288 = vector.broadcast %squeeze3A_256 : f32 to vector<16xf32>
        %mul3A_289 = arith.mulf %get3A_287, %mul3A_288 : vector<16xf32>
        %swap3A_290 = arith.index_cast %add3A_260 : i32 to index
        %swap3A_291 = arith.constant 48 : index
        %swap3A_292 = tpu.vector_load %arg8[%swap3A_290, %swap3A_291] {strides = array<i32>} : memref<128x128xf32, #tpu.memory_space<vmem>>, vector<16xf32>,
        tpu.vector_store %arg8[%swap3A_290, %swap3A_291], %mul3A_289 {strides = array<i32>} : memref<128x128xf32, #tpu.memory_space<vmem>>, vector<16xf32>,
        %get3A_293 = arith.index_cast %add3A_260 : i32 to index
        %get3A_294 = arith.constant 64 : index
        %get3A_295 = tpu.vector_load %arg8[%get3A_293, %get3A_294] {strides = array<i32>} : memref<128x128xf32, #tpu.memory_space<vmem>>, vector<16xf32>,
        %mul3A_296 = vector.broadcast %squeeze3A_256 : f32 to vector<16xf32>
        %mul3A_297 = arith.mulf %get3A_295, %mul3A_296 : vector<16xf32>
        %swap3A_298 = arith.index_cast %add3A_260 : i32 to index
        %swap3A_299 = arith.constant 64 : index
        %swap3A_300 = tpu.vector_load %arg8[%swap3A_298, %swap3A_299] {strides = array<i32>} : memref<128x128xf32, #tpu.memory_space<vmem>>, vector<16xf32>,
        tpu.vector_store %arg8[%swap3A_298, %swap3A_299], %mul3A_297 {strides = array<i32>} : memref<128x128xf32, #tpu.memory_space<vmem>>, vector<16xf32>,
        %get3A_301 = arith.index_cast %add3A_260 : i32 to index
        %get3A_302 = arith.constant 80 : index
        %get3A_303 = tpu.vector_load %arg8[%get3A_301, %get3A_302] {strides = array<i32>} : memref<128x128xf32, #tpu.memory_space<vmem>>, vector<16xf32>,
        %mul3A_304 = vector.broadcast %squeeze3A_256 : f32 to vector<16xf32>
        %mul3A_305 = arith.mulf %get3A_303, %mul3A_304 : vector<16xf32>
        %swap3A_306 = arith.index_cast %add3A_260 : i32 to index
        %swap3A_307 = arith.constant 80 : index
        %swap3A_308 = tpu.vector_load %arg8[%swap3A_306, %swap3A_307] {strides = array<i32>} : memref<128x128xf32, #tpu.memory_space<vmem>>, vector<16xf32>,
        tpu.vector_store %arg8[%swap3A_306, %swap3A_307], %mul3A_305 {strides = array<i32>} : memref<128x128xf32, #tpu.memory_space<vmem>>, vector<16xf32>,
        %get3A_309 = arith.index_cast %add3A_260 : i32 to index
        %get3A_310 = arith.constant 96 : index
        %get3A_311 = tpu.vector_load %arg8[%get3A_309, %get3A_310] {strides = array<i32>} : memref<128x128xf32, #tpu.memory_space<vmem>>, vector<16xf32>,
        %mul3A_312 = vector.broadcast %squeeze3A_256 : f32 to vector<16xf32>
        %mul3A_313 = arith.mulf %get3A_311, %mul3A_312 : vector<16xf32>
        %swap3A_314 = arith.index_cast %add3A_260 : i32 to index
        %swap3A_315 = arith.constant 96 : index
        %swap3A_316 = tpu.vector_load %arg8[%swap3A_314, %swap3A_315] {strides = array<i32>} : memref<128x128xf32, #tpu.memory_space<vmem>>, vector<16xf32>,
        tpu.vector_store %arg8[%swap3A_314, %swap3A_315], %mul3A_313 {strides = array<i32>} : memref<128x128xf32, #tpu.memory_space<vmem>>, vector<16xf32>,
        %get3A_317 = arith.index_cast %add3A_260 : i32 to index
        %get3A_318 = arith.constant 112 : index
        %get3A_319 = tpu.vector_load %arg8[%get3A_317, %get3A_318] {strides = array<i32>} : memref<128x128xf32, #tpu.memory_space<vmem>>, vector<16xf32>,
        %mul3A_320 = vector.broadcast %squeeze3A_256 : f32 to vector<16xf32>
        %mul3A_321 = arith.mulf %get3A_319, %mul3A_320 : vector<16xf32>
        %swap3A_322 = arith.index_cast %add3A_260 : i32 to index
        %swap3A_323 = arith.constant 112 : index
        %swap3A_324 = tpu.vector_load %arg8[%swap3A_322, %swap3A_323] {strides = array<i32>} : memref<128x128xf32, #tpu.memory_space<vmem>>, vector<16xf32>,
        tpu.vector_store %arg8[%swap3A_322, %swap3A_323], %mul3A_321 {strides = array<i32>} : memref<128x128xf32, #tpu.memory_space<vmem>>, vector<16xf32>,
        %slice3A_325 = vector.extract_strided_slice %get3A_47 {offsets = [4], sizes = [1], strides = [1]} : vector<16xf32> to vector<1xf32>
        %squeeze3A_326 = vector.extract %slice3A_325[0] : f32 from vector<1xf32>
        %mul3A_327 = arith.constant 16 : i32
        %mul3A_328 = arith.muli %scan3A_44, %mul3A_327 : i32
        %add3A_329 = arith.constant 4 : i32
        %add3A_330 = arith.addi %mul3A_328, %add3A_329 : i32
        %get3A_331 = arith.index_cast %add3A_330 : i32 to index
        %get3A_332 = arith.constant 0 : index
        %get3A_333 = tpu.vector_load %arg8[%get3A_331, %get3A_332] {strides = array<i32>} : memref<128x128xf32, #tpu.memory_space<vmem>>, vector<16xf32>,
        %mul3A_334 = vector.broadcast %squeeze3A_326 : f32 to vector<16xf32>
        %mul3A_335 = arith.mulf %get3A_333, %mul3A_334 : vector<16xf32>
        %swap3A_336 = arith.index_cast %add3A_330 : i32 to index
        %swap3A_337 = arith.constant 0 : index
        %swap3A_338 = tpu.vector_load %arg8[%swap3A_336, %swap3A_337] {strides = array<i32>} : memref<128x128xf32, #tpu.memory_space<vmem>>, vector<16xf32>,
        tpu.vector_store %arg8[%swap3A_336, %swap3A_337], %mul3A_335 {strides = array<i32>} : memref<128x128xf32, #tpu.memory_space<vmem>>, vector<16xf32>,
        %get3A_339 = arith.index_cast %add3A_330 : i32 to index
        %get3A_340 = arith.constant 16 : index
        %get3A_341 = tpu.vector_load %arg8[%get3A_339, %get3A_340] {strides = array<i32>} : memref<128x128xf32, #tpu.memory_space<vmem>>, vector<16xf32>,
        %mul3A_342 = vector.broadcast %squeeze3A_326 : f32 to vector<16xf32>
        %mul3A_343 = arith.mulf %get3A_341, %mul3A_342 : vector<16xf32>
        %swap3A_344 = arith.index_cast %add3A_330 : i32 to index
        %swap3A_345 = arith.constant 16 : index
        %swap3A_346 = tpu.vector_load %arg8[%swap3A_344, %swap3A_345] {strides = array<i32>} : memref<128x128xf32, #tpu.memory_space<vmem>>, vector<16xf32>,
        tpu.vector_store %arg8[%swap3A_344, %swap3A_345], %mul3A_343 {strides = array<i32>} : memref<128x128xf32, #tpu.memory_space<vmem>>, vector<16xf32>,
        %get3A_347 = arith.index_cast %add3A_330 : i32 to index
        %get3A_348 = arith.constant 32 : index
        %get3A_349 = tpu.vector_load %arg8[%get3A_347, %get3A_348] {strides = array<i32>} : memref<128x128xf32, #tpu.memory_space<vmem>>, vector<16xf32>,
        %mul3A_350 = vector.broadcast %squeeze3A_326 : f32 to vector<16xf32>
        %mul3A_351 = arith.mulf %get3A_349, %mul3A_350 : vector<16xf32>
        %swap3A_352 = arith.index_cast %add3A_330 : i32 to index
        %swap3A_353 = arith.constant 32 : index
        %swap3A_354 = tpu.vector_load %arg8[%swap3A_352, %swap3A_353] {strides = array<i32>} : memref<128x128xf32, #tpu.memory_space<vmem>>, vector<16xf32>,
        tpu.vector_store %arg8[%swap3A_352, %swap3A_353], %mul3A_351 {strides = array<i32>} : memref<128x128xf32, #tpu.memory_space<vmem>>, vector<16xf32>,
        %get3A_355 = arith.index_cast %add3A_330 : i32 to index
        %get3A_356 = arith.constant 48 : index
        %get3A_357 = tpu.vector_load %arg8[%get3A_355, %get3A_356] {strides = array<i32>} : memref<128x128xf32, #tpu.memory_space<vmem>>, vector<16xf32>,
        %mul3A_358 = vector.broadcast %squeeze3A_326 : f32 to vector<16xf32>
        %mul3A_359 = arith.mulf %get3A_357, %mul3A_358 : vector<16xf32>
        %swap3A_360 = arith.index_cast %add3A_330 : i32 to index
        %swap3A_361 = arith.constant 48 : index
        %swap3A_362 = tpu.vector_load %arg8[%swap3A_360, %swap3A_361] {strides = array<i32>} : memref<128x128xf32, #tpu.memory_space<vmem>>, vector<16xf32>,
        tpu.vector_store %arg8[%swap3A_360, %swap3A_361], %mul3A_359 {strides = array<i32>} : memref<128x128xf32, #tpu.memory_space<vmem>>, vector<16xf32>,
        %get3A_363 = arith.index_cast %add3A_330 : i32 to index
        %get3A_364 = arith.constant 64 : index
        %get3A_365 = tpu.vector_load %arg8[%get3A_363, %get3A_364] {strides = array<i32>} : memref<128x128xf32, #tpu.memory_space<vmem>>, vector<16xf32>,
        %mul3A_366 = vector.broadcast %squeeze3A_326 : f32 to vector<16xf32>
        %mul3A_367 = arith.mulf %get3A_365, %mul3A_366 : vector<16xf32>
        %swap3A_368 = arith.index_cast %add3A_330 : i32 to index
        %swap3A_369 = arith.constant 64 : index
        %swap3A_370 = tpu.vector_load %arg8[%swap3A_368, %swap3A_369] {strides = array<i32>} : memref<128x128xf32, #tpu.memory_space<vmem>>, vector<16xf32>,
        tpu.vector_store %arg8[%swap3A_368, %swap3A_369], %mul3A_367 {strides = array<i32>} : memref<128x128xf32, #tpu.memory_space<vmem>>, vector<16xf32>,
        %get3A_371 = arith.index_cast %add3A_330 : i32 to index
        %get3A_372 = arith.constant 80 : index
        %get3A_373 = tpu.vector_load %arg8[%get3A_371, %get3A_372] {strides = array<i32>} : memref<128x128xf32, #tpu.memory_space<vmem>>, vector<16xf32>,
        %mul3A_374 = vector.broadcast %squeeze3A_326 : f32 to vector<16xf32>
        %mul3A_375 = arith.mulf %get3A_373, %mul3A_374 : vector<16xf32>
        %swap3A_376 = arith.index_cast %add3A_330 : i32 to index
        %swap3A_377 = arith.constant 80 : index
        %swap3A_378 = tpu.vector_load %arg8[%swap3A_376, %swap3A_377] {strides = array<i32>} : memref<128x128xf32, #tpu.memory_space<vmem>>, vector<16xf32>,
        tpu.vector_store %arg8[%swap3A_376, %swap3A_377], %mul3A_375 {strides = array<i32>} : memref<128x128xf32, #tpu.memory_space<vmem>>, vector<16xf32>,
        %get3A_379 = arith.index_cast %add3A_330 : i32 to index
        %get3A_380 = arith.constant 96 : index
        %get3A_381 = tpu.vector_load %arg8[%get3A_379, %get3A_380] {strides = array<i32>} : memref<128x128xf32, #tpu.memory_space<vmem>>, vector<16xf32>,
        %mul3A_382 = vector.broadcast %squeeze3A_326 : f32 to vector<16xf32>
        %mul3A_383 = arith.mulf %get3A_381, %mul3A_382 : vector<16xf32>
        %swap3A_384 = arith.index_cast %add3A_330 : i32 to index
        %swap3A_385 = arith.constant 96 : index
        %swap3A_386 = tpu.vector_load %arg8[%swap3A_384, %swap3A_385] {strides = array<i32>} : memref<128x128xf32, #tpu.memory_space<vmem>>, vector<16xf32>,
        tpu.vector_store %arg8[%swap3A_384, %swap3A_385], %mul3A_383 {strides = array<i32>} : memref<128x128xf32, #tpu.memory_space<vmem>>, vector<16xf32>,
        %get3A_387 = arith.index_cast %add3A_330 : i32 to index
        %get3A_388 = arith.constant 112 : index
        %get3A_389 = tpu.vector_load %arg8[%get3A_387, %get3A_388] {strides = array<i32>} : memref<128x128xf32, #tpu.memory_space<vmem>>, vector<16xf32>,
        %mul3A_390 = vector.broadcast %squeeze3A_326 : f32 to vector<16xf32>
        %mul3A_391 = arith.mulf %get3A_389, %mul3A_390 : vector<16xf32>
        %swap3A_392 = arith.index_cast %add3A_330 : i32 to index
        %swap3A_393 = arith.constant 112 : index
        %swap3A_394 = tpu.vector_load %arg8[%swap3A_392, %swap3A_393] {strides = array<i32>} : memref<128x128xf32, #tpu.memory_space<vmem>>, vector<16xf32>,
        tpu.vector_store %arg8[%swap3A_392, %swap3A_393], %mul3A_391 {strides = array<i32>} : memref<128x128xf32, #tpu.memory_space<vmem>>, vector<16xf32>,
        %slice3A_395 = vector.extract_strided_slice %get3A_47 {offsets = [5], sizes = [1], strides = [1]} : vector<16xf32> to vector<1xf32>
        %squeeze3A_396 = vector.extract %slice3A_395[0] : f32 from vector<1xf32>
        %mul3A_397 = arith.constant 16 : i32
        %mul3A_398 = arith.muli %scan3A_44, %mul3A_397 : i32
        %add3A_399 = arith.constant 5 : i32
        %add3A_400 = arith.addi %mul3A_398, %add3A_399 : i32
        %get3A_401 = arith.index_cast %add3A_400 : i32 to index
        %get3A_402 = arith.constant 0 : index
        %get3A_403 = tpu.vector_load %arg8[%get3A_401, %get3A_402] {strides = array<i32>} : memref<128x128xf32, #tpu.memory_space<vmem>>, vector<16xf32>,
        %mul3A_404 = vector.broadcast %squeeze3A_396 : f32 to vector<16xf32>
        %mul3A_405 = arith.mulf %get3A_403, %mul3A_404 : vector<16xf32>
        %swap3A_406 = arith.index_cast %add3A_400 : i32 to index
        %swap3A_407 = arith.constant 0 : index
        %swap3A_408 = tpu.vector_load %arg8[%swap3A_406, %swap3A_407] {strides = array<i32>} : memref<128x128xf32, #tpu.memory_space<vmem>>, vector<16xf32>,
        tpu.vector_store %arg8[%swap3A_406, %swap3A_407], %mul3A_405 {strides = array<i32>} : memref<128x128xf32, #tpu.memory_space<vmem>>, vector<16xf32>,
        %get3A_409 = arith.index_cast %add3A_400 : i32 to index
        %get3A_410 = arith.constant 16 : index
        %get3A_411 = tpu.vector_load %arg8[%get3A_409, %get3A_410] {strides = array<i32>} : memref<128x128xf32, #tpu.memory_space<vmem>>, vector<16xf32>,
        %mul3A_412 = vector.broadcast %squeeze3A_396 : f32 to vector<16xf32>
        %mul3A_413 = arith.mulf %get3A_411, %mul3A_412 : vector<16xf32>
        %swap3A_414 = arith.index_cast %add3A_400 : i32 to index
        %swap3A_415 = arith.constant 16 : index
        %swap3A_416 = tpu.vector_load %arg8[%swap3A_414, %swap3A_415] {strides = array<i32>} : memref<128x128xf32, #tpu.memory_space<vmem>>, vector<16xf32>,
        tpu.vector_store %arg8[%swap3A_414, %swap3A_415], %mul3A_413 {strides = array<i32>} : memref<128x128xf32, #tpu.memory_space<vmem>>, vector<16xf32>,
        %get3A_417 = arith.index_cast %add3A_400 : i32 to index
        %get3A_418 = arith.constant 32 : index
        %get3A_419 = tpu.vector_load %arg8[%get3A_417, %get3A_418] {strides = array<i32>} : memref<128x128xf32, #tpu.memory_space<vmem>>, vector<16xf32>,
        %mul3A_420 = vector.broadcast %squeeze3A_396 : f32 to vector<16xf32>
        %mul3A_421 = arith.mulf %get3A_419, %mul3A_420 : vector<16xf32>
        %swap3A_422 = arith.index_cast %add3A_400 : i32 to index
        %swap3A_423 = arith.constant 32 : index
        %swap3A_424 = tpu.vector_load %arg8[%swap3A_422, %swap3A_423] {strides = array<i32>} : memref<128x128xf32, #tpu.memory_space<vmem>>, vector<16xf32>,
        tpu.vector_store %arg8[%swap3A_422, %swap3A_423], %mul3A_421 {strides = array<i32>} : memref<128x128xf32, #tpu.memory_space<vmem>>, vector<16xf32>,
        %get3A_425 = arith.index_cast %add3A_400 : i32 to index
        %get3A_426 = arith.constant 48 : index
        %get3A_427 = tpu.vector_load %arg8[%get3A_425, %get3A_426] {strides = array<i32>} : memref<128x128xf32, #tpu.memory_space<vmem>>, vector<16xf32>,
        %mul3A_428 = vector.broadcast %squeeze3A_396 : f32 to vector<16xf32>
        %mul3A_429 = arith.mulf %get3A_427, %mul3A_428 : vector<16xf32>
        %swap3A_430 = arith.index_cast %add3A_400 : i32 to index
        %swap3A_431 = arith.constant 48 : index
        %swap3A_432 = tpu.vector_load %arg8[%swap3A_430, %swap3A_431] {strides = array<i32>} : memref<128x128xf32, #tpu.memory_space<vmem>>, vector<16xf32>,
        tpu.vector_store %arg8[%swap3A_430, %swap3A_431], %mul3A_429 {strides = array<i32>} : memref<128x128xf32, #tpu.memory_space<vmem>>, vector<16xf32>,
        %get3A_433 = arith.index_cast %add3A_400 : i32 to index
        %get3A_434 = arith.constant 64 : index
        %get3A_435 = tpu.vector_load %arg8[%get3A_433, %get3A_434] {strides = array<i32>} : memref<128x128xf32, #tpu.memory_space<vmem>>, vector<16xf32>,
        %mul3A_436 = vector.broadcast %squeeze3A_396 : f32 to vector<16xf32>
        %mul3A_437 = arith.mulf %get3A_435, %mul3A_436 : vector<16xf32>
        %swap3A_438 = arith.index_cast %add3A_400 : i32 to index
        %swap3A_439 = arith.constant 64 : index
        %swap3A_440 = tpu.vector_load %arg8[%swap3A_438, %swap3A_439] {strides = array<i32>} : memref<128x128xf32, #tpu.memory_space<vmem>>, vector<16xf32>,
        tpu.vector_store %arg8[%swap3A_438, %swap3A_439], %mul3A_437 {strides = array<i32>} : memref<128x128xf32, #tpu.memory_space<vmem>>, vector<16xf32>,
        %get3A_441 = arith.index_cast %add3A_400 : i32 to index
        %get3A_442 = arith.constant 80 : index
        %get3A_443 = tpu.vector_load %arg8[%get3A_441, %get3A_442] {strides = array<i32>} : memref<128x128xf32, #tpu.memory_space<vmem>>, vector<16xf32>,
        %mul3A_444 = vector.broadcast %squeeze3A_396 : f32 to vector<16xf32>
        %mul3A_445 = arith.mulf %get3A_443, %mul3A_444 : vector<16xf32>
        %swap3A_446 = arith.index_cast %add3A_400 : i32 to index
        %swap3A_447 = arith.constant 80 : index
        %swap3A_448 = tpu.vector_load %arg8[%swap3A_446, %swap3A_447] {strides = array<i32>} : memref<128x128xf32, #tpu.memory_space<vmem>>, vector<16xf32>,
        tpu.vector_store %arg8[%swap3A_446, %swap3A_447], %mul3A_445 {strides = array<i32>} : memref<128x128xf32, #tpu.memory_space<vmem>>, vector<16xf32>,
        %get3A_449 = arith.index_cast %add3A_400 : i32 to index
        %get3A_450 = arith.constant 96 : index
        %get3A_451 = tpu.vector_load %arg8[%get3A_449, %get3A_450] {strides = array<i32>} : memref<128x128xf32, #tpu.memory_space<vmem>>, vector<16xf32>,
        %mul3A_452 = vector.broadcast %squeeze3A_396 : f32 to vector<16xf32>
        %mul3A_453 = arith.mulf %get3A_451, %mul3A_452 : vector<16xf32>
        %swap3A_454 = arith.index_cast %add3A_400 : i32 to index
        %swap3A_455 = arith.constant 96 : index
        %swap3A_456 = tpu.vector_load %arg8[%swap3A_454, %swap3A_455] {strides = array<i32>} : memref<128x128xf32, #tpu.memory_space<vmem>>, vector<16xf32>,
        tpu.vector_store %arg8[%swap3A_454, %swap3A_455], %mul3A_453 {strides = array<i32>} : memref<128x128xf32, #tpu.memory_space<vmem>>, vector<16xf32>,
        %get3A_457 = arith.index_cast %add3A_400 : i32 to index
        %get3A_458 = arith.constant 112 : index
        %get3A_459 = tpu.vector_load %arg8[%get3A_457, %get3A_458] {strides = array<i32>} : memref<128x128xf32, #tpu.memory_space<vmem>>, vector<16xf32>,
        %mul3A_460 = vector.broadcast %squeeze3A_396 : f32 to vector<16xf32>
        %mul3A_461 = arith.mulf %get3A_459, %mul3A_460 : vector<16xf32>
        %swap3A_462 = arith.index_cast %add3A_400 : i32 to index
        %swap3A_463 = arith.constant 112 : index
        %swap3A_464 = tpu.vector_load %arg8[%swap3A_462, %swap3A_463] {strides = array<i32>} : memref<128x128xf32, #tpu.memory_space<vmem>>, vector<16xf32>,
        tpu.vector_store %arg8[%swap3A_462, %swap3A_463], %mul3A_461 {strides = array<i32>} : memref<128x128xf32, #tpu.memory_space<vmem>>, vector<16xf32>,
        %slice3A_465 = vector.extract_strided_slice %get3A_47 {offsets = [6], sizes = [1], strides = [1]} : vector<16xf32> to vector<1xf32>
        %squeeze3A_466 = vector.extract %slice3A_465[0] : f32 from vector<1xf32>
        %mul3A_467 = arith.constant 16 : i32
        %mul3A_468 = arith.muli %scan3A_44, %mul3A_467 : i32
        %add3A_469 = arith.constant 6 : i32
        %add3A_470 = arith.addi %mul3A_468, %add3A_469 : i32
        %get3A_471 = arith.index_cast %add3A_470 : i32 to index
        %get3A_472 = arith.constant 0 : index
        %get3A_473 = tpu.vector_load %arg8[%get3A_471, %get3A_472] {strides = array<i32>} : memref<128x128xf32, #tpu.memory_space<vmem>>, vector<16xf32>,
        %mul3A_474 = vector.broadcast %squeeze3A_466 : f32 to vector<16xf32>
        %mul3A_475 = arith.mulf %get3A_473, %mul3A_474 : vector<16xf32>
        %swap3A_476 = arith.index_cast %add3A_470 : i32 to index
        %swap3A_477 = arith.constant 0 : index
        %swap3A_478 = tpu.vector_load %arg8[%swap3A_476, %swap3A_477] {strides = array<i32>} : memref<128x128xf32, #tpu.memory_space<vmem>>, vector<16xf32>,
        tpu.vector_store %arg8[%swap3A_476, %swap3A_477], %mul3A_475 {strides = array<i32>} : memref<128x128xf32, #tpu.memory_space<vmem>>, vector<16xf32>,
        %get3A_479 = arith.index_cast %add3A_470 : i32 to index
        %get3A_480 = arith.constant 16 : index
        %get3A_481 = tpu.vector_load %arg8[%get3A_479, %get3A_480] {strides = array<i32>} : memref<128x128xf32, #tpu.memory_space<vmem>>, vector<16xf32>,
        %mul3A_482 = vector.broadcast %squeeze3A_466 : f32 to vector<16xf32>
        %mul3A_483 = arith.mulf %get3A_481, %mul3A_482 : vector<16xf32>
        %swap3A_484 = arith.index_cast %add3A_470 : i32 to index
        %swap3A_485 = arith.constant 16 : index
        %swap3A_486 = tpu.vector_load %arg8[%swap3A_484, %swap3A_485] {strides = array<i32>} : memref<128x128xf32, #tpu.memory_space<vmem>>, vector<16xf32>,
        tpu.vector_store %arg8[%swap3A_484, %swap3A_485], %mul3A_483 {strides = array<i32>} : memref<128x128xf32, #tpu.memory_space<vmem>>, vector<16xf32>,
        %get3A_487 = arith.index_cast %add3A_470 : i32 to index
        %get3A_488 = arith.constant 32 : index
        %get3A_489 = tpu.vector_load %arg8[%get3A_487, %get3A_488] {strides = array<i32>} : memref<128x128xf32, #tpu.memory_space<vmem>>, vector<16xf32>,
        %mul3A_490 = vector.broadcast %squeeze3A_466 : f32 to vector<16xf32>
        %mul3A_491 = arith.mulf %get3A_489, %mul3A_490 : vector<16xf32>
        %swap3A_492 = arith.index_cast %add3A_470 : i32 to index
        %swap3A_493 = arith.constant 32 : index
        %swap3A_494 = tpu.vector_load %arg8[%swap3A_492, %swap3A_493] {strides = array<i32>} : memref<128x128xf32, #tpu.memory_space<vmem>>, vector<16xf32>,
        tpu.vector_store %arg8[%swap3A_492, %swap3A_493], %mul3A_491 {strides = array<i32>} : memref<128x128xf32, #tpu.memory_space<vmem>>, vector<16xf32>,
        %get3A_495 = arith.index_cast %add3A_470 : i32 to index
        %get3A_496 = arith.constant 48 : index
        %get3A_497 = tpu.vector_load %arg8[%get3A_495, %get3A_496] {strides = array<i32>} : memref<128x128xf32, #tpu.memory_space<vmem>>, vector<16xf32>,
        %mul3A_498 = vector.broadcast %squeeze3A_466 : f32 to vector<16xf32>
        %mul3A_499 = arith.mulf %get3A_497, %mul3A_498 : vector<16xf32>
        %swap3A_500 = arith.index_cast %add3A_470 : i32 to index
        %swap3A_501 = arith.constant 48 : index
        %swap3A_502 = tpu.vector_load %arg8[%swap3A_500, %swap3A_501] {strides = array<i32>} : memref<128x128xf32, #tpu.memory_space<vmem>>, vector<16xf32>,
        tpu.vector_store %arg8[%swap3A_500, %swap3A_501], %mul3A_499 {strides = array<i32>} : memref<128x128xf32, #tpu.memory_space<vmem>>, vector<16xf32>,
        %get3A_503 = arith.index_cast %add3A_470 : i32 to index
        %get3A_504 = arith.constant 64 : index
        %get3A_505 = tpu.vector_load %arg8[%get3A_503, %get3A_504] {strides = array<i32>} : memref<128x128xf32, #tpu.memory_space<vmem>>, vector<16xf32>,
        %mul3A_506 = vector.broadcast %squeeze3A_466 : f32 to vector<16xf32>
        %mul3A_507 = arith.mulf %get3A_505, %mul3A_506 : vector<16xf32>
        %swap3A_508 = arith.index_cast %add3A_470 : i32 to index
        %swap3A_509 = arith.constant 64 : index
        %swap3A_510 = tpu.vector_load %arg8[%swap3A_508, %swap3A_509] {strides = array<i32>} : memref<128x128xf32, #tpu.memory_space<vmem>>, vector<16xf32>,
        tpu.vector_store %arg8[%swap3A_508, %swap3A_509], %mul3A_507 {strides = array<i32>} : memref<128x128xf32, #tpu.memory_space<vmem>>, vector<16xf32>,
        %get3A_511 = arith.index_cast %add3A_470 : i32 to index
        %get3A_512 = arith.constant 80 : index
        %get3A_513 = tpu.vector_load %arg8[%get3A_511, %get3A_512] {strides = array<i32>} : memref<128x128xf32, #tpu.memory_space<vmem>>, vector<16xf32>,
        %mul3A_514 = vector.broadcast %squeeze3A_466 : f32 to vector<16xf32>
        %mul3A_515 = arith.mulf %get3A_513, %mul3A_514 : vector<16xf32>
        %swap3A_516 = arith.index_cast %add3A_470 : i32 to index
        %swap3A_517 = arith.constant 80 : index
        %swap3A_518 = tpu.vector_load %arg8[%swap3A_516, %swap3A_517] {strides = array<i32>} : memref<128x128xf32, #tpu.memory_space<vmem>>, vector<16xf32>,
        tpu.vector_store %arg8[%swap3A_516, %swap3A_517], %mul3A_515 {strides = array<i32>} : memref<128x128xf32, #tpu.memory_space<vmem>>, vector<16xf32>,
        %get3A_519 = arith.index_cast %add3A_470 : i32 to index
        %get3A_520 = arith.constant 96 : index
        %get3A_521 = tpu.vector_load %arg8[%get3A_519, %get3A_520] {strides = array<i32>} : memref<128x128xf32, #tpu.memory_space<vmem>>, vector<16xf32>,
        %mul3A_522 = vector.broadcast %squeeze3A_466 : f32 to vector<16xf32>
        %mul3A_523 = arith.mulf %get3A_521, %mul3A_522 : vector<16xf32>
        %swap3A_524 = arith.index_cast %add3A_470 : i32 to index
        %swap3A_525 = arith.constant 96 : index
        %swap3A_526 = tpu.vector_load %arg8[%swap3A_524, %swap3A_525] {strides = array<i32>} : memref<128x128xf32, #tpu.memory_space<vmem>>, vector<16xf32>,
        tpu.vector_store %arg8[%swap3A_524, %swap3A_525], %mul3A_523 {strides = array<i32>} : memref<128x128xf32, #tpu.memory_space<vmem>>, vector<16xf32>,
        %get3A_527 = arith.index_cast %add3A_470 : i32 to index
        %get3A_528 = arith.constant 112 : index
        %get3A_529 = tpu.vector_load %arg8[%get3A_527, %get3A_528] {strides = array<i32>} : memref<128x128xf32, #tpu.memory_space<vmem>>, vector<16xf32>,
        %mul3A_530 = vector.broadcast %squeeze3A_466 : f32 to vector<16xf32>
        %mul3A_531 = arith.mulf %get3A_529, %mul3A_530 : vector<16xf32>
        %swap3A_532 = arith.index_cast %add3A_470 : i32 to index
        %swap3A_533 = arith.constant 112 : index
        %swap3A_534 = tpu.vector_load %arg8[%swap3A_532, %swap3A_533] {strides = array<i32>} : memref<128x128xf32, #tpu.memory_space<vmem>>, vector<16xf32>,
        tpu.vector_store %arg8[%swap3A_532, %swap3A_533], %mul3A_531 {strides = array<i32>} : memref<128x128xf32, #tpu.memory_space<vmem>>, vector<16xf32>,
        %slice3A_535 = vector.extract_strided_slice %get3A_47 {offsets = [7], sizes = [1], strides = [1]} : vector<16xf32> to vector<1xf32>
        %squeeze3A_536 = vector.extract %slice3A_535[0] : f32 from vector<1xf32>
        %mul3A_537 = arith.constant 16 : i32
        %mul3A_538 = arith.muli %scan3A_44, %mul3A_537 : i32
        %add3A_539 = arith.constant 7 : i32
        %add3A_540 = arith.addi %mul3A_538, %add3A_539 : i32
        %get3A_541 = arith.index_cast %add3A_540 : i32 to index
        %get3A_542 = arith.constant 0 : index
        %get3A_543 = tpu.vector_load %arg8[%get3A_541, %get3A_542] {strides = array<i32>} : memref<128x128xf32, #tpu.memory_space<vmem>>, vector<16xf32>,
        %mul3A_544 = vector.broadcast %squeeze3A_536 : f32 to vector<16xf32>
        %mul3A_545 = arith.mulf %get3A_543, %mul3A_544 : vector<16xf32>
        %swap3A_546 = arith.index_cast %add3A_540 : i32 to index
        %swap3A_547 = arith.constant 0 : index
        %swap3A_548 = tpu.vector_load %arg8[%swap3A_546, %swap3A_547] {strides = array<i32>} : memref<128x128xf32, #tpu.memory_space<vmem>>, vector<16xf32>,
        tpu.vector_store %arg8[%swap3A_546, %swap3A_547], %mul3A_545 {strides = array<i32>} : memref<128x128xf32, #tpu.memory_space<vmem>>, vector<16xf32>,
        %get3A_549 = arith.index_cast %add3A_540 : i32 to index
        %get3A_550 = arith.constant 16 : index
        %get3A_551 = tpu.vector_load %arg8[%get3A_549, %get3A_550] {strides = array<i32>} : memref<128x128xf32, #tpu.memory_space<vmem>>, vector<16xf32>,
        %mul3A_552 = vector.broadcast %squeeze3A_536 : f32 to vector<16xf32>
        %mul3A_553 = arith.mulf %get3A_551, %mul3A_552 : vector<16xf32>
        %swap3A_554 = arith.index_cast %add3A_540 : i32 to index
        %swap3A_555 = arith.constant 16 : index
        %swap3A_556 = tpu.vector_load %arg8[%swap3A_554, %swap3A_555] {strides = array<i32>} : memref<128x128xf32, #tpu.memory_space<vmem>>, vector<16xf32>,
        tpu.vector_store %arg8[%swap3A_554, %swap3A_555], %mul3A_553 {strides = array<i32>} : memref<128x128xf32, #tpu.memory_space<vmem>>, vector<16xf32>,
        %get3A_557 = arith.index_cast %add3A_540 : i32 to index
        %get3A_558 = arith.constant 32 : index
        %get3A_559 = tpu.vector_load %arg8[%get3A_557, %get3A_558] {strides = array<i32>} : memref<128x128xf32, #tpu.memory_space<vmem>>, vector<16xf32>,
        %mul3A_560 = vector.broadcast %squeeze3A_536 : f32 to vector<16xf32>
        %mul3A_561 = arith.mulf %get3A_559, %mul3A_560 : vector<16xf32>
        %swap3A_562 = arith.index_cast %add3A_540 : i32 to index
        %swap3A_563 = arith.constant 32 : index
        %swap3A_564 = tpu.vector_load %arg8[%swap3A_562, %swap3A_563] {strides = array<i32>} : memref<128x128xf32, #tpu.memory_space<vmem>>, vector<16xf32>,
        tpu.vector_store %arg8[%swap3A_562, %swap3A_563], %mul3A_561 {strides = array<i32>} : memref<128x128xf32, #tpu.memory_space<vmem>>, vector<16xf32>,
        %get3A_565 = arith.index_cast %add3A_540 : i32 to index
        %get3A_566 = arith.constant 48 : index
        %get3A_567 = tpu.vector_load %arg8[%get3A_565, %get3A_566] {strides = array<i32>} : memref<128x128xf32, #tpu.memory_space<vmem>>, vector<16xf32>,
        %mul3A_568 = vector.broadcast %squeeze3A_536 : f32 to vector<16xf32>
        %mul3A_569 = arith.mulf %get3A_567, %mul3A_568 : vector<16xf32>
        %swap3A_570 = arith.index_cast %add3A_540 : i32 to index
        %swap3A_571 = arith.constant 48 : index
        %swap3A_572 = tpu.vector_load %arg8[%swap3A_570, %swap3A_571] {strides = array<i32>} : memref<128x128xf32, #tpu.memory_space<vmem>>, vector<16xf32>,
        tpu.vector_store %arg8[%swap3A_570, %swap3A_571], %mul3A_569 {strides = array<i32>} : memref<128x128xf32, #tpu.memory_space<vmem>>, vector<16xf32>,
        %get3A_573 = arith.index_cast %add3A_540 : i32 to index
        %get3A_574 = arith.constant 64 : index
        %get3A_575 = tpu.vector_load %arg8[%get3A_573, %get3A_574] {strides = array<i32>} : memref<128x128xf32, #tpu.memory_space<vmem>>, vector<16xf32>,
        %mul3A_576 = vector.broadcast %squeeze3A_536 : f32 to vector<16xf32>
        %mul3A_577 = arith.mulf %get3A_575, %mul3A_576 : vector<16xf32>
        %swap3A_578 = arith.index_cast %add3A_540 : i32 to index
        %swap3A_579 = arith.constant 64 : index
        %swap3A_580 = tpu.vector_load %arg8[%swap3A_578, %swap3A_579] {strides = array<i32>} : memref<128x128xf32, #tpu.memory_space<vmem>>, vector<16xf32>,
        tpu.vector_store %arg8[%swap3A_578, %swap3A_579], %mul3A_577 {strides = array<i32>} : memref<128x128xf32, #tpu.memory_space<vmem>>, vector<16xf32>,
        %get3A_581 = arith.index_cast %add3A_540 : i32 to index
        %get3A_582 = arith.constant 80 : index
        %get3A_583 = tpu.vector_load %arg8[%get3A_581, %get3A_582] {strides = array<i32>} : memref<128x128xf32, #tpu.memory_space<vmem>>, vector<16xf32>,
        %mul3A_584 = vector.broadcast %squeeze3A_536 : f32 to vector<16xf32>
        %mul3A_585 = arith.mulf %get3A_583, %mul3A_584 : vector<16xf32>
        %swap3A_586 = arith.index_cast %add3A_540 : i32 to index
        %swap3A_587 = arith.constant 80 : index
        %swap3A_588 = tpu.vector_load %arg8[%swap3A_586, %swap3A_587] {strides = array<i32>} : memref<128x128xf32, #tpu.memory_space<vmem>>, vector<16xf32>,
        tpu.vector_store %arg8[%swap3A_586, %swap3A_587], %mul3A_585 {strides = array<i32>} : memref<128x128xf32, #tpu.memory_space<vmem>>, vector<16xf32>,
        %get3A_589 = arith.index_cast %add3A_540 : i32 to index
        %get3A_590 = arith.constant 96 : index
        %get3A_591 = tpu.vector_load %arg8[%get3A_589, %get3A_590] {strides = array<i32>} : memref<128x128xf32, #tpu.memory_space<vmem>>, vector<16xf32>,
        %mul3A_592 = vector.broadcast %squeeze3A_536 : f32 to vector<16xf32>
        %mul3A_593 = arith.mulf %get3A_591, %mul3A_592 : vector<16xf32>
        %swap3A_594 = arith.index_cast %add3A_540 : i32 to index
        %swap3A_595 = arith.constant 96 : index
        %swap3A_596 = tpu.vector_load %arg8[%swap3A_594, %swap3A_595] {strides = array<i32>} : memref<128x128xf32, #tpu.memory_space<vmem>>, vector<16xf32>,
        tpu.vector_store %arg8[%swap3A_594, %swap3A_595], %mul3A_593 {strides = array<i32>} : memref<128x128xf32, #tpu.memory_space<vmem>>, vector<16xf32>,
        %get3A_597 = arith.index_cast %add3A_540 : i32 to index
        %get3A_598 = arith.constant 112 : index
        %get3A_599 = tpu.vector_load %arg8[%get3A_597, %get3A_598] {strides = array<i32>} : memref<128x128xf32, #tpu.memory_space<vmem>>, vector<16xf32>,
        %mul3A_600 = vector.broadcast %squeeze3A_536 : f32 to vector<16xf32>
        %mul3A_601 = arith.mulf %get3A_599, %mul3A_600 : vector<16xf32>
        %swap3A_602 = arith.index_cast %add3A_540 : i32 to index
        %swap3A_603 = arith.constant 112 : index
        %swap3A_604 = tpu.vector_load %arg8[%swap3A_602, %swap3A_603] {strides = array<i32>} : memref<128x128xf32, #tpu.memory_space<vmem>>, vector<16xf32>,
        tpu.vector_store %arg8[%swap3A_602, %swap3A_603], %mul3A_601 {strides = array<i32>} : memref<128x128xf32, #tpu.memory_space<vmem>>, vector<16xf32>,
        %slice3A_605 = vector.extract_strided_slice %get3A_47 {offsets = [8], sizes = [1], strides = [1]} : vector<16xf32> to vector<1xf32>
        %squeeze3A_606 = vector.extract %slice3A_605[0] : f32 from vector<1xf32>
        %mul3A_607 = arith.constant 16 : i32
        %mul3A_608 = arith.muli %scan3A_44, %mul3A_607 : i32
        %add3A_609 = arith.constant 8 : i32
        %add3A_610 = arith.addi %mul3A_608, %add3A_609 : i32
        %get3A_611 = arith.index_cast %add3A_610 : i32 to index
        %get3A_612 = arith.constant 0 : index
        %get3A_613 = tpu.vector_load %arg8[%get3A_611, %get3A_612] {strides = array<i32>} : memref<128x128xf32, #tpu.memory_space<vmem>>, vector<16xf32>,
        %mul3A_614 = vector.broadcast %squeeze3A_606 : f32 to vector<16xf32>
        %mul3A_615 = arith.mulf %get3A_613, %mul3A_614 : vector<16xf32>
        %swap3A_616 = arith.index_cast %add3A_610 : i32 to index
        %swap3A_617 = arith.constant 0 : index
        %swap3A_618 = tpu.vector_load %arg8[%swap3A_616, %swap3A_617] {strides = array<i32>} : memref<128x128xf32, #tpu.memory_space<vmem>>, vector<16xf32>,
        tpu.vector_store %arg8[%swap3A_616, %swap3A_617], %mul3A_615 {strides = array<i32>} : memref<128x128xf32, #tpu.memory_space<vmem>>, vector<16xf32>,
        %get3A_619 = arith.index_cast %add3A_610 : i32 to index
        %get3A_620 = arith.constant 16 : index
        %get3A_621 = tpu.vector_load %arg8[%get3A_619, %get3A_620] {strides = array<i32>} : memref<128x128xf32, #tpu.memory_space<vmem>>, vector<16xf32>,
        %mul3A_622 = vector.broadcast %squeeze3A_606 : f32 to vector<16xf32>
        %mul3A_623 = arith.mulf %get3A_621, %mul3A_622 : vector<16xf32>
        %swap3A_624 = arith.index_cast %add3A_610 : i32 to index
        %swap3A_625 = arith.constant 16 : index
        %swap3A_626 = tpu.vector_load %arg8[%swap3A_624, %swap3A_625] {strides = array<i32>} : memref<128x128xf32, #tpu.memory_space<vmem>>, vector<16xf32>,
        tpu.vector_store %arg8[%swap3A_624, %swap3A_625], %mul3A_623 {strides = array<i32>} : memref<128x128xf32, #tpu.memory_space<vmem>>, vector<16xf32>,
        %get3A_627 = arith.index_cast %add3A_610 : i32 to index
        %get3A_628 = arith.constant 32 : index
        %get3A_629 = tpu.vector_load %arg8[%get3A_627, %get3A_628] {strides = array<i32>} : memref<128x128xf32, #tpu.memory_space<vmem>>, vector<16xf32>,
        %mul3A_630 = vector.broadcast %squeeze3A_606 : f32 to vector<16xf32>
        %mul3A_631 = arith.mulf %get3A_629, %mul3A_630 : vector<16xf32>
        %swap3A_632 = arith.index_cast %add3A_610 : i32 to index
        %swap3A_633 = arith.constant 32 : index
        %swap3A_634 = tpu.vector_load %arg8[%swap3A_632, %swap3A_633] {strides = array<i32>} : memref<128x128xf32, #tpu.memory_space<vmem>>, vector<16xf32>,
        tpu.vector_store %arg8[%swap3A_632, %swap3A_633], %mul3A_631 {strides = array<i32>} : memref<128x128xf32, #tpu.memory_space<vmem>>, vector<16xf32>,
        %get3A_635 = arith.index_cast %add3A_610 : i32 to index
        %get3A_636 = arith.constant 48 : index
        %get3A_637 = tpu.vector_load %arg8[%get3A_635, %get3A_636] {strides = array<i32>} : memref<128x128xf32, #tpu.memory_space<vmem>>, vector<16xf32>,
        %mul3A_638 = vector.broadcast %squeeze3A_606 : f32 to vector<16xf32>
        %mul3A_639 = arith.mulf %get3A_637, %mul3A_638 : vector<16xf32>
        %swap3A_640 = arith.index_cast %add3A_610 : i32 to index
        %swap3A_641 = arith.constant 48 : index
        %swap3A_642 = tpu.vector_load %arg8[%swap3A_640, %swap3A_641] {strides = array<i32>} : memref<128x128xf32, #tpu.memory_space<vmem>>, vector<16xf32>,
        tpu.vector_store %arg8[%swap3A_640, %swap3A_641], %mul3A_639 {strides = array<i32>} : memref<128x128xf32, #tpu.memory_space<vmem>>, vector<16xf32>,
        %get3A_643 = arith.index_cast %add3A_610 : i32 to index
        %get3A_644 = arith.constant 64 : index
        %get3A_645 = tpu.vector_load %arg8[%get3A_643, %get3A_644] {strides = array<i32>} : memref<128x128xf32, #tpu.memory_space<vmem>>, vector<16xf32>,
        %mul3A_646 = vector.broadcast %squeeze3A_606 : f32 to vector<16xf32>
        %mul3A_647 = arith.mulf %get3A_645, %mul3A_646 : vector<16xf32>
        %swap3A_648 = arith.index_cast %add3A_610 : i32 to index
        %swap3A_649 = arith.constant 64 : index
        %swap3A_650 = tpu.vector_load %arg8[%swap3A_648, %swap3A_649] {strides = array<i32>} : memref<128x128xf32, #tpu.memory_space<vmem>>, vector<16xf32>,
        tpu.vector_store %arg8[%swap3A_648, %swap3A_649], %mul3A_647 {strides = array<i32>} : memref<128x128xf32, #tpu.memory_space<vmem>>, vector<16xf32>,
        %get3A_651 = arith.index_cast %add3A_610 : i32 to index
        %get3A_652 = arith.constant 80 : index
        %get3A_653 = tpu.vector_load %arg8[%get3A_651, %get3A_652] {strides = array<i32>} : memref<128x128xf32, #tpu.memory_space<vmem>>, vector<16xf32>,
        %mul3A_654 = vector.broadcast %squeeze3A_606 : f32 to vector<16xf32>
        %mul3A_655 = arith.mulf %get3A_653, %mul3A_654 : vector<16xf32>
        %swap3A_656 = arith.index_cast %add3A_610 : i32 to index
        %swap3A_657 = arith.constant 80 : index
        %swap3A_658 = tpu.vector_load %arg8[%swap3A_656, %swap3A_657] {strides = array<i32>} : memref<128x128xf32, #tpu.memory_space<vmem>>, vector<16xf32>,
        tpu.vector_store %arg8[%swap3A_656, %swap3A_657], %mul3A_655 {strides = array<i32>} : memref<128x128xf32, #tpu.memory_space<vmem>>, vector<16xf32>,
        %get3A_659 = arith.index_cast %add3A_610 : i32 to index
        %get3A_660 = arith.constant 96 : index
        %get3A_661 = tpu.vector_load %arg8[%get3A_659, %get3A_660] {strides = array<i32>} : memref<128x128xf32, #tpu.memory_space<vmem>>, vector<16xf32>,
        %mul3A_662 = vector.broadcast %squeeze3A_606 : f32 to vector<16xf32>
        %mul3A_663 = arith.mulf %get3A_661, %mul3A_662 : vector<16xf32>
        %swap3A_664 = arith.index_cast %add3A_610 : i32 to index
        %swap3A_665 = arith.constant 96 : index
        %swap3A_666 = tpu.vector_load %arg8[%swap3A_664, %swap3A_665] {strides = array<i32>} : memref<128x128xf32, #tpu.memory_space<vmem>>, vector<16xf32>,
        tpu.vector_store %arg8[%swap3A_664, %swap3A_665], %mul3A_663 {strides = array<i32>} : memref<128x128xf32, #tpu.memory_space<vmem>>, vector<16xf32>,
        %get3A_667 = arith.index_cast %add3A_610 : i32 to index
        %get3A_668 = arith.constant 112 : index
        %get3A_669 = tpu.vector_load %arg8[%get3A_667, %get3A_668] {strides = array<i32>} : memref<128x128xf32, #tpu.memory_space<vmem>>, vector<16xf32>,
        %mul3A_670 = vector.broadcast %squeeze3A_606 : f32 to vector<16xf32>
        %mul3A_671 = arith.mulf %get3A_669, %mul3A_670 : vector<16xf32>
        %swap3A_672 = arith.index_cast %add3A_610 : i32 to index
        %swap3A_673 = arith.constant 112 : index
        %swap3A_674 = tpu.vector_load %arg8[%swap3A_672, %swap3A_673] {strides = array<i32>} : memref<128x128xf32, #tpu.memory_space<vmem>>, vector<16xf32>,
        tpu.vector_store %arg8[%swap3A_672, %swap3A_673], %mul3A_671 {strides = array<i32>} : memref<128x128xf32, #tpu.memory_space<vmem>>, vector<16xf32>,
        %slice3A_675 = vector.extract_strided_slice %get3A_47 {offsets = [9], sizes = [1], strides = [1]} : vector<16xf32> to vector<1xf32>
        %squeeze3A_676 = vector.extract %slice3A_675[0] : f32 from vector<1xf32>
        %mul3A_677 = arith.constant 16 : i32
        %mul3A_678 = arith.muli %scan3A_44, %mul3A_677 : i32
        %add3A_679 = arith.constant 9 : i32
        %add3A_680 = arith.addi %mul3A_678, %add3A_679 : i32
        %get3A_681 = arith.index_cast %add3A_680 : i32 to index
        %get3A_682 = arith.constant 0 : index
        %get3A_683 = tpu.vector_load %arg8[%get3A_681, %get3A_682] {strides = array<i32>} : memref<128x128xf32, #tpu.memory_space<vmem>>, vector<16xf32>,
        %mul3A_684 = vector.broadcast %squeeze3A_676 : f32 to vector<16xf32>
        %mul3A_685 = arith.mulf %get3A_683, %mul3A_684 : vector<16xf32>
        %swap3A_686 = arith.index_cast %add3A_680 : i32 to index
        %swap3A_687 = arith.constant 0 : index
        %swap3A_688 = tpu.vector_load %arg8[%swap3A_686, %swap3A_687] {strides = array<i32>} : memref<128x128xf32, #tpu.memory_space<vmem>>, vector<16xf32>,
        tpu.vector_store %arg8[%swap3A_686, %swap3A_687], %mul3A_685 {strides = array<i32>} : memref<128x128xf32, #tpu.memory_space<vmem>>, vector<16xf32>,
        %get3A_689 = arith.index_cast %add3A_680 : i32 to index
        %get3A_690 = arith.constant 16 : index
        %get3A_691 = tpu.vector_load %arg8[%get3A_689, %get3A_690] {strides = array<i32>} : memref<128x128xf32, #tpu.memory_space<vmem>>, vector<16xf32>,
        %mul3A_692 = vector.broadcast %squeeze3A_676 : f32 to vector<16xf32>
        %mul3A_693 = arith.mulf %get3A_691, %mul3A_692 : vector<16xf32>
        %swap3A_694 = arith.index_cast %add3A_680 : i32 to index
        %swap3A_695 = arith.constant 16 : index
        %swap3A_696 = tpu.vector_load %arg8[%swap3A_694, %swap3A_695] {strides = array<i32>} : memref<128x128xf32, #tpu.memory_space<vmem>>, vector<16xf32>,
        tpu.vector_store %arg8[%swap3A_694, %swap3A_695], %mul3A_693 {strides = array<i32>} : memref<128x128xf32, #tpu.memory_space<vmem>>, vector<16xf32>,
        %get3A_697 = arith.index_cast %add3A_680 : i32 to index
        %get3A_698 = arith.constant 32 : index
        %get3A_699 = tpu.vector_load %arg8[%get3A_697, %get3A_698] {strides = array<i32>} : memref<128x128xf32, #tpu.memory_space<vmem>>, vector<16xf32>,
        %mul3A_700 = vector.broadcast %squeeze3A_676 : f32 to vector<16xf32>
        %mul3A_701 = arith.mulf %get3A_699, %mul3A_700 : vector<16xf32>
        %swap3A_702 = arith.index_cast %add3A_680 : i32 to index
        %swap3A_703 = arith.constant 32 : index
        %swap3A_704 = tpu.vector_load %arg8[%swap3A_702, %swap3A_703] {strides = array<i32>} : memref<128x128xf32, #tpu.memory_space<vmem>>, vector<16xf32>,
        tpu.vector_store %arg8[%swap3A_702, %swap3A_703], %mul3A_701 {strides = array<i32>} : memref<128x128xf32, #tpu.memory_space<vmem>>, vector<16xf32>,
        %get3A_705 = arith.index_cast %add3A_680 : i32 to index
        %get3A_706 = arith.constant 48 : index
        %get3A_707 = tpu.vector_load %arg8[%get3A_705, %get3A_706] {strides = array<i32>} : memref<128x128xf32, #tpu.memory_space<vmem>>, vector<16xf32>,
        %mul3A_708 = vector.broadcast %squeeze3A_676 : f32 to vector<16xf32>
        %mul3A_709 = arith.mulf %get3A_707, %mul3A_708 : vector<16xf32>
        %swap3A_710 = arith.index_cast %add3A_680 : i32 to index
        %swap3A_711 = arith.constant 48 : index
        %swap3A_712 = tpu.vector_load %arg8[%swap3A_710, %swap3A_711] {strides = array<i32>} : memref<128x128xf32, #tpu.memory_space<vmem>>, vector<16xf32>,
        tpu.vector_store %arg8[%swap3A_710, %swap3A_711], %mul3A_709 {strides = array<i32>} : memref<128x128xf32, #tpu.memory_space<vmem>>, vector<16xf32>,
        %get3A_713 = arith.index_cast %add3A_680 : i32 to index
        %get3A_714 = arith.constant 64 : index
        %get3A_715 = tpu.vector_load %arg8[%get3A_713, %get3A_714] {strides = array<i32>} : memref<128x128xf32, #tpu.memory_space<vmem>>, vector<16xf32>,
        %mul3A_716 = vector.broadcast %squeeze3A_676 : f32 to vector<16xf32>
        %mul3A_717 = arith.mulf %get3A_715, %mul3A_716 : vector<16xf32>
        %swap3A_718 = arith.index_cast %add3A_680 : i32 to index
        %swap3A_719 = arith.constant 64 : index
        %swap3A_720 = tpu.vector_load %arg8[%swap3A_718, %swap3A_719] {strides = array<i32>} : memref<128x128xf32, #tpu.memory_space<vmem>>, vector<16xf32>,
        tpu.vector_store %arg8[%swap3A_718, %swap3A_719], %mul3A_717 {strides = array<i32>} : memref<128x128xf32, #tpu.memory_space<vmem>>, vector<16xf32>,
        %get3A_721 = arith.index_cast %add3A_680 : i32 to index
        %get3A_722 = arith.constant 80 : index
        %get3A_723 = tpu.vector_load %arg8[%get3A_721, %get3A_722] {strides = array<i32>} : memref<128x128xf32, #tpu.memory_space<vmem>>, vector<16xf32>,
        %mul3A_724 = vector.broadcast %squeeze3A_676 : f32 to vector<16xf32>
        %mul3A_725 = arith.mulf %get3A_723, %mul3A_724 : vector<16xf32>
        %swap3A_726 = arith.index_cast %add3A_680 : i32 to index
        %swap3A_727 = arith.constant 80 : index
        %swap3A_728 = tpu.vector_load %arg8[%swap3A_726, %swap3A_727] {strides = array<i32>} : memref<128x128xf32, #tpu.memory_space<vmem>>, vector<16xf32>,
        tpu.vector_store %arg8[%swap3A_726, %swap3A_727], %mul3A_725 {strides = array<i32>} : memref<128x128xf32, #tpu.memory_space<vmem>>, vector<16xf32>,
        %get3A_729 = arith.index_cast %add3A_680 : i32 to index
        %get3A_730 = arith.constant 96 : index
        %get3A_731 = tpu.vector_load %arg8[%get3A_729, %get3A_730] {strides = array<i32>} : memref<128x128xf32, #tpu.memory_space<vmem>>, vector<16xf32>,
        %mul3A_732 = vector.broadcast %squeeze3A_676 : f32 to vector<16xf32>
        %mul3A_733 = arith.mulf %get3A_731, %mul3A_732 : vector<16xf32>
        %swap3A_734 = arith.index_cast %add3A_680 : i32 to index
        %swap3A_735 = arith.constant 96 : index
        %swap3A_736 = tpu.vector_load %arg8[%swap3A_734, %swap3A_735] {strides = array<i32>} : memref<128x128xf32, #tpu.memory_space<vmem>>, vector<16xf32>,
        tpu.vector_store %arg8[%swap3A_734, %swap3A_735], %mul3A_733 {strides = array<i32>} : memref<128x128xf32, #tpu.memory_space<vmem>>, vector<16xf32>,
        %get3A_737 = arith.index_cast %add3A_680 : i32 to index
        %get3A_738 = arith.constant 112 : index
        %get3A_739 = tpu.vector_load %arg8[%get3A_737, %get3A_738] {strides = array<i32>} : memref<128x128xf32, #tpu.memory_space<vmem>>, vector<16xf32>,
        %mul3A_740 = vector.broadcast %squeeze3A_676 : f32 to vector<16xf32>
        %mul3A_741 = arith.mulf %get3A_739, %mul3A_740 : vector<16xf32>
        %swap3A_742 = arith.index_cast %add3A_680 : i32 to index
        %swap3A_743 = arith.constant 112 : index
        %swap3A_744 = tpu.vector_load %arg8[%swap3A_742, %swap3A_743] {strides = array<i32>} : memref<128x128xf32, #tpu.memory_space<vmem>>, vector<16xf32>,
        tpu.vector_store %arg8[%swap3A_742, %swap3A_743], %mul3A_741 {strides = array<i32>} : memref<128x128xf32, #tpu.memory_space<vmem>>, vector<16xf32>,
        %slice3A_745 = vector.extract_strided_slice %get3A_47 {offsets = [10], sizes = [1], strides = [1]} : vector<16xf32> to vector<1xf32>
        %squeeze3A_746 = vector.extract %slice3A_745[0] : f32 from vector<1xf32>
        %mul3A_747 = arith.constant 16 : i32
        %mul3A_748 = arith.muli %scan3A_44, %mul3A_747 : i32
        %add3A_749 = arith.constant 10 : i32
        %add3A_750 = arith.addi %mul3A_748, %add3A_749 : i32
        %get3A_751 = arith.index_cast %add3A_750 : i32 to index
        %get3A_752 = arith.constant 0 : index
        %get3A_753 = tpu.vector_load %arg8[%get3A_751, %get3A_752] {strides = array<i32>} : memref<128x128xf32, #tpu.memory_space<vmem>>, vector<16xf32>,
        %mul3A_754 = vector.broadcast %squeeze3A_746 : f32 to vector<16xf32>
        %mul3A_755 = arith.mulf %get3A_753, %mul3A_754 : vector<16xf32>
        %swap3A_756 = arith.index_cast %add3A_750 : i32 to index
        %swap3A_757 = arith.constant 0 : index
        %swap3A_758 = tpu.vector_load %arg8[%swap3A_756, %swap3A_757] {strides = array<i32>} : memref<128x128xf32, #tpu.memory_space<vmem>>, vector<16xf32>,
        tpu.vector_store %arg8[%swap3A_756, %swap3A_757], %mul3A_755 {strides = array<i32>} : memref<128x128xf32, #tpu.memory_space<vmem>>, vector<16xf32>,
        %get3A_759 = arith.index_cast %add3A_750 : i32 to index
        %get3A_760 = arith.constant 16 : index
        %get3A_761 = tpu.vector_load %arg8[%get3A_759, %get3A_760] {strides = array<i32>} : memref<128x128xf32, #tpu.memory_space<vmem>>, vector<16xf32>,
        %mul3A_762 = vector.broadcast %squeeze3A_746 : f32 to vector<16xf32>
        %mul3A_763 = arith.mulf %get3A_761, %mul3A_762 : vector<16xf32>
        %swap3A_764 = arith.index_cast %add3A_750 : i32 to index
        %swap3A_765 = arith.constant 16 : index
        %swap3A_766 = tpu.vector_load %arg8[%swap3A_764, %swap3A_765] {strides = array<i32>} : memref<128x128xf32, #tpu.memory_space<vmem>>, vector<16xf32>,
        tpu.vector_store %arg8[%swap3A_764, %swap3A_765], %mul3A_763 {strides = array<i32>} : memref<128x128xf32, #tpu.memory_space<vmem>>, vector<16xf32>,
        %get3A_767 = arith.index_cast %add3A_750 : i32 to index
        %get3A_768 = arith.constant 32 : index
        %get3A_769 = tpu.vector_load %arg8[%get3A_767, %get3A_768] {strides = array<i32>} : memref<128x128xf32, #tpu.memory_space<vmem>>, vector<16xf32>,
        %mul3A_770 = vector.broadcast %squeeze3A_746 : f32 to vector<16xf32>
        %mul3A_771 = arith.mulf %get3A_769, %mul3A_770 : vector<16xf32>
        %swap3A_772 = arith.index_cast %add3A_750 : i32 to index
        %swap3A_773 = arith.constant 32 : index
        %swap3A_774 = tpu.vector_load %arg8[%swap3A_772, %swap3A_773] {strides = array<i32>} : memref<128x128xf32, #tpu.memory_space<vmem>>, vector<16xf32>,
        tpu.vector_store %arg8[%swap3A_772, %swap3A_773], %mul3A_771 {strides = array<i32>} : memref<128x128xf32, #tpu.memory_space<vmem>>, vector<16xf32>,
        %get3A_775 = arith.index_cast %add3A_750 : i32 to index
        %get3A_776 = arith.constant 48 : index
        %get3A_777 = tpu.vector_load %arg8[%get3A_775, %get3A_776] {strides = array<i32>} : memref<128x128xf32, #tpu.memory_space<vmem>>, vector<16xf32>,
        %mul3A_778 = vector.broadcast %squeeze3A_746 : f32 to vector<16xf32>
        %mul3A_779 = arith.mulf %get3A_777, %mul3A_778 : vector<16xf32>
        %swap3A_780 = arith.index_cast %add3A_750 : i32 to index
        %swap3A_781 = arith.constant 48 : index
        %swap3A_782 = tpu.vector_load %arg8[%swap3A_780, %swap3A_781] {strides = array<i32>} : memref<128x128xf32, #tpu.memory_space<vmem>>, vector<16xf32>,
        tpu.vector_store %arg8[%swap3A_780, %swap3A_781], %mul3A_779 {strides = array<i32>} : memref<128x128xf32, #tpu.memory_space<vmem>>, vector<16xf32>,
        %get3A_783 = arith.index_cast %add3A_750 : i32 to index
        %get3A_784 = arith.constant 64 : index
        %get3A_785 = tpu.vector_load %arg8[%get3A_783, %get3A_784] {strides = array<i32>} : memref<128x128xf32, #tpu.memory_space<vmem>>, vector<16xf32>,
        %mul3A_786 = vector.broadcast %squeeze3A_746 : f32 to vector<16xf32>
        %mul3A_787 = arith.mulf %get3A_785, %mul3A_786 : vector<16xf32>
        %swap3A_788 = arith.index_cast %add3A_750 : i32 to index
        %swap3A_789 = arith.constant 64 : index
        %swap3A_790 = tpu.vector_load %arg8[%swap3A_788, %swap3A_789] {strides = array<i32>} : memref<128x128xf32, #tpu.memory_space<vmem>>, vector<16xf32>,
        tpu.vector_store %arg8[%swap3A_788, %swap3A_789], %mul3A_787 {strides = array<i32>} : memref<128x128xf32, #tpu.memory_space<vmem>>, vector<16xf32>,
        %get3A_791 = arith.index_cast %add3A_750 : i32 to index
        %get3A_792 = arith.constant 80 : index
        %get3A_793 = tpu.vector_load %arg8[%get3A_791, %get3A_792] {strides = array<i32>} : memref<128x128xf32, #tpu.memory_space<vmem>>, vector<16xf32>,
        %mul3A_794 = vector.broadcast %squeeze3A_746 : f32 to vector<16xf32>
        %mul3A_795 = arith.mulf %get3A_793, %mul3A_794 : vector<16xf32>
        %swap3A_796 = arith.index_cast %add3A_750 : i32 to index
        %swap3A_797 = arith.constant 80 : index
        %swap3A_798 = tpu.vector_load %arg8[%swap3A_796, %swap3A_797] {strides = array<i32>} : memref<128x128xf32, #tpu.memory_space<vmem>>, vector<16xf32>,
        tpu.vector_store %arg8[%swap3A_796, %swap3A_797], %mul3A_795 {strides = array<i32>} : memref<128x128xf32, #tpu.memory_space<vmem>>, vector<16xf32>,
        %get3A_799 = arith.index_cast %add3A_750 : i32 to index
        %get3A_800 = arith.constant 96 : index
        %get3A_801 = tpu.vector_load %arg8[%get3A_799, %get3A_800] {strides = array<i32>} : memref<128x128xf32, #tpu.memory_space<vmem>>, vector<16xf32>,
        %mul3A_802 = vector.broadcast %squeeze3A_746 : f32 to vector<16xf32>
        %mul3A_803 = arith.mulf %get3A_801, %mul3A_802 : vector<16xf32>
        %swap3A_804 = arith.index_cast %add3A_750 : i32 to index
        %swap3A_805 = arith.constant 96 : index
        %swap3A_806 = tpu.vector_load %arg8[%swap3A_804, %swap3A_805] {strides = array<i32>} : memref<128x128xf32, #tpu.memory_space<vmem>>, vector<16xf32>,
        tpu.vector_store %arg8[%swap3A_804, %swap3A_805], %mul3A_803 {strides = array<i32>} : memref<128x128xf32, #tpu.memory_space<vmem>>, vector<16xf32>,
        %get3A_807 = arith.index_cast %add3A_750 : i32 to index
        %get3A_808 = arith.constant 112 : index
        %get3A_809 = tpu.vector_load %arg8[%get3A_807, %get3A_808] {strides = array<i32>} : memref<128x128xf32, #tpu.memory_space<vmem>>, vector<16xf32>,
        %mul3A_810 = vector.broadcast %squeeze3A_746 : f32 to vector<16xf32>
        %mul3A_811 = arith.mulf %get3A_809, %mul3A_810 : vector<16xf32>
        %swap3A_812 = arith.index_cast %add3A_750 : i32 to index
        %swap3A_813 = arith.constant 112 : index
        %swap3A_814 = tpu.vector_load %arg8[%swap3A_812, %swap3A_813] {strides = array<i32>} : memref<128x128xf32, #tpu.memory_space<vmem>>, vector<16xf32>,
        tpu.vector_store %arg8[%swap3A_812, %swap3A_813], %mul3A_811 {strides = array<i32>} : memref<128x128xf32, #tpu.memory_space<vmem>>, vector<16xf32>,
        %slice3A_815 = vector.extract_strided_slice %get3A_47 {offsets = [11], sizes = [1], strides = [1]} : vector<16xf32> to vector<1xf32>
        %squeeze3A_816 = vector.extract %slice3A_815[0] : f32 from vector<1xf32>
        %mul3A_817 = arith.constant 16 : i32
        %mul3A_818 = arith.muli %scan3A_44, %mul3A_817 : i32
        %add3A_819 = arith.constant 11 : i32
        %add3A_820 = arith.addi %mul3A_818, %add3A_819 : i32
        %get3A_821 = arith.index_cast %add3A_820 : i32 to index
        %get3A_822 = arith.constant 0 : index
        %get3A_823 = tpu.vector_load %arg8[%get3A_821, %get3A_822] {strides = array<i32>} : memref<128x128xf32, #tpu.memory_space<vmem>>, vector<16xf32>,
        %mul3A_824 = vector.broadcast %squeeze3A_816 : f32 to vector<16xf32>
        %mul3A_825 = arith.mulf %get3A_823, %mul3A_824 : vector<16xf32>
        %swap3A_826 = arith.index_cast %add3A_820 : i32 to index
        %swap3A_827 = arith.constant 0 : index
        %swap3A_828 = tpu.vector_load %arg8[%swap3A_826, %swap3A_827] {strides = array<i32>} : memref<128x128xf32, #tpu.memory_space<vmem>>, vector<16xf32>,
        tpu.vector_store %arg8[%swap3A_826, %swap3A_827], %mul3A_825 {strides = array<i32>} : memref<128x128xf32, #tpu.memory_space<vmem>>, vector<16xf32>,
        %get3A_829 = arith.index_cast %add3A_820 : i32 to index
        %get3A_830 = arith.constant 16 : index
        %get3A_831 = tpu.vector_load %arg8[%get3A_829, %get3A_830] {strides = array<i32>} : memref<128x128xf32, #tpu.memory_space<vmem>>, vector<16xf32>,
        %mul3A_832 = vector.broadcast %squeeze3A_816 : f32 to vector<16xf32>
        %mul3A_833 = arith.mulf %get3A_831, %mul3A_832 : vector<16xf32>
        %swap3A_834 = arith.index_cast %add3A_820 : i32 to index
        %swap3A_835 = arith.constant 16 : index
        %swap3A_836 = tpu.vector_load %arg8[%swap3A_834, %swap3A_835] {strides = array<i32>} : memref<128x128xf32, #tpu.memory_space<vmem>>, vector<16xf32>,
        tpu.vector_store %arg8[%swap3A_834, %swap3A_835], %mul3A_833 {strides = array<i32>} : memref<128x128xf32, #tpu.memory_space<vmem>>, vector<16xf32>,
        %get3A_837 = arith.index_cast %add3A_820 : i32 to index
        %get3A_838 = arith.constant 32 : index
        %get3A_839 = tpu.vector_load %arg8[%get3A_837, %get3A_838] {strides = array<i32>} : memref<128x128xf32, #tpu.memory_space<vmem>>, vector<16xf32>,
        %mul3A_840 = vector.broadcast %squeeze3A_816 : f32 to vector<16xf32>
        %mul3A_841 = arith.mulf %get3A_839, %mul3A_840 : vector<16xf32>
        %swap3A_842 = arith.index_cast %add3A_820 : i32 to index
        %swap3A_843 = arith.constant 32 : index
        %swap3A_844 = tpu.vector_load %arg8[%swap3A_842, %swap3A_843] {strides = array<i32>} : memref<128x128xf32, #tpu.memory_space<vmem>>, vector<16xf32>,
        tpu.vector_store %arg8[%swap3A_842, %swap3A_843], %mul3A_841 {strides = array<i32>} : memref<128x128xf32, #tpu.memory_space<vmem>>, vector<16xf32>,
        %get3A_845 = arith.index_cast %add3A_820 : i32 to index
        %get3A_846 = arith.constant 48 : index
        %get3A_847 = tpu.vector_load %arg8[%get3A_845, %get3A_846] {strides = array<i32>} : memref<128x128xf32, #tpu.memory_space<vmem>>, vector<16xf32>,
        %mul3A_848 = vector.broadcast %squeeze3A_816 : f32 to vector<16xf32>
        %mul3A_849 = arith.mulf %get3A_847, %mul3A_848 : vector<16xf32>
        %swap3A_850 = arith.index_cast %add3A_820 : i32 to index
        %swap3A_851 = arith.constant 48 : index
        %swap3A_852 = tpu.vector_load %arg8[%swap3A_850, %swap3A_851] {strides = array<i32>} : memref<128x128xf32, #tpu.memory_space<vmem>>, vector<16xf32>,
        tpu.vector_store %arg8[%swap3A_850, %swap3A_851], %mul3A_849 {strides = array<i32>} : memref<128x128xf32, #tpu.memory_space<vmem>>, vector<16xf32>,
        %get3A_853 = arith.index_cast %add3A_820 : i32 to index
        %get3A_854 = arith.constant 64 : index
        %get3A_855 = tpu.vector_load %arg8[%get3A_853, %get3A_854] {strides = array<i32>} : memref<128x128xf32, #tpu.memory_space<vmem>>, vector<16xf32>,
        %mul3A_856 = vector.broadcast %squeeze3A_816 : f32 to vector<16xf32>
        %mul3A_857 = arith.mulf %get3A_855, %mul3A_856 : vector<16xf32>
        %swap3A_858 = arith.index_cast %add3A_820 : i32 to index
        %swap3A_859 = arith.constant 64 : index
        %swap3A_860 = tpu.vector_load %arg8[%swap3A_858, %swap3A_859] {strides = array<i32>} : memref<128x128xf32, #tpu.memory_space<vmem>>, vector<16xf32>,
        tpu.vector_store %arg8[%swap3A_858, %swap3A_859], %mul3A_857 {strides = array<i32>} : memref<128x128xf32, #tpu.memory_space<vmem>>, vector<16xf32>,
        %get3A_861 = arith.index_cast %add3A_820 : i32 to index
        %get3A_862 = arith.constant 80 : index
        %get3A_863 = tpu.vector_load %arg8[%get3A_861, %get3A_862] {strides = array<i32>} : memref<128x128xf32, #tpu.memory_space<vmem>>, vector<16xf32>,
        %mul3A_864 = vector.broadcast %squeeze3A_816 : f32 to vector<16xf32>
        %mul3A_865 = arith.mulf %get3A_863, %mul3A_864 : vector<16xf32>
        %swap3A_866 = arith.index_cast %add3A_820 : i32 to index
        %swap3A_867 = arith.constant 80 : index
        %swap3A_868 = tpu.vector_load %arg8[%swap3A_866, %swap3A_867] {strides = array<i32>} : memref<128x128xf32, #tpu.memory_space<vmem>>, vector<16xf32>,
        tpu.vector_store %arg8[%swap3A_866, %swap3A_867], %mul3A_865 {strides = array<i32>} : memref<128x128xf32, #tpu.memory_space<vmem>>, vector<16xf32>,
        %get3A_869 = arith.index_cast %add3A_820 : i32 to index
        %get3A_870 = arith.constant 96 : index
        %get3A_871 = tpu.vector_load %arg8[%get3A_869, %get3A_870] {strides = array<i32>} : memref<128x128xf32, #tpu.memory_space<vmem>>, vector<16xf32>,
        %mul3A_872 = vector.broadcast %squeeze3A_816 : f32 to vector<16xf32>
        %mul3A_873 = arith.mulf %get3A_871, %mul3A_872 : vector<16xf32>
        %swap3A_874 = arith.index_cast %add3A_820 : i32 to index
        %swap3A_875 = arith.constant 96 : index
        %swap3A_876 = tpu.vector_load %arg8[%swap3A_874, %swap3A_875] {strides = array<i32>} : memref<128x128xf32, #tpu.memory_space<vmem>>, vector<16xf32>,
        tpu.vector_store %arg8[%swap3A_874, %swap3A_875], %mul3A_873 {strides = array<i32>} : memref<128x128xf32, #tpu.memory_space<vmem>>, vector<16xf32>,
        %get3A_877 = arith.index_cast %add3A_820 : i32 to index
        %get3A_878 = arith.constant 112 : index
        %get3A_879 = tpu.vector_load %arg8[%get3A_877, %get3A_878] {strides = array<i32>} : memref<128x128xf32, #tpu.memory_space<vmem>>, vector<16xf32>,
        %mul3A_880 = vector.broadcast %squeeze3A_816 : f32 to vector<16xf32>
        %mul3A_881 = arith.mulf %get3A_879, %mul3A_880 : vector<16xf32>
        %swap3A_882 = arith.index_cast %add3A_820 : i32 to index
        %swap3A_883 = arith.constant 112 : index
        %swap3A_884 = tpu.vector_load %arg8[%swap3A_882, %swap3A_883] {strides = array<i32>} : memref<128x128xf32, #tpu.memory_space<vmem>>, vector<16xf32>,
        tpu.vector_store %arg8[%swap3A_882, %swap3A_883], %mul3A_881 {strides = array<i32>} : memref<128x128xf32, #tpu.memory_space<vmem>>, vector<16xf32>,
        %slice3A_885 = vector.extract_strided_slice %get3A_47 {offsets = [12], sizes = [1], strides = [1]} : vector<16xf32> to vector<1xf32>
        %squeeze3A_886 = vector.extract %slice3A_885[0] : f32 from vector<1xf32>
        %mul3A_887 = arith.constant 16 : i32
        %mul3A_888 = arith.muli %scan3A_44, %mul3A_887 : i32
        %add3A_889 = arith.constant 12 : i32
        %add3A_890 = arith.addi %mul3A_888, %add3A_889 : i32
        %get3A_891 = arith.index_cast %add3A_890 : i32 to index
        %get3A_892 = arith.constant 0 : index
        %get3A_893 = tpu.vector_load %arg8[%get3A_891, %get3A_892] {strides = array<i32>} : memref<128x128xf32, #tpu.memory_space<vmem>>, vector<16xf32>,
        %mul3A_894 = vector.broadcast %squeeze3A_886 : f32 to vector<16xf32>
        %mul3A_895 = arith.mulf %get3A_893, %mul3A_894 : vector<16xf32>
        %swap3A_896 = arith.index_cast %add3A_890 : i32 to index
        %swap3A_897 = arith.constant 0 : index
        %swap3A_898 = tpu.vector_load %arg8[%swap3A_896, %swap3A_897] {strides = array<i32>} : memref<128x128xf32, #tpu.memory_space<vmem>>, vector<16xf32>,
        tpu.vector_store %arg8[%swap3A_896, %swap3A_897], %mul3A_895 {strides = array<i32>} : memref<128x128xf32, #tpu.memory_space<vmem>>, vector<16xf32>,
        %get3A_899 = arith.index_cast %add3A_890 : i32 to index
        %get3A_900 = arith.constant 16 : index
        %get3A_901 = tpu.vector_load %arg8[%get3A_899, %get3A_900] {strides = array<i32>} : memref<128x128xf32, #tpu.memory_space<vmem>>, vector<16xf32>,
        %mul3A_902 = vector.broadcast %squeeze3A_886 : f32 to vector<16xf32>
        %mul3A_903 = arith.mulf %get3A_901, %mul3A_902 : vector<16xf32>
        %swap3A_904 = arith.index_cast %add3A_890 : i32 to index
        %swap3A_905 = arith.constant 16 : index
        %swap3A_906 = tpu.vector_load %arg8[%swap3A_904, %swap3A_905] {strides = array<i32>} : memref<128x128xf32, #tpu.memory_space<vmem>>, vector<16xf32>,
        tpu.vector_store %arg8[%swap3A_904, %swap3A_905], %mul3A_903 {strides = array<i32>} : memref<128x128xf32, #tpu.memory_space<vmem>>, vector<16xf32>,
        %get3A_907 = arith.index_cast %add3A_890 : i32 to index
        %get3A_908 = arith.constant 32 : index
        %get3A_909 = tpu.vector_load %arg8[%get3A_907, %get3A_908] {strides = array<i32>} : memref<128x128xf32, #tpu.memory_space<vmem>>, vector<16xf32>,
        %mul3A_910 = vector.broadcast %squeeze3A_886 : f32 to vector<16xf32>
        %mul3A_911 = arith.mulf %get3A_909, %mul3A_910 : vector<16xf32>
        %swap3A_912 = arith.index_cast %add3A_890 : i32 to index
        %swap3A_913 = arith.constant 32 : index
        %swap3A_914 = tpu.vector_load %arg8[%swap3A_912, %swap3A_913] {strides = array<i32>} : memref<128x128xf32, #tpu.memory_space<vmem>>, vector<16xf32>,
        tpu.vector_store %arg8[%swap3A_912, %swap3A_913], %mul3A_911 {strides = array<i32>} : memref<128x128xf32, #tpu.memory_space<vmem>>, vector<16xf32>,
        %get3A_915 = arith.index_cast %add3A_890 : i32 to index
        %get3A_916 = arith.constant 48 : index
        %get3A_917 = tpu.vector_load %arg8[%get3A_915, %get3A_916] {strides = array<i32>} : memref<128x128xf32, #tpu.memory_space<vmem>>, vector<16xf32>,
        %mul3A_918 = vector.broadcast %squeeze3A_886 : f32 to vector<16xf32>
        %mul3A_919 = arith.mulf %get3A_917, %mul3A_918 : vector<16xf32>
        %swap3A_920 = arith.index_cast %add3A_890 : i32 to index
        %swap3A_921 = arith.constant 48 : index
        %swap3A_922 = tpu.vector_load %arg8[%swap3A_920, %swap3A_921] {strides = array<i32>} : memref<128x128xf32, #tpu.memory_space<vmem>>, vector<16xf32>,
        tpu.vector_store %arg8[%swap3A_920, %swap3A_921], %mul3A_919 {strides = array<i32>} : memref<128x128xf32, #tpu.memory_space<vmem>>, vector<16xf32>,
        %get3A_923 = arith.index_cast %add3A_890 : i32 to index
        %get3A_924 = arith.constant 64 : index
        %get3A_925 = tpu.vector_load %arg8[%get3A_923, %get3A_924] {strides = array<i32>} : memref<128x128xf32, #tpu.memory_space<vmem>>, vector<16xf32>,
        %mul3A_926 = vector.broadcast %squeeze3A_886 : f32 to vector<16xf32>
        %mul3A_927 = arith.mulf %get3A_925, %mul3A_926 : vector<16xf32>
        %swap3A_928 = arith.index_cast %add3A_890 : i32 to index
        %swap3A_929 = arith.constant 64 : index
        %swap3A_930 = tpu.vector_load %arg8[%swap3A_928, %swap3A_929] {strides = array<i32>} : memref<128x128xf32, #tpu.memory_space<vmem>>, vector<16xf32>,
        tpu.vector_store %arg8[%swap3A_928, %swap3A_929], %mul3A_927 {strides = array<i32>} : memref<128x128xf32, #tpu.memory_space<vmem>>, vector<16xf32>,
        %get3A_931 = arith.index_cast %add3A_890 : i32 to index
        %get3A_932 = arith.constant 80 : index
        %get3A_933 = tpu.vector_load %arg8[%get3A_931, %get3A_932] {strides = array<i32>} : memref<128x128xf32, #tpu.memory_space<vmem>>, vector<16xf32>,
        %mul3A_934 = vector.broadcast %squeeze3A_886 : f32 to vector<16xf32>
        %mul3A_935 = arith.mulf %get3A_933, %mul3A_934 : vector<16xf32>
        %swap3A_936 = arith.index_cast %add3A_890 : i32 to index
        %swap3A_937 = arith.constant 80 : index
        %swap3A_938 = tpu.vector_load %arg8[%swap3A_936, %swap3A_937] {strides = array<i32>} : memref<128x128xf32, #tpu.memory_space<vmem>>, vector<16xf32>,
        tpu.vector_store %arg8[%swap3A_936, %swap3A_937], %mul3A_935 {strides = array<i32>} : memref<128x128xf32, #tpu.memory_space<vmem>>, vector<16xf32>,
        %get3A_939 = arith.index_cast %add3A_890 : i32 to index
        %get3A_940 = arith.constant 96 : index
        %get3A_941 = tpu.vector_load %arg8[%get3A_939, %get3A_940] {strides = array<i32>} : memref<128x128xf32, #tpu.memory_space<vmem>>, vector<16xf32>,
        %mul3A_942 = vector.broadcast %squeeze3A_886 : f32 to vector<16xf32>
        %mul3A_943 = arith.mulf %get3A_941, %mul3A_942 : vector<16xf32>
        %swap3A_944 = arith.index_cast %add3A_890 : i32 to index
        %swap3A_945 = arith.constant 96 : index
        %swap3A_946 = tpu.vector_load %arg8[%swap3A_944, %swap3A_945] {strides = array<i32>} : memref<128x128xf32, #tpu.memory_space<vmem>>, vector<16xf32>,
        tpu.vector_store %arg8[%swap3A_944, %swap3A_945], %mul3A_943 {strides = array<i32>} : memref<128x128xf32, #tpu.memory_space<vmem>>, vector<16xf32>,
        %get3A_947 = arith.index_cast %add3A_890 : i32 to index
        %get3A_948 = arith.constant 112 : index
        %get3A_949 = tpu.vector_load %arg8[%get3A_947, %get3A_948] {strides = array<i32>} : memref<128x128xf32, #tpu.memory_space<vmem>>, vector<16xf32>,
        %mul3A_950 = vector.broadcast %squeeze3A_886 : f32 to vector<16xf32>
        %mul3A_951 = arith.mulf %get3A_949, %mul3A_950 : vector<16xf32>
        %swap3A_952 = arith.index_cast %add3A_890 : i32 to index
        %swap3A_953 = arith.constant 112 : index
        %swap3A_954 = tpu.vector_load %arg8[%swap3A_952, %swap3A_953] {strides = array<i32>} : memref<128x128xf32, #tpu.memory_space<vmem>>, vector<16xf32>,
        tpu.vector_store %arg8[%swap3A_952, %swap3A_953], %mul3A_951 {strides = array<i32>} : memref<128x128xf32, #tpu.memory_space<vmem>>, vector<16xf32>,
        %slice3A_955 = vector.extract_strided_slice %get3A_47 {offsets = [13], sizes = [1], strides = [1]} : vector<16xf32> to vector<1xf32>
        %squeeze3A_956 = vector.extract %slice3A_955[0] : f32 from vector<1xf32>
        %mul3A_957 = arith.constant 16 : i32
        %mul3A_958 = arith.muli %scan3A_44, %mul3A_957 : i32
        %add3A_959 = arith.constant 13 : i32
        %add3A_960 = arith.addi %mul3A_958, %add3A_959 : i32
        %get3A_961 = arith.index_cast %add3A_960 : i32 to index
        %get3A_962 = arith.constant 0 : index
        %get3A_963 = tpu.vector_load %arg8[%get3A_961, %get3A_962] {strides = array<i32>} : memref<128x128xf32, #tpu.memory_space<vmem>>, vector<16xf32>,
        %mul3A_964 = vector.broadcast %squeeze3A_956 : f32 to vector<16xf32>
        %mul3A_965 = arith.mulf %get3A_963, %mul3A_964 : vector<16xf32>
        %swap3A_966 = arith.index_cast %add3A_960 : i32 to index
        %swap3A_967 = arith.constant 0 : index
        %swap3A_968 = tpu.vector_load %arg8[%swap3A_966, %swap3A_967] {strides = array<i32>} : memref<128x128xf32, #tpu.memory_space<vmem>>, vector<16xf32>,
        tpu.vector_store %arg8[%swap3A_966, %swap3A_967], %mul3A_965 {strides = array<i32>} : memref<128x128xf32, #tpu.memory_space<vmem>>, vector<16xf32>,
        %get3A_969 = arith.index_cast %add3A_960 : i32 to index
        %get3A_970 = arith.constant 16 : index
        %get3A_971 = tpu.vector_load %arg8[%get3A_969, %get3A_970] {strides = array<i32>} : memref<128x128xf32, #tpu.memory_space<vmem>>, vector<16xf32>,
        %mul3A_972 = vector.broadcast %squeeze3A_956 : f32 to vector<16xf32>
        %mul3A_973 = arith.mulf %get3A_971, %mul3A_972 : vector<16xf32>
        %swap3A_974 = arith.index_cast %add3A_960 : i32 to index
        %swap3A_975 = arith.constant 16 : index
        %swap3A_976 = tpu.vector_load %arg8[%swap3A_974, %swap3A_975] {strides = array<i32>} : memref<128x128xf32, #tpu.memory_space<vmem>>, vector<16xf32>,
        tpu.vector_store %arg8[%swap3A_974, %swap3A_975], %mul3A_973 {strides = array<i32>} : memref<128x128xf32, #tpu.memory_space<vmem>>, vector<16xf32>,
        %get3A_977 = arith.index_cast %add3A_960 : i32 to index
        %get3A_978 = arith.constant 32 : index
        %get3A_979 = tpu.vector_load %arg8[%get3A_977, %get3A_978] {strides = array<i32>} : memref<128x128xf32, #tpu.memory_space<vmem>>, vector<16xf32>,
        %mul3A_980 = vector.broadcast %squeeze3A_956 : f32 to vector<16xf32>
        %mul3A_981 = arith.mulf %get3A_979, %mul3A_980 : vector<16xf32>
        %swap3A_982 = arith.index_cast %add3A_960 : i32 to index
        %swap3A_983 = arith.constant 32 : index
        %swap3A_984 = tpu.vector_load %arg8[%swap3A_982, %swap3A_983] {strides = array<i32>} : memref<128x128xf32, #tpu.memory_space<vmem>>, vector<16xf32>,
        tpu.vector_store %arg8[%swap3A_982, %swap3A_983], %mul3A_981 {strides = array<i32>} : memref<128x128xf32, #tpu.memory_space<vmem>>, vector<16xf32>,
        %get3A_985 = arith.index_cast %add3A_960 : i32 to index
        %get3A_986 = arith.constant 48 : index
        %get3A_987 = tpu.vector_load %arg8[%get3A_985, %get3A_986] {strides = array<i32>} : memref<128x128xf32, #tpu.memory_space<vmem>>, vector<16xf32>,
        %mul3A_988 = vector.broadcast %squeeze3A_956 : f32 to vector<16xf32>
        %mul3A_989 = arith.mulf %get3A_987, %mul3A_988 : vector<16xf32>
        %swap3A_990 = arith.index_cast %add3A_960 : i32 to index
        %swap3A_991 = arith.constant 48 : index
        %swap3A_992 = tpu.vector_load %arg8[%swap3A_990, %swap3A_991] {strides = array<i32>} : memref<128x128xf32, #tpu.memory_space<vmem>>, vector<16xf32>,
        tpu.vector_store %arg8[%swap3A_990, %swap3A_991], %mul3A_989 {strides = array<i32>} : memref<128x128xf32, #tpu.memory_space<vmem>>, vector<16xf32>,
        %get3A_993 = arith.index_cast %add3A_960 : i32 to index
        %get3A_994 = arith.constant 64 : index
        %get3A_995 = tpu.vector_load %arg8[%get3A_993, %get3A_994] {strides = array<i32>} : memref<128x128xf32, #tpu.memory_space<vmem>>, vector<16xf32>,
        %mul3A_996 = vector.broadcast %squeeze3A_956 : f32 to vector<16xf32>
        %mul3A_997 = arith.mulf %get3A_995, %mul3A_996 : vector<16xf32>
        %swap3A_998 = arith.index_cast %add3A_960 : i32 to index
        %swap3A_999 = arith.constant 64 : index
        %swap3A_1000 = tpu.vector_load %arg8[%swap3A_998, %swap3A_999] {strides = array<i32>} : memref<128x128xf32, #tpu.memory_space<vmem>>, vector<16xf32>,
        tpu.vector_store %arg8[%swap3A_998, %swap3A_999], %mul3A_997 {strides = array<i32>} : memref<128x128xf32, #tpu.memory_space<vmem>>, vector<16xf32>,
        %get3A_1001 = arith.index_cast %add3A_960 : i32 to index
        %get3A_1002 = arith.constant 80 : index
        %get3A_1003 = tpu.vector_load %arg8[%get3A_1001, %get3A_1002] {strides = array<i32>} : memref<128x128xf32, #tpu.memory_space<vmem>>, vector<16xf32>,
        %mul3A_1004 = vector.broadcast %squeeze3A_956 : f32 to vector<16xf32>
        %mul3A_1005 = arith.mulf %get3A_1003, %mul3A_1004 : vector<16xf32>
        %swap3A_1006 = arith.index_cast %add3A_960 : i32 to index
        %swap3A_1007 = arith.constant 80 : index
        %swap3A_1008 = tpu.vector_load %arg8[%swap3A_1006, %swap3A_1007] {strides = array<i32>} : memref<128x128xf32, #tpu.memory_space<vmem>>, vector<16xf32>,
        tpu.vector_store %arg8[%swap3A_1006, %swap3A_1007], %mul3A_1005 {strides = array<i32>} : memref<128x128xf32, #tpu.memory_space<vmem>>, vector<16xf32>,
        %get3A_1009 = arith.index_cast %add3A_960 : i32 to index
        %get3A_1010 = arith.constant 96 : index
        %get3A_1011 = tpu.vector_load %arg8[%get3A_1009, %get3A_1010] {strides = array<i32>} : memref<128x128xf32, #tpu.memory_space<vmem>>, vector<16xf32>,
        %mul3A_1012 = vector.broadcast %squeeze3A_956 : f32 to vector<16xf32>
        %mul3A_1013 = arith.mulf %get3A_1011, %mul3A_1012 : vector<16xf32>
        %swap3A_1014 = arith.index_cast %add3A_960 : i32 to index
        %swap3A_1015 = arith.constant 96 : index
        %swap3A_1016 = tpu.vector_load %arg8[%swap3A_1014, %swap3A_1015] {strides = array<i32>} : memref<128x128xf32, #tpu.memory_space<vmem>>, vector<16xf32>,
        tpu.vector_store %arg8[%swap3A_1014, %swap3A_1015], %mul3A_1013 {strides = array<i32>} : memref<128x128xf32, #tpu.memory_space<vmem>>, vector<16xf32>,
        %get3A_1017 = arith.index_cast %add3A_960 : i32 to index
        %get3A_1018 = arith.constant 112 : index
        %get3A_1019 = tpu.vector_load %arg8[%get3A_1017, %get3A_1018] {strides = array<i32>} : memref<128x128xf32, #tpu.memory_space<vmem>>, vector<16xf32>,
        %mul3A_1020 = vector.broadcast %squeeze3A_956 : f32 to vector<16xf32>
        %mul3A_1021 = arith.mulf %get3A_1019, %mul3A_1020 : vector<16xf32>
        %swap3A_1022 = arith.index_cast %add3A_960 : i32 to index
        %swap3A_1023 = arith.constant 112 : index
        %swap3A_1024 = tpu.vector_load %arg8[%swap3A_1022, %swap3A_1023] {strides = array<i32>} : memref<128x128xf32, #tpu.memory_space<vmem>>, vector<16xf32>,
        tpu.vector_store %arg8[%swap3A_1022, %swap3A_1023], %mul3A_1021 {strides = array<i32>} : memref<128x128xf32, #tpu.memory_space<vmem>>, vector<16xf32>,
        %slice3A_1025 = vector.extract_strided_slice %get3A_47 {offsets = [14], sizes = [1], strides = [1]} : vector<16xf32> to vector<1xf32>
        %squeeze3A_1026 = vector.extract %slice3A_1025[0] : f32 from vector<1xf32>
        %mul3A_1027 = arith.constant 16 : i32
        %mul3A_1028 = arith.muli %scan3A_44, %mul3A_1027 : i32
        %add3A_1029 = arith.constant 14 : i32
        %add3A_1030 = arith.addi %mul3A_1028, %add3A_1029 : i32
        %get3A_1031 = arith.index_cast %add3A_1030 : i32 to index
        %get3A_1032 = arith.constant 0 : index
        %get3A_1033 = tpu.vector_load %arg8[%get3A_1031, %get3A_1032] {strides = array<i32>} : memref<128x128xf32, #tpu.memory_space<vmem>>, vector<16xf32>,
        %mul3A_1034 = vector.broadcast %squeeze3A_1026 : f32 to vector<16xf32>
        %mul3A_1035 = arith.mulf %get3A_1033, %mul3A_1034 : vector<16xf32>
        %swap3A_1036 = arith.index_cast %add3A_1030 : i32 to index
        %swap3A_1037 = arith.constant 0 : index
        %swap3A_1038 = tpu.vector_load %arg8[%swap3A_1036, %swap3A_1037] {strides = array<i32>} : memref<128x128xf32, #tpu.memory_space<vmem>>, vector<16xf32>,
        tpu.vector_store %arg8[%swap3A_1036, %swap3A_1037], %mul3A_1035 {strides = array<i32>} : memref<128x128xf32, #tpu.memory_space<vmem>>, vector<16xf32>,
        %get3A_1039 = arith.index_cast %add3A_1030 : i32 to index
        %get3A_1040 = arith.constant 16 : index
        %get3A_1041 = tpu.vector_load %arg8[%get3A_1039, %get3A_1040] {strides = array<i32>} : memref<128x128xf32, #tpu.memory_space<vmem>>, vector<16xf32>,
        %mul3A_1042 = vector.broadcast %squeeze3A_1026 : f32 to vector<16xf32>
        %mul3A_1043 = arith.mulf %get3A_1041, %mul3A_1042 : vector<16xf32>
        %swap3A_1044 = arith.index_cast %add3A_1030 : i32 to index
        %swap3A_1045 = arith.constant 16 : index
        %swap3A_1046 = tpu.vector_load %arg8[%swap3A_1044, %swap3A_1045] {strides = array<i32>} : memref<128x128xf32, #tpu.memory_space<vmem>>, vector<16xf32>,
        tpu.vector_store %arg8[%swap3A_1044, %swap3A_1045], %mul3A_1043 {strides = array<i32>} : memref<128x128xf32, #tpu.memory_space<vmem>>, vector<16xf32>,
        %get3A_1047 = arith.index_cast %add3A_1030 : i32 to index
        %get3A_1048 = arith.constant 32 : index
        %get3A_1049 = tpu.vector_load %arg8[%get3A_1047, %get3A_1048] {strides = array<i32>} : memref<128x128xf32, #tpu.memory_space<vmem>>, vector<16xf32>,
        %mul3A_1050 = vector.broadcast %squeeze3A_1026 : f32 to vector<16xf32>
        %mul3A_1051 = arith.mulf %get3A_1049, %mul3A_1050 : vector<16xf32>
        %swap3A_1052 = arith.index_cast %add3A_1030 : i32 to index
        %swap3A_1053 = arith.constant 32 : index
        %swap3A_1054 = tpu.vector_load %arg8[%swap3A_1052, %swap3A_1053] {strides = array<i32>} : memref<128x128xf32, #tpu.memory_space<vmem>>, vector<16xf32>,
        tpu.vector_store %arg8[%swap3A_1052, %swap3A_1053], %mul3A_1051 {strides = array<i32>} : memref<128x128xf32, #tpu.memory_space<vmem>>, vector<16xf32>,
        %get3A_1055 = arith.index_cast %add3A_1030 : i32 to index
        %get3A_1056 = arith.constant 48 : index
        %get3A_1057 = tpu.vector_load %arg8[%get3A_1055, %get3A_1056] {strides = array<i32>} : memref<128x128xf32, #tpu.memory_space<vmem>>, vector<16xf32>,
        %mul3A_1058 = vector.broadcast %squeeze3A_1026 : f32 to vector<16xf32>
        %mul3A_1059 = arith.mulf %get3A_1057, %mul3A_1058 : vector<16xf32>
        %swap3A_1060 = arith.index_cast %add3A_1030 : i32 to index
        %swap3A_1061 = arith.constant 48 : index
        %swap3A_1062 = tpu.vector_load %arg8[%swap3A_1060, %swap3A_1061] {strides = array<i32>} : memref<128x128xf32, #tpu.memory_space<vmem>>, vector<16xf32>,
        tpu.vector_store %arg8[%swap3A_1060, %swap3A_1061], %mul3A_1059 {strides = array<i32>} : memref<128x128xf32, #tpu.memory_space<vmem>>, vector<16xf32>,
        %get3A_1063 = arith.index_cast %add3A_1030 : i32 to index
        %get3A_1064 = arith.constant 64 : index
        %get3A_1065 = tpu.vector_load %arg8[%get3A_1063, %get3A_1064] {strides = array<i32>} : memref<128x128xf32, #tpu.memory_space<vmem>>, vector<16xf32>,
        %mul3A_1066 = vector.broadcast %squeeze3A_1026 : f32 to vector<16xf32>
        %mul3A_1067 = arith.mulf %get3A_1065, %mul3A_1066 : vector<16xf32>
        %swap3A_1068 = arith.index_cast %add3A_1030 : i32 to index
        %swap3A_1069 = arith.constant 64 : index
        %swap3A_1070 = tpu.vector_load %arg8[%swap3A_1068, %swap3A_1069] {strides = array<i32>} : memref<128x128xf32, #tpu.memory_space<vmem>>, vector<16xf32>,
        tpu.vector_store %arg8[%swap3A_1068, %swap3A_1069], %mul3A_1067 {strides = array<i32>} : memref<128x128xf32, #tpu.memory_space<vmem>>, vector<16xf32>,
        %get3A_1071 = arith.index_cast %add3A_1030 : i32 to index
        %get3A_1072 = arith.constant 80 : index
        %get3A_1073 = tpu.vector_load %arg8[%get3A_1071, %get3A_1072] {strides = array<i32>} : memref<128x128xf32, #tpu.memory_space<vmem>>, vector<16xf32>,
        %mul3A_1074 = vector.broadcast %squeeze3A_1026 : f32 to vector<16xf32>
        %mul3A_1075 = arith.mulf %get3A_1073, %mul3A_1074 : vector<16xf32>
        %swap3A_1076 = arith.index_cast %add3A_1030 : i32 to index
        %swap3A_1077 = arith.constant 80 : index
        %swap3A_1078 = tpu.vector_load %arg8[%swap3A_1076, %swap3A_1077] {strides = array<i32>} : memref<128x128xf32, #tpu.memory_space<vmem>>, vector<16xf32>,
        tpu.vector_store %arg8[%swap3A_1076, %swap3A_1077], %mul3A_1075 {strides = array<i32>} : memref<128x128xf32, #tpu.memory_space<vmem>>, vector<16xf32>,
        %get3A_1079 = arith.index_cast %add3A_1030 : i32 to index
        %get3A_1080 = arith.constant 96 : index
        %get3A_1081 = tpu.vector_load %arg8[%get3A_1079, %get3A_1080] {strides = array<i32>} : memref<128x128xf32, #tpu.memory_space<vmem>>, vector<16xf32>,
        %mul3A_1082 = vector.broadcast %squeeze3A_1026 : f32 to vector<16xf32>
        %mul3A_1083 = arith.mulf %get3A_1081, %mul3A_1082 : vector<16xf32>
        %swap3A_1084 = arith.index_cast %add3A_1030 : i32 to index
        %swap3A_1085 = arith.constant 96 : index
        %swap3A_1086 = tpu.vector_load %arg8[%swap3A_1084, %swap3A_1085] {strides = array<i32>} : memref<128x128xf32, #tpu.memory_space<vmem>>, vector<16xf32>,
        tpu.vector_store %arg8[%swap3A_1084, %swap3A_1085], %mul3A_1083 {strides = array<i32>} : memref<128x128xf32, #tpu.memory_space<vmem>>, vector<16xf32>,
        %get3A_1087 = arith.index_cast %add3A_1030 : i32 to index
        %get3A_1088 = arith.constant 112 : index
        %get3A_1089 = tpu.vector_load %arg8[%get3A_1087, %get3A_1088] {strides = array<i32>} : memref<128x128xf32, #tpu.memory_space<vmem>>, vector<16xf32>,
        %mul3A_1090 = vector.broadcast %squeeze3A_1026 : f32 to vector<16xf32>
        %mul3A_1091 = arith.mulf %get3A_1089, %mul3A_1090 : vector<16xf32>
        %swap3A_1092 = arith.index_cast %add3A_1030 : i32 to index
        %swap3A_1093 = arith.constant 112 : index
        %swap3A_1094 = tpu.vector_load %arg8[%swap3A_1092, %swap3A_1093] {strides = array<i32>} : memref<128x128xf32, #tpu.memory_space<vmem>>, vector<16xf32>,
        tpu.vector_store %arg8[%swap3A_1092, %swap3A_1093], %mul3A_1091 {strides = array<i32>} : memref<128x128xf32, #tpu.memory_space<vmem>>, vector<16xf32>,
        %slice3A_1095 = vector.extract_strided_slice %get3A_47 {offsets = [15], sizes = [1], strides = [1]} : vector<16xf32> to vector<1xf32>
        %squeeze3A_1096 = vector.extract %slice3A_1095[0] : f32 from vector<1xf32>
        %mul3A_1097 = arith.constant 16 : i32
        %mul3A_1098 = arith.muli %scan3A_44, %mul3A_1097 : i32
        %add3A_1099 = arith.constant 15 : i32
        %add3A_1100 = arith.addi %mul3A_1098, %add3A_1099 : i32
        %get3A_1101 = arith.index_cast %add3A_1100 : i32 to index
        %get3A_1102 = arith.constant 0 : index
        %get3A_1103 = tpu.vector_load %arg8[%get3A_1101, %get3A_1102] {strides = array<i32>} : memref<128x128xf32, #tpu.memory_space<vmem>>, vector<16xf32>,
        %mul3A_1104 = vector.broadcast %squeeze3A_1096 : f32 to vector<16xf32>
        %mul3A_1105 = arith.mulf %get3A_1103, %mul3A_1104 : vector<16xf32>
        %swap3A_1106 = arith.index_cast %add3A_1100 : i32 to index
        %swap3A_1107 = arith.constant 0 : index
        %swap3A_1108 = tpu.vector_load %arg8[%swap3A_1106, %swap3A_1107] {strides = array<i32>} : memref<128x128xf32, #tpu.memory_space<vmem>>, vector<16xf32>,
        tpu.vector_store %arg8[%swap3A_1106, %swap3A_1107], %mul3A_1105 {strides = array<i32>} : memref<128x128xf32, #tpu.memory_space<vmem>>, vector<16xf32>,
        %get3A_1109 = arith.index_cast %add3A_1100 : i32 to index
        %get3A_1110 = arith.constant 16 : index
        %get3A_1111 = tpu.vector_load %arg8[%get3A_1109, %get3A_1110] {strides = array<i32>} : memref<128x128xf32, #tpu.memory_space<vmem>>, vector<16xf32>,
        %mul3A_1112 = vector.broadcast %squeeze3A_1096 : f32 to vector<16xf32>
        %mul3A_1113 = arith.mulf %get3A_1111, %mul3A_1112 : vector<16xf32>
        %swap3A_1114 = arith.index_cast %add3A_1100 : i32 to index
        %swap3A_1115 = arith.constant 16 : index
        %swap3A_1116 = tpu.vector_load %arg8[%swap3A_1114, %swap3A_1115] {strides = array<i32>} : memref<128x128xf32, #tpu.memory_space<vmem>>, vector<16xf32>,
        tpu.vector_store %arg8[%swap3A_1114, %swap3A_1115], %mul3A_1113 {strides = array<i32>} : memref<128x128xf32, #tpu.memory_space<vmem>>, vector<16xf32>,
        %get3A_1117 = arith.index_cast %add3A_1100 : i32 to index
        %get3A_1118 = arith.constant 32 : index
        %get3A_1119 = tpu.vector_load %arg8[%get3A_1117, %get3A_1118] {strides = array<i32>} : memref<128x128xf32, #tpu.memory_space<vmem>>, vector<16xf32>,
        %mul3A_1120 = vector.broadcast %squeeze3A_1096 : f32 to vector<16xf32>
        %mul3A_1121 = arith.mulf %get3A_1119, %mul3A_1120 : vector<16xf32>
        %swap3A_1122 = arith.index_cast %add3A_1100 : i32 to index
        %swap3A_1123 = arith.constant 32 : index
        %swap3A_1124 = tpu.vector_load %arg8[%swap3A_1122, %swap3A_1123] {strides = array<i32>} : memref<128x128xf32, #tpu.memory_space<vmem>>, vector<16xf32>,
        tpu.vector_store %arg8[%swap3A_1122, %swap3A_1123], %mul3A_1121 {strides = array<i32>} : memref<128x128xf32, #tpu.memory_space<vmem>>, vector<16xf32>,
        %get3A_1125 = arith.index_cast %add3A_1100 : i32 to index
        %get3A_1126 = arith.constant 48 : index
        %get3A_1127 = tpu.vector_load %arg8[%get3A_1125, %get3A_1126] {strides = array<i32>} : memref<128x128xf32, #tpu.memory_space<vmem>>, vector<16xf32>,
        %mul3A_1128 = vector.broadcast %squeeze3A_1096 : f32 to vector<16xf32>
        %mul3A_1129 = arith.mulf %get3A_1127, %mul3A_1128 : vector<16xf32>
        %swap3A_1130 = arith.index_cast %add3A_1100 : i32 to index
        %swap3A_1131 = arith.constant 48 : index
        %swap3A_1132 = tpu.vector_load %arg8[%swap3A_1130, %swap3A_1131] {strides = array<i32>} : memref<128x128xf32, #tpu.memory_space<vmem>>, vector<16xf32>,
        tpu.vector_store %arg8[%swap3A_1130, %swap3A_1131], %mul3A_1129 {strides = array<i32>} : memref<128x128xf32, #tpu.memory_space<vmem>>, vector<16xf32>,
        %get3A_1133 = arith.index_cast %add3A_1100 : i32 to index
        %get3A_1134 = arith.constant 64 : index
        %get3A_1135 = tpu.vector_load %arg8[%get3A_1133, %get3A_1134] {strides = array<i32>} : memref<128x128xf32, #tpu.memory_space<vmem>>, vector<16xf32>,
        %mul3A_1136 = vector.broadcast %squeeze3A_1096 : f32 to vector<16xf32>
        %mul3A_1137 = arith.mulf %get3A_1135, %mul3A_1136 : vector<16xf32>
        %swap3A_1138 = arith.index_cast %add3A_1100 : i32 to index
        %swap3A_1139 = arith.constant 64 : index
        %swap3A_1140 = tpu.vector_load %arg8[%swap3A_1138, %swap3A_1139] {strides = array<i32>} : memref<128x128xf32, #tpu.memory_space<vmem>>, vector<16xf32>,
        tpu.vector_store %arg8[%swap3A_1138, %swap3A_1139], %mul3A_1137 {strides = array<i32>} : memref<128x128xf32, #tpu.memory_space<vmem>>, vector<16xf32>,
        %get3A_1141 = arith.index_cast %add3A_1100 : i32 to index
        %get3A_1142 = arith.constant 80 : index
        %get3A_1143 = tpu.vector_load %arg8[%get3A_1141, %get3A_1142] {strides = array<i32>} : memref<128x128xf32, #tpu.memory_space<vmem>>, vector<16xf32>,
        %mul3A_1144 = vector.broadcast %squeeze3A_1096 : f32 to vector<16xf32>
        %mul3A_1145 = arith.mulf %get3A_1143, %mul3A_1144 : vector<16xf32>
        %swap3A_1146 = arith.index_cast %add3A_1100 : i32 to index
        %swap3A_1147 = arith.constant 80 : index
        %swap3A_1148 = tpu.vector_load %arg8[%swap3A_1146, %swap3A_1147] {strides = array<i32>} : memref<128x128xf32, #tpu.memory_space<vmem>>, vector<16xf32>,
        tpu.vector_store %arg8[%swap3A_1146, %swap3A_1147], %mul3A_1145 {strides = array<i32>} : memref<128x128xf32, #tpu.memory_space<vmem>>, vector<16xf32>,
        %get3A_1149 = arith.index_cast %add3A_1100 : i32 to index
        %get3A_1150 = arith.constant 96 : index
        %get3A_1151 = tpu.vector_load %arg8[%get3A_1149, %get3A_1150] {strides = array<i32>} : memref<128x128xf32, #tpu.memory_space<vmem>>, vector<16xf32>,
        %mul3A_1152 = vector.broadcast %squeeze3A_1096 : f32 to vector<16xf32>
        %mul3A_1153 = arith.mulf %get3A_1151, %mul3A_1152 : vector<16xf32>
        %swap3A_1154 = arith.index_cast %add3A_1100 : i32 to index
        %swap3A_1155 = arith.constant 96 : index
        %swap3A_1156 = tpu.vector_load %arg8[%swap3A_1154, %swap3A_1155] {strides = array<i32>} : memref<128x128xf32, #tpu.memory_space<vmem>>, vector<16xf32>,
        tpu.vector_store %arg8[%swap3A_1154, %swap3A_1155], %mul3A_1153 {strides = array<i32>} : memref<128x128xf32, #tpu.memory_space<vmem>>, vector<16xf32>,
        %get3A_1157 = arith.index_cast %add3A_1100 : i32 to index
        %get3A_1158 = arith.constant 112 : index
        %get3A_1159 = tpu.vector_load %arg8[%get3A_1157, %get3A_1158] {strides = array<i32>} : memref<128x128xf32, #tpu.memory_space<vmem>>, vector<16xf32>,
        %mul3A_1160 = vector.broadcast %squeeze3A_1096 : f32 to vector<16xf32>
        %mul3A_1161 = arith.mulf %get3A_1159, %mul3A_1160 : vector<16xf32>
        %swap3A_1162 = arith.index_cast %add3A_1100 : i32 to index
        %swap3A_1163 = arith.constant 112 : index
        %swap3A_1164 = tpu.vector_load %arg8[%swap3A_1162, %swap3A_1163] {strides = array<i32>} : memref<128x128xf32, #tpu.memory_space<vmem>>, vector<16xf32>,
        tpu.vector_store %arg8[%swap3A_1162, %swap3A_1163], %mul3A_1161 {strides = array<i32>} : memref<128x128xf32, #tpu.memory_space<vmem>>, vector<16xf32>,
      }
      %scan3A_43 = arith.constant 2 : i32
      "tpu.region"() ({
        %run_scoped3A = tpu.sem_alloc : memref<!tpu.dma_semaphore, #tpu.memory_space<semaphore_mem>>
        %dma_start3A = arith.constant 0 : i32
        %dma_start3A_44 = arith.constant 0 : i32
        %dma_start3A_45 = tpu.memref_slice %arg8[%dma_start3A, %dma_start3A_44] : memref<128x128xf32, #tpu.memory_space<vmem>> -> memref<32x128xf32, #tpu.memory_space<vmem>>
        %dma_start3A_46 = arith.constant 0 : i32
        %dma_start3A_47 = arith.constant 0 : i32
        %dma_start3A_48 = tpu.memref_slice %arg16[%dma_start3A_46, %dma_start3A_47] : memref<512x128xf32, #tpu.memory_space<vmem_shared>> -> memref<512x128xf32, #tpu.memory_space<vmem_shared>>
        tpu.enqueue_indirect_dma source(%dma_start3A_45 : memref<32x128xf32, #tpu.memory_space<vmem>>) target(%dma_start3A_48 : memref<512x128xf32, #tpu.memory_space<vmem_shared>>) offsets(%arg10 : memref<32xi32, #tpu.memory_space<vmem>>) semaphore(%run_scoped3A : memref<!tpu.dma_semaphore, #tpu.memory_space<semaphore_mem>>) {add = true}
        %dma_wait3A = arith.constant 0 : i32
        %dma_wait3A_49 = arith.constant 0 : i32
        %dma_wait3A_50 = tpu.memref_slice %arg8[%dma_wait3A, %dma_wait3A_49] : memref<128x128xf32, #tpu.memory_space<vmem>> -> memref<32x128xf32, #tpu.memory_space<vmem>>
        %dma_wait3A_51 = arith.constant 0 : i32
        %dma_wait3A_52 = arith.constant 0 : i32
        %dma_wait3A_53 = tpu.memref_slice %arg16[%dma_wait3A_51, %dma_wait3A_52] : memref<512x128xf32, #tpu.memory_space<vmem_shared>> -> memref<512x128xf32, #tpu.memory_space<vmem_shared>>
        tpu.wait_indirect_dma semaphore(%run_scoped3A : memref<!tpu.dma_semaphore, #tpu.memory_space<semaphore_mem>>) src(%dma_wait3A_50 : memref<32x128xf32, #tpu.memory_space<vmem>>) dst(%dma_wait3A_53 : memref<512x128xf32, #tpu.memory_space<vmem_shared>>)
        tpu.yield
      }) : () -> ()
    } else {
    }
    %barrier3A_26 = arith.constant 0 : index
    tpu.barrier barrier_id(%barrier3A_26)
    %eq3A_27 = arith.constant 0 : i32
    %eq3A_28 = arith.cmpi eq, %arg1, %eq3A_27 : i32
    %convert_element_type3A_29 = arith.extui %eq3A_28 : i1 to i32
    %cond3A_30 = arith.constant 0 : i32
    %cond3A_31 = arith.cmpi ne, %convert_element_type3A_29, %cond3A_30 : i32
    scf.if %cond3A_31 {
      "tpu.region"() ({
        %run_scoped3A = tpu.sem_alloc : memref<!tpu.dma_semaphore, #tpu.memory_space<semaphore_mem>>
        %dma_start3A = arith.constant 0 : i32
        %dma_start3A_32 = arith.constant 0 : i32
        %dma_start3A_33 = tpu.memref_slice %arg7[%arg0, %dma_start3A, %dma_start3A_32] : memref<2x512x128xf32, #tpu.memory_space<hbm>> -> memref<1x512x128xf32, #tpu.memory_space<hbm>>
        %dma_start3A_34 = tpu.memref_squeeze %dma_start3A_33 : memref<1x512x128xf32, #tpu.memory_space<hbm>> -> memref<512x128xf32, #tpu.memory_space<hbm>>
        tpu.enqueue_dma source(%arg16 : memref<512x128xf32, #tpu.memory_space<vmem_shared>>) target(%dma_start3A_34 : memref<512x128xf32, #tpu.memory_space<hbm>>) target_semaphore(%run_scoped3A : memref<!tpu.dma_semaphore, #tpu.memory_space<semaphore_mem>>)
        %dma_wait3A = arith.constant 0 : i32
        %dma_wait3A_35 = arith.constant 0 : i32
        %dma_wait3A_36 = tpu.memref_slice %arg7[%arg0, %dma_wait3A, %dma_wait3A_35] : memref<2x512x128xf32, #tpu.memory_space<hbm>> -> memref<1x512x128xf32, #tpu.memory_space<hbm>>
        %dma_wait3A_37 = tpu.memref_squeeze %dma_wait3A_36 : memref<1x512x128xf32, #tpu.memory_space<hbm>> -> memref<512x128xf32, #tpu.memory_space<hbm>>
        tpu.wait_dma2 semaphore(%run_scoped3A : memref<!tpu.dma_semaphore, #tpu.memory_space<semaphore_mem>>) src(%arg16 : memref<512x128xf32, #tpu.memory_space<vmem_shared>>) dst(%dma_wait3A_37 : memref<512x128xf32, #tpu.memory_space<hbm>>)
        tpu.yield
      }) : () -> ()
    } else {
    }
    return
  }
}

module attributes {stable_mosaic.version = 14 : i64} {
  func.func @_combine(%arg0: memref<2x512x128xf32, #tpu.memory_space<vmem>>, %arg1: memref<512x128xf32, #tpu.memory_space<vmem>>) attributes {dimension_semantics = [], scalar_prefetch = 0 : i64, scratch_operands = 0 : i64, tpu.core_type = #tpu.core_type<tc>} {
    %get3A = arith.constant 0 : index
    %get3A_0 = arith.constant 0 : index
    %get3A_1 = arith.constant 0 : index
    %get3A_2 = vector.load %arg0[%get3A, %get3A_0, %get3A_1] : memref<2x512x128xf32, #tpu.memory_space<vmem>>, vector<1x512x128xf32>
    %get3A_3 = vector.shape_cast %get3A_2 : vector<1x512x128xf32> to vector<512x128xf32>
    %get3A_4 = arith.constant 1 : index
    %get3A_5 = arith.constant 0 : index
    %get3A_6 = arith.constant 0 : index
    %get3A_7 = vector.load %arg0[%get3A_4, %get3A_5, %get3A_6] : memref<2x512x128xf32, #tpu.memory_space<vmem>>, vector<1x512x128xf32>
    %get3A_8 = vector.shape_cast %get3A_7 : vector<1x512x128xf32> to vector<512x128xf32>
    %add3A = arith.addf %get3A_3, %get3A_8 : vector<512x128xf32>
    %swap3A = arith.constant 0 : index
    %swap3A_9 = arith.constant 0 : index
    %swap3A_10 = vector.load %arg1[%swap3A, %swap3A_9] : memref<512x128xf32, #tpu.memory_space<vmem>>, vector<512x128xf32>
    tpu.vector_store %arg1[%swap3A, %swap3A_9], %add3A {strides = array<i32>} : memref<512x128xf32, #tpu.memory_space<vmem>>, vector<512x128xf32>,
    return
  }
}

module attributes {stable_mosaic.version = 14 : i64} {
  func.func @_pass_a(%arg0: i32, %arg1: memref<4096x128xf32, #tpu.memory_space<vmem>>, %arg2: memref<1x1x4096xi32, #tpu.memory_space<vmem>>, %arg3: memref<8x128xf32, #tpu.memory_space<vmem>>, %arg4: memref<8xf32, #tpu.memory_space<vmem>>, %arg5: memref<8x4096xf32, #tpu.memory_space<vmem>>, %arg6: memref<8x512xf32, #tpu.memory_space<vmem>>, %arg7: memref<8x512xf32, #tpu.memory_space<vmem>>) attributes {dimension_semantics = [#tpu.dimension_semantics<arbitrary>], iteration_bounds = array<i64: 25>, scalar_prefetch = 0 : i64, scratch_operands = 0 : i64, tpu.core_type = #tpu.core_type<tc>, window_params = [{transform_indices = @transform_0, window_bounds = array<i64: 4096, 128>}, {transform_indices = @transform_1, window_bounds = array<i64: 1, 1, 4096>}, {pipeline_mode = #tpu.pipeline_mode<synchronous>, transform_indices = @transform_2, window_bounds = array<i64: 8, 128>}, {pipeline_mode = #tpu.pipeline_mode<synchronous>, transform_indices = @transform_3, window_bounds = array<i64: 8>}, {transform_indices = @transform_4, window_bounds = array<i64: 8, 4096>}, {pipeline_mode = #tpu.pipeline_mode<synchronous>, transform_indices = @transform_5, window_bounds = array<i64: 8, 512>}, {pipeline_mode = #tpu.pipeline_mode<synchronous>, transform_indices = @transform_6, window_bounds = array<i64: 8, 512>}]} {
    %get3A = arith.constant 0 : index
    %get3A_0 = arith.constant 0 : index
    %get3A_1 = vector.load %arg1[%get3A, %get3A_0] : memref<4096x128xf32, #tpu.memory_space<vmem>>, vector<4096x128xf32>
    %get3A_2 = arith.constant 0 : index
    %get3A_3 = arith.constant 0 : index
    %get3A_4 = vector.load %arg3[%get3A_2, %get3A_3] : memref<8x128xf32, #tpu.memory_space<vmem>>, vector<8x128xf32>
    %dot_general3A = arith.constant dense<0.000000e+00> : vector<8x4096xf32>
    %dot_general3A_5 = tpu.matmul %get3A_4, %get3A_1, %dot_general3A {dimension_numbers = #tpu.dot_dimension_numbers<[1], [1], [0], [0], [0, 0, 1, 0], [], []>, transpose_lhs_hint = false} : vector<8x128xf32>, vector<4096x128xf32>, vector<8x4096xf32> -> vector<8x4096xf32>
    %get3A_6 = arith.constant 0 : index
    %get3A_7 = vector.load %arg4[%get3A_6] : memref<8xf32, #tpu.memory_space<vmem>>, vector<8xf32>
    %broadcast_in_dim3A = vector.shape_cast %get3A_7 : vector<8xf32> to vector<8x1xf32>
    %add3A = vector.broadcast %broadcast_in_dim3A : vector<8x1xf32> to vector<8x4096xf32>
    %add3A_8 = arith.addf %dot_general3A_5, %add3A : vector<8x4096xf32>
    %exp3A = math.exp %add3A_8 : vector<8x4096xf32>
    %swap3A = arith.constant 0 : index
    %swap3A_9 = arith.constant 0 : index
    %swap3A_10 = vector.load %arg5[%swap3A, %swap3A_9] : memref<8x4096xf32, #tpu.memory_space<vmem>>, vector<8x4096xf32>
    tpu.vector_store %arg5[%swap3A, %swap3A_9], %exp3A {strides = array<i32>} : memref<8x4096xf32, #tpu.memory_space<vmem>>, vector<8x4096xf32>,
    %iota3A = tpu.iota {dimensions = array<i32: 1>} : vector<8x4096xi32>
    %mul3A = arith.constant 4096 : i32
    %mul3A_11 = arith.muli %arg0, %mul3A : i32
    %add3A_12 = vector.broadcast %mul3A_11 : i32 to vector<8x4096xi32>
    %add3A_13 = arith.addi %iota3A, %add3A_12 : vector<8x4096xi32>
    %lt3A = arith.constant 100000 : i32
    %lt3A_14 = vector.broadcast %lt3A : i32 to vector<8x4096xi32>
    %lt3A_15 = arith.cmpi slt, %add3A_13, %lt3A_14 : vector<8x4096xi32>
    %jit3A = arith.constant 0.000000e+00 : f32
    %broadcast_in_dim3A_16 = vector.broadcast %jit3A : f32 to vector<8x4096xf32>
    %select_n3A = arith.select %lt3A_15, %exp3A, %broadcast_in_dim3A_16 : vector<8x4096xi1>, vector<8x4096xf32>
    %get3A_17 = arith.constant 0 : index
    %get3A_18 = arith.constant 0 : index
    %get3A_19 = arith.constant 0 : index
    %get3A_20 = vector.load %arg2[%get3A_17, %get3A_18, %get3A_19] : memref<1x1x4096xi32, #tpu.memory_space<vmem>>, vector<1x1x4096xi32>
    %get3A_21 = vector.shape_cast %get3A_20 : vector<1x1x4096xi32> to vector<4096xi32>
    %iota3A_22 = tpu.iota {dimensions = array<i32: 1>} : vector<4096x512xi32>
    %broadcast_in_dim3A_23 = vector.shape_cast %get3A_21 : vector<4096xi32> to vector<4096x1xi32>
    %eq3A = vector.broadcast %broadcast_in_dim3A_23 : vector<4096x1xi32> to vector<4096x512xi32>
    %eq3A_24 = arith.cmpi eq, %iota3A_22, %eq3A : vector<4096x512xi32>
    %convert_element_type3A = arith.extui %eq3A_24 : vector<4096x512xi1> to vector<4096x512xi32>
    %convert_element_type3A_25 = arith.sitofp %convert_element_type3A : vector<4096x512xi32> to vector<4096x512xf32>
    %dot_general3A_26 = arith.constant dense<0.000000e+00> : vector<8x512xf32>
    %dot_general3A_27 = tpu.matmul %select_n3A, %convert_element_type3A_25, %dot_general3A_26 {dimension_numbers = #tpu.dot_dimension_numbers<[1], [0], [0], [1], [0, 0, 1, 1], [], []>, transpose_lhs_hint = false} : vector<8x4096xf32>, vector<4096x512xf32>, vector<8x512xf32> -> vector<8x512xf32>
    %eq3A_28 = arith.constant 0 : i32
    %eq3A_29 = arith.cmpi eq, %arg0, %eq3A_28 : i32
    %convert_element_type3A_30 = arith.extui %eq3A_29 : i1 to i32
    %cond3A = arith.constant 0 : i32
    %cond3A_31 = arith.cmpi ne, %convert_element_type3A_30, %cond3A : i32
    scf.if %cond3A_31 {
      %broadcast_in_dim3A_44 = arith.constant 0.000000e+00 : f32
      %broadcast_in_dim3A_45 = vector.broadcast %broadcast_in_dim3A_44 : f32 to vector<8x512xf32>
      %swap3A_46 = arith.constant 0 : index
      %swap3A_47 = arith.constant 0 : index
      %swap3A_48 = vector.load %arg7[%swap3A_46, %swap3A_47] : memref<8x512xf32, #tpu.memory_space<vmem>>, vector<8x512xf32>
      tpu.vector_store %arg7[%swap3A_46, %swap3A_47], %broadcast_in_dim3A_45 {strides = array<i32>} : memref<8x512xf32, #tpu.memory_space<vmem>>, vector<8x512xf32>,
    } else {
    }
    %get3A_32 = arith.constant 0 : index
    %get3A_33 = arith.constant 0 : index
    %get3A_34 = vector.load %arg7[%get3A_32, %get3A_33] : memref<8x512xf32, #tpu.memory_space<vmem>>, vector<8x512xf32>
    %add3A_35 = arith.addf %get3A_34, %dot_general3A_27 : vector<8x512xf32>
    %swap3A_36 = arith.constant 0 : index
    %swap3A_37 = arith.constant 0 : index
    %swap3A_38 = vector.load %arg7[%swap3A_36, %swap3A_37] : memref<8x512xf32, #tpu.memory_space<vmem>>, vector<8x512xf32>
    tpu.vector_store %arg7[%swap3A_36, %swap3A_37], %add3A_35 {strides = array<i32>} : memref<8x512xf32, #tpu.memory_space<vmem>>, vector<8x512xf32>,
    %eq3A_39 = arith.constant 24 : i32
    %eq3A_40 = arith.cmpi eq, %arg0, %eq3A_39 : i32
    %convert_element_type3A_41 = arith.extui %eq3A_40 : i1 to i32
    %cond3A_42 = arith.constant 0 : i32
    %cond3A_43 = arith.cmpi ne, %convert_element_type3A_41, %cond3A_42 : i32
    scf.if %cond3A_43 {
      %get3A_44 = arith.constant 0 : index
      %get3A_45 = arith.constant 0 : index
      %get3A_46 = vector.load %arg7[%get3A_44, %get3A_45] : memref<8x512xf32, #tpu.memory_space<vmem>>, vector<8x512xf32>
      %add3A_47 = arith.constant 1.000000e-16 : f32
      %add3A_48 = vector.broadcast %add3A_47 : f32 to vector<8x512xf32>
      %add3A_49 = arith.addf %get3A_46, %add3A_48 : vector<8x512xf32>
      %div3A = arith.constant 1.000000e+00 : f32
      %div3A_50 = vector.broadcast %div3A : f32 to vector<8x512xf32>
      %div3A_51 = arith.divf %div3A_50, %add3A_49 : vector<8x512xf32>
      %swap3A_52 = arith.constant 0 : index
      %swap3A_53 = arith.constant 0 : index
      %swap3A_54 = vector.load %arg6[%swap3A_52, %swap3A_53] : memref<8x512xf32, #tpu.memory_space<vmem>>, vector<8x512xf32>
      tpu.vector_store %arg6[%swap3A_52, %swap3A_53], %div3A_51 {strides = array<i32>} : memref<8x512xf32, #tpu.memory_space<vmem>>, vector<8x512xf32>,
    } else {
    }
    return
  }
  func.func @transform_0(%arg0: i32) -> (i32, i32) {
    %c0_i32 = arith.constant 0 : i32
    %c0_i32_0 = arith.constant 0 : i32
    return %arg0, %c0_i32 : i32, i32
  }
  func.func @transform_1(%arg0: i32) -> (i32, i32, i32) {
    %c0_i32 = arith.constant 0 : i32
    %c0_i32_0 = arith.constant 0 : i32
    %c0_i32_1 = arith.constant 0 : i32
    return %arg0, %c0_i32, %c0_i32_0 : i32, i32, i32
  }
  func.func @transform_2(%arg0: i32) -> (i32, i32) {
    %c0_i32 = arith.constant 0 : i32
    %c0_i32_0 = arith.constant 0 : i32
    %c0_i32_1 = arith.constant 0 : i32
    return %c0_i32, %c0_i32_0 : i32, i32
  }
  func.func @transform_3(%arg0: i32) -> i32 {
    %c0_i32 = arith.constant 0 : i32
    %c0_i32_0 = arith.constant 0 : i32
    return %c0_i32 : i32
  }
  func.func @transform_4(%arg0: i32) -> (i32, i32) {
    %c0_i32 = arith.constant 0 : i32
    %c0_i32_0 = arith.constant 0 : i32
    return %c0_i32, %arg0 : i32, i32
  }
  func.func @transform_5(%arg0: i32) -> (i32, i32) {
    %c0_i32 = arith.constant 0 : i32
    %c0_i32_0 = arith.constant 0 : i32
    %c0_i32_1 = arith.constant 0 : i32
    return %c0_i32, %c0_i32_0 : i32, i32
  }
  func.func @transform_6(%arg0: i32) -> (i32, i32) {
    %c0_i32 = arith.constant 0 : i32
    %c0_i32_0 = arith.constant 0 : i32
    %c0_i32_1 = arith.constant 0 : i32
    return %c0_i32, %c0_i32_0 : i32, i32
  }
}

</mosaic_0001>

<sc_bundles>
// kernel: kernel.5.cloned.1.call-start
scs
__scs_entry_jumppad:
0x0: {  	(pc) =	sbr.rel $0x88, $3  }
0x1: {  	(tag) =	ssettag $0x0;
	lr =	simm.s32 $0x1  }
0x2: {  	[smem:$0x3F9D] =	sst lr;
	_ =	strace $0xD0000000  }
0x3: {  	_ = 	snop  }
0x4: {  	_ = 	snop  }
0x5: {  	_ = 	snop  }
0x6: {  	_ = 	snop  }
0x7: {  	_ = 	snop  }
__scs_overlays_trampoline_lowered:
0x8: {  	[smem:$0x3FAC] =	sst s0  }
0x9: {  	[smem:$0x3FAD] =	sst s1  }
0xa: {  	[smem:$0x3FAE] =	sst s2  }
0xb: {  	[smem:$0x3FAF] =	sst s3  }
0xc: {  	[smem:$0x3FB0] =	sst s4  }
0xd: {  	[smem:$0x3FB1] =	sst s5  }
0xe: {  	[smem:$0x3FB2] =	sst s6  }
0xf: {  	[smem:$0x3FB3] =	sst s7  }
0x10: {  	[smem:$0x3FB4] =	sst s8  }
0x11: {  	[smem:$0x3FB5] =	sst s9;
	s0 =	simm.s32 @!p0 $0x0  }
0x12: {  	s1 =	sld [smem:$0x3F9B];
	s0 =	simm.s32 @p0 $0x1  }
0x13: {  	[smem:$0x3FB6] =	sst s0;
	s0 =	simm.s32 @!p1 $0x0  }
0x14: {  	s2 =	sld [smem:$0x3F9A];
	s0 =	simm.s32 @p1 $0x1  }
0x15: {  	[smem:$0x3FB7] =	sst s0;
	s0 =	simm.s32 @!p2 $0x0  }
0x16: {  	s3 =	sld [smem:$0x3FDB];
	s0 =	simm.s32 @p2 $0x1  }
0x17: {  	s4 =	simm.s32 $0x1BF5;
	[smem:$0x3FB9] =	sst s0  }
0x18: {  	s0 =	sld [smem:$0x3F9C];
	_ =	swait.ge [sflag:s4], $0x0  }
0x19: {  	s7 =	sld [smem:$0x3F9D]  }
0x1a: {  	s8 =	sadd.s32 $0xFFFFE003, lr  }
0x1b: {  	s9 =	sadd.s32 $0xFFFFFEF7, lr;
	s5 =	simm.s32 $0xFFFFFFFF;
	p2 =	slt.u32 s8, $0xFFFFF086  }
0x1c: {  	p1 =	slt.u32 s9, $0xF7A;
	s5 =	simm.s32 @!p2 $0x0  }
0x1d: {  	s5 =	simm.s32 @p1 $0x1;
	p0 =	seq.s32 s7, s2  }
0x1e: {  	s7 =	smul.u32 @!p0 $0xF7A, s2;
	p2 =	seq.s32 @!p0 s5, $0x0  }
0x1f: {  	s9 =	smul.u32 $0xF7A, s1;
	s8 =	simm.s32 @!p0 $0x1BF5;
	p2 =	por !p2, p0  }
0x20: {  	[sflag:s8] =	ssyncset.s32 @!p0 $0xFFFFF086;
	s6 =	sadd.s32 @!p0 s3, s7;
	s7 =	simm.s32 @!p0 $0x108  }
0x21: {  	s3 =	sadd.s32 s3, s9;
	s6 =	sadd.s32 @!p0 $0x88, s6;
	s7 =	simm.s32 @p2 $0x1082  }
0x22: {  	[simem:s7], [sflag:s8] =	dma.local @!p0 [hbm:s6], $0xF7A  }
0x23: {  	s9 =	sor.u32 $0xD0000000, s2;
	s6 =	simm.s32 $0x108;
	_ =	swait.ge @!p0 [sflag:s8], $0x0  }
0x24: {  	s3 =	sadd.s32 $0x88, s3;
	s6 =	simm.s32 @!p1 $0x1082;
	[sflag:s4] =	ssyncset.s32 $0xFFFFF086  }
0x25: {  	[simem:s6], [sflag:s4] =	dma.local [hbm:s3], $0xF7A  }
0x26: {  	[smem:$0x3F9D] =	sst s1;
	(tag) =	ssettag s2;
	_ =	strace s9  }
0x27: {  	s1 =	sld [smem:$0x3FAD]  }
0x28: {  	s2 =	sld [smem:$0x3FAE]  }
0x29: {  	s4 =	sld [smem:$0x3FB0]  }
0x2a: {  	p0 =	seq.s32 s5, $0x0;
	s5 =	sld [smem:$0x3FB1]  }
0x2b: {  	s6 =	sld [smem:$0x3FB2]  }
0x2c: {  	s7 =	sld [smem:$0x3FB3]  }
0x2d: {  	s3 =	simm.s32 $0x108;
	s8 =	sld [smem:$0x3FB4]  }
0x2e: {  	s3 =	simm.s32 @!p0 $0x1082;
	s9 =	sld [smem:$0x3FB5]  }
0x2f: {  	lr =	sadd.s32 s0, s3;
	s0 =	sld [smem:$0x3FAC]  }
0x30: {  	s3 =	sld [smem:$0x3FAF]  }
0x31: {  	[smem:$0x3FB8] =	sst s10  }
0x32: {  	s10 =	sld [smem:$0x3FB6];
	_ =	sdelay $0x3  }
0x33: {  	p0 =	seq.s32 s10, $0x1;
	s10 =	sld [smem:$0x3FB8];
	_ =	sdelay $0x3  }
0x34: {  	[smem:$0x3FB8] =	sst s10  }
0x35: {  	s10 =	sld [smem:$0x3FB7];
	_ =	sdelay $0x3  }
0x36: {  	p1 =	seq.s32 s10, $0x1;
	s10 =	sld [smem:$0x3FB8];
	_ =	sdelay $0x3  }
0x37: {  	[smem:$0x3FB8] =	sst s10  }
0x38: {  	s10 =	sld [smem:$0x3FB9]  }
0x39: {  	_ = 	snop;
	(pc) =	sbr.ind lr, $3  }
0x3a: {  	_ = 	snop  }
0x3b: {  	_ = 	snop  }
0x3c: {  	p2 =	seq.s32 s10, $0x1;
	s10 =	sld [smem:$0x3FB8]  }
0x3d: {  	_ =	shalt  }
0x3e: {  	_ =	shalt  }
0x3f: {  	_ =	shalt  }
0x40: {  	_ =	shalt  }
0x41: {  	_ =	shalt  }
0x42: {  	_ =	shalt  }
0x43: {  	_ =	shalt  }
0x44: {  	_ =	shalt  }
0x45: {  	_ =	shalt  }
0x46: {  	_ =	shalt  }
0x47: {  	_ =	shalt  }
0x48: {  	_ =	shalt  }
0x49: {  	_ =	shalt  }
0x4a: {  	_ =	shalt  }
0x4b: {  	_ =	shalt  }
0x4c: {  	_ =	shalt  }
0x4d: {  	_ =	shalt  }
0x4e: {  	_ =	shalt  }
0x4f: {  	_ =	shalt  }
0x50: {  	_ =	shalt  }
0x51: {  	_ =	shalt  }
0x52: {  	_ =	shalt  }
0x53: {  	_ =	shalt  }
0x54: {  	_ =	shalt  }
0x55: {  	_ =	shalt  }
0x56: {  	_ =	shalt  }
0x57: {  	_ =	shalt  }
0x58: {  	_ =	shalt  }
0x59: {  	_ =	shalt  }
0x5a: {  	_ =	shalt  }
0x5b: {  	_ =	shalt  }
0x5c: {  	_ =	shalt  }
0x5d: {  	_ =	shalt  }
0x5e: {  	_ =	shalt  }
0x5f: {  	_ =	shalt  }
0x60: {  	_ =	shalt  }
0x61: {  	_ =	shalt  }
0x62: {  	_ =	shalt  }
0x63: {  	_ =	shalt  }
0x64: {  	_ =	shalt  }
0x65: {  	_ =	shalt  }
0x66: {  	_ =	shalt  }
0x67: {  	_ =	shalt  }
0x68: {  	_ =	shalt  }
0x69: {  	_ =	shalt  }
0x6a: {  	_ =	shalt  }
0x6b: {  	_ =	shalt  }
0x6c: {  	_ =	shalt  }
0x6d: {  	_ =	shalt  }
0x6e: {  	_ =	shalt  }
0x6f: {  	_ =	shalt  }
0x70: {  	_ =	shalt  }
0x71: {  	_ =	shalt  }
0x72: {  	_ =	shalt  }
0x73: {  	_ =	shalt  }
0x74: {  	_ =	shalt  }
0x75: {  	_ =	shalt  }
0x76: {  	_ =	shalt  }
0x77: {  	_ =	shalt  }
0x78: {  	_ =	shalt  }
0x79: {  	_ =	shalt  }
0x7a: {  	_ =	shalt  }
0x7b: {  	_ =	shalt  }
0x7c: {  	_ =	shalt  }
0x7d: {  	_ =	shalt  }
0x7e: {  	_ =	shalt  }
0x7f: {  	_ =	shalt  }
0x80: {  	_ =	shalt  }
0x81: {  	_ =	shalt  }
0x82: {  	_ =	shalt  }
0x83: {  	_ =	shalt  }
0x84: {  	_ =	shalt  }
0x85: {  	_ =	shalt  }
0x86: {  	_ =	shalt  }
0x87: {  	_ =	shalt  }
.Lfunc_end0:
.L_simem_size_0:
called_computation_lowered:
.L_overlay_start_0:
0x88: {  	s2 =	sld [smem:$0x3FD9]  }
0x89: {  	s3 =	sld [smem:$0x3FFE];
	_ =	sdelay $0x1  }
0x8a: {  	s1 =	srdreg.scid  }
0x8b: {  	s0 =	sand.u32 $0x1, s1  }
0x8c: {  	s14 =	sshll.u32 s0, $0xA;
	s2 =	sadd.s32 s3, s2  }
0x8d: {  	s2 =	sadd.s32 s2, s14  }
0x8e: {  	[smem:$0x3FC4] =	sst s2  }
0x8f: {  	_ = 	snop  }
0x90: {  	s2 =	sld [smem:$0x3FD0];
	_ =	sdelay $0x1  }
0x91: {  	s15 =	sld [smem:$0x3FC9]  }
0x92: {  	s5 =	simm.s32 $0xA;
	s6 =	simm.s32 $0x10;
	s4 =	sld [smem:$0x3FC8]  }
0x93: {  	[smem:s6], [sflag:s5] =	dma.local [hbm:s2], $0x1  }
0x94: {  	_ =	swait.eq [sflag:s5], $0x1  }
0x95: {  	[sflag:s5] =	ssyncset.done $0x0  }
0x96: {  	s16 =	sld [smem:$0x10];
	[sflag:s5] =	ssyncadd.s32 $0xFFFFFFFF  }
0x97: {  	s17 =	sld [smem:$0x11];
	(tm) =	ssettm $0x1  }
0x98: {  	s18 =	sld [smem:$0x3FFB];
	_ =	sdelay $0x3  }
0x99: {  	_ =	strace s18  }
0x9a: {  	s6 =	sld [smem:$0x3FFC];
	_ =	sdelay $0x3  }
0x9b: {  	_ =	strace s6  }
0x9c: {  	s6 =	sld [smem:$0x3FFD];
	_ =	sdelay $0x3  }
0x9d: {  	_ =	strace s6  }
0x9e: {  	_ =	strace $0x8FFFFFFF  }
0x9f: {  	s19 =	sld [smem:$0x3FDB];
	_ =	sdelay $0x1  }
0xa0: {  	s7 =	simm.s32 $_scs_section_size  }
0xa1: {  	s8 =	simm.s32 $_size__tile_overlayer_lowered;
	s9 =	simm.s32 $_tile_overlayer_lowered  }
0xa2: {  	s22 =	simm.s32 $0x1BFF;
	s21 =	sshll.u32 s9, $0x1;
	s6 =	sadd.s32 s7, s19  }
0xa3: {  	s10 =	simm.s32 $0x0;
	s20 =	sshll.u32 s8, $0x1;
	s8 =	sadd.s32 s21, s6  }
0xa4: {  	[timem:s10], [sflag:s22] =	dma.local [hbm:s8], s20  }
0xa5: {  	_ =	swait.ge [sflag:s22], s20  }
0xa6: {  	s7 =	ssub.s32 $0x0, s20;
	[sflag:s22] =	ssyncset.done $0x0  }
0xa7: {  	[sflag:s22] =	ssyncadd.s32 s7;
	_ =	sdelay $0x1  }
0xa8: {  	s23 =	simm.s32 $0x1B8B  }
0xa9: {  	_ =	swait.ge [sflag:s23], $0x1  }
0xaa: {  	[sflag:s23] =	ssyncset.done $0x0  }
0xab: {  	s25 =	simm.s32 $0x1B8E;
	s24 =	sld [smem:$0x3FFE];
	[sflag:s23] =	ssyncadd.s32 $0xFFFFFFFF  }
0xac: {  	s26 =	simm.s32 $execute0_lowered;
	[smem:$0x3FD2] =	sst s25  }
0xad: {  	s8 =	sshll.u32 s26, $0x1;
	_ =	strace $0x80000046;
	[dreg:$0x1] =	wrdreg $0xFFFFFFFF  }
0xae: {  	s28 =	simm.s32 $_size_execute0_lowered;
	s6 =	sadd.s32 s6, s8;
	[dreg:$0x0] =	wrdreg $0x0  }
0xaf: {  	s8 =	sshll.u32 s28, $0x1;
	[dreg:$0x2] =	wrdreg s6  }
0xb0: {  	[dreg:$0x3] =	wrdreg s8  }
0xb1: {  	[dreg:$0x4] =	wrdreg $0xC0  }
0xb2: {  	_ =	task [dreg:s10], $0x5FFFF  }
0xb3: {  	[dreg:$0x1] =	wrdreg $0xFFFFFFFF  }
0xb4: {  	[dreg:$0x0] =	wrdreg $0x60  }
0xb5: {  	[dreg:$0x2] =	wrdreg s15  }
0xb6: {  	[dreg:$0x3] =	wrdreg s24  }
0xb7: {  	[dreg:$0x4] =	wrdreg s16  }
0xb8: {  	[dreg:$0x5] =	wrdreg s4  }
0xb9: {  	[dreg:$0x6] =	wrdreg s17  }
0xba: {  	[dreg:$0x7] =	wrdreg $0x69800  }
0xbb: {  	[dreg:$0x8] =	wrdreg $0x9  }
0xbc: {  	_ =	task.clear_ibuf [dreg:s10], $0x9FFFF;
	_ =	strace $0x90000046  }
0xbd: {  	s29 =	simm.s32 $0x9;
	_ =	strace $0x80000048  }
0xbe: {  	_ =	swait.ge [sflag:s29], $0x1  }
0xbf: {  	[sflag:s29] =	ssyncadd.s32 $0xFFFFFFFF  }
0xc0: {  	_ =	strace $0x90000048  }
0xc1: {  	_ =	sfence  }
0xc2: {  	s30 =	sld [smem:$0x0];
	_ =	sdelay $0x2  }
0xc3: {  	s31 =	sshll.u32 s1, $0xD;
	s1 =	sshrl.u32 s1, $0x2  }
0xc4: {  	s3 =	sand.u32 $0x4000, s31;
	s1 =	sadd.s32 s1, s30  }
0xc5: {  	s0 =	sor.u32 s3, s0;
	s1 =	sshll.u32 s1, $0x11  }
0xc6: {  	s0 =	sor.u32 s1, s0  }
0xc7: {  	s0 =	sadd.s32 $0x8F2B, s0  }
0xc8: {  	[sflag:s0] =	ssyncadd.remote.s32 $0x1  }
0xc9: {  	_ =	sfence.sel $0xFFFF  }
0xca: {  	[dreg:$0x0] =	wrdreg $0xFFFFFFFF;
	(pc) =	sbr.abs _section_cstart, $3  }
0xcb: {  	[dreg:$0x1] =	wrdreg $0xFFFFFFFF  }
0xcc: {  	_ =	task.clear_ibuf [dreg:s10], $0x2FFFF;
	_ =	strace $0x9FFFFFFF  }
0xcd: {  	(tm) =	ssettm $0x7FFFFFFF  }
tec
execute0_lowered:
.L_overlay_start_1:
0x0: {  	(tag) =	ssettag $0x1  }
0x1: {  	s0 =	rddreg [dreg:$0x0]  }
0x2: {  	s1 =	rddreg [dreg:$0x1]  }
0x3: {  	s3 =	rddreg [dreg:$0x3]  }
0x4: {  	s4 =	rddreg [dreg:$0x4]  }
0x5: {  	s5 =	rddreg [dreg:$0x5];
	s6 =	simm.s32 $0x0;
	s2 =	srdreg.scid  }
0x6: {  	s17 =	stileid.u32;
	s18 =	simm.s32 $0x1;
	s19 =	simm.s32 $0x4980  }
0x7: {  	s20 =	simm.s32 $0x4100;
	s21 =	simm.s32 $0x4500;
	s22 =	simm.s32 $0x80  }
0x8: {  	s23 =	simm.s32 $0x4000;
	s26 =	simm.s32 $0x0;
	[smem:$0x7FF] =	sst s6  }
0x9: {  	s2 =	sand.u32 $0x1, s2;
	s7 =	sadd.s32 $0x1400, s1;
	s11 =	sshll.u32 s17, $0x1  }
0xa: {  	s31 =	sshll.u32 s17, $0xC;
	s12 =	sadd.s32 $0x30D0, s3;
	s13 =	sadd.s32 $0x19A80, s1  }
0xb: {  	v0 =	vlaneseq.u32;
	v2 =	vimm.f32 $0.0e+00;
	s14 =	sadd.s32 $0x18680, s4;
	_ =	strace $0x80000047;
	s8 =	ssub.s32 $0x2, s2  }
.Ltmp0:
0xc: {  	v1 =	vmul.u32 $0x8, v0;
	v3 =	vor.u32 $0x80, v0;
	v5 =	vor.u32 $0x100, v0;
	s9 =	sshll.u32 s2, $0xD;
	s10 =	sshrl.u32 s8, $0x1;
	(pc) =	sbr.rel .LBB2_1-.Ltmp0, $4  }
0xd: {  	v7 =	vor.u32 $0x180, v0;
	v9 =	vor.u32 $0x200, v0;
	v11 =	vor.u32 $0x280, v0;
	s15 =	sadd.s32 s9, s1;
	s9 =	simm.s32 $0x19;
	s16 =	ssub.s32 s8, s10  }
0xe: {  	v13 =	vor.u32 $0x300, v0;
	v15 =	vor.u32 $0x380, v0;
	v4 =	vor.u32 $0x1, v1;
	s8 =	sor.u32 s2, s11;
	s10 =	sadd.s32 s31, s5;
	s11 =	sadd.s32 $0x186800, s0  }
0xf: {  	v6 =	vor.u32 $0x2, v1;
	v8 =	vor.u32 $0x3, v1;
	v10 =	vor.u32 $0x4, v1;
	s15 =	sadd.s32 $0x1A400, s15;
	p0 =	slt.u32 s8, $0xD;
	s16 =	smax.u32 s16, $0x1  }
0x10: {  	v12 =	vor.u32 $0x5, v1;
	v14 =	vor.u32 $0x6, v1;
	v16 =	vor.u32 $0x7, v1;
	p1 =	sne.s32 s8, $0x1F;
	s9 =	simm.s32 @!p0 $0x18;
	p0 =	sne.s32 s17, $0x0  }
.LBB2_15:
0x11: {  	[bflag:$0x0] =	sbarrier.arrive $0xFFFF  }
0x12: {  	s1 =	sshrl.u32 @!p0 s5, $0x3;
	s2 =	simm.s32 @!p0 $0x1C01;
	s26 =	sadd.s32 $0x1, s26  }
0x13: {  	[hbm:s15], [sflag:s2] =	dma.local @!p0 [spmem:s1], $0x2000  }
0x14: {  	p2 =	sne.s32 s26, s16  }
.Ltmp1:
0x15: {  	_ = 	snop;
	(pc) =	sbr.rel @!p2 .LBB2_16-.Ltmp1, $4  }
0x16: {  	s1 =	simm.s32 @!p0 $0x1  }
0x17: {  	_ =	swait.ge @!p0 [sflag:s1], $0x2000  }
0x18: {  	[sflag:s1] =	ssyncset.done @!p0 $0x0  }
0x19: {  	[sflag:s1] =	ssyncadd.s32 @!p0 $0xFFFFE000  }
.LBB2_1:
0x1a: {  	s1 =	simm.s32 $0x0;
	s2 =	simm.s32 $0x200  }
.LBB2_2:
0x1b: {  	p2 =	sne.s32 s2, $0x3E00;
	[tilespmem:s1+$0x59F0] =	vst v2  }
0x1c: {  	[tilespmem:s1+$0x5980] =	vst v2  }
0x1d: {  	[tilespmem:s1+$0x5990] =	vst v2  }
.Ltmp2:
0x1e: {  	[tilespmem:s1+$0x59A0] =	vst v2;
	(pc) =	sbr.rel @p2 .LBB2_2-.Ltmp2, $4  }
0x1f: {  	[tilespmem:s1+$0x59B0] =	vst v2  }
0x20: {  	[tilespmem:s1+$0x59C0] =	vst v2  }
0x21: {  	[tilespmem:s1+$0x59D0] =	vst v2  }
0x22: {  	[tilespmem:s1+$0x59E0] =	vst v2;
	s1 =	sshra.s32 s2, $0x2;
	s2 =	sadd.s32 $0x200, s2  }
0x23: {  	[tilespmem:s1+$0x59F0] =	vst v2  }
0x24: {  	[tilespmem:s1+$0x5980] =	vst v2  }
0x25: {  	[tilespmem:s1+$0x5990] =	vst v2  }
0x26: {  	[tilespmem:s1+$0x59A0] =	vst v2  }
0x27: {  	[tilespmem:s1+$0x59B0] =	vst v2  }
0x28: {  	[tilespmem:s1+$0x59C0] =	vst v2  }
0x29: {  	[tilespmem:s1+$0x59D0] =	vst v2  }
0x2a: {  	[tilespmem:s1+$0x59E0] =	vst v2;
	s30 =	simm.s32 $0x5980  }
0x2b: {  	[spmem:s10] =	stream.linear.scatter [tilespmem:s30], [sflag:$0x1], $0x1000, $0x38;
	[tilespmem:$0x7980] =	vst v63  }
0x2c: {  	_ =	swait.ge [sflag:s18], $0x1000  }
0x2d: {  	[sflag:s18] =	ssyncset.done $0x0  }
0x2e: {  	[sflag:s18] =	ssyncadd.s32 $0xFFFFF000  }
0x2f: {  	s28 =	simm.s32 $0x0;
	s31 =	rddreg [dreg:$0x2]  }
0x30: {  	[tilespmem:s19], [sflag:$0x1] =	stream.linear.gather [hbm4b:s31+s28], $0x1000, $0x38;
	[tilespmem:$0x7980] =	vst v63  }
0x31: {  	_ =	swait.ge [sflag:s18], $0x1000  }
0x32: {  	[sflag:s18] =	ssyncset.done $0x0  }
0x33: {  	[sflag:s18] =	ssyncadd.s32 $0xFFFFF000  }
0x34: {  	s29 =	simm.s32 $0x0;
	[bflag:$0x0] =	sbarrier.arrive $0xFFFF  }
.LBB2_4:
0x35: {  	s1 =	sshll.u32 s29, $0x5  }
0x36: {  	s1 =	sor.u32 s8, s1  }
0x37: {  	s2 =	sshll.u32 s1, $0xB  }
0x38: {  	s2 =	sadd.s32 s0, s2  }
0x39: {  	[tilespmem:s28], [sflag:$0x1] =	stream.linear.gather [hbm4b:s2+s28], $0x4000, $0x38;
	[tilespmem:$0x7980] =	vst v63  }
0x3a: {  	_ =	swait.ge [sflag:s18], $0x4000  }
0x3b: {  	s25 =	sshll.u32 s1, $0x4;
	[sflag:s18] =	ssyncset.done $0x0  }
0x3c: {  	s31 =	simm.s32 $0x4000;
	s2 =	sadd.s32 s3, s25;
	[sflag:s18] =	ssyncadd.s32 $0xFFFFC000  }
0x3d: {  	[tilespmem:s31], [sflag:$0x1] =	stream.linear.gather [hbm4b:s2+s28], $0x80, $0x38;
	[tilespmem:$0x7980] =	vst v63  }
0x3e: {  	_ =	swait.ge [sflag:s18], $0x80  }
0x3f: {  	s30 =	sshll.u32 s1, $0x7;
	[sflag:s18] =	ssyncset.done $0x0  }
0x40: {  	s1 =	sadd.s32 s7, s30;
	[sflag:s18] =	ssyncadd.s32 $0xFFFFFF80  }
0x41: {  	[tilespmem:s20], [sflag:$0x1] =	stream.linear.gather [hbm4b:s1+s28], $0x400, $0x38;
	[tilespmem:$0x7980] =	vst v63  }
0x42: {  	_ =	swait.ge [sflag:s18], $0x400  }
0x43: {  	[sflag:s18] =	ssyncset.done $0x0  }
0x44: {  	[sflag:s18] =	ssyncadd.s32 $0xFFFFFC00  }
0x45: {  	v17 =	vld [tilespmem:s31+$0x0];
	_ =	sdelay $0x4  }
0x46: {  	v18 =	vshll.u32 v17, $0x3  }
0x47: {  	v19 =	vor.u32 s28, v0;
	v17 =	vand.u32 $0x7F, v17;
	v18 =	vand.u32 $0xFFFFFC00, v18  }
0x48: {  	v17 =	vor.u32 v17, v18;
	_ =	sdelay $0x3  }
0x49: {  	v18 =	vld.idx.msk [tilespmem:v19+s20+$0x0], $0xffff  }
0x4a: {  	v19 =	vld.idx.msk [tilespmem:v17+s19+$0x0], $0xffff;
	_ =	sdelay $0x1  }
0x4b: {  	v20 =	vor.u32 s28, v1  }
0x4c: {  	v21 =	vor.u32 s28, v3  }
0x4d: {  	v22 =	vor.u32 $0x80, v17  }
0x4e: {  	v18 =	vmul.f32 v19, v18;
	_ =	sdelay $0x1  }
0x4f: {  	[tilespmem:v20+s21+$0x0] =	vst.idx.msk $0xffff, v18  }
0x50: {  	v19 =	vld.idx.msk [tilespmem:v21+s20+$0x0], $0xffff  }
0x51: {  	v20 =	vld.idx.msk [tilespmem:v22+s19+$0x0], $0xffff;
	_ =	sdelay $0x1  }
0x52: {  	v21 =	vor.u32 s28, v4  }
0x53: {  	v22 =	vor.u32 s28, v5  }
0x54: {  	v23 =	vor.u32 $0x100, v17  }
0x55: {  	v19 =	vmul.f32 v20, v19;
	_ =	sdelay $0x1  }
0x56: {  	[tilespmem:v21+s21+$0x0] =	vst.idx.msk $0xffff, v19  }
0x57: {  	v20 =	vld.idx.msk [tilespmem:v22+s20+$0x0], $0xffff  }
0x58: {  	v21 =	vld.idx.msk [tilespmem:v23+s19+$0x0], $0xffff;
	_ =	sdelay $0x1  }
0x59: {  	v22 =	vor.u32 s28, v6  }
0x5a: {  	v23 =	vor.u32 s28, v7  }
0x5b: {  	v24 =	vor.u32 $0x180, v17  }
0x5c: {  	v20 =	vmul.f32 v21, v20;
	_ =	sdelay $0x1  }
0x5d: {  	[tilespmem:v22+s21+$0x0] =	vst.idx.msk $0xffff, v20  }
0x5e: {  	v21 =	vld.idx.msk [tilespmem:v23+s20+$0x0], $0xffff  }
0x5f: {  	v22 =	vld.idx.msk [tilespmem:v24+s19+$0x0], $0xffff;
	_ =	sdelay $0x1  }
0x60: {  	v23 =	vor.u32 s28, v8  }
0x61: {  	v57 =	vor.u32 s28, v9  }
0x62: {  	v25 =	vor.u32 $0x200, v17  }
0x63: {  	v21 =	vmul.f32 v22, v21;
	_ =	sdelay $0x1  }
0x64: {  	[tilespmem:v23+s21+$0x0] =	vst.idx.msk $0xffff, v21  }
0x65: {  	v22 =	vld.idx.msk [tilespmem:v57+s20+$0x0], $0xffff  }
0x66: {  	v23 =	vld.idx.msk [tilespmem:v25+s19+$0x0], $0xffff;
	_ =	sdelay $0x1  }
0x67: {  	v58 =	vor.u32 s28, v10  }
0x68: {  	v59 =	vor.u32 s28, v11  }
0x69: {  	v26 =	vor.u32 $0x280, v17  }
0x6a: {  	v22 =	vmul.f32 v23, v22;
	_ =	sdelay $0x1  }
0x6b: {  	[tilespmem:v58+s21+$0x0] =	vst.idx.msk $0xffff, v22  }
0x6c: {  	v23 =	vld.idx.msk [tilespmem:v59+s20+$0x0], $0xffff  }
0x6d: {  	v24 =	vld.idx.msk [tilespmem:v26+s19+$0x0], $0xffff;
	_ =	sdelay $0x1  }
0x6e: {  	v60 =	vor.u32 s28, v12  }
0x6f: {  	v61 =	vor.u32 s28, v13  }
0x70: {  	v27 =	vor.u32 $0x300, v17  }
0x71: {  	v23 =	vmul.f32 v24, v23  }
0x72: {  	v18 =	vadd.f32 $0.0e+00, v18  }
0x73: {  	[tilespmem:v60+s21+$0x0] =	vst.idx.msk $0xffff, v23  }
0x74: {  	v18 =	vadd.f32 v19, v18;
	v19 =	vld.idx.msk [tilespmem:v61+s20+$0x0], $0xffff  }
0x75: {  	v62 =	vld.idx.msk [tilespmem:v27+s19+$0x0], $0xffff  }
0x76: {  	v18 =	vadd.f32 v20, v18  }
0x77: {  	v20 =	vor.u32 s28, v14  }
0x78: {  	v18 =	vadd.f32 v21, v18;
	v21 =	vor.u32 s28, v15  }
0x79: {  	v63 =	vor.u32 $0x380, v17  }
0x7a: {  	v17 =	vadd.f32 v22, v18;
	v18 =	vmul.f32 v62, v19;
	_ =	sdelay $0x1  }
0x7b: {  	v22 =	vadd.f32 v23, v17;
	[tilespmem:v20+s21+$0x0] =	vst.idx.msk $0xffff, v18  }
0x7c: {  	s17 =	simm.s32 $0x0;
	v19 =	vld.idx.msk [tilespmem:v21+s20+$0x0], $0xffff  }
0x7d: {  	s25 =	simm.s32 $0x10;
	s2 =	simm.s32 $0x4900;
	s1 =	simm.s32 $0x4900;
	v17 =	vor.u32 s28, v16;
	v18 =	vadd.f32 v18, v22;
	v20 =	vld.idx.msk [tilespmem:v63+s19+$0x0], $0xffff  }
.LBB2_5:
0x7e: {  	_ = 	snop  }
0x7f: {  	s17 =	sadd.s32 $0x80, s17;
	s31 =	sadd.s32 $0x10, s31;
	s1 =	sadd.s32 $0x10, s1  }
0x80: {  	p2 =	sne.s32 s25, $0x70;
	s24 =	smov.u32 s25;
	s25 =	sadd.s32 $0x10, s25  }
0x81: {  	_ = 	snop  }
0x82: {  	v19 =	vmul.f32 v20, v19;
	_ =	sdelay $0x1  }
0x83: {  	[tilespmem:v17+s21+$0x0] =	vst.idx.msk $0xffff, v19;
	v17 =	vadd.f32 v19, v18;
	_ =	sdelay $0x1  }
0x84: {  	[tilespmem:s2+$0x0] =	vst v17;
	s2 =	smov.u32 s1  }
0x85: {  	v17 =	vld [tilespmem:s31+$0x0];
	_ =	sdelay $0x4  }
0x86: {  	v18 =	vshll.u32 v17, $0x3  }
0x87: {  	v19 =	vor.u32 s24, v0;
	v17 =	vand.u32 $0x7F, v17;
	v18 =	vand.u32 $0xFFFFFC00, v18  }
0x88: {  	v17 =	vor.u32 v17, v18;
	_ =	sdelay $0x3  }
0x89: {  	v18 =	vld.idx.msk [tilespmem:v19+s20+$0x0], $0xffff  }
0x8a: {  	v19 =	vld.idx.msk [tilespmem:v17+s19+$0x0], $0xffff;
	_ =	sdelay $0x2  }
0x8b: {  	v20 =	vor.u32 s17, v1  }
0x8c: {  	v21 =	vor.u32 s24, v3;
	v22 =	vor.u32 $0x80, v17;
	_ =	sdelay $0x1  }
0x8d: {  	v18 =	vmul.f32 v19, v18;
	_ =	sdelay $0x1  }
0x8e: {  	[tilespmem:v20+s21+$0x0] =	vst.idx.msk $0xffff, v18  }
0x8f: {  	v19 =	vld.idx.msk [tilespmem:v21+s20+$0x0], $0xffff  }
0x90: {  	v20 =	vld.idx.msk [tilespmem:v22+s19+$0x0], $0xffff;
	_ =	sdelay $0x1  }
0x91: {  	v21 =	vor.u32 s17, v4;
	_ =	sdelay $0x1  }
0x92: {  	v23 =	vor.u32 $0x100, v17;
	v22 =	vor.u32 s24, v5;
	_ =	sdelay $0x1  }
0x93: {  	v19 =	vmul.f32 v20, v19;
	_ =	sdelay $0x1  }
0x94: {  	[tilespmem:v21+s21+$0x0] =	vst.idx.msk $0xffff, v19  }
0x95: {  	v20 =	vld.idx.msk [tilespmem:v22+s20+$0x0], $0xffff  }
0x96: {  	v21 =	vld.idx.msk [tilespmem:v23+s19+$0x0], $0xffff  }
0x97: {  	v22 =	vor.u32 s17, v6;
	_ =	sdelay $0x2  }
0x98: {  	v24 =	vor.u32 $0x180, v17;
	v23 =	vor.u32 s24, v7;
	_ =	sdelay $0x1  }
0x99: {  	v20 =	vmul.f32 v21, v20;
	_ =	sdelay $0x1  }
0x9a: {  	[tilespmem:v22+s21+$0x0] =	vst.idx.msk $0xffff, v20  }
0x9b: {  	v21 =	vld.idx.msk [tilespmem:v23+s20+$0x0], $0xffff  }
0x9c: {  	v23 =	vor.u32 s17, v8;
	v22 =	vld.idx.msk [tilespmem:v24+s19+$0x0], $0xffff;
	_ =	sdelay $0x3  }
0x9d: {  	v25 =	vor.u32 $0x200, v17;
	v24 =	vor.u32 s24, v9;
	_ =	sdelay $0x1  }
0x9e: {  	v21 =	vmul.f32 v22, v21;
	_ =	sdelay $0x1  }
0x9f: {  	[tilespmem:v23+s21+$0x0] =	vst.idx.msk $0xffff, v21  }
0xa0: {  	v23 =	vor.u32 s17, v10;
	v22 =	vld.idx.msk [tilespmem:v24+s20+$0x0], $0xffff  }
0xa1: {  	v24 =	vld.idx.msk [tilespmem:v25+s19+$0x0], $0xffff;
	_ =	sdelay $0x3  }
0xa2: {  	v26 =	vor.u32 $0x280, v17;
	v25 =	vor.u32 s24, v11;
	_ =	sdelay $0x1  }
0xa3: {  	v22 =	vmul.f32 v24, v22;
	_ =	sdelay $0x1  }
0xa4: {  	[tilespmem:v23+s21+$0x0] =	vst.idx.msk $0xffff, v22;
	v23 =	vor.u32 s17, v12  }
0xa5: {  	v24 =	vld.idx.msk [tilespmem:v25+s20+$0x0], $0xffff  }
0xa6: {  	v25 =	vld.idx.msk [tilespmem:v26+s19+$0x0], $0xffff;
	_ =	sdelay $0x3  }
0xa7: {  	v27 =	vor.u32 $0x300, v17;
	v26 =	vor.u32 s24, v13;
	_ =	sdelay $0x1  }
0xa8: {  	v24 =	vmul.f32 v25, v24  }
0xa9: {  	v18 =	vadd.f32 $0.0e+00, v18;
	v25 =	vor.u32 s17, v14  }
0xaa: {  	[tilespmem:v23+s21+$0x0] =	vst.idx.msk $0xffff, v24  }
0xab: {  	v18 =	vadd.f32 v19, v18;
	v19 =	vld.idx.msk [tilespmem:v26+s20+$0x0], $0xffff  }
0xac: {  	v23 =	vld.idx.msk [tilespmem:v27+s19+$0x0], $0xffff  }
0xad: {  	v18 =	vadd.f32 v20, v18;
	_ =	sdelay $0x1  }
0xae: {  	v18 =	vadd.f32 v21, v18  }
0xaf: {  	v20 =	vor.u32 s24, v15;
	v21 =	vor.u32 $0x380, v17  }
0xb0: {  	v17 =	vadd.f32 v22, v18  }
.Ltmp3:
0xb1: {  	v18 =	vmul.f32 v23, v19;
	(pc) =	sbr.rel @p2 .LBB2_5-.Ltmp3, $4  }
0xb2: {  	v19 =	vadd.f32 v24, v17;
	v17 =	vor.u32 s17, v16  }
0xb3: {  	[tilespmem:v25+s21+$0x0] =	vst.idx.msk $0xffff, v18  }
0xb4: {  	v18 =	vadd.f32 v18, v19;
	v19 =	vld.idx.msk [tilespmem:v20+s20+$0x0], $0xffff  }
0xb5: {  	v20 =	vld.idx.msk [tilespmem:v21+s19+$0x0], $0xffff  }
0xb6: {  	_ =	sdelay $0x3  }
0xb7: {  	v19 =	vmul.f32 v20, v19;
	_ =	sdelay $0x1  }
0xb8: {  	v18 =	vadd.f32 v19, v18  }
0xb9: {  	[tilespmem:v17+s21+$0x0] =	vst.idx.msk $0xffff, v19  }
0xba: {  	s1 =	sadd.s32 s4, s30;
	s17 =	simm.s32 $0x0;
	[tilespmem:s2+$0x0] =	vst v18  }
0xbb: {  	[hbm4b:s1+s17] =	stream.linear.scatter [tilespmem:s21], [sflag:$0x1], $0x400, $0x38;
	[tilespmem:$0x7980] =	vst v63  }
0xbc: {  	_ =	swait.ge [sflag:s18], $0x400  }
0xbd: {  	s24 =	simm.s32 $0x0;
	[sflag:s18] =	ssyncset.done $0x0  }
0xbe: {  	s25 =	simm.s32 $0x0;
	s1 =	sand.u32 $0x3FFFFFF0, s24;
	[sflag:s18] =	ssyncadd.s32 $0xFFFFFC00  }
0xbf: {  	s30 =	sand.u32 $0x3FFFF800, s25;
	v17 =	vld [tilespmem:s1+$0x4900]  }
0xc0: {  	v23 =	vld [tilespmem:s30+$0xC0]  }
0xc1: {  	v19 =	vld [tilespmem:s30+$0x20]  }
0xc2: {  	v20 =	vld [tilespmem:s30+$0x30]  }
0xc3: {  	v26 =	vld [tilespmem:s30+$0x60]  }
0xc4: {  	v27 =	vld [tilespmem:s30+$0x70];
	v18 =	vbroadcast v17, $0x0  }
0xc5: {  	v28 =	vld [tilespmem:s30+$0x80]  }
0xc6: {  	v29 =	vld [tilespmem:s30+$0x90];
	v19 =	vmul.f32 v19, v18  }
0xc7: {  	v30 =	vld [tilespmem:s30+$0xA0];
	v20 =	vmul.f32 v20, v18  }
0xc8: {  	v25 =	vld [tilespmem:s30+$0xB0];
	v58 =	vbroadcast v17, $0x1;
	v57 =	vmul.f32 v26, v18;
	[tilespmem:s30+$0x20] =	vst v19  }
0xc9: {  	v24 =	vld [tilespmem:s30+$0xD0];
	v27 =	vmul.f32 v27, v18;
	[tilespmem:s30+$0x30] =	vst v20  }
0xca: {  	v22 =	vld [tilespmem:s30+$0x570];
	v28 =	vmul.f32 v28, v58;
	[tilespmem:s30+$0x60] =	vst v57  }
0xcb: {  	v60 =	vld [tilespmem:s30+$0xF0];
	v29 =	vmul.f32 v29, v58;
	[tilespmem:s30+$0x70] =	vst v27  }
0xcc: {  	v61 =	vld [tilespmem:s30+$0x100];
	v30 =	vmul.f32 v30, v58;
	[tilespmem:s30+$0x80] =	vst v28  }
0xcd: {  	v62 =	vld [tilespmem:s30+$0x110];
	v25 =	vmul.f32 v25, v58;
	[tilespmem:s30+$0x90] =	vst v29  }
0xce: {  	v59 =	vld [tilespmem:s30+$0xE0];
	v23 =	vmul.f32 v23, v58;
	[tilespmem:s30+$0xA0] =	vst v30  }
0xcf: {  	v63 =	vld [tilespmem:s30+$0x120];
	v31 =	vbroadcast v17, $0x2;
	v24 =	vmul.f32 v24, v58;
	[tilespmem:s30+$0xB0] =	vst v25  }
0xd0: {  	v33 =	vld [tilespmem:s30+$0x130];
	v26 =	vmul.f32 v60, v58;
	[tilespmem:s30+$0xC0] =	vst v23  }
0xd1: {  	v34 =	vld [tilespmem:s30+$0x140];
	v21 =	vbroadcast v17, $0xA;
	v36 =	vmul.f32 v61, v31;
	[tilespmem:s30+$0xD0] =	vst v24  }
0xd2: {  	v35 =	vld [tilespmem:s30+$0x150];
	v38 =	vmul.f32 v62, v31;
	[tilespmem:s30+$0xF0] =	vst v26  }
0xd3: {  	v37 =	vld [tilespmem:s30+$0x160];
	v19 =	vmul.f32 v22, v21;
	[tilespmem:s30+$0x100] =	vst v36  }
0xd4: {  	v39 =	vld [tilespmem:s30+$0x170];
	v27 =	vmul.f32 v59, v58;
	[tilespmem:s30+$0x110] =	vst v38  }
0xd5: {  	v40 =	vld [tilespmem:s30+$0x180];
	v25 =	vmul.f32 v63, v31;
	[tilespmem:s30+$0x570] =	vst v19  }
0xd6: {  	v41 =	vld [tilespmem:s30+$0x190];
	v23 =	vmul.f32 v33, v31;
	[tilespmem:s30+$0xE0] =	vst v27  }
0xd7: {  	v42 =	vld [tilespmem:s30+$0x1A0];
	v24 =	vmul.f32 v34, v31;
	[tilespmem:s30+$0x120] =	vst v25  }
0xd8: {  	v43 =	vld [tilespmem:s30+$0x1B0];
	v45 =	vbroadcast v17, $0x3;
	v26 =	vmul.f32 v37, v31;
	[tilespmem:s30+$0x130] =	vst v23  }
0xd9: {  	v44 =	vld [tilespmem:s30+$0x1C0];
	v28 =	vmul.f32 v39, v31;
	[tilespmem:s30+$0x140] =	vst v24  }
0xda: {  	v46 =	vld [tilespmem:s30+$0x1D0];
	v29 =	vmul.f32 v40, v45;
	[tilespmem:s30+$0x160] =	vst v26  }
0xdb: {  	v47 =	vld [tilespmem:s30+$0x1E0];
	v27 =	vmul.f32 v35, v31;
	[tilespmem:s30+$0x170] =	vst v28  }
0xdc: {  	v48 =	vld [tilespmem:s30+$0x1F0];
	v25 =	vmul.f32 v41, v45;
	[tilespmem:s30+$0x180] =	vst v29  }
0xdd: {  	v49 =	vld [tilespmem:s30+$0x200];
	v23 =	vmul.f32 v42, v45;
	[tilespmem:s30+$0x150] =	vst v27  }
0xde: {  	v50 =	vld [tilespmem:s30+$0x210];
	v24 =	vmul.f32 v43, v45;
	[tilespmem:s30+$0x190] =	vst v25  }
0xdf: {  	v51 =	vld [tilespmem:s30+$0x220];
	v26 =	vmul.f32 v46, v45;
	[tilespmem:s30+$0x1A0] =	vst v23  }
0xe0: {  	v52 =	vld [tilespmem:s30+$0x230];
	v28 =	vmul.f32 v47, v45;
	[tilespmem:s30+$0x1B0] =	vst v24  }
0xe1: {  	v53 =	vld [tilespmem:s30+$0x240];
	v54 =	vbroadcast v17, $0x4;
	v29 =	vmul.f32 v48, v45;
	[tilespmem:s30+$0x1D0] =	vst v26  }
0xe2: {  	v55 =	vld [tilespmem:s30+$0x250];
	v27 =	vmul.f32 v44, v45;
	[tilespmem:s30+$0x1E0] =	vst v28  }
0xe3: {  	v56 =	vld [tilespmem:s30+$0x260];
	v25 =	vmul.f32 v49, v54;
	[tilespmem:s30+$0x1F0] =	vst v29  }
0xe4: {  	v32 =	vld [tilespmem:s30+$0x2D0];
	v23 =	vmul.f32 v50, v54;
	[tilespmem:s30+$0x1C0] =	vst v27  }
0xe5: {  	v57 =	vld [tilespmem:s30+$0x270];
	v24 =	vmul.f32 v51, v54;
	[tilespmem:s30+$0x200] =	vst v25  }
0xe6: {  	v58 =	vld [tilespmem:s30+$0x280];
	v26 =	vmul.f32 v53, v54;
	[tilespmem:s30+$0x210] =	vst v23  }
0xe7: {  	v59 =	vld [tilespmem:s30+$0x290];
	v28 =	vmul.f32 v55, v54;
	[tilespmem:s30+$0x220] =	vst v24  }
0xe8: {  	v61 =	vld [tilespmem:s30+$0x2B0];
	v29 =	vmul.f32 v56, v54;
	[tilespmem:s30+$0x240] =	vst v26  }
0xe9: {  	v62 =	vld [tilespmem:s30+$0x2C0];
	v63 =	vbroadcast v17, $0x5;
	v27 =	vmul.f32 v52, v54;
	[tilespmem:s30+$0x250] =	vst v28  }
0xea: {  	v60 =	vld [tilespmem:s30+$0x2A0];
	v25 =	vmul.f32 v57, v54;
	[tilespmem:s30+$0x260] =	vst v29  }
0xeb: {  	v20 =	vld [tilespmem:s30+$0x580];
	v23 =	vmul.f32 v58, v63;
	[tilespmem:s30+$0x230] =	vst v27  }
0xec: {  	v33 =	vld [tilespmem:s30+$0x2E0];
	v24 =	vmul.f32 v59, v63;
	[tilespmem:s30+$0x270] =	vst v25  }
0xed: {  	v34 =	vld [tilespmem:s30+$0x2F0];
	v26 =	vmul.f32 v61, v63;
	[tilespmem:s30+$0x280] =	vst v23  }
0xee: {  	v35 =	vld [tilespmem:s30+$0x300];
	v28 =	vmul.f32 v62, v63;
	[tilespmem:s30+$0x290] =	vst v24  }
0xef: {  	v37 =	vld [tilespmem:s30+$0x320];
	v29 =	vmul.f32 v32, v63;
	[tilespmem:s30+$0x2B0] =	vst v26  }
0xf0: {  	v38 =	vld [tilespmem:s30+$0x330];
	v27 =	vmul.f32 v60, v63;
	[tilespmem:s30+$0x2C0] =	vst v28  }
0xf1: {  	v39 =	vld [tilespmem:s30+$0x340];
	v40 =	vbroadcast v17, $0x6;
	v25 =	vmul.f32 v33, v63;
	[tilespmem:s30+$0x2D0] =	vst v29  }
0xf2: {  	v36 =	vld [tilespmem:s30+$0x310];
	v23 =	vmul.f32 v34, v63;
	[tilespmem:s30+$0x2A0] =	vst v27  }
0xf3: {  	v41 =	vld [tilespmem:s30+$0x350];
	v24 =	vmul.f32 v35, v40;
	[tilespmem:s30+$0x2E0] =	vst v25  }
0xf4: {  	v42 =	vld [tilespmem:s30+$0x360];
	v26 =	vmul.f32 v37, v40;
	[tilespmem:s30+$0x2F0] =	vst v23  }
0xf5: {  	v43 =	vld [tilespmem:s30+$0x370];
	v28 =	vmul.f32 v38, v40;
	[tilespmem:s30+$0x300] =	vst v24  }
0xf6: {  	v45 =	vld [tilespmem:s30+$0x390];
	v29 =	vmul.f32 v39, v40;
	[tilespmem:s30+$0x320] =	vst v26  }
0xf7: {  	v46 =	vld [tilespmem:s30+$0x3A0];
	v27 =	vmul.f32 v36, v40;
	[tilespmem:s30+$0x330] =	vst v28  }
0xf8: {  	v47 =	vld [tilespmem:s30+$0x3B0];
	v25 =	vmul.f32 v41, v40;
	[tilespmem:s30+$0x340] =	vst v29  }
0xf9: {  	v44 =	vld [tilespmem:s30+$0x380];
	v49 =	vbroadcast v17, $0x7;
	v23 =	vmul.f32 v42, v40;
	[tilespmem:s30+$0x310] =	vst v27  }
0xfa: {  	v48 =	vld [tilespmem:s30+$0x3C0];
	v24 =	vmul.f32 v43, v40;
	[tilespmem:s30+$0x350] =	vst v25  }
0xfb: {  	v50 =	vld [tilespmem:s30+$0x3D0];
	v26 =	vmul.f32 v45, v49;
	[tilespmem:s30+$0x360] =	vst v23  }
0xfc: {  	v51 =	vld [tilespmem:s30+$0x3E0];
	v28 =	vmul.f32 v46, v49;
	[tilespmem:s30+$0x370] =	vst v24  }
0xfd: {  	v53 =	vld [tilespmem:s30+$0x400];
	v29 =	vmul.f32 v47, v49;
	[tilespmem:s30+$0x390] =	vst v26  }
0xfe: {  	v54 =	vld [tilespmem:s30+$0x410];
	v27 =	vmul.f32 v44, v49;
	[tilespmem:s30+$0x3A0] =	vst v28  }
0xff: {  	v55 =	vld [tilespmem:s30+$0x420];
	v25 =	vmul.f32 v48, v49;
	[tilespmem:s30+$0x3B0] =	vst v29  }
0x100: {  	v52 =	vld [tilespmem:s30+$0x3F0];
	v58 =	vbroadcast v17, $0x8;
	v23 =	vmul.f32 v50, v49;
	[tilespmem:s30+$0x380] =	vst v27  }
0x101: {  	v56 =	vld [tilespmem:s30+$0x430];
	v24 =	vmul.f32 v51, v49;
	[tilespmem:s30+$0x3C0] =	vst v25  }
0x102: {  	v57 =	vld [tilespmem:s30+$0x440];
	v26 =	vmul.f32 v53, v58;
	[tilespmem:s30+$0x3D0] =	vst v23  }
0x103: {  	v59 =	vld [tilespmem:s30+$0x450];
	v28 =	vmul.f32 v54, v58;
	[tilespmem:s30+$0x3E0] =	vst v24  }
0x104: {  	v61 =	vld [tilespmem:s30+$0x470];
	v29 =	vmul.f32 v55, v58;
	[tilespmem:s30+$0x400] =	vst v26  }
0x105: {  	v62 =	vld [tilespmem:s30+$0x480];
	v27 =	vmul.f32 v52, v49;
	[tilespmem:s30+$0x410] =	vst v28  }
0x106: {  	v63 =	vld [tilespmem:s30+$0x490];
	v25 =	vmul.f32 v56, v58;
	[tilespmem:s30+$0x420] =	vst v29  }
0x107: {  	v40 =	vld [tilespmem:s30+$0x500];
	v23 =	vmul.f32 v57, v58;
	[tilespmem:s30+$0x3F0] =	vst v27  }
0x108: {  	v36 =	vbroadcast v17, $0x9;
	v45 =	vld [tilespmem:s30+$0x550];
	v24 =	vmul.f32 v59, v58;
	[tilespmem:s30+$0x430] =	vst v25  }
0x109: {  	v60 =	vld [tilespmem:s30+$0x460];
	v26 =	vmul.f32 v61, v58;
	[tilespmem:s30+$0x440] =	vst v23  }
0x10a: {  	v33 =	vld [tilespmem:s30+$0x4A0];
	v28 =	vmul.f32 v62, v36;
	[tilespmem:s30+$0x450] =	vst v24  }
0x10b: {  	v34 =	vld [tilespmem:s30+$0x4B0];
	v29 =	vmul.f32 v63, v36;
	[tilespmem:s30+$0x470] =	vst v26  }
0x10c: {  	v35 =	vld [tilespmem:s30+$0x4C0];
	v46 =	vmul.f32 v40, v21;
	[tilespmem:s30+$0x480] =	vst v28  }
0x10d: {  	v38 =	vld [tilespmem:s30+$0x4E0];
	v53 =	vmul.f32 v45, v21;
	[tilespmem:s30+$0x490] =	vst v29  }
0x10e: {  	v39 =	vld [tilespmem:s30+$0x4F0];
	v27 =	vmul.f32 v60, v58;
	[tilespmem:s30+$0x500] =	vst v46  }
0x10f: {  	v22 =	vld [tilespmem:s30+$0x590];
	v25 =	vmul.f32 v33, v36;
	[tilespmem:s30+$0x550] =	vst v53  }
0x110: {  	v19 =	vld [tilespmem:s30+$0x7D0];
	v23 =	vmul.f32 v34, v36;
	[tilespmem:s30+$0x460] =	vst v27  }
0x111: {  	v44 =	vld [tilespmem:s30+$0x540];
	v24 =	vmul.f32 v35, v36;
	[tilespmem:s30+$0x4A0] =	vst v25  }
0x112: {  	v48 =	vld [tilespmem:s30+$0x0];
	v56 =	vbroadcast v17, $0xB;
	v26 =	vmul.f32 v38, v36;
	[tilespmem:s30+$0x4B0] =	vst v23  }
0x113: {  	v37 =	vld [tilespmem:s30+$0x4D0];
	v28 =	vmul.f32 v39, v36;
	[tilespmem:s30+$0x4C0] =	vst v24  }
0x114: {  	v41 =	vld [tilespmem:s30+$0x510];
	v20 =	vmul.f32 v20, v56;
	[tilespmem:s30+$0x4E0] =	vst v26  }
0x115: {  	v42 =	vld [tilespmem:s30+$0x520];
	v22 =	vmul.f32 v22, v56;
	[tilespmem:s30+$0x4F0] =	vst v28  }
0x116: {  	v43 =	vld [tilespmem:s30+$0x530];
	v51 =	vmul.f32 v44, v21;
	[tilespmem:s30+$0x580] =	vst v20  }
0x117: {  	v47 =	vld [tilespmem:s30+$0x560];
	v57 =	vmul.f32 v18, v48;
	[tilespmem:s30+$0x590] =	vst v22  }
0x118: {  	v49 =	vld [tilespmem:s30+$0x10];
	v27 =	vmul.f32 v37, v36;
	[tilespmem:s30+$0x540] =	vst v51  }
0x119: {  	v59 =	vld [tilespmem:s30+$0x5D0];
	v25 =	vmul.f32 v41, v21;
	[tilespmem:s30+$0x0] =	vst v57  }
0x11a: {  	v62 =	vld [tilespmem:s30+$0x600];
	v23 =	vmul.f32 v42, v21;
	[tilespmem:s30+$0x4D0] =	vst v27  }
0x11b: {  	v61 =	vld [tilespmem:s30+$0x5F0];
	v24 =	vmul.f32 v43, v21;
	[tilespmem:s30+$0x510] =	vst v25  }
0x11c: {  	v50 =	vld [tilespmem:s30+$0x40];
	v21 =	vmul.f32 v47, v21;
	[tilespmem:s30+$0x520] =	vst v23  }
0x11d: {  	v54 =	vld [tilespmem:s30+$0x5A0];
	v35 =	vbroadcast v17, $0xC;
	v28 =	vmul.f32 v49, v18;
	[tilespmem:s30+$0x530] =	vst v24  }
0x11e: {  	v55 =	vld [tilespmem:s30+$0x5B0];
	v32 =	vmul.f32 v59, v56;
	[tilespmem:s30+$0x560] =	vst v21  }
0x11f: {  	v63 =	vld [tilespmem:s30+$0x610];
	v20 =	vbroadcast v17, $0xF;
	v31 =	vmul.f32 v62, v35;
	[tilespmem:s30+$0x10] =	vst v28  }
0x120: {  	v58 =	vld [tilespmem:s30+$0x5C0];
	v22 =	vmul.f32 v61, v56;
	[tilespmem:s30+$0x5D0] =	vst v32  }
0x121: {  	v60 =	vld [tilespmem:s30+$0x5E0];
	v19 =	vmul.f32 v19, v20;
	[tilespmem:s30+$0x600] =	vst v31  }
0x122: {  	v34 =	vld [tilespmem:s30+$0x640];
	v23 =	vmul.f32 v54, v56;
	[tilespmem:s30+$0x5F0] =	vst v22  }
0x123: {  	v52 =	vld [tilespmem:s30+$0x50];
	v24 =	vmul.f32 v55, v56;
	[tilespmem:s30+$0x7D0] =	vst v19  }
0x124: {  	v38 =	vld [tilespmem:s30+$0x670];
	v25 =	vmul.f32 v63, v35;
	[tilespmem:s30+$0x5A0] =	vst v23  }
0x125: {  	v33 =	vld [tilespmem:s30+$0x630];
	v21 =	vmul.f32 v58, v56;
	[tilespmem:s30+$0x5B0] =	vst v24  }
0x126: {  	v40 =	vmul.f32 v60, v56;
	[tilespmem:s30+$0x610] =	vst v25  }
0x127: {  	v39 =	vld [tilespmem:s30+$0x680];
	v28 =	vmul.f32 v34, v35;
	[tilespmem:s30+$0x5C0] =	vst v21  }
0x128: {  	v46 =	vld [tilespmem:s30+$0x6E0];
	v19 =	vmul.f32 v50, v18;
	v18 =	vmul.f32 v52, v18;
	[tilespmem:s30+$0x5E0] =	vst v40  }
0x129: {  	v36 =	vld [tilespmem:s30+$0x650];
	v31 =	vmul.f32 v38, v35;
	[tilespmem:s30+$0x640] =	vst v28  }
0x12a: {  	v44 =	vbroadcast v17, $0xD;
	v62 =	vmul.f32 v33, v35;
	[tilespmem:s30+$0x50] =	vst v18;
	v18 =	vld [tilespmem:s30+$0x690]  }
0x12b: {  	v37 =	vld [tilespmem:s30+$0x660];
	[tilespmem:s30+$0x670] =	vst v31  }
0x12c: {  	v41 =	vld [tilespmem:s30+$0x6A0];
	v25 =	vmul.f32 v39, v44;
	[tilespmem:s30+$0x630] =	vst v62  }
0x12d: {  	v42 =	vld [tilespmem:s30+$0x6B0];
	v51 =	vmul.f32 v46, v44;
	[tilespmem:s30+$0x40] =	vst v19  }
0x12e: {  	v47 =	vld [tilespmem:s30+$0x6F0];
	v24 =	vmul.f32 v36, v35;
	[tilespmem:s30+$0x680] =	vst v25  }
0x12f: {  	v49 =	vld [tilespmem:s30+$0x720];
	[tilespmem:s30+$0x6E0] =	vst v51;
	v18 =	vmul.f32 v18, v44  }
0x130: {  	v61 =	vld [tilespmem:s30+$0x7F0];
	v21 =	vmul.f32 v37, v35;
	[tilespmem:s30+$0x650] =	vst v24  }
0x131: {  	v27 =	vmul.f32 v41, v44;
	[tilespmem:s30+$0x690] =	vst v18;
	v18 =	vld [tilespmem:s30+$0x700]  }
0x132: {  	v45 =	vld [tilespmem:s30+$0x6D0];
	v17 =	vbroadcast v17, $0xE;
	v28 =	vmul.f32 v42, v44;
	[tilespmem:s30+$0x660] =	vst v21  }
0x133: {  	v48 =	vld [tilespmem:s30+$0x710];
	v25 =	vmul.f32 v47, v44;
	[tilespmem:s30+$0x6A0] =	vst v27  }
0x134: {  	v43 =	vld [tilespmem:s30+$0x6C0];
	v26 =	vmul.f32 v49, v17;
	[tilespmem:s30+$0x6B0] =	vst v28  }
0x135: {  	v54 =	vld [tilespmem:s30+$0x760];
	v63 =	vmul.f32 v61, v20;
	[tilespmem:s30+$0x6F0] =	vst v25  }
0x136: {  	v50 =	vld [tilespmem:s30+$0x730];
	[tilespmem:s30+$0x720] =	vst v26;
	v18 =	vmul.f32 v18, v17  }
0x137: {  	v52 =	vld [tilespmem:s30+$0x740];
	v21 =	vmul.f32 v45, v44;
	[tilespmem:s30+$0x7F0] =	vst v63  }
0x138: {  	v27 =	vmul.f32 v48, v17;
	[tilespmem:s30+$0x700] =	vst v18;
	v18 =	vld [tilespmem:s30+$0x770]  }
0x139: {  	v55 =	vld [tilespmem:s30+$0x780];
	v24 =	vmul.f32 v43, v44;
	[tilespmem:s30+$0x6D0] =	vst v21  }
0x13a: {  	v56 =	vld [tilespmem:s30+$0x790];
	v25 =	vmul.f32 v54, v17;
	[tilespmem:s30+$0x710] =	vst v27  }
0x13b: {  	v57 =	vld [tilespmem:s30+$0x7A0];
	v22 =	vmul.f32 v50, v17;
	[tilespmem:s30+$0x6C0] =	vst v24  }
0x13c: {  	v58 =	vld [tilespmem:s30+$0x7B0];
	v21 =	vmul.f32 v52, v17;
	[tilespmem:s30+$0x760] =	vst v25  }
0x13d: {  	v53 =	vld [tilespmem:s30+$0x750];
	[tilespmem:s30+$0x730] =	vst v22;
	v18 =	vmul.f32 v18, v17  }
0x13e: {  	v59 =	vld [tilespmem:s30+$0x7C0];
	v27 =	vmul.f32 v55, v20;
	[tilespmem:s30+$0x740] =	vst v21  }
0x13f: {  	v60 =	vld [tilespmem:s30+$0x7E0];
	[tilespmem:s30+$0x770] =	vst v18;
	v18 =	vmul.f32 v56, v20  }
0x140: {  	[tilespmem:s30+$0x780] =	vst v27;
	v22 =	vmul.f32 v57, v20  }
0x141: {  	v19 =	vld [tilespmem:s30+$0x620];
	[tilespmem:s30+$0x790] =	vst v18;
	v18 =	vmul.f32 v58, v20  }
0x142: {  	[tilespmem:s30+$0x7A0] =	vst v22;
	v17 =	vmul.f32 v53, v17  }
0x143: {  	[tilespmem:s30+$0x7B0] =	vst v18;
	v18 =	vmul.f32 v59, v20  }
0x144: {  	[tilespmem:s30+$0x750] =	vst v17;
	v20 =	vmul.f32 v60, v20  }
0x145: {  	[tilespmem:s30+$0x7C0] =	vst v18  }
0x146: {  	s31 =	simm.s32 $0x1;
	v18 =	vmul.f32 v19, v35;
	[tilespmem:s30+$0x7E0] =	vst v20  }
.LBB2_7:
0x147: {  	s1 =	sshll.u32 s31, $0x4  }
0x148: {  	p2 =	sne.s32 s31, $0x7;
	[tilespmem:s30+$0x620] =	vst v18;
	s2 =	smov.u32 s31;
	s31 =	sadd.s32 $0x1, s31  }
0x149: {  	s1 =	sand.u32 $0x3FFFFFF0, s1  }
0x14a: {  	v17 =	vld [tilespmem:s1+$0x4900];
	s1 =	sshll.u32 s2, $0xB  }
0x14b: {  	s30 =	sand.u32 $0x3FFFF800, s1  }
0x14c: {  	v24 =	vld [tilespmem:s30+$0xC0]  }
0x14d: {  	v25 =	vld [tilespmem:s30+$0xD0]  }
0x14e: {  	v26 =	vld [tilespmem:s30+$0xB0]  }
0x14f: {  	v18 =	vbroadcast v17, $0x0;
	v19 =	vld [tilespmem:s30+$0x20];
	v23 =	vbroadcast v17, $0x4  }
0x150: {  	v21 =	vld [tilespmem:s30+$0x30]  }
0x151: {  	v22 =	vld [tilespmem:s30+$0x570]  }
0x152: {  	v27 =	vld [tilespmem:s30+$0x60]  }
0x153: {  	v28 =	vld [tilespmem:s30+$0x70]  }
0x154: {  	v20 =	vbroadcast v17, $0xA;
	v19 =	vmul.f32 v19, v18;
	v29 =	vld [tilespmem:s30+$0x80]  }
0x155: {  	v21 =	vmul.f32 v21, v18;
	v30 =	vld [tilespmem:s30+$0x90]  }
0x156: {  	[tilespmem:s30+$0x20] =	vst v19;
	v31 =	vld [tilespmem:s30+$0xA0];
	v19 =	vmul.f32 v22, v20  }
0x157: {  	[tilespmem:s30+$0x30] =	vst v21;
	v22 =	vmul.f32 v27, v18;
	v27 =	vbroadcast v17, $0x1;
	v21 =	vld [tilespmem:s30+$0x580]  }
0x158: {  	v28 =	vmul.f32 v28, v18;
	[tilespmem:s30+$0x570] =	vst v19;
	v19 =	vld [tilespmem:s30+$0x7D0]  }
0x159: {  	[tilespmem:s30+$0x60] =	vst v22;
	v29 =	vmul.f32 v29, v27;
	v22 =	vld [tilespmem:s30+$0x590]  }
0x15a: {  	[tilespmem:s30+$0x70] =	vst v28;
	v28 =	vmul.f32 v30, v27;
	v30 =	vld [tilespmem:s30+$0xE0]  }
0x15b: {  	[tilespmem:s30+$0x80] =	vst v29;
	v29 =	vmul.f32 v31, v27;
	v31 =	vld [tilespmem:s30+$0xF0]  }
0x15c: {  	v26 =	vmul.f32 v26, v27;
	[tilespmem:s30+$0x90] =	vst v28;
	v28 =	vld [tilespmem:s30+$0x100]  }
0x15d: {  	v24 =	vmul.f32 v24, v27;
	[tilespmem:s30+$0xA0] =	vst v29;
	v29 =	vld [tilespmem:s30+$0x110]  }
0x15e: {  	v25 =	vmul.f32 v25, v27;
	[tilespmem:s30+$0xB0] =	vst v26;
	v26 =	vld [tilespmem:s30+$0x120]  }
0x15f: {  	[tilespmem:s30+$0xC0] =	vst v24;
	v24 =	vmul.f32 v30, v27;
	v30 =	vbroadcast v17, $0x2;
	v32 =	vld [tilespmem:s30+$0x130]  }
0x160: {  	[tilespmem:s30+$0xD0] =	vst v25;
	v25 =	vmul.f32 v31, v27;
	v27 =	vld [tilespmem:s30+$0x140]  }
0x161: {  	[tilespmem:s30+$0xE0] =	vst v24;
	v24 =	vmul.f32 v28, v30;
	v28 =	vld [tilespmem:s30+$0x150]  }
0x162: {  	[tilespmem:s30+$0xF0] =	vst v25;
	v25 =	vmul.f32 v29, v30;
	v29 =	vld [tilespmem:s30+$0x160]  }
0x163: {  	[tilespmem:s30+$0x100] =	vst v24;
	v24 =	vmul.f32 v26, v30;
	v26 =	vld [tilespmem:s30+$0x170]  }
0x164: {  	[tilespmem:s30+$0x110] =	vst v25;
	v25 =	vmul.f32 v32, v30;
	v31 =	vld [tilespmem:s30+$0x180]  }
0x165: {  	[tilespmem:s30+$0x120] =	vst v24;
	v24 =	vmul.f32 v27, v30;
	v27 =	vld [tilespmem:s30+$0x190]  }
0x166: {  	[tilespmem:s30+$0x130] =	vst v25;
	v25 =	vmul.f32 v28, v30;
	v28 =	vld [tilespmem:s30+$0x1A0]  }
0x167: {  	[tilespmem:s30+$0x140] =	vst v24;
	v24 =	vmul.f32 v29, v30;
	v29 =	vbroadcast v17, $0x3;
	v32 =	vld [tilespmem:s30+$0x1B0]  }
0x168: {  	[tilespmem:s30+$0x150] =	vst v25;
	v25 =	vmul.f32 v26, v30;
	v26 =	vld [tilespmem:s30+$0x1C0]  }
0x169: {  	[tilespmem:s30+$0x160] =	vst v24;
	v24 =	vmul.f32 v31, v29;
	v30 =	vld [tilespmem:s30+$0x1D0]  }
0x16a: {  	[tilespmem:s30+$0x170] =	vst v25;
	v25 =	vmul.f32 v27, v29;
	v27 =	vld [tilespmem:s30+$0x1E0]  }
0x16b: {  	[tilespmem:s30+$0x180] =	vst v24;
	v24 =	vmul.f32 v28, v29;
	v28 =	vld [tilespmem:s30+$0x1F0]  }
0x16c: {  	[tilespmem:s30+$0x190] =	vst v25;
	v25 =	vmul.f32 v32, v29;
	v31 =	vld [tilespmem:s30+$0x200]  }
0x16d: {  	[tilespmem:s30+$0x1A0] =	vst v24;
	v24 =	vmul.f32 v26, v29;
	v26 =	vld [tilespmem:s30+$0x210]  }
0x16e: {  	[tilespmem:s30+$0x1B0] =	vst v25;
	v25 =	vmul.f32 v30, v29;
	v30 =	vld [tilespmem:s30+$0x220]  }
0x16f: {  	[tilespmem:s30+$0x1C0] =	vst v24;
	v24 =	vmul.f32 v27, v29;
	v27 =	vld [tilespmem:s30+$0x230]  }
0x170: {  	[tilespmem:s30+$0x1D0] =	vst v25;
	v25 =	vmul.f32 v28, v29;
	v28 =	vld [tilespmem:s30+$0x240]  }
0x171: {  	[tilespmem:s30+$0x1E0] =	vst v24;
	v24 =	vmul.f32 v31, v23;
	v29 =	vld [tilespmem:s30+$0x250]  }
0x172: {  	[tilespmem:s30+$0x1F0] =	vst v25;
	v25 =	vmul.f32 v26, v23;
	v26 =	vld [tilespmem:s30+$0x260]  }
0x173: {  	[tilespmem:s30+$0x200] =	vst v24;
	v24 =	vmul.f32 v30, v23;
	v30 =	vld [tilespmem:s30+$0x270]  }
0x174: {  	[tilespmem:s30+$0x210] =	vst v25;
	v25 =	vmul.f32 v27, v23;
	v27 =	vld [tilespmem:s30+$0x280]  }
0x175: {  	[tilespmem:s30+$0x220] =	vst v24;
	v24 =	vmul.f32 v28, v23;
	v28 =	vld [tilespmem:s30+$0x290]  }
0x176: {  	[tilespmem:s30+$0x230] =	vst v25;
	v25 =	vmul.f32 v29, v23;
	v29 =	vld [tilespmem:s30+$0x2A0]  }
0x177: {  	[tilespmem:s30+$0x240] =	vst v24;
	v24 =	vmul.f32 v26, v23;
	v26 =	vbroadcast v17, $0x5;
	v31 =	vld [tilespmem:s30+$0x2B0]  }
0x178: {  	[tilespmem:s30+$0x250] =	vst v25;
	v23 =	vmul.f32 v30, v23;
	v25 =	vld [tilespmem:s30+$0x2C0]  }
0x179: {  	[tilespmem:s30+$0x260] =	vst v24;
	v24 =	vmul.f32 v27, v26;
	v27 =	vld [tilespmem:s30+$0x2D0]  }
0x17a: {  	[tilespmem:s30+$0x270] =	vst v23;
	v23 =	vmul.f32 v28, v26;
	v28 =	vld [tilespmem:s30+$0x2E0]  }
0x17b: {  	[tilespmem:s30+$0x280] =	vst v24;
	v24 =	vmul.f32 v29, v26;
	v29 =	vld [tilespmem:s30+$0x2F0]  }
0x17c: {  	[tilespmem:s30+$0x290] =	vst v23;
	v23 =	vmul.f32 v31, v26;
	v30 =	vld [tilespmem:s30+$0x300]  }
0x17d: {  	[tilespmem:s30+$0x2A0] =	vst v24;
	v24 =	vmul.f32 v25, v26;
	v25 =	vld [tilespmem:s30+$0x310]  }
0x17e: {  	[tilespmem:s30+$0x2B0] =	vst v23;
	v23 =	vmul.f32 v27, v26;
	v27 =	vld [tilespmem:s30+$0x320]  }
0x17f: {  	[tilespmem:s30+$0x2C0] =	vst v24;
	v24 =	vmul.f32 v28, v26;
	v28 =	vbroadcast v17, $0x6;
	v31 =	vld [tilespmem:s30+$0x330]  }
0x180: {  	[tilespmem:s30+$0x2D0] =	vst v23;
	v23 =	vmul.f32 v29, v26;
	v26 =	vld [tilespmem:s30+$0x340]  }
0x181: {  	[tilespmem:s30+$0x2E0] =	vst v24;
	v24 =	vmul.f32 v30, v28;
	v29 =	vld [tilespmem:s30+$0x350]  }
0x182: {  	[tilespmem:s30+$0x2F0] =	vst v23;
	v23 =	vmul.f32 v25, v28;
	v25 =	vld [tilespmem:s30+$0x360]  }
0x183: {  	[tilespmem:s30+$0x300] =	vst v24;
	v24 =	vmul.f32 v27, v28;
	v27 =	vld [tilespmem:s30+$0x370]  }
0x184: {  	[tilespmem:s30+$0x310] =	vst v23;
	v23 =	vmul.f32 v31, v28;
	v30 =	vld [tilespmem:s30+$0x380]  }
0x185: {  	[tilespmem:s30+$0x320] =	vst v24;
	v24 =	vmul.f32 v26, v28;
	v26 =	vld [tilespmem:s30+$0x390]  }
0x186: {  	[tilespmem:s30+$0x330] =	vst v23;
	v23 =	vmul.f32 v29, v28;
	v29 =	vld [tilespmem:s30+$0x3A0]  }
0x187: {  	[tilespmem:s30+$0x340] =	vst v24;
	v24 =	vmul.f32 v25, v28;
	v25 =	vbroadcast v17, $0x7;
	v31 =	vld [tilespmem:s30+$0x3B0]  }
0x188: {  	[tilespmem:s30+$0x350] =	vst v23;
	v23 =	vmul.f32 v27, v28;
	v27 =	vld [tilespmem:s30+$0x3C0]  }
0x189: {  	[tilespmem:s30+$0x360] =	vst v24;
	v24 =	vmul.f32 v30, v25;
	v28 =	vld [tilespmem:s30+$0x3D0]  }
0x18a: {  	[tilespmem:s30+$0x370] =	vst v23;
	v23 =	vmul.f32 v26, v25;
	v26 =	vld [tilespmem:s30+$0x3E0]  }
0x18b: {  	[tilespmem:s30+$0x380] =	vst v24;
	v24 =	vmul.f32 v29, v25;
	v29 =	vld [tilespmem:s30+$0x3F0]  }
0x18c: {  	[tilespmem:s30+$0x390] =	vst v23;
	v23 =	vmul.f32 v31, v25;
	v30 =	vld [tilespmem:s30+$0x400]  }
0x18d: {  	[tilespmem:s30+$0x3A0] =	vst v24;
	v24 =	vmul.f32 v27, v25;
	v27 =	vld [tilespmem:s30+$0x410]  }
0x18e: {  	[tilespmem:s30+$0x3B0] =	vst v23;
	v23 =	vmul.f32 v28, v25;
	v28 =	vld [tilespmem:s30+$0x420]  }
0x18f: {  	[tilespmem:s30+$0x3C0] =	vst v24;
	v24 =	vmul.f32 v26, v25;
	v26 =	vbroadcast v17, $0x8;
	v31 =	vld [tilespmem:s30+$0x430]  }
0x190: {  	[tilespmem:s30+$0x3D0] =	vst v23;
	v23 =	vmul.f32 v29, v25;
	v25 =	vld [tilespmem:s30+$0x440]  }
0x191: {  	[tilespmem:s30+$0x3E0] =	vst v24;
	v24 =	vmul.f32 v30, v26;
	v29 =	vld [tilespmem:s30+$0x450]  }
0x192: {  	[tilespmem:s30+$0x3F0] =	vst v23;
	v23 =	vmul.f32 v27, v26;
	v27 =	vld [tilespmem:s30+$0x460]  }
0x193: {  	[tilespmem:s30+$0x400] =	vst v24;
	v24 =	vmul.f32 v28, v26;
	v28 =	vld [tilespmem:s30+$0x470]  }
0x194: {  	[tilespmem:s30+$0x410] =	vst v23;
	v23 =	vmul.f32 v31, v26;
	v30 =	vld [tilespmem:s30+$0x480]  }
0x195: {  	[tilespmem:s30+$0x420] =	vst v24;
	v24 =	vmul.f32 v25, v26;
	v25 =	vld [tilespmem:s30+$0x490]  }
0x196: {  	[tilespmem:s30+$0x430] =	vst v23;
	v23 =	vmul.f32 v29, v26;
	v29 =	vld [tilespmem:s30+$0x4A0]  }
0x197: {  	[tilespmem:s30+$0x440] =	vst v24;
	v24 =	vmul.f32 v27, v26;
	v27 =	vbroadcast v17, $0x9;
	v31 =	vld [tilespmem:s30+$0x4B0]  }
0x198: {  	[tilespmem:s30+$0x450] =	vst v23;
	v23 =	vmul.f32 v28, v26;
	v26 =	vld [tilespmem:s30+$0x4C0]  }
0x199: {  	[tilespmem:s30+$0x460] =	vst v24;
	v24 =	vmul.f32 v30, v27;
	v28 =	vld [tilespmem:s30+$0x4D0]  }
0x19a: {  	[tilespmem:s30+$0x470] =	vst v23;
	v23 =	vmul.f32 v25, v27;
	v25 =	vld [tilespmem:s30+$0x4E0]  }
0x19b: {  	[tilespmem:s30+$0x480] =	vst v24;
	v24 =	vmul.f32 v29, v27;
	v29 =	vld [tilespmem:s30+$0x4F0]  }
0x19c: {  	[tilespmem:s30+$0x490] =	vst v23;
	v23 =	vmul.f32 v31, v27;
	v30 =	vld [tilespmem:s30+$0x500]  }
0x19d: {  	[tilespmem:s30+$0x4A0] =	vst v24;
	v24 =	vmul.f32 v26, v27;
	v26 =	vld [tilespmem:s30+$0x510]  }
0x19e: {  	[tilespmem:s30+$0x4B0] =	vst v23;
	v23 =	vmul.f32 v28, v27;
	v28 =	vld [tilespmem:s30+$0x520]  }
0x19f: {  	[tilespmem:s30+$0x4C0] =	vst v24;
	v24 =	vmul.f32 v25, v27;
	v25 =	vld [tilespmem:s30+$0x530]  }
0x1a0: {  	[tilespmem:s30+$0x4D0] =	vst v23;
	v23 =	vmul.f32 v29, v27;
	v27 =	vld [tilespmem:s30+$0x540]  }
0x1a1: {  	[tilespmem:s30+$0x4E0] =	vst v24;
	v24 =	vmul.f32 v30, v20;
	v29 =	vld [tilespmem:s30+$0x550]  }
0x1a2: {  	[tilespmem:s30+$0x4F0] =	vst v23;
	v23 =	vmul.f32 v26, v20;
	v26 =	vld [tilespmem:s30+$0x560]  }
0x1a3: {  	v30 =	vld [tilespmem:s30+$0x0];
	[tilespmem:s30+$0x500] =	vst v24;
	v24 =	vmul.f32 v28, v20  }
0x1a4: {  	v28 =	vld [tilespmem:s30+$0x10];
	[tilespmem:s30+$0x510] =	vst v23;
	v23 =	vmul.f32 v25, v20  }
0x1a5: {  	v25 =	vld [tilespmem:s30+$0x40];
	[tilespmem:s30+$0x520] =	vst v24;
	v24 =	vmul.f32 v27, v20  }
0x1a6: {  	v27 =	vld [tilespmem:s30+$0x50];
	[tilespmem:s30+$0x530] =	vst v23;
	v23 =	vmul.f32 v29, v20  }
0x1a7: {  	[tilespmem:s30+$0x540] =	vst v24;
	v24 =	vmul.f32 v26, v20;
	v26 =	vbroadcast v17, $0xB;
	v29 =	vld [tilespmem:s30+$0x5A0]  }
0x1a8: {  	v20 =	vbroadcast v17, $0xF;
	v30 =	vmul.f32 v18, v30;
	[tilespmem:s30+$0x550] =	vst v23;
	v23 =	vld [tilespmem:s30+$0x5B0]  }
0x1a9: {  	v28 =	vmul.f32 v28, v18;
	[tilespmem:s30+$0x560] =	vst v24;
	v21 =	vmul.f32 v21, v26;
	v24 =	vld [tilespmem:s30+$0x5C0]  }
0x1aa: {  	v22 =	vmul.f32 v22, v26;
	[tilespmem:s30+$0x0] =	vst v30;
	v25 =	vmul.f32 v25, v18;
	v30 =	vld [tilespmem:s30+$0x5D0]  }
0x1ab: {  	v19 =	vmul.f32 v19, v20;
	v27 =	vmul.f32 v27, v18;
	[tilespmem:s30+$0x580] =	vst v21;
	v18 =	vld [tilespmem:s30+$0x5E0]  }
0x1ac: {  	[tilespmem:s30+$0x590] =	vst v22;
	v21 =	vmul.f32 v29, v26;
	v22 =	vld [tilespmem:s30+$0x5F0]  }
0x1ad: {  	v23 =	vmul.f32 v23, v26;
	v29 =	vld [tilespmem:s30+$0x600];
	[tilespmem:s30+$0x7D0] =	vst v19  }
0x1ae: {  	[tilespmem:s30+$0x10] =	vst v28;
	v19 =	vmul.f32 v24, v26;
	v24 =	vld [tilespmem:s30+$0x610]  }
0x1af: {  	[tilespmem:s30+$0x40] =	vst v25;
	v25 =	vmul.f32 v30, v26;
	v28 =	vld [tilespmem:s30+$0x620]  }
0x1b0: {  	v30 =	vbroadcast v17, $0xC;
	[tilespmem:s30+$0x5A0] =	vst v21;
	v21 =	vmul.f32 v18, v26;
	v31 =	vld [tilespmem:s30+$0x630]  }
0x1b1: {  	[tilespmem:s30+$0x5D0] =	vst v25;
	v22 =	vmul.f32 v22, v26;
	v25 =	vld [tilespmem:s30+$0x640]  }
0x1b2: {  	[tilespmem:s30+$0x5B0] =	vst v23;
	v18 =	vmul.f32 v29, v30;
	v23 =	vld [tilespmem:s30+$0x650]  }
0x1b3: {  	[tilespmem:s30+$0x5C0] =	vst v19;
	v19 =	vmul.f32 v24, v30;
	v24 =	vld [tilespmem:s30+$0x660]  }
0x1b4: {  	[tilespmem:s30+$0x600] =	vst v18;
	v18 =	vmul.f32 v28, v30;
	v26 =	vld [tilespmem:s30+$0x670]  }
0x1b5: {  	[tilespmem:s30+$0x610] =	vst v19;
	v19 =	vld [tilespmem:s30+$0x680]  }
0x1b6: {  	[tilespmem:s30+$0x50] =	vst v27;
	v25 =	vmul.f32 v25, v30;
	v27 =	vld [tilespmem:s30+$0x690]  }
0x1b7: {  	[tilespmem:s30+$0x5E0] =	vst v21;
	v21 =	vmul.f32 v23, v30;
	v23 =	vld [tilespmem:s30+$0x6A0]  }
0x1b8: {  	[tilespmem:s30+$0x640] =	vst v25;
	v24 =	vmul.f32 v24, v30;
	v25 =	vbroadcast v17, $0xD;
	v28 =	vld [tilespmem:s30+$0x6B0]  }
0x1b9: {  	[tilespmem:s30+$0x650] =	vst v21;
	v21 =	vmul.f32 v26, v30;
	v26 =	vld [tilespmem:s30+$0x6C0]  }
0x1ba: {  	[tilespmem:s30+$0x660] =	vst v24;
	v19 =	vmul.f32 v19, v25;
	v24 =	vld [tilespmem:s30+$0x6D0]  }
0x1bb: {  	[tilespmem:s30+$0x670] =	vst v21;
	v21 =	vmul.f32 v27, v25;
	v27 =	vld [tilespmem:s30+$0x6E0]  }
0x1bc: {  	[tilespmem:s30+$0x680] =	vst v19;
	v19 =	vmul.f32 v23, v25;
	v23 =	vld [tilespmem:s30+$0x6F0]  }
0x1bd: {  	[tilespmem:s30+$0x690] =	vst v21;
	v21 =	vmul.f32 v28, v25;
	v28 =	vld [tilespmem:s30+$0x700]  }
0x1be: {  	[tilespmem:s30+$0x6A0] =	vst v19;
	v19 =	vmul.f32 v26, v25;
	v26 =	vld [tilespmem:s30+$0x710]  }
0x1bf: {  	[tilespmem:s30+$0x6B0] =	vst v21;
	v21 =	vmul.f32 v24, v25;
	v24 =	vld [tilespmem:s30+$0x720]  }
0x1c0: {  	v17 =	vbroadcast v17, $0xE;
	[tilespmem:s30+$0x5F0] =	vst v22;
	v22 =	vmul.f32 v27, v25;
	v27 =	vld [tilespmem:s30+$0x730]  }
0x1c1: {  	[tilespmem:s30+$0x6D0] =	vst v21;
	v21 =	vmul.f32 v23, v25;
	v23 =	vld [tilespmem:s30+$0x740]  }
0x1c2: {  	[tilespmem:s30+$0x6E0] =	vst v22;
	v22 =	vmul.f32 v28, v17;
	v25 =	vld [tilespmem:s30+$0x750]  }
0x1c3: {  	[tilespmem:s30+$0x6F0] =	vst v21;
	v21 =	vmul.f32 v26, v17;
	v26 =	vld [tilespmem:s30+$0x760]  }
0x1c4: {  	[tilespmem:s30+$0x700] =	vst v22;
	v22 =	vmul.f32 v24, v17;
	v24 =	vld [tilespmem:s30+$0x770]  }
0x1c5: {  	[tilespmem:s30+$0x710] =	vst v21;
	v21 =	vmul.f32 v27, v17;
	v27 =	vld [tilespmem:s30+$0x780]  }
0x1c6: {  	[tilespmem:s30+$0x720] =	vst v22;
	v22 =	vmul.f32 v23, v17;
	v23 =	vld [tilespmem:s30+$0x790]  }
0x1c7: {  	[tilespmem:s30+$0x730] =	vst v21;
	v21 =	vmul.f32 v25, v17;
	v25 =	vld [tilespmem:s30+$0x7A0]  }
0x1c8: {  	[tilespmem:s30+$0x740] =	vst v22;
	v22 =	vmul.f32 v26, v17;
	v26 =	vld [tilespmem:s30+$0x7B0]  }
0x1c9: {  	[tilespmem:s30+$0x6C0] =	vst v19;
	v17 =	vmul.f32 v24, v17;
	v19 =	vld [tilespmem:s30+$0x7C0]  }
0x1ca: {  	[tilespmem:s30+$0x760] =	vst v22;
	v22 =	vmul.f32 v27, v20;
	v24 =	vld [tilespmem:s30+$0x7E0]  }
0x1cb: {  	[tilespmem:s30+$0x770] =	vst v17;
	v17 =	vmul.f32 v23, v20;
	v23 =	vld [tilespmem:s30+$0x7F0]  }
0x1cc: {  	[tilespmem:s30+$0x780] =	vst v22;
	v22 =	vmul.f32 v25, v20  }
0x1cd: {  	[tilespmem:s30+$0x790] =	vst v17;
	v17 =	vmul.f32 v26, v20  }
0x1ce: {  	v25 =	vmul.f32 v31, v30;
	[tilespmem:s30+$0x7A0] =	vst v22  }
0x1cf: {  	[tilespmem:s30+$0x7B0] =	vst v17;
	v17 =	vmul.f32 v19, v20  }
.Ltmp4:
0x1d0: {  	[tilespmem:s30+$0x630] =	vst v25;
	v19 =	vmul.f32 v23, v20;
	(pc) =	sbr.rel @p2 .LBB2_7-.Ltmp4, $4  }
0x1d1: {  	[tilespmem:s30+$0x7C0] =	vst v17  }
0x1d2: {  	v17 =	vmul.f32 v24, v20;
	[tilespmem:s30+$0x7F0] =	vst v19  }
0x1d3: {  	[tilespmem:s30+$0x750] =	vst v21  }
0x1d4: {  	[tilespmem:s30+$0x7E0] =	vst v17  }
0x1d5: {  	s29 =	sadd.s32 $0x1, s29  }
0x1d6: {  	p2 =	sne.s32 s29, s9  }
.Ltmp5:
0x1d7: {  	[tilespmem:s30+$0x620] =	vst v18;
	(pc) =	sbr.rel @p2 .LBB2_4-.Ltmp5, $4  }
0x1d8: {  	[spmem:s5] =	stream.indirect.scatter.add.f32 [tilespmem:s6], [sflag:$0x1], $0x80, s23, s22, $0xb8;
	[tilespmem:$0x7980] =	vst v63  }
0x1d9: {  	_ =	swait.ge [sflag:s18], $0x4000  }
0x1da: {  	[sflag:s18] =	ssyncset.done $0x0  }
0x1db: {  	[sflag:s18] =	ssyncadd.s32 $0xFFFFC000  }
.Ltmp6:
0x1dc: {  	(pc) =	sbr.rel @p1 .LBB2_15-.Ltmp6, $1  }
0x1dd: {  	_ =	sdelay $0x3  }
0x1de: {  	s2 =	simm.s32 $0x0  }
0x1df: {  	[tilespmem:s2], [sflag:$0x1] =	stream.linear.gather [hbm4b:s11+s2], $0x1000, $0x38;
	[tilespmem:$0x7980] =	vst v63  }
0x1e0: {  	_ =	swait.ge [sflag:s18], $0x1000  }
0x1e1: {  	[sflag:s18] =	ssyncset.done $0x0  }
0x1e2: {  	s1 =	simm.s32 $0x4080;
	[sflag:s18] =	ssyncadd.s32 $0xFFFFF000  }
0x1e3: {  	[tilespmem:s1], [sflag:$0x1] =	stream.linear.gather [hbm4b:s12+s2], $0x20, $0x38;
	[tilespmem:$0x7980] =	vst v63  }
0x1e4: {  	_ =	swait.ge [sflag:s18], $0x20  }
0x1e5: {  	[sflag:s18] =	ssyncset.done $0x0  }
0x1e6: {  	[sflag:s18] =	ssyncadd.s32 $0xFFFFFFE0  }
0x1e7: {  	[tilespmem:s20], [sflag:$0x1] =	stream.linear.gather [hbm4b:s13+s2], $0x20, $0x38;
	[tilespmem:$0x7980] =	vst v63  }
0x1e8: {  	s31 =	sadd.s32 $0x10, s13;
	s17 =	simm.s32 $0x4180  }
0x1e9: {  	[tilespmem:s17], [sflag:$0x1] =	stream.linear.gather [hbm4b:s31+s2], $0x20, $0x38;
	[tilespmem:$0x7980] =	vst v63  }
0x1ea: {  	s24 =	sadd.s32 $0x20, s13;
	s25 =	simm.s32 $0x4200  }
0x1eb: {  	[tilespmem:s25], [sflag:$0x1] =	stream.linear.gather [hbm4b:s24+s2], $0x20, $0x38;
	[tilespmem:$0x7980] =	vst v63  }
0x1ec: {  	s28 =	sadd.s32 $0x30, s13;
	s29 =	simm.s32 $0x4280  }
0x1ed: {  	[tilespmem:s29], [sflag:$0x1] =	stream.linear.gather [hbm4b:s28+s2], $0x20, $0x38;
	[tilespmem:$0x7980] =	vst v63  }
0x1ee: {  	s30 =	sadd.s32 $0x40, s13;
	s31 =	simm.s32 $0x4300  }
0x1ef: {  	[tilespmem:s31], [sflag:$0x1] =	stream.linear.gather [hbm4b:s30+s2], $0x20, $0x38;
	[tilespmem:$0x7980] =	vst v63  }
0x1f0: {  	s24 =	sadd.s32 $0x50, s13;
	s25 =	simm.s32 $0x4380  }
0x1f1: {  	[tilespmem:s25], [sflag:$0x1] =	stream.linear.gather [hbm4b:s24+s2], $0x20, $0x38;
	[tilespmem:$0x7980] =	vst v63  }
0x1f2: {  	s28 =	sadd.s32 $0x60, s13;
	s29 =	simm.s32 $0x4400  }
0x1f3: {  	[tilespmem:s29], [sflag:$0x1] =	stream.linear.gather [hbm4b:s28+s2], $0x20, $0x38;
	[tilespmem:$0x7980] =	vst v63  }
0x1f4: {  	s30 =	sadd.s32 $0x70, s13;
	s31 =	simm.s32 $0x4480  }
0x1f5: {  	[tilespmem:s31], [sflag:$0x1] =	stream.linear.gather [hbm4b:s30+s2], $0x20, $0x38;
	[tilespmem:$0x7980] =	vst v63  }
0x1f6: {  	_ =	swait.ge [sflag:s18], $0x100  }
0x1f7: {  	[sflag:s18] =	ssyncset.done $0x0  }
0x1f8: {  	p2 =	por $0x1, $0x1;
	[sflag:s18] =	ssyncadd.s32 $0xFFFFFF00  }
.LBB2_11:
0x1f9: {  	s1 =	sshll.u32 s2, $0x4  }
0x1fa: {  	v17 =	vld [tilespmem:s1+$0x4080];
	_ =	sdelay $0x4  }
0x1fb: {  	v18 =	vshll.u32 v17, $0x3  }
0x1fc: {  	v19 =	vor.u32 s1, v0;
	v17 =	vand.u32 $0x7F, v17;
	v18 =	vand.u32 $0xFFFFFC00, v18  }
0x1fd: {  	v17 =	vor.u32 v17, v18;
	_ =	sdelay $0x3  }
0x1fe: {  	v18 =	vld.idx.msk [tilespmem:v19+s20+$0x0], $0xffff  }
0x1ff: {  	v19 =	vld.idx.msk [tilespmem:v17+s19+$0x0], $0xffff  }
0x200: {  	s31 =	sshll.u32 s2, $0x7  }
0x201: {  	v20 =	vor.u32 s31, v1  }
0x202: {  	v21 =	vor.u32 s1, v3  }
0x203: {  	v22 =	vor.u32 $0x80, v17  }
0x204: {  	v18 =	vmul.f32 v19, v18;
	_ =	sdelay $0x1  }
0x205: {  	[tilespmem:v20+s21+$0x0] =	vst.idx.msk $0xffff, v18  }
0x206: {  	v19 =	vld.idx.msk [tilespmem:v21+s20+$0x0], $0xffff  }
0x207: {  	v20 =	vld.idx.msk [tilespmem:v22+s19+$0x0], $0xffff;
	_ =	sdelay $0x1  }
0x208: {  	v45 =	vor.u32 s31, v4  }
0x209: {  	v46 =	vor.u32 s1, v5  }
0x20a: {  	v23 =	vor.u32 $0x100, v17  }
0x20b: {  	v19 =	vmul.f32 v20, v19;
	_ =	sdelay $0x1  }
0x20c: {  	[tilespmem:v45+s21+$0x0] =	vst.idx.msk $0xffff, v19  }
0x20d: {  	v47 =	vld.idx.msk [tilespmem:v46+s20+$0x0], $0xffff  }
0x20e: {  	v21 =	vld.idx.msk [tilespmem:v23+s19+$0x0], $0xffff;
	_ =	sdelay $0x1  }
0x20f: {  	v48 =	vor.u32 s31, v6  }
0x210: {  	v49 =	vor.u32 s1, v7  }
0x211: {  	v24 =	vor.u32 $0x180, v17  }
0x212: {  	v20 =	vmul.f32 v21, v47;
	_ =	sdelay $0x1  }
0x213: {  	[tilespmem:v48+s21+$0x0] =	vst.idx.msk $0xffff, v20  }
0x214: {  	v50 =	vld.idx.msk [tilespmem:v49+s20+$0x0], $0xffff  }
0x215: {  	v22 =	vld.idx.msk [tilespmem:v24+s19+$0x0], $0xffff;
	_ =	sdelay $0x1  }
0x216: {  	v51 =	vor.u32 s31, v8  }
0x217: {  	v52 =	vor.u32 s1, v9  }
0x218: {  	v25 =	vor.u32 $0x200, v17  }
0x219: {  	v21 =	vmul.f32 v22, v50;
	_ =	sdelay $0x1  }
0x21a: {  	[tilespmem:v51+s21+$0x0] =	vst.idx.msk $0xffff, v21  }
0x21b: {  	v53 =	vld.idx.msk [tilespmem:v52+s20+$0x0], $0xffff  }
0x21c: {  	v23 =	vld.idx.msk [tilespmem:v25+s19+$0x0], $0xffff;
	_ =	sdelay $0x1  }
0x21d: {  	v54 =	vor.u32 s31, v10  }
0x21e: {  	v55 =	vor.u32 s1, v11  }
0x21f: {  	v26 =	vor.u32 $0x280, v17  }
0x220: {  	v22 =	vmul.f32 v23, v53;
	_ =	sdelay $0x1  }
0x221: {  	[tilespmem:v54+s21+$0x0] =	vst.idx.msk $0xffff, v22  }
0x222: {  	v56 =	vld.idx.msk [tilespmem:v55+s20+$0x0], $0xffff  }
0x223: {  	v24 =	vld.idx.msk [tilespmem:v26+s19+$0x0], $0xffff;
	_ =	sdelay $0x1  }
0x224: {  	v57 =	vor.u32 s31, v12  }
0x225: {  	v58 =	vor.u32 s1, v13  }
0x226: {  	v27 =	vor.u32 $0x300, v17  }
0x227: {  	v23 =	vmul.f32 v24, v56;
	_ =	sdelay $0x1  }
0x228: {  	[tilespmem:v57+s21+$0x0] =	vst.idx.msk $0xffff, v23  }
0x229: {  	v59 =	vld.idx.msk [tilespmem:v58+s20+$0x0], $0xffff  }
0x22a: {  	v25 =	vld.idx.msk [tilespmem:v27+s19+$0x0], $0xffff;
	_ =	sdelay $0x1  }
0x22b: {  	v60 =	vor.u32 s31, v14;
	v18 =	vadd.f32 $0.0e+00, v18  }
0x22c: {  	v61 =	vor.u32 s1, v15  }
0x22d: {  	v17 =	vor.u32 $0x380, v17;
	v18 =	vadd.f32 v19, v18  }
0x22e: {  	v19 =	vmul.f32 v25, v59  }
0x22f: {  	v18 =	vadd.f32 v20, v18  }
0x230: {  	[tilespmem:v60+s21+$0x0] =	vst.idx.msk $0xffff, v19  }
0x231: {  	v18 =	vadd.f32 v21, v18;
	v62 =	vld.idx.msk [tilespmem:v61+s20+$0x0], $0xffff  }
0x232: {  	v17 =	vld.idx.msk [tilespmem:v17+s19+$0x0], $0xffff  }
0x233: {  	v18 =	vadd.f32 v22, v18;
	_ =	sdelay $0x1  }
0x234: {  	v63 =	vor.u32 s31, v16;
	v18 =	vadd.f32 v23, v18  }
0x235: {  	p3 =	por p2, p2  }
.Ltmp7:
0x236: {  	v18 =	vadd.f32 v19, v18;
	v17 =	vmul.f32 v17, v62;
	(pc) =	sbr.rel @p3 .LBB2_11-.Ltmp7, $4  }
0x237: {  	_ = 	snop  }
0x238: {  	v18 =	vadd.f32 v17, v18  }
0x239: {  	[tilespmem:v63+s21+$0x0] =	vst.idx.msk $0xffff, v17  }
0x23a: {  	s2 =	simm.s32 $0x1;
	p2 =	por $0x0, $0x0;
	[tilespmem:s1+$0x4900] =	vst v18  }
0x23b: {  	s1 =	simm.s32 $0x0  }
0x23c: {  	[hbm4b:s14+s1] =	stream.linear.scatter [tilespmem:s21], [sflag:$0x1], $0x100, $0x38;
	[tilespmem:$0x7980] =	vst v63  }
0x23d: {  	_ =	swait.ge [sflag:s18], $0x100  }
0x23e: {  	[sflag:s18] =	ssyncset.done $0x0  }
0x23f: {  	p2 =	por $0x1, $0x1;
	[sflag:s18] =	ssyncadd.s32 $0xFFFFFF00  }
.LBB2_13:
0x240: {  	s2 =	sshll.u32 s1, $0x4  }
0x241: {  	s2 =	sand.u32 $0x3FFFFFF0, s2  }
0x242: {  	s31 =	sshll.u32 s1, $0xB;
	v17 =	vld [tilespmem:s2+$0x4900]  }
0x243: {  	s28 =	sand.u32 $0x3FFFF800, s31  }
0x244: {  	v18 =	vld [tilespmem:s28+$0x0]  }
0x245: {  	v19 =	vld [tilespmem:s28+$0x10]  }
0x246: {  	v20 =	vld [tilespmem:s28+$0x20]  }
0x247: {  	v22 =	vld [tilespmem:s28+$0x30];
	v21 =	vbroadcast v17, $0x0  }
0x248: {  	v23 =	vld [tilespmem:s28+$0x40]  }
0x249: {  	v24 =	vld [tilespmem:s28+$0x50];
	v18 =	vmul.f32 v21, v18  }
0x24a: {  	v25 =	vld [tilespmem:s28+$0x60];
	v19 =	vmul.f32 v19, v21  }
0x24b: {  	v38 =	vld [tilespmem:s28+$0x70];
	[tilespmem:s28+$0x0] =	vst v18;
	v18 =	vmul.f32 v20, v21  }
0x24c: {  	v39 =	vld [tilespmem:s28+$0x80];
	[tilespmem:s28+$0x10] =	vst v19;
	v19 =	vmul.f32 v22, v21  }
0x24d: {  	v40 =	vld [tilespmem:s28+$0x90];
	[tilespmem:s28+$0x20] =	vst v18;
	v18 =	vmul.f32 v23, v21  }
0x24e: {  	v41 =	vld [tilespmem:s28+$0xA0];
	[tilespmem:s28+$0x30] =	vst v19;
	v19 =	vmul.f32 v24, v21  }
0x24f: {  	v26 =	vld [tilespmem:s28+$0xB0];
	v42 =	vbroadcast v17, $0x1;
	[tilespmem:s28+$0x40] =	vst v18;
	v18 =	vmul.f32 v25, v21  }
0x250: {  	v43 =	vld [tilespmem:s28+$0xC0];
	[tilespmem:s28+$0x50] =	vst v19;
	v19 =	vmul.f32 v38, v21  }
0x251: {  	v44 =	vld [tilespmem:s28+$0xD0];
	[tilespmem:s28+$0x60] =	vst v18;
	v18 =	vmul.f32 v39, v42  }
0x252: {  	v45 =	vld [tilespmem:s28+$0xE0];
	[tilespmem:s28+$0x70] =	vst v19;
	v19 =	vmul.f32 v40, v42  }
0x253: {  	v46 =	vld [tilespmem:s28+$0xF0];
	[tilespmem:s28+$0x80] =	vst v18;
	v18 =	vmul.f32 v41, v42  }
0x254: {  	v47 =	vld [tilespmem:s28+$0x100];
	[tilespmem:s28+$0x90] =	vst v19;
	v19 =	vmul.f32 v26, v42  }
0x255: {  	v48 =	vld [tilespmem:s28+$0x110];
	[tilespmem:s28+$0xA0] =	vst v18;
	v18 =	vmul.f32 v43, v42  }
0x256: {  	v49 =	vld [tilespmem:s28+$0x120];
	[tilespmem:s28+$0xB0] =	vst v19;
	v19 =	vmul.f32 v44, v42  }
0x257: {  	v51 =	vld [tilespmem:s28+$0x130];
	v50 =	vbroadcast v17, $0x2;
	[tilespmem:s28+$0xC0] =	vst v18;
	v18 =	vmul.f32 v45, v42  }
0x258: {  	v52 =	vld [tilespmem:s28+$0x140];
	[tilespmem:s28+$0xD0] =	vst v19;
	v19 =	vmul.f32 v46, v42  }
0x259: {  	v53 =	vld [tilespmem:s28+$0x150];
	[tilespmem:s28+$0xE0] =	vst v18;
	v18 =	vmul.f32 v47, v50  }
0x25a: {  	v54 =	vld [tilespmem:s28+$0x160];
	[tilespmem:s28+$0xF0] =	vst v19;
	v19 =	vmul.f32 v48, v50  }
0x25b: {  	v55 =	vld [tilespmem:s28+$0x170];
	[tilespmem:s28+$0x100] =	vst v18;
	v18 =	vmul.f32 v49, v50  }
0x25c: {  	v56 =	vld [tilespmem:s28+$0x180];
	[tilespmem:s28+$0x110] =	vst v19;
	v19 =	vmul.f32 v51, v50  }
0x25d: {  	v57 =	vld [tilespmem:s28+$0x190];
	[tilespmem:s28+$0x120] =	vst v18;
	v18 =	vmul.f32 v52, v50  }
0x25e: {  	v58 =	vld [tilespmem:s28+$0x1A0];
	[tilespmem:s28+$0x130] =	vst v19;
	v19 =	vmul.f32 v53, v50  }
0x25f: {  	v60 =	vld [tilespmem:s28+$0x1B0];
	v59 =	vbroadcast v17, $0x3;
	[tilespmem:s28+$0x140] =	vst v18;
	v18 =	vmul.f32 v54, v50  }
0x260: {  	v61 =	vld [tilespmem:s28+$0x1C0];
	[tilespmem:s28+$0x150] =	vst v19;
	v19 =	vmul.f32 v55, v50  }
0x261: {  	v62 =	vld [tilespmem:s28+$0x1D0];
	[tilespmem:s28+$0x160] =	vst v18;
	v18 =	vmul.f32 v56, v59  }
0x262: {  	v63 =	vld [tilespmem:s28+$0x1E0];
	[tilespmem:s28+$0x170] =	vst v19;
	v19 =	vmul.f32 v57, v59  }
0x263: {  	v28 =	vld [tilespmem:s28+$0x1F0];
	[tilespmem:s28+$0x180] =	vst v18;
	v18 =	vmul.f32 v58, v59  }
0x264: {  	v29 =	vld [tilespmem:s28+$0x200];
	[tilespmem:s28+$0x190] =	vst v19;
	v19 =	vmul.f32 v60, v59  }
0x265: {  	v30 =	vld [tilespmem:s28+$0x210];
	[tilespmem:s28+$0x1A0] =	vst v18;
	v18 =	vmul.f32 v61, v59  }
0x266: {  	v31 =	vld [tilespmem:s28+$0x220];
	[tilespmem:s28+$0x1B0] =	vst v19;
	v19 =	vmul.f32 v62, v59  }
0x267: {  	v33 =	vld [tilespmem:s28+$0x230];
	v32 =	vbroadcast v17, $0x4;
	[tilespmem:s28+$0x1C0] =	vst v18;
	v18 =	vmul.f32 v63, v59  }
0x268: {  	v34 =	vld [tilespmem:s28+$0x240];
	[tilespmem:s28+$0x1D0] =	vst v19;
	v19 =	vmul.f32 v28, v59  }
0x269: {  	v35 =	vld [tilespmem:s28+$0x250];
	[tilespmem:s28+$0x1E0] =	vst v18;
	v18 =	vmul.f32 v29, v32  }
0x26a: {  	v36 =	vld [tilespmem:s28+$0x260];
	[tilespmem:s28+$0x1F0] =	vst v19;
	v19 =	vmul.f32 v30, v32  }
0x26b: {  	v37 =	vld [tilespmem:s28+$0x270];
	[tilespmem:s28+$0x200] =	vst v18;
	v18 =	vmul.f32 v31, v32  }
0x26c: {  	v38 =	vld [tilespmem:s28+$0x280];
	[tilespmem:s28+$0x210] =	vst v19;
	v19 =	vmul.f32 v33, v32  }
0x26d: {  	v39 =	vld [tilespmem:s28+$0x290];
	[tilespmem:s28+$0x220] =	vst v18;
	v18 =	vmul.f32 v34, v32  }
0x26e: {  	v40 =	vld [tilespmem:s28+$0x2A0];
	[tilespmem:s28+$0x230] =	vst v19;
	v19 =	vmul.f32 v35, v32  }
0x26f: {  	v41 =	vbroadcast v17, $0x5;
	v42 =	vld [tilespmem:s28+$0x2B0];
	[tilespmem:s28+$0x240] =	vst v18;
	v18 =	vmul.f32 v36, v32  }
0x270: {  	v43 =	vld [tilespmem:s28+$0x2C0];
	[tilespmem:s28+$0x250] =	vst v19;
	v19 =	vmul.f32 v37, v32  }
0x271: {  	v44 =	vld [tilespmem:s28+$0x2D0];
	[tilespmem:s28+$0x260] =	vst v18;
	v18 =	vmul.f32 v38, v41  }
0x272: {  	v45 =	vld [tilespmem:s28+$0x2E0];
	[tilespmem:s28+$0x270] =	vst v19;
	v19 =	vmul.f32 v39, v41  }
0x273: {  	v46 =	vld [tilespmem:s28+$0x2F0];
	[tilespmem:s28+$0x280] =	vst v18;
	v18 =	vmul.f32 v40, v41  }
0x274: {  	v47 =	vld [tilespmem:s28+$0x300];
	[tilespmem:s28+$0x290] =	vst v19;
	v19 =	vmul.f32 v42, v41  }
0x275: {  	v48 =	vld [tilespmem:s28+$0x310];
	[tilespmem:s28+$0x2A0] =	vst v18;
	v18 =	vmul.f32 v43, v41  }
0x276: {  	v49 =	vld [tilespmem:s28+$0x320];
	[tilespmem:s28+$0x2B0] =	vst v19;
	v19 =	vmul.f32 v44, v41  }
0x277: {  	v51 =	vld [tilespmem:s28+$0x330];
	v50 =	vbroadcast v17, $0x6;
	[tilespmem:s28+$0x2C0] =	vst v18;
	v18 =	vmul.f32 v45, v41  }
0x278: {  	v52 =	vld [tilespmem:s28+$0x340];
	[tilespmem:s28+$0x2D0] =	vst v19;
	v19 =	vmul.f32 v46, v41  }
0x279: {  	v53 =	vld [tilespmem:s28+$0x350];
	[tilespmem:s28+$0x2E0] =	vst v18;
	v18 =	vmul.f32 v47, v50  }
0x27a: {  	v54 =	vld [tilespmem:s28+$0x360];
	[tilespmem:s28+$0x2F0] =	vst v19;
	v19 =	vmul.f32 v48, v50  }
0x27b: {  	v55 =	vld [tilespmem:s28+$0x370];
	[tilespmem:s28+$0x300] =	vst v18;
	v18 =	vmul.f32 v49, v50  }
0x27c: {  	v56 =	vld [tilespmem:s28+$0x380];
	[tilespmem:s28+$0x310] =	vst v19;
	v19 =	vmul.f32 v51, v50  }
0x27d: {  	v57 =	vld [tilespmem:s28+$0x390];
	[tilespmem:s28+$0x320] =	vst v18;
	v18 =	vmul.f32 v52, v50  }
0x27e: {  	v58 =	vld [tilespmem:s28+$0x3A0];
	[tilespmem:s28+$0x330] =	vst v19;
	v19 =	vmul.f32 v53, v50  }
0x27f: {  	v60 =	vld [tilespmem:s28+$0x3B0];
	v59 =	vbroadcast v17, $0x7;
	[tilespmem:s28+$0x340] =	vst v18;
	v18 =	vmul.f32 v54, v50  }
0x280: {  	v61 =	vld [tilespmem:s28+$0x3C0];
	[tilespmem:s28+$0x350] =	vst v19;
	v19 =	vmul.f32 v55, v50  }
0x281: {  	v62 =	vld [tilespmem:s28+$0x3D0];
	[tilespmem:s28+$0x360] =	vst v18;
	v18 =	vmul.f32 v56, v59  }
0x282: {  	v63 =	vld [tilespmem:s28+$0x3E0];
	[tilespmem:s28+$0x370] =	vst v19;
	v19 =	vmul.f32 v57, v59  }
0x283: {  	v28 =	vld [tilespmem:s28+$0x3F0];
	[tilespmem:s28+$0x380] =	vst v18;
	v18 =	vmul.f32 v58, v59  }
0x284: {  	v29 =	vld [tilespmem:s28+$0x400];
	[tilespmem:s28+$0x390] =	vst v19;
	v19 =	vmul.f32 v60, v59  }
0x285: {  	v30 =	vld [tilespmem:s28+$0x410];
	[tilespmem:s28+$0x3A0] =	vst v18;
	v18 =	vmul.f32 v61, v59  }
0x286: {  	v31 =	vld [tilespmem:s28+$0x420];
	[tilespmem:s28+$0x3B0] =	vst v19;
	v19 =	vmul.f32 v62, v59  }
0x287: {  	v33 =	vld [tilespmem:s28+$0x430];
	v32 =	vbroadcast v17, $0x8;
	[tilespmem:s28+$0x3C0] =	vst v18;
	v18 =	vmul.f32 v63, v59  }
0x288: {  	v34 =	vld [tilespmem:s28+$0x440];
	[tilespmem:s28+$0x3D0] =	vst v19;
	v19 =	vmul.f32 v28, v59  }
0x289: {  	v35 =	vld [tilespmem:s28+$0x450];
	[tilespmem:s28+$0x3E0] =	vst v18;
	v18 =	vmul.f32 v29, v32  }
0x28a: {  	v36 =	vld [tilespmem:s28+$0x460];
	[tilespmem:s28+$0x3F0] =	vst v19;
	v19 =	vmul.f32 v30, v32  }
0x28b: {  	v37 =	vld [tilespmem:s28+$0x470];
	[tilespmem:s28+$0x400] =	vst v18;
	v18 =	vmul.f32 v31, v32  }
0x28c: {  	v38 =	vld [tilespmem:s28+$0x480];
	[tilespmem:s28+$0x410] =	vst v19;
	v19 =	vmul.f32 v33, v32  }
0x28d: {  	v39 =	vld [tilespmem:s28+$0x490];
	[tilespmem:s28+$0x420] =	vst v18;
	v18 =	vmul.f32 v34, v32  }
0x28e: {  	v40 =	vld [tilespmem:s28+$0x4A0];
	[tilespmem:s28+$0x430] =	vst v19;
	v19 =	vmul.f32 v35, v32  }
0x28f: {  	v42 =	vld [tilespmem:s28+$0x4B0];
	v41 =	vbroadcast v17, $0x9;
	[tilespmem:s28+$0x440] =	vst v18;
	v18 =	vmul.f32 v36, v32  }
0x290: {  	v43 =	vld [tilespmem:s28+$0x4C0];
	[tilespmem:s28+$0x450] =	vst v19;
	v19 =	vmul.f32 v37, v32  }
0x291: {  	v44 =	vld [tilespmem:s28+$0x4D0];
	[tilespmem:s28+$0x460] =	vst v18;
	v18 =	vmul.f32 v38, v41  }
0x292: {  	v45 =	vld [tilespmem:s28+$0x4E0];
	[tilespmem:s28+$0x470] =	vst v19;
	v19 =	vmul.f32 v39, v41  }
0x293: {  	v46 =	vld [tilespmem:s28+$0x4F0];
	[tilespmem:s28+$0x480] =	vst v18;
	v18 =	vmul.f32 v40, v41  }
0x294: {  	v47 =	vld [tilespmem:s28+$0x500];
	[tilespmem:s28+$0x490] =	vst v19;
	v19 =	vmul.f32 v42, v41  }
0x295: {  	v48 =	vld [tilespmem:s28+$0x510];
	[tilespmem:s28+$0x4A0] =	vst v18;
	v18 =	vmul.f32 v43, v41  }
0x296: {  	v49 =	vld [tilespmem:s28+$0x520];
	[tilespmem:s28+$0x4B0] =	vst v19;
	v19 =	vmul.f32 v44, v41  }
0x297: {  	v51 =	vld [tilespmem:s28+$0x530];
	v50 =	vbroadcast v17, $0xA;
	[tilespmem:s28+$0x4C0] =	vst v18;
	v18 =	vmul.f32 v45, v41  }
0x298: {  	v52 =	vld [tilespmem:s28+$0x540];
	[tilespmem:s28+$0x4D0] =	vst v19;
	v19 =	vmul.f32 v46, v41  }
0x299: {  	v53 =	vld [tilespmem:s28+$0x550];
	[tilespmem:s28+$0x4E0] =	vst v18;
	v18 =	vmul.f32 v47, v50  }
0x29a: {  	v54 =	vld [tilespmem:s28+$0x560];
	[tilespmem:s28+$0x4F0] =	vst v19;
	v19 =	vmul.f32 v48, v50  }
0x29b: {  	v55 =	vld [tilespmem:s28+$0x570];
	[tilespmem:s28+$0x500] =	vst v18;
	v18 =	vmul.f32 v49, v50  }
0x29c: {  	v56 =	vld [tilespmem:s28+$0x580];
	[tilespmem:s28+$0x510] =	vst v19;
	v19 =	vmul.f32 v51, v50  }
0x29d: {  	v57 =	vld [tilespmem:s28+$0x590];
	[tilespmem:s28+$0x520] =	vst v18;
	v18 =	vmul.f32 v52, v50  }
0x29e: {  	v58 =	vld [tilespmem:s28+$0x5A0];
	[tilespmem:s28+$0x530] =	vst v19;
	v19 =	vmul.f32 v53, v50  }
0x29f: {  	v60 =	vld [tilespmem:s28+$0x5B0];
	v59 =	vbroadcast v17, $0xB;
	[tilespmem:s28+$0x540] =	vst v18;
	v18 =	vmul.f32 v54, v50  }
0x2a0: {  	v61 =	vld [tilespmem:s28+$0x5C0];
	[tilespmem:s28+$0x550] =	vst v19;
	v19 =	vmul.f32 v55, v50  }
0x2a1: {  	v62 =	vld [tilespmem:s28+$0x5D0];
	[tilespmem:s28+$0x560] =	vst v18;
	v18 =	vmul.f32 v56, v59  }
0x2a2: {  	v63 =	vld [tilespmem:s28+$0x5E0];
	[tilespmem:s28+$0x570] =	vst v19;
	v19 =	vmul.f32 v57, v59  }
0x2a3: {  	v28 =	vld [tilespmem:s28+$0x5F0];
	[tilespmem:s28+$0x580] =	vst v18;
	v18 =	vmul.f32 v58, v59  }
0x2a4: {  	v29 =	vld [tilespmem:s28+$0x600];
	[tilespmem:s28+$0x590] =	vst v19;
	v19 =	vmul.f32 v60, v59  }
0x2a5: {  	v30 =	vld [tilespmem:s28+$0x610];
	[tilespmem:s28+$0x5A0] =	vst v18;
	v18 =	vmul.f32 v61, v59  }
0x2a6: {  	v31 =	vld [tilespmem:s28+$0x620];
	[tilespmem:s28+$0x5B0] =	vst v19;
	v19 =	vmul.f32 v62, v59  }
0x2a7: {  	v33 =	vld [tilespmem:s28+$0x630];
	v32 =	vbroadcast v17, $0xC;
	[tilespmem:s28+$0x5C0] =	vst v18;
	v18 =	vmul.f32 v63, v59  }
0x2a8: {  	v34 =	vld [tilespmem:s28+$0x640];
	[tilespmem:s28+$0x5D0] =	vst v19;
	v19 =	vmul.f32 v28, v59  }
0x2a9: {  	v35 =	vld [tilespmem:s28+$0x650];
	[tilespmem:s28+$0x5E0] =	vst v18;
	v18 =	vmul.f32 v29, v32  }
0x2aa: {  	v36 =	vld [tilespmem:s28+$0x660];
	[tilespmem:s28+$0x5F0] =	vst v19;
	v19 =	vmul.f32 v30, v32  }
0x2ab: {  	v37 =	vld [tilespmem:s28+$0x670];
	[tilespmem:s28+$0x600] =	vst v18;
	v18 =	vmul.f32 v31, v32  }
0x2ac: {  	v38 =	vld [tilespmem:s28+$0x680];
	[tilespmem:s28+$0x610] =	vst v19;
	v19 =	vmul.f32 v33, v32  }
0x2ad: {  	v39 =	vld [tilespmem:s28+$0x690];
	[tilespmem:s28+$0x620] =	vst v18;
	v18 =	vmul.f32 v34, v32  }
0x2ae: {  	v40 =	vld [tilespmem:s28+$0x6A0];
	[tilespmem:s28+$0x630] =	vst v19;
	v19 =	vmul.f32 v35, v32  }
0x2af: {  	v42 =	vld [tilespmem:s28+$0x6B0];
	v41 =	vbroadcast v17, $0xD;
	[tilespmem:s28+$0x640] =	vst v18;
	v18 =	vmul.f32 v36, v32  }
0x2b0: {  	v43 =	vld [tilespmem:s28+$0x6C0];
	[tilespmem:s28+$0x650] =	vst v19;
	v19 =	vmul.f32 v37, v32  }
0x2b1: {  	v44 =	vld [tilespmem:s28+$0x6D0];
	[tilespmem:s28+$0x660] =	vst v18;
	v18 =	vmul.f32 v38, v41  }
0x2b2: {  	v45 =	vld [tilespmem:s28+$0x6E0];
	[tilespmem:s28+$0x670] =	vst v19;
	v19 =	vmul.f32 v39, v41  }
0x2b3: {  	v46 =	vld [tilespmem:s28+$0x6F0];
	[tilespmem:s28+$0x680] =	vst v18;
	v18 =	vmul.f32 v40, v41  }
0x2b4: {  	v47 =	vld [tilespmem:s28+$0x700];
	[tilespmem:s28+$0x690] =	vst v19;
	v19 =	vmul.f32 v42, v41  }
0x2b5: {  	v48 =	vld [tilespmem:s28+$0x710];
	[tilespmem:s28+$0x6A0] =	vst v18;
	v18 =	vmul.f32 v43, v41  }
0x2b6: {  	v49 =	vld [tilespmem:s28+$0x720];
	[tilespmem:s28+$0x6B0] =	vst v19;
	v19 =	vmul.f32 v44, v41  }
0x2b7: {  	v51 =	vld [tilespmem:s28+$0x730];
	v50 =	vbroadcast v17, $0xE;
	[tilespmem:s28+$0x6C0] =	vst v18;
	v18 =	vmul.f32 v45, v41  }
0x2b8: {  	v52 =	vld [tilespmem:s28+$0x740];
	[tilespmem:s28+$0x6D0] =	vst v19;
	v19 =	vmul.f32 v46, v41  }
0x2b9: {  	v53 =	vld [tilespmem:s28+$0x750];
	[tilespmem:s28+$0x6E0] =	vst v18;
	v18 =	vmul.f32 v47, v50  }
0x2ba: {  	v54 =	vld [tilespmem:s28+$0x760];
	[tilespmem:s28+$0x6F0] =	vst v19;
	v19 =	vmul.f32 v48, v50  }
0x2bb: {  	v55 =	vld [tilespmem:s28+$0x770];
	[tilespmem:s28+$0x700] =	vst v18;
	v18 =	vmul.f32 v49, v50  }
0x2bc: {  	v56 =	vld [tilespmem:s28+$0x780];
	[tilespmem:s28+$0x710] =	vst v19;
	v19 =	vmul.f32 v51, v50  }
0x2bd: {  	v57 =	vld [tilespmem:s28+$0x790];
	[tilespmem:s28+$0x720] =	vst v18;
	v18 =	vmul.f32 v52, v50  }
0x2be: {  	v58 =	vld [tilespmem:s28+$0x7A0];
	[tilespmem:s28+$0x730] =	vst v19;
	v19 =	vmul.f32 v53, v50  }
0x2bf: {  	v17 =	vbroadcast v17, $0xF;
	v59 =	vld [tilespmem:s28+$0x7B0];
	[tilespmem:s28+$0x740] =	vst v18;
	v18 =	vmul.f32 v54, v50  }
0x2c0: {  	v60 =	vld [tilespmem:s28+$0x7C0];
	[tilespmem:s28+$0x750] =	vst v19;
	v19 =	vmul.f32 v55, v50  }
0x2c1: {  	v61 =	vld [tilespmem:s28+$0x7D0];
	[tilespmem:s28+$0x760] =	vst v18;
	v18 =	vmul.f32 v56, v17  }
0x2c2: {  	v62 =	vld [tilespmem:s28+$0x7E0];
	[tilespmem:s28+$0x770] =	vst v19;
	v19 =	vmul.f32 v57, v17  }
0x2c3: {  	v63 =	vld [tilespmem:s28+$0x7F0];
	[tilespmem:s28+$0x780] =	vst v18;
	v18 =	vmul.f32 v58, v17  }
0x2c4: {  	[tilespmem:s28+$0x790] =	vst v19;
	v19 =	vmul.f32 v59, v17  }
0x2c5: {  	p3 =	por p2, p2;
	[tilespmem:s28+$0x7A0] =	vst v18;
	v18 =	vmul.f32 v60, v17  }
.Ltmp8:
0x2c6: {  	[tilespmem:s28+$0x7B0] =	vst v19;
	v19 =	vmul.f32 v61, v17;
	(pc) =	sbr.rel @p3 .LBB2_13-.Ltmp8, $4  }
0x2c7: {  	[tilespmem:s28+$0x7C0] =	vst v18;
	v18 =	vmul.f32 v62, v17  }
0x2c8: {  	[tilespmem:s28+$0x7D0] =	vst v19;
	v17 =	vmul.f32 v63, v17  }
0x2c9: {  	[tilespmem:s28+$0x7E0] =	vst v18  }
0x2ca: {  	s1 =	simm.s32 $0x1;
	p2 =	por $0x0, $0x0;
	[tilespmem:s28+$0x7F0] =	vst v17  }
.Ltmp9:
0x2cb: {  	s1 =	simm.s32 $0x4080;
	s2 =	simm.s32 $0x20;
	(pc) =	sbr.rel .LBB2_15-.Ltmp9, $4  }
0x2cc: {  	[spmem:s5] =	stream.indirect.scatter.add.f32 [tilespmem:s6], [sflag:$0x1], $0x80, s1, s2, $0xb8;
	[tilespmem:$0x7980] =	vst v63  }
0x2cd: {  	_ =	swait.ge [sflag:s18], $0x1000  }
0x2ce: {  	[sflag:s18] =	ssyncset.done $0x0  }
0x2cf: {  	[sflag:s18] =	ssyncadd.s32 $0xFFFFF000  }
.LBB2_16:
0x2d0: {  	_ =	sfence.sel $0x180000  }
0x2d1: {  	[bflag:$0x0] =	sbarrier.arrive $0xFFFF  }
0x2d2: {  	_ =	strace $0x90000047  }
0x2d3: {  	[bflag:$0x2] =	sbarrier.arrive $0xFFFF  }
0x2d4: {  	s0 =	rddreg [dreg:$0x6]  }
0x2d5: {  	s0 =	sadd.s32 @!p0 $0x100000, s0  }
0x2d6: {  	[sflag:s0] =	ssyncadd.tile.s32 @!p0 $0x1;
	_ =	shalt  }
.Lfunc_end2:
_tile_overlayer_lowered:
.L_overlay_start_2:
0x2d7: {  	(tag) =	ssettag $0x2  }
0x2d8: {  	s0 =	rddreg [dreg:$0x0];
	s2 =	stileid.u32  }
0x2d9: {  	s1 =	rddreg [dreg:$0x1];
	p0 =	sne.s32 s2, $0x0  }
0x2da: {  	s3 =	rddreg [dreg:$0x2];
	[bflag:$0x3] =	sbarrier.arrive $0xFFFF;
	s2 =	simm.s32 @!p0 $0x1C01  }
0x2db: {  	[timem:s3], [sflag:s2] =	dma.local @!p0 [hbm:s0], s1  }
0x2dc: {  	s0 =	simm.s32 @!p0 $0x1  }
0x2dd: {  	_ =	swait.ge @!p0 [sflag:s0], s1  }
0x2de: {  	s1 =	ssub.s32 @!p0 $0x0, s1;
	[sflag:s0] =	ssyncset.done @!p0 $0x0  }
0x2df: {  	[sflag:s0] =	ssyncadd.s32 @!p0 s1  }
0x2e0: {  	[bflag:$0x3] =	sbarrier.arrive $0xFFFF  }
0x2e1: {  	_ =	shalt  }

</sc_bundles>
